<compile_context>
chip_gen: v7x
topology: tpu7x:2x2x1
jax: 0.10.2.dev20260603
libtpu: 0.0.44.dev20260713+nightly
codegen_flags: <defaults>
</compile_context>

<pallas_src>
import functools

import jax
import jax.numpy as jnp
from jax import lax
from jax.experimental import pallas as pl
from jax.experimental.pallas import tpu as pltpu
from jax.experimental.pallas import tpu_sc as plsc

_TASK_B = 2
_BLK_B = 16
_PAD_D = 128


@functools.lru_cache(maxsize=None)
def _build(b: int, s: int, n_rows: int):
    info = plsc.get_sparse_core_info()
    nc, ns = info.num_cores, info.num_subcores
    nw = nc * ns
    per_w = b // nw
    n_blk = per_w // _BLK_B
    tasks_per_blk = _BLK_B // _TASK_B
    splits = [(o, min(128, s - o)) for o in range(0, s, 128)]
    mesh = plsc.VectorSubcoreMesh(core_axis_name="c", subcore_axis_name="s")

    @functools.partial(
        pl.kernel,
        mesh=mesh,
        out_type=jax.ShapeDtypeStruct((b, s, _PAD_D), jnp.float32),
        scratch_types=[
            pltpu.VMEM_SHARED((n_rows, _PAD_D), jnp.float32),
            pltpu.VMEM((2, _BLK_B, s), jnp.int32),
            pltpu.VMEM((2, _TASK_B, s, _PAD_D), jnp.float32),
            pltpu.SemaphoreType.DMA,
            pltpu.SemaphoreType.DMA,
            pltpu.SemaphoreType.DMA,
            pltpu.SemaphoreType.DMA,
            pltpu.SemaphoreType.DMA,
        ],
    )
    def k(idx_hbm, table_hbm, out_hbm, table_v, idx_v, rows_v, isem,
          gsem0, gsem1, ssem0, ssem1):
        gsems = (gsem0, gsem1)
        ssems = (ssem0, ssem1)
        wid = lax.axis_index("s") * nc + lax.axis_index("c")
        base = wid * per_w

        @pl.when(lax.axis_index("s") == 0)
        def _():
            pltpu.sync_copy(table_hbm, table_v)
        plsc.subcore_barrier()
        pltpu.sync_copy(idx_hbm.at[pl.ds(pl.multiple_of(base, _BLK_B),
                                         _BLK_B)], idx_v.at[0])

        def fire_gathers(slot, blk_slot, h):
            copies = []
            for r in range(_TASK_B):
                for (o, w) in splits:
                    copies.append(pltpu.async_copy(
                        table_v.at[idx_v.at[blk_slot, h * _TASK_B + r,
                                            pl.ds(o, w)]],
                        rows_v.at[slot, r, pl.ds(o, w)],
                        gsems[slot],
                    ))
            return copies

        def store_copy(slot, g, h):
            row0 = pl.multiple_of(base + g * _BLK_B + h * _TASK_B, _TASK_B)
            return pltpu.make_async_copy(
                rows_v.at[slot],
                out_hbm.at[pl.ds(row0, _TASK_B)],
                ssems[slot])

        def half_body(g, blk_slot):
            @pl.when(g + 1 < n_blk)
            def _():
                row0 = pl.multiple_of(base + (g + 1) * _BLK_B, _BLK_B)
                pltpu.async_copy(idx_hbm.at[pl.ds(row0, _BLK_B)],
                                 idx_v.at[1 - blk_slot], isem)

            for h in range(tasks_per_blk):
                slot = h % 2
                @pl.when(jnp.logical_or(g > 0, h >= 2))
                def _(slot=slot, h=h):
                    prev_g = g - 1 if h < 2 else g
                    prev_h = h + tasks_per_blk - 2 if h < 2 else h - 2
                    store_copy(slot, prev_g, prev_h).wait()
                copies = fire_gathers(slot, blk_slot, h)
                for c in copies:
                    c.wait()
                store_copy(slot, g, h).start()

            @pl.when(g + 1 < n_blk)
            def _():
                pltpu.make_async_copy(
                    idx_hbm.at[pl.ds(0, _BLK_B)], idx_v.at[1 - blk_slot],
                    isem).wait()

        def body(gg, carry):
            half_body(gg * 2, 0)
            half_body(gg * 2 + 1, 1)
            return carry

        lax.fori_loop(0, n_blk // 2, body, 0)
        store_copy(0, n_blk - 1, tasks_per_blk - 2).wait()
        store_copy(1, n_blk - 1, tasks_per_blk - 1).wait()

    return k


def kernel(pos_seq, table):
    b, s = pos_seq.shape
    n_rows, dim = table.shape
    table_eff = jnp.pad(table.at[0].set(0.0), ((0, 0), (0, _PAD_D - dim)))
    out = _build(b, s, n_rows)(pos_seq.astype(jnp.int32), table_eff)
    return out[:, :, :dim]

# --- scband reference (transcript-rebuilt; emitter-appended) ---
"""Pipeline reference for scband-posembeddings-3418793967933 (READ-ONLY COPY).

The authoritative reference and input builder live on the scoring server;
editing this copy changes nothing except your own understanding.
"""

import jax, jax.numpy as jnp
import numpy as np

TAG_LEN = 1000
TAG_DIM = 64
BATCH = 16384
SEQ = 200

def setup_inputs(seed: int = 0) -> dict:
    key = jax.random.key(seed)
    k1, k2 = jax.random.split(key)
    pos_seq = jax.random.randint(k1, (BATCH, SEQ), 0, TAG_LEN, dtype=jnp.int64 if jax.config.jax_enable_x64 else jnp.int32)
    table = jax.random.normal(k2, (TAG_LEN, TAG_DIM), dtype=jnp.float32)
    return {"pos_seq": pos_seq, "table": table}

def reference(pos_seq, table):
    # nn.Embedding with padding_idx=0: row 0 is held at zero.
    table_eff = table.at[0].set(0.0)
    pos_embeds = jnp.take(table_eff, pos_seq, axis=0)
    # Dropout is identity in eval mode (inference reference).
    return pos_embeds

if __name__ == "__main__":
    import jax
    _d = setup_inputs()
    print(jax.jit(kernel)(*tuple(_d.values())))

</pallas_src>

<mosaic_0001>
#map = affine_map<(d0, d1) -> (0, 0)>
#map1 = affine_map<(d0, d1) -> (0, 0, 0)>
module attributes {stable_mosaic.version = 14 : i64} {
  func.func @k(%arg0: i32, %arg1: i32, %arg2: memref<16384x200xi32, #tpu.memory_space<hbm>>, %arg3: memref<1000x128xf32, #tpu.memory_space<hbm>>, %arg4: memref<16384x200x128xf32, #tpu.memory_space<hbm>>, %arg5: memref<1000x128xf32, #tpu.memory_space<vmem_shared>>, %arg6: memref<2x16x200xi32, #tpu.memory_space<vmem>>, %arg7: memref<2x2x200x128xf32, #tpu.memory_space<vmem>>, %arg8: memref<!tpu.dma_semaphore, #tpu.memory_space<semaphore_mem>>, %arg9: memref<!tpu.dma_semaphore, #tpu.memory_space<semaphore_mem>>, %arg10: memref<!tpu.dma_semaphore, #tpu.memory_space<semaphore_mem>>, %arg11: memref<!tpu.dma_semaphore, #tpu.memory_space<semaphore_mem>>, %arg12: memref<!tpu.dma_semaphore, #tpu.memory_space<semaphore_mem>>) attributes {dimension_semantics = [#tpu.dimension_semantics<core_parallel>, #tpu.dimension_semantics<subcore_parallel>], iteration_bounds = array<i64: 2, 16>, scalar_prefetch = 0 : i64, scratch_operands = 8 : i64, tpu.core_type = #tpu.core_type<sc_vector_subcore>, window_params = [{transform_indices = #map}, {transform_indices = #map}, {transform_indices = #map1}]} {
    %mul3A = arith.constant 2 : i32
    %mul3A_0 = arith.muli %arg1, %mul3A : i32
    %add3A = arith.addi %mul3A_0, %arg0 : i32
    %mul3A_1 = arith.constant 512 : i32
    %mul3A_2 = arith.muli %add3A, %mul3A_1 : i32
    %eq3A = arith.constant 0 : i32
    %eq3A_3 = arith.cmpi eq, %arg1, %eq3A : i32
    %convert_element_type3A = arith.extui %eq3A_3 : i1 to i32
    %cond3A = arith.constant 0 : i32
    %cond3A_4 = arith.cmpi ne, %convert_element_type3A, %cond3A : i32
    scf.if %cond3A_4 {
      "tpu.region"() ({
        %run_scoped3A_53 = tpu.sem_alloc : memref<!tpu.dma_semaphore, #tpu.memory_space<semaphore_mem>>
        tpu.enqueue_dma source(%arg3 : memref<1000x128xf32, #tpu.memory_space<hbm>>) target(%arg5 : memref<1000x128xf32, #tpu.memory_space<vmem_shared>>) target_semaphore(%run_scoped3A_53 : memref<!tpu.dma_semaphore, #tpu.memory_space<semaphore_mem>>)
        tpu.wait_dma2 semaphore(%run_scoped3A_53 : memref<!tpu.dma_semaphore, #tpu.memory_space<semaphore_mem>>) src(%arg3 : memref<1000x128xf32, #tpu.memory_space<hbm>>) dst(%arg5 : memref<1000x128xf32, #tpu.memory_space<vmem_shared>>)
        tpu.yield
      }) : () -> ()
    } else {
    }
    %barrier3A = arith.constant 0 : index
    tpu.barrier barrier_id(%barrier3A)
    %multiple_of3A = tpu.assume_multiple %mul3A_2, 16 : i32
    %run_scoped3A = arith.constant 0 : i32
    "tpu.region"() ({
      %run_scoped3A_53 = tpu.sem_alloc : memref<!tpu.dma_semaphore, #tpu.memory_space<semaphore_mem>>
      %dma_start3A = arith.constant 0 : i32
      %dma_start3A_54 = arith.constant 0 : i32
      %dma_start3A_55 = tpu.memref_slice %arg6[%run_scoped3A, %dma_start3A, %dma_start3A_54] : memref<2x16x200xi32, #tpu.memory_space<vmem>> -> memref<1x16x200xi32, #tpu.memory_space<vmem>>
      %dma_start3A_56 = tpu.memref_squeeze %dma_start3A_55 : memref<1x16x200xi32, #tpu.memory_space<vmem>> -> memref<16x200xi32, #tpu.memory_space<vmem>>
      %dma_start3A_57 = arith.constant 0 : i32
      %dma_start3A_58 = tpu.memref_slice %arg2[%multiple_of3A, %dma_start3A_57] : memref<16384x200xi32, #tpu.memory_space<hbm>> -> memref<16x200xi32, #tpu.memory_space<hbm>>
      %dma_start3A_59 = arith.constant 0 : i32
      %dma_start3A_60 = arith.constant 0 : i32
      %dma_start3A_61 = tpu.memref_slice %arg6[%run_scoped3A, %dma_start3A_59, %dma_start3A_60] : memref<2x16x200xi32, #tpu.memory_space<vmem>> -> memref<1x16x200xi32, #tpu.memory_space<vmem>>
      %dma_start3A_62 = tpu.memref_squeeze %dma_start3A_61 : memref<1x16x200xi32, #tpu.memory_space<vmem>> -> memref<16x200xi32, #tpu.memory_space<vmem>>
      %dma_start3A_63 = arith.constant 0 : i32
      %dma_start3A_64 = tpu.memref_slice %arg2[%multiple_of3A, %dma_start3A_63] : memref<16384x200xi32, #tpu.memory_space<hbm>> -> memref<16x200xi32, #tpu.memory_space<hbm>>
      tpu.enqueue_dma source(%dma_start3A_64 : memref<16x200xi32, #tpu.memory_space<hbm>>) target(%dma_start3A_62 : memref<16x200xi32, #tpu.memory_space<vmem>>) target_semaphore(%run_scoped3A_53 : memref<!tpu.dma_semaphore, #tpu.memory_space<semaphore_mem>>)
      %dma_wait3A_65 = arith.constant 0 : i32
      %dma_wait3A_66 = arith.constant 0 : i32
      %dma_wait3A_67 = tpu.memref_slice %arg6[%run_scoped3A, %dma_wait3A_65, %dma_wait3A_66] : memref<2x16x200xi32, #tpu.memory_space<vmem>> -> memref<1x16x200xi32, #tpu.memory_space<vmem>>
      %dma_wait3A_68 = tpu.memref_squeeze %dma_wait3A_67 : memref<1x16x200xi32, #tpu.memory_space<vmem>> -> memref<16x200xi32, #tpu.memory_space<vmem>>
      %dma_wait3A_69 = arith.constant 0 : i32
      %dma_wait3A_70 = tpu.memref_slice %arg2[%multiple_of3A, %dma_wait3A_69] : memref<16384x200xi32, #tpu.memory_space<hbm>> -> memref<16x200xi32, #tpu.memory_space<hbm>>
      %dma_wait3A_71 = arith.constant 0 : i32
      %dma_wait3A_72 = arith.constant 0 : i32
      %dma_wait3A_73 = tpu.memref_slice %arg6[%run_scoped3A, %dma_wait3A_71, %dma_wait3A_72] : memref<2x16x200xi32, #tpu.memory_space<vmem>> -> memref<1x16x200xi32, #tpu.memory_space<vmem>>
      %dma_wait3A_74 = tpu.memref_squeeze %dma_wait3A_73 : memref<1x16x200xi32, #tpu.memory_space<vmem>> -> memref<16x200xi32, #tpu.memory_space<vmem>>
      %dma_wait3A_75 = arith.constant 0 : i32
      %dma_wait3A_76 = tpu.memref_slice %arg2[%multiple_of3A, %dma_wait3A_75] : memref<16384x200xi32, #tpu.memory_space<hbm>> -> memref<16x200xi32, #tpu.memory_space<hbm>>
      tpu.wait_dma2 semaphore(%run_scoped3A_53 : memref<!tpu.dma_semaphore, #tpu.memory_space<semaphore_mem>>) src(%dma_wait3A_76 : memref<16x200xi32, #tpu.memory_space<hbm>>) dst(%dma_wait3A_74 : memref<16x200xi32, #tpu.memory_space<vmem>>)
      tpu.yield
    }) : () -> ()
    %scan3A = arith.constant 0 : i32
    %scan3A_5 = arith.constant 0 : i32
    %scan3A_6 = arith.constant 16 : i32
    %scan3A_7 = arith.addi %scan3A_5, %scan3A_6 : i32
    %scan3A_8 = arith.constant 1 : i32
    scf.for %scan3A_53 = %scan3A_5 to %scan3A_7 step %scan3A_8  : i32 {
      %mul3A_54 = arith.constant 2 : i32
      %mul3A_55 = arith.muli %scan3A_53, %mul3A_54 : i32
      %add3A_56 = arith.constant 1 : i32
      %add3A_57 = arith.addi %mul3A_55, %add3A_56 : i32
      %lt3A = arith.constant 32 : i32
      %lt3A_58 = arith.cmpi slt, %add3A_57, %lt3A : i32
      %convert_element_type3A_59 = arith.extui %lt3A_58 : i1 to i32
      %cond3A_60 = arith.constant 0 : i32
      %cond3A_61 = arith.cmpi ne, %convert_element_type3A_59, %cond3A_60 : i32
      scf.if %cond3A_61 {
        %add3A_2356 = arith.constant 1 : i32
        %add3A_2357 = arith.addi %mul3A_55, %add3A_2356 : i32
        %mul3A_2358 = arith.constant 16 : i32
        %mul3A_2359 = arith.muli %add3A_2357, %mul3A_2358 : i32
        %add3A_2360 = arith.addi %mul3A_2, %mul3A_2359 : i32
        %multiple_of3A_2361 = tpu.assume_multiple %add3A_2360, 16 : i32
        %dma_start3A_2362 = arith.constant 1 : i32
        %dma_start3A_2363 = arith.constant 0 : i32
        %dma_start3A_2364 = arith.constant 0 : i32
        %dma_start3A_2365 = tpu.memref_slice %arg6[%dma_start3A_2362, %dma_start3A_2363, %dma_start3A_2364] : memref<2x16x200xi32, #tpu.memory_space<vmem>> -> memref<1x16x200xi32, #tpu.memory_space<vmem>>
        %dma_start3A_2366 = tpu.memref_squeeze %dma_start3A_2365 : memref<1x16x200xi32, #tpu.memory_space<vmem>> -> memref<16x200xi32, #tpu.memory_space<vmem>>
        %dma_start3A_2367 = arith.constant 0 : i32
        %dma_start3A_2368 = tpu.memref_slice %arg2[%multiple_of3A_2361, %dma_start3A_2367] : memref<16384x200xi32, #tpu.memory_space<hbm>> -> memref<16x200xi32, #tpu.memory_space<hbm>>
        %dma_start3A_2369 = arith.constant 0 : i32
        %dma_start3A_2370 = arith.constant 0 : i32
        %dma_start3A_2371 = tpu.memref_slice %arg6[%dma_start3A_2362, %dma_start3A_2369, %dma_start3A_2370] : memref<2x16x200xi32, #tpu.memory_space<vmem>> -> memref<1x16x200xi32, #tpu.memory_space<vmem>>
        %dma_start3A_2372 = tpu.memref_squeeze %dma_start3A_2371 : memref<1x16x200xi32, #tpu.memory_space<vmem>> -> memref<16x200xi32, #tpu.memory_space<vmem>>
        %dma_start3A_2373 = arith.constant 0 : i32
        %dma_start3A_2374 = tpu.memref_slice %arg2[%multiple_of3A_2361, %dma_start3A_2373] : memref<16384x200xi32, #tpu.memory_space<hbm>> -> memref<16x200xi32, #tpu.memory_space<hbm>>
        tpu.enqueue_dma source(%dma_start3A_2374 : memref<16x200xi32, #tpu.memory_space<hbm>>) target(%dma_start3A_2372 : memref<16x200xi32, #tpu.memory_space<vmem>>) target_semaphore(%arg8 : memref<!tpu.dma_semaphore, #tpu.memory_space<semaphore_mem>>)
      } else {
      }
      %gt3A = arith.constant 0 : i32
      %gt3A_62 = arith.cmpi sgt, %mul3A_55, %gt3A : i32
      %or3A = arith.constant false
      %or3A_63 = arith.ori %gt3A_62, %or3A : i1
      %convert_element_type3A_64 = arith.extui %or3A_63 : i1 to i32
      %cond3A_65 = arith.constant 0 : i32
      %cond3A_66 = arith.cmpi ne, %convert_element_type3A_64, %cond3A_65 : i32
      scf.if %cond3A_66 {
        %sub3A = arith.constant 1 : i32
        %sub3A_2356 = arith.subi %mul3A_55, %sub3A : i32
        %mul3A_2357 = arith.constant 16 : i32
        %mul3A_2358 = arith.muli %sub3A_2356, %mul3A_2357 : i32
        %add3A_2359 = arith.addi %mul3A_2, %mul3A_2358 : i32
        %add3A_2360 = arith.constant 12 : i32
        %add3A_2361 = arith.addi %add3A_2359, %add3A_2360 : i32
        %multiple_of3A_2362 = tpu.assume_multiple %add3A_2361, 2 : i32
        %dma_wait3A_2363 = arith.constant 0 : i32
        %dma_wait3A_2364 = arith.constant 0 : i32
        %dma_wait3A_2365 = arith.constant 0 : i32
        %dma_wait3A_2366 = arith.constant 0 : i32
        %dma_wait3A_2367 = tpu.memref_slice %arg7[%dma_wait3A_2363, %dma_wait3A_2364, %dma_wait3A_2365, %dma_wait3A_2366] : memref<2x2x200x128xf32, #tpu.memory_space<vmem>> -> memref<1x2x200x128xf32, #tpu.memory_space<vmem>>
        %dma_wait3A_2368 = tpu.memref_squeeze %dma_wait3A_2367 : memref<1x2x200x128xf32, #tpu.memory_space<vmem>> -> memref<2x200x128xf32, #tpu.memory_space<vmem>>
        %dma_wait3A_2369 = arith.constant 0 : i32
        %dma_wait3A_2370 = arith.constant 0 : i32
        %dma_wait3A_2371 = tpu.memref_slice %arg4[%multiple_of3A_2362, %dma_wait3A_2369, %dma_wait3A_2370] : memref<16384x200x128xf32, #tpu.memory_space<hbm>> -> memref<2x200x128xf32, #tpu.memory_space<hbm>>
        %dma_wait3A_2372 = arith.constant 0 : i32
        %dma_wait3A_2373 = arith.constant 0 : i32
        %dma_wait3A_2374 = tpu.memref_slice %arg4[%multiple_of3A_2362, %dma_wait3A_2372, %dma_wait3A_2373] : memref<16384x200x128xf32, #tpu.memory_space<hbm>> -> memref<2x200x128xf32, #tpu.memory_space<hbm>>
        %dma_wait3A_2375 = arith.constant 0 : i32
        %dma_wait3A_2376 = arith.constant 0 : i32
        %dma_wait3A_2377 = arith.constant 0 : i32
        %dma_wait3A_2378 = tpu.memref_slice %arg7[%dma_wait3A_2363, %dma_wait3A_2375, %dma_wait3A_2376, %dma_wait3A_2377] : memref<2x2x200x128xf32, #tpu.memory_space<vmem>> -> memref<1x2x200x128xf32, #tpu.memory_space<vmem>>
        %dma_wait3A_2379 = tpu.memref_squeeze %dma_wait3A_2378 : memref<1x2x200x128xf32, #tpu.memory_space<vmem>> -> memref<2x200x128xf32, #tpu.memory_space<vmem>>
        tpu.wait_dma2 semaphore(%arg11 : memref<!tpu.dma_semaphore, #tpu.memory_space<semaphore_mem>>) src(%dma_wait3A_2379 : memref<2x200x128xf32, #tpu.memory_space<vmem>>) dst(%dma_wait3A_2374 : memref<2x200x128xf32, #tpu.memory_space<hbm>>)
      } else {
      }
      %dma_start3A = arith.constant 0 : i32
      %dma_start3A_67 = arith.constant 0 : i32
      %dma_start3A_68 = arith.constant 0 : i32
      %dma_start3A_69 = arith.constant 0 : i32
      %dma_start3A_70 = arith.constant 0 : i32
      %dma_start3A_71 = arith.constant 0 : i32
      %dma_start3A_72 = tpu.memref_slice %arg7[%dma_start3A_68, %dma_start3A_69, %dma_start3A_70, %dma_start3A_71] : memref<2x2x200x128xf32, #tpu.memory_space<vmem>> -> memref<1x1x128x128xf32, #tpu.memory_space<vmem>>
      %dma_start3A_73 = tpu.memref_squeeze %dma_start3A_72 : memref<1x1x128x128xf32, #tpu.memory_space<vmem>> -> memref<128x128xf32, #tpu.memory_space<vmem>>
      %dma_start3A_74 = arith.constant 0 : i32
      %dma_start3A_75 = tpu.memref_slice %arg6[%dma_start3A, %dma_start3A_67, %dma_start3A_74] : memref<2x16x200xi32, #tpu.memory_space<vmem>> -> memref<1x1x128xi32, #tpu.memory_space<vmem>>
      %dma_start3A_76 = tpu.memref_squeeze %dma_start3A_75 : memref<1x1x128xi32, #tpu.memory_space<vmem>> -> memref<128xi32, #tpu.memory_space<vmem>>
      %dma_start3A_77 = arith.constant 0 : i32
      %dma_start3A_78 = arith.constant 0 : i32
      %dma_start3A_79 = tpu.memref_slice %arg5[%dma_start3A_77, %dma_start3A_78] : memref<1000x128xf32, #tpu.memory_space<vmem_shared>> -> memref<1000x128xf32, #tpu.memory_space<vmem_shared>>
      tpu.enqueue_indirect_dma source(%dma_start3A_79 : memref<1000x128xf32, #tpu.memory_space<vmem_shared>>) target(%dma_start3A_73 : memref<128x128xf32, #tpu.memory_space<vmem>>) offsets(%dma_start3A_76 : memref<128xi32, #tpu.memory_space<vmem>>) semaphore(%arg9 : memref<!tpu.dma_semaphore, #tpu.memory_space<semaphore_mem>>)
      %dma_start3A_80 = arith.constant 0 : i32
      %dma_start3A_81 = arith.constant 0 : i32
      %dma_start3A_82 = arith.constant 0 : i32
      %dma_start3A_83 = arith.constant 0 : i32
      %dma_start3A_84 = arith.constant 128 : i32
      %dma_start3A_85 = arith.constant 0 : i32
      %dma_start3A_86 = tpu.memref_slice %arg7[%dma_start3A_82, %dma_start3A_83, %dma_start3A_84, %dma_start3A_85] : memref<2x2x200x128xf32, #tpu.memory_space<vmem>> -> memref<1x1x72x128xf32, #tpu.memory_space<vmem>>
      %dma_start3A_87 = tpu.memref_squeeze %dma_start3A_86 : memref<1x1x72x128xf32, #tpu.memory_space<vmem>> -> memref<72x128xf32, #tpu.memory_space<vmem>>
      %dma_start3A_88 = arith.constant 128 : i32
      %dma_start3A_89 = tpu.memref_slice %arg6[%dma_start3A_80, %dma_start3A_81, %dma_start3A_88] : memref<2x16x200xi32, #tpu.memory_space<vmem>> -> memref<1x1x72xi32, #tpu.memory_space<vmem>>
      %dma_start3A_90 = tpu.memref_squeeze %dma_start3A_89 : memref<1x1x72xi32, #tpu.memory_space<vmem>> -> memref<72xi32, #tpu.memory_space<vmem>>
      %dma_start3A_91 = arith.constant 0 : i32
      %dma_start3A_92 = arith.constant 0 : i32
      %dma_start3A_93 = tpu.memref_slice %arg5[%dma_start3A_91, %dma_start3A_92] : memref<1000x128xf32, #tpu.memory_space<vmem_shared>> -> memref<1000x128xf32, #tpu.memory_space<vmem_shared>>
      tpu.enqueue_indirect_dma source(%dma_start3A_93 : memref<1000x128xf32, #tpu.memory_space<vmem_shared>>) target(%dma_start3A_87 : memref<72x128xf32, #tpu.memory_space<vmem>>) offsets(%dma_start3A_90 : memref<72xi32, #tpu.memory_space<vmem>>) semaphore(%arg9 : memref<!tpu.dma_semaphore, #tpu.memory_space<semaphore_mem>>)
      %dma_start3A_94 = arith.constant 0 : i32
      %dma_start3A_95 = arith.constant 1 : i32
      %dma_start3A_96 = arith.constant 0 : i32
      %dma_start3A_97 = arith.constant 1 : i32
      %dma_start3A_98 = arith.constant 0 : i32
      %dma_start3A_99 = arith.constant 0 : i32
      %dma_start3A_100 = tpu.memref_slice %arg7[%dma_start3A_96, %dma_start3A_97, %dma_start3A_98, %dma_start3A_99] : memref<2x2x200x128xf32, #tpu.memory_space<vmem>> -> memref<1x1x128x128xf32, #tpu.memory_space<vmem>>
      %dma_start3A_101 = tpu.memref_squeeze %dma_start3A_100 : memref<1x1x128x128xf32, #tpu.memory_space<vmem>> -> memref<128x128xf32, #tpu.memory_space<vmem>>
      %dma_start3A_102 = arith.constant 0 : i32
      %dma_start3A_103 = tpu.memref_slice %arg6[%dma_start3A_94, %dma_start3A_95, %dma_start3A_102] : memref<2x16x200xi32, #tpu.memory_space<vmem>> -> memref<1x1x128xi32, #tpu.memory_space<vmem>>
      %dma_start3A_104 = tpu.memref_squeeze %dma_start3A_103 : memref<1x1x128xi32, #tpu.memory_space<vmem>> -> memref<128xi32, #tpu.memory_space<vmem>>
      %dma_start3A_105 = arith.constant 0 : i32
      %dma_start3A_106 = arith.constant 0 : i32
      %dma_start3A_107 = tpu.memref_slice %arg5[%dma_start3A_105, %dma_start3A_106] : memref<1000x128xf32, #tpu.memory_space<vmem_shared>> -> memref<1000x128xf32, #tpu.memory_space<vmem_shared>>
      tpu.enqueue_indirect_dma source(%dma_start3A_107 : memref<1000x128xf32, #tpu.memory_space<vmem_shared>>) target(%dma_start3A_101 : memref<128x128xf32, #tpu.memory_space<vmem>>) offsets(%dma_start3A_104 : memref<128xi32, #tpu.memory_space<vmem>>) semaphore(%arg9 : memref<!tpu.dma_semaphore, #tpu.memory_space<semaphore_mem>>)
      %dma_start3A_108 = arith.constant 0 : i32
      %dma_start3A_109 = arith.constant 1 : i32
      %dma_start3A_110 = arith.constant 0 : i32
      %dma_start3A_111 = arith.constant 1 : i32
      %dma_start3A_112 = arith.constant 128 : i32
      %dma_start3A_113 = arith.constant 0 : i32
      %dma_start3A_114 = tpu.memref_slice %arg7[%dma_start3A_110, %dma_start3A_111, %dma_start3A_112, %dma_start3A_113] : memref<2x2x200x128xf32, #tpu.memory_space<vmem>> -> memref<1x1x72x128xf32, #tpu.memory_space<vmem>>
      %dma_start3A_115 = tpu.memref_squeeze %dma_start3A_114 : memref<1x1x72x128xf32, #tpu.memory_space<vmem>> -> memref<72x128xf32, #tpu.memory_space<vmem>>
      %dma_start3A_116 = arith.constant 128 : i32
      %dma_start3A_117 = tpu.memref_slice %arg6[%dma_start3A_108, %dma_start3A_109, %dma_start3A_116] : memref<2x16x200xi32, #tpu.memory_space<vmem>> -> memref<1x1x72xi32, #tpu.memory_space<vmem>>
      %dma_start3A_118 = tpu.memref_squeeze %dma_start3A_117 : memref<1x1x72xi32, #tpu.memory_space<vmem>> -> memref<72xi32, #tpu.memory_space<vmem>>
      %dma_start3A_119 = arith.constant 0 : i32
      %dma_start3A_120 = arith.constant 0 : i32
      %dma_start3A_121 = tpu.memref_slice %arg5[%dma_start3A_119, %dma_start3A_120] : memref<1000x128xf32, #tpu.memory_space<vmem_shared>> -> memref<1000x128xf32, #tpu.memory_space<vmem_shared>>
      tpu.enqueue_indirect_dma source(%dma_start3A_121 : memref<1000x128xf32, #tpu.memory_space<vmem_shared>>) target(%dma_start3A_115 : memref<72x128xf32, #tpu.memory_space<vmem>>) offsets(%dma_start3A_118 : memref<72xi32, #tpu.memory_space<vmem>>) semaphore(%arg9 : memref<!tpu.dma_semaphore, #tpu.memory_space<semaphore_mem>>)
      %dma_wait3A_122 = arith.constant 0 : i32
      %dma_wait3A_123 = arith.constant 0 : i32
      %dma_wait3A_124 = arith.constant 0 : i32
      %dma_wait3A_125 = arith.constant 0 : i32
      %dma_wait3A_126 = arith.constant 0 : i32
      %dma_wait3A_127 = arith.constant 0 : i32
      %dma_wait3A_128 = tpu.memref_slice %arg7[%dma_wait3A_124, %dma_wait3A_125, %dma_wait3A_126, %dma_wait3A_127] : memref<2x2x200x128xf32, #tpu.memory_space<vmem>> -> memref<1x1x128x128xf32, #tpu.memory_space<vmem>>
      %dma_wait3A_129 = tpu.memref_squeeze %dma_wait3A_128 : memref<1x1x128x128xf32, #tpu.memory_space<vmem>> -> memref<128x128xf32, #tpu.memory_space<vmem>>
      %dma_wait3A_130 = arith.constant 0 : i32
      %dma_wait3A_131 = tpu.memref_slice %arg6[%dma_wait3A_122, %dma_wait3A_123, %dma_wait3A_130] : memref<2x16x200xi32, #tpu.memory_space<vmem>> -> memref<1x1x128xi32, #tpu.memory_space<vmem>>
      %dma_wait3A_132 = tpu.memref_squeeze %dma_wait3A_131 : memref<1x1x128xi32, #tpu.memory_space<vmem>> -> memref<128xi32, #tpu.memory_space<vmem>>
      %dma_wait3A_133 = arith.constant 0 : i32
      %dma_wait3A_134 = arith.constant 0 : i32
      %dma_wait3A_135 = tpu.memref_slice %arg5[%dma_wait3A_133, %dma_wait3A_134] : memref<1000x128xf32, #tpu.memory_space<vmem_shared>> -> memref<1000x128xf32, #tpu.memory_space<vmem_shared>>
      tpu.wait_indirect_dma semaphore(%arg9 : memref<!tpu.dma_semaphore, #tpu.memory_space<semaphore_mem>>) src(%dma_wait3A_135 : memref<1000x128xf32, #tpu.memory_space<vmem_shared>>) dst(%dma_wait3A_129 : memref<128x128xf32, #tpu.memory_space<vmem>>)
      %dma_wait3A_136 = arith.constant 0 : i32
      %dma_wait3A_137 = arith.constant 0 : i32
      %dma_wait3A_138 = arith.constant 0 : i32
      %dma_wait3A_139 = arith.constant 0 : i32
      %dma_wait3A_140 = arith.constant 128 : i32
      %dma_wait3A_141 = arith.constant 0 : i32
      %dma_wait3A_142 = tpu.memref_slice %arg7[%dma_wait3A_138, %dma_wait3A_139, %dma_wait3A_140, %dma_wait3A_141] : memref<2x2x200x128xf32, #tpu.memory_space<vmem>> -> memref<1x1x72x128xf32, #tpu.memory_space<vmem>>
      %dma_wait3A_143 = tpu.memref_squeeze %dma_wait3A_142 : memref<1x1x72x128xf32, #tpu.memory_space<vmem>> -> memref<72x128xf32, #tpu.memory_space<vmem>>
      %dma_wait3A_144 = arith.constant 128 : i32
      %dma_wait3A_145 = tpu.memref_slice %arg6[%dma_wait3A_136, %dma_wait3A_137, %dma_wait3A_144] : memref<2x16x200xi32, #tpu.memory_space<vmem>> -> memref<1x1x72xi32, #tpu.memory_space<vmem>>
      %dma_wait3A_146 = tpu.memref_squeeze %dma_wait3A_145 : memref<1x1x72xi32, #tpu.memory_space<vmem>> -> memref<72xi32, #tpu.memory_space<vmem>>
      %dma_wait3A_147 = arith.constant 0 : i32
      %dma_wait3A_148 = arith.constant 0 : i32
      %dma_wait3A_149 = tpu.memref_slice %arg5[%dma_wait3A_147, %dma_wait3A_148] : memref<1000x128xf32, #tpu.memory_space<vmem_shared>> -> memref<1000x128xf32, #tpu.memory_space<vmem_shared>>
      tpu.wait_indirect_dma semaphore(%arg9 : memref<!tpu.dma_semaphore, #tpu.memory_space<semaphore_mem>>) src(%dma_wait3A_149 : memref<1000x128xf32, #tpu.memory_space<vmem_shared>>) dst(%dma_wait3A_143 : memref<72x128xf32, #tpu.memory_space<vmem>>)
      %dma_wait3A_150 = arith.constant 0 : i32
      %dma_wait3A_151 = arith.constant 1 : i32
      %dma_wait3A_152 = arith.constant 0 : i32
      %dma_wait3A_153 = arith.constant 1 : i32
      %dma_wait3A_154 = arith.constant 0 : i32
      %dma_wait3A_155 = arith.constant 0 : i32
      %dma_wait3A_156 = tpu.memref_slice %arg7[%dma_wait3A_152, %dma_wait3A_153, %dma_wait3A_154, %dma_wait3A_155] : memref<2x2x200x128xf32, #tpu.memory_space<vmem>> -> memref<1x1x128x128xf32, #tpu.memory_space<vmem>>
      %dma_wait3A_157 = tpu.memref_squeeze %dma_wait3A_156 : memref<1x1x128x128xf32, #tpu.memory_space<vmem>> -> memref<128x128xf32, #tpu.memory_space<vmem>>
      %dma_wait3A_158 = arith.constant 0 : i32
      %dma_wait3A_159 = tpu.memref_slice %arg6[%dma_wait3A_150, %dma_wait3A_151, %dma_wait3A_158] : memref<2x16x200xi32, #tpu.memory_space<vmem>> -> memref<1x1x128xi32, #tpu.memory_space<vmem>>
      %dma_wait3A_160 = tpu.memref_squeeze %dma_wait3A_159 : memref<1x1x128xi32, #tpu.memory_space<vmem>> -> memref<128xi32, #tpu.memory_space<vmem>>
      %dma_wait3A_161 = arith.constant 0 : i32
      %dma_wait3A_162 = arith.constant 0 : i32
      %dma_wait3A_163 = tpu.memref_slice %arg5[%dma_wait3A_161, %dma_wait3A_162] : memref<1000x128xf32, #tpu.memory_space<vmem_shared>> -> memref<1000x128xf32, #tpu.memory_space<vmem_shared>>
      tpu.wait_indirect_dma semaphore(%arg9 : memref<!tpu.dma_semaphore, #tpu.memory_space<semaphore_mem>>) src(%dma_wait3A_163 : memref<1000x128xf32, #tpu.memory_space<vmem_shared>>) dst(%dma_wait3A_157 : memref<128x128xf32, #tpu.memory_space<vmem>>)
      %dma_wait3A_164 = arith.constant 0 : i32
      %dma_wait3A_165 = arith.constant 1 : i32
      %dma_wait3A_166 = arith.constant 0 : i32
      %dma_wait3A_167 = arith.constant 1 : i32
      %dma_wait3A_168 = arith.constant 128 : i32
      %dma_wait3A_169 = arith.constant 0 : i32
      %dma_wait3A_170 = tpu.memref_slice %arg7[%dma_wait3A_166, %dma_wait3A_167, %dma_wait3A_168, %dma_wait3A_169] : memref<2x2x200x128xf32, #tpu.memory_space<vmem>> -> memref<1x1x72x128xf32, #tpu.memory_space<vmem>>
      %dma_wait3A_171 = tpu.memref_squeeze %dma_wait3A_170 : memref<1x1x72x128xf32, #tpu.memory_space<vmem>> -> memref<72x128xf32, #tpu.memory_space<vmem>>
      %dma_wait3A_172 = arith.constant 128 : i32
      %dma_wait3A_173 = tpu.memref_slice %arg6[%dma_wait3A_164, %dma_wait3A_165, %dma_wait3A_172] : memref<2x16x200xi32, #tpu.memory_space<vmem>> -> memref<1x1x72xi32, #tpu.memory_space<vmem>>
      %dma_wait3A_174 = tpu.memref_squeeze %dma_wait3A_173 : memref<1x1x72xi32, #tpu.memory_space<vmem>> -> memref<72xi32, #tpu.memory_space<vmem>>
      %dma_wait3A_175 = arith.constant 0 : i32
      %dma_wait3A_176 = arith.constant 0 : i32
      %dma_wait3A_177 = tpu.memref_slice %arg5[%dma_wait3A_175, %dma_wait3A_176] : memref<1000x128xf32, #tpu.memory_space<vmem_shared>> -> memref<1000x128xf32, #tpu.memory_space<vmem_shared>>
      tpu.wait_indirect_dma semaphore(%arg9 : memref<!tpu.dma_semaphore, #tpu.memory_space<semaphore_mem>>) src(%dma_wait3A_177 : memref<1000x128xf32, #tpu.memory_space<vmem_shared>>) dst(%dma_wait3A_171 : memref<72x128xf32, #tpu.memory_space<vmem>>)
      %mul3A_178 = arith.constant 16 : i32
      %mul3A_179 = arith.muli %mul3A_55, %mul3A_178 : i32
      %add3A_180 = arith.addi %mul3A_2, %mul3A_179 : i32
      %add3A_181 = arith.constant 0 : i32
      %add3A_182 = arith.addi %add3A_180, %add3A_181 : i32
      %multiple_of3A_183 = tpu.assume_multiple %add3A_182, 2 : i32
      %dma_start3A_184 = arith.constant 0 : i32
      %dma_start3A_185 = arith.constant 0 : i32
      %dma_start3A_186 = arith.constant 0 : i32
      %dma_start3A_187 = arith.constant 0 : i32
      %dma_start3A_188 = tpu.memref_slice %arg7[%dma_start3A_184, %dma_start3A_185, %dma_start3A_186, %dma_start3A_187] : memref<2x2x200x128xf32, #tpu.memory_space<vmem>> -> memref<1x2x200x128xf32, #tpu.memory_space<vmem>>
      %dma_start3A_189 = tpu.memref_squeeze %dma_start3A_188 : memref<1x2x200x128xf32, #tpu.memory_space<vmem>> -> memref<2x200x128xf32, #tpu.memory_space<vmem>>
      %dma_start3A_190 = arith.constant 0 : i32
      %dma_start3A_191 = arith.constant 0 : i32
      %dma_start3A_192 = tpu.memref_slice %arg4[%multiple_of3A_183, %dma_start3A_190, %dma_start3A_191] : memref<16384x200x128xf32, #tpu.memory_space<hbm>> -> memref<2x200x128xf32, #tpu.memory_space<hbm>>
      %dma_start3A_193 = arith.constant 0 : i32
      %dma_start3A_194 = arith.constant 0 : i32
      %dma_start3A_195 = tpu.memref_slice %arg4[%multiple_of3A_183, %dma_start3A_193, %dma_start3A_194] : memref<16384x200x128xf32, #tpu.memory_space<hbm>> -> memref<2x200x128xf32, #tpu.memory_space<hbm>>
      %dma_start3A_196 = arith.constant 0 : i32
      %dma_start3A_197 = arith.constant 0 : i32
      %dma_start3A_198 = arith.constant 0 : i32
      %dma_start3A_199 = tpu.memref_slice %arg7[%dma_start3A_184, %dma_start3A_196, %dma_start3A_197, %dma_start3A_198] : memref<2x2x200x128xf32, #tpu.memory_space<vmem>> -> memref<1x2x200x128xf32, #tpu.memory_space<vmem>>
      %dma_start3A_200 = tpu.memref_squeeze %dma_start3A_199 : memref<1x2x200x128xf32, #tpu.memory_space<vmem>> -> memref<2x200x128xf32, #tpu.memory_space<vmem>>
      tpu.enqueue_dma source(%dma_start3A_200 : memref<2x200x128xf32, #tpu.memory_space<vmem>>) target(%dma_start3A_195 : memref<2x200x128xf32, #tpu.memory_space<hbm>>) target_semaphore(%arg11 : memref<!tpu.dma_semaphore, #tpu.memory_space<semaphore_mem>>)
      %gt3A_201 = arith.constant 0 : i32
      %gt3A_202 = arith.cmpi sgt, %mul3A_55, %gt3A_201 : i32
      %or3A_203 = arith.constant false
      %or3A_204 = arith.ori %gt3A_202, %or3A_203 : i1
      %convert_element_type3A_205 = arith.extui %or3A_204 : i1 to i32
      %cond3A_206 = arith.constant 0 : i32
      %cond3A_207 = arith.cmpi ne, %convert_element_type3A_205, %cond3A_206 : i32
      scf.if %cond3A_207 {
        %sub3A = arith.constant 1 : i32
        %sub3A_2356 = arith.subi %mul3A_55, %sub3A : i32
        %mul3A_2357 = arith.constant 16 : i32
        %mul3A_2358 = arith.muli %sub3A_2356, %mul3A_2357 : i32
        %add3A_2359 = arith.addi %mul3A_2, %mul3A_2358 : i32
        %add3A_2360 = arith.constant 14 : i32
        %add3A_2361 = arith.addi %add3A_2359, %add3A_2360 : i32
        %multiple_of3A_2362 = tpu.assume_multiple %add3A_2361, 2 : i32
        %dma_wait3A_2363 = arith.constant 1 : i32
        %dma_wait3A_2364 = arith.constant 0 : i32
        %dma_wait3A_2365 = arith.constant 0 : i32
        %dma_wait3A_2366 = arith.constant 0 : i32
        %dma_wait3A_2367 = tpu.memref_slice %arg7[%dma_wait3A_2363, %dma_wait3A_2364, %dma_wait3A_2365, %dma_wait3A_2366] : memref<2x2x200x128xf32, #tpu.memory_space<vmem>> -> memref<1x2x200x128xf32, #tpu.memory_space<vmem>>
        %dma_wait3A_2368 = tpu.memref_squeeze %dma_wait3A_2367 : memref<1x2x200x128xf32, #tpu.memory_space<vmem>> -> memref<2x200x128xf32, #tpu.memory_space<vmem>>
        %dma_wait3A_2369 = arith.constant 0 : i32
        %dma_wait3A_2370 = arith.constant 0 : i32
        %dma_wait3A_2371 = tpu.memref_slice %arg4[%multiple_of3A_2362, %dma_wait3A_2369, %dma_wait3A_2370] : memref<16384x200x128xf32, #tpu.memory_space<hbm>> -> memref<2x200x128xf32, #tpu.memory_space<hbm>>
        %dma_wait3A_2372 = arith.constant 0 : i32
        %dma_wait3A_2373 = arith.constant 0 : i32
        %dma_wait3A_2374 = tpu.memref_slice %arg4[%multiple_of3A_2362, %dma_wait3A_2372, %dma_wait3A_2373] : memref<16384x200x128xf32, #tpu.memory_space<hbm>> -> memref<2x200x128xf32, #tpu.memory_space<hbm>>
        %dma_wait3A_2375 = arith.constant 0 : i32
        %dma_wait3A_2376 = arith.constant 0 : i32
        %dma_wait3A_2377 = arith.constant 0 : i32
        %dma_wait3A_2378 = tpu.memref_slice %arg7[%dma_wait3A_2363, %dma_wait3A_2375, %dma_wait3A_2376, %dma_wait3A_2377] : memref<2x2x200x128xf32, #tpu.memory_space<vmem>> -> memref<1x2x200x128xf32, #tpu.memory_space<vmem>>
        %dma_wait3A_2379 = tpu.memref_squeeze %dma_wait3A_2378 : memref<1x2x200x128xf32, #tpu.memory_space<vmem>> -> memref<2x200x128xf32, #tpu.memory_space<vmem>>
        tpu.wait_dma2 semaphore(%arg12 : memref<!tpu.dma_semaphore, #tpu.memory_space<semaphore_mem>>) src(%dma_wait3A_2379 : memref<2x200x128xf32, #tpu.memory_space<vmem>>) dst(%dma_wait3A_2374 : memref<2x200x128xf32, #tpu.memory_space<hbm>>)
      } else {
      }
      %dma_start3A_208 = arith.constant 0 : i32
      %dma_start3A_209 = arith.constant 2 : i32
      %dma_start3A_210 = arith.constant 1 : i32
      %dma_start3A_211 = arith.constant 0 : i32
      %dma_start3A_212 = arith.constant 0 : i32
      %dma_start3A_213 = arith.constant 0 : i32
      %dma_start3A_214 = tpu.memref_slice %arg7[%dma_start3A_210, %dma_start3A_211, %dma_start3A_212, %dma_start3A_213] : memref<2x2x200x128xf32, #tpu.memory_space<vmem>> -> memref<1x1x128x128xf32, #tpu.memory_space<vmem>>
      %dma_start3A_215 = tpu.memref_squeeze %dma_start3A_214 : memref<1x1x128x128xf32, #tpu.memory_space<vmem>> -> memref<128x128xf32, #tpu.memory_space<vmem>>
      %dma_start3A_216 = arith.constant 0 : i32
      %dma_start3A_217 = tpu.memref_slice %arg6[%dma_start3A_208, %dma_start3A_209, %dma_start3A_216] : memref<2x16x200xi32, #tpu.memory_space<vmem>> -> memref<1x1x128xi32, #tpu.memory_space<vmem>>
      %dma_start3A_218 = tpu.memref_squeeze %dma_start3A_217 : memref<1x1x128xi32, #tpu.memory_space<vmem>> -> memref<128xi32, #tpu.memory_space<vmem>>
      %dma_start3A_219 = arith.constant 0 : i32
      %dma_start3A_220 = arith.constant 0 : i32
      %dma_start3A_221 = tpu.memref_slice %arg5[%dma_start3A_219, %dma_start3A_220] : memref<1000x128xf32, #tpu.memory_space<vmem_shared>> -> memref<1000x128xf32, #tpu.memory_space<vmem_shared>>
      tpu.enqueue_indirect_dma source(%dma_start3A_221 : memref<1000x128xf32, #tpu.memory_space<vmem_shared>>) target(%dma_start3A_215 : memref<128x128xf32, #tpu.memory_space<vmem>>) offsets(%dma_start3A_218 : memref<128xi32, #tpu.memory_space<vmem>>) semaphore(%arg10 : memref<!tpu.dma_semaphore, #tpu.memory_space<semaphore_mem>>)
      %dma_start3A_222 = arith.constant 0 : i32
      %dma_start3A_223 = arith.constant 2 : i32
      %dma_start3A_224 = arith.constant 1 : i32
      %dma_start3A_225 = arith.constant 0 : i32
      %dma_start3A_226 = arith.constant 128 : i32
      %dma_start3A_227 = arith.constant 0 : i32
      %dma_start3A_228 = tpu.memref_slice %arg7[%dma_start3A_224, %dma_start3A_225, %dma_start3A_226, %dma_start3A_227] : memref<2x2x200x128xf32, #tpu.memory_space<vmem>> -> memref<1x1x72x128xf32, #tpu.memory_space<vmem>>
      %dma_start3A_229 = tpu.memref_squeeze %dma_start3A_228 : memref<1x1x72x128xf32, #tpu.memory_space<vmem>> -> memref<72x128xf32, #tpu.memory_space<vmem>>
      %dma_start3A_230 = arith.constant 128 : i32
      %dma_start3A_231 = tpu.memref_slice %arg6[%dma_start3A_222, %dma_start3A_223, %dma_start3A_230] : memref<2x16x200xi32, #tpu.memory_space<vmem>> -> memref<1x1x72xi32, #tpu.memory_space<vmem>>
      %dma_start3A_232 = tpu.memref_squeeze %dma_start3A_231 : memref<1x1x72xi32, #tpu.memory_space<vmem>> -> memref<72xi32, #tpu.memory_space<vmem>>
      %dma_start3A_233 = arith.constant 0 : i32
      %dma_start3A_234 = arith.constant 0 : i32
      %dma_start3A_235 = tpu.memref_slice %arg5[%dma_start3A_233, %dma_start3A_234] : memref<1000x128xf32, #tpu.memory_space<vmem_shared>> -> memref<1000x128xf32, #tpu.memory_space<vmem_shared>>
      tpu.enqueue_indirect_dma source(%dma_start3A_235 : memref<1000x128xf32, #tpu.memory_space<vmem_shared>>) target(%dma_start3A_229 : memref<72x128xf32, #tpu.memory_space<vmem>>) offsets(%dma_start3A_232 : memref<72xi32, #tpu.memory_space<vmem>>) semaphore(%arg10 : memref<!tpu.dma_semaphore, #tpu.memory_space<semaphore_mem>>)
      %dma_start3A_236 = arith.constant 0 : i32
      %dma_start3A_237 = arith.constant 3 : i32
      %dma_start3A_238 = arith.constant 1 : i32
      %dma_start3A_239 = arith.constant 1 : i32
      %dma_start3A_240 = arith.constant 0 : i32
      %dma_start3A_241 = arith.constant 0 : i32
      %dma_start3A_242 = tpu.memref_slice %arg7[%dma_start3A_238, %dma_start3A_239, %dma_start3A_240, %dma_start3A_241] : memref<2x2x200x128xf32, #tpu.memory_space<vmem>> -> memref<1x1x128x128xf32, #tpu.memory_space<vmem>>
      %dma_start3A_243 = tpu.memref_squeeze %dma_start3A_242 : memref<1x1x128x128xf32, #tpu.memory_space<vmem>> -> memref<128x128xf32, #tpu.memory_space<vmem>>
      %dma_start3A_244 = arith.constant 0 : i32
      %dma_start3A_245 = tpu.memref_slice %arg6[%dma_start3A_236, %dma_start3A_237, %dma_start3A_244] : memref<2x16x200xi32, #tpu.memory_space<vmem>> -> memref<1x1x128xi32, #tpu.memory_space<vmem>>
      %dma_start3A_246 = tpu.memref_squeeze %dma_start3A_245 : memref<1x1x128xi32, #tpu.memory_space<vmem>> -> memref<128xi32, #tpu.memory_space<vmem>>
      %dma_start3A_247 = arith.constant 0 : i32
      %dma_start3A_248 = arith.constant 0 : i32
      %dma_start3A_249 = tpu.memref_slice %arg5[%dma_start3A_247, %dma_start3A_248] : memref<1000x128xf32, #tpu.memory_space<vmem_shared>> -> memref<1000x128xf32, #tpu.memory_space<vmem_shared>>
      tpu.enqueue_indirect_dma source(%dma_start3A_249 : memref<1000x128xf32, #tpu.memory_space<vmem_shared>>) target(%dma_start3A_243 : memref<128x128xf32, #tpu.memory_space<vmem>>) offsets(%dma_start3A_246 : memref<128xi32, #tpu.memory_space<vmem>>) semaphore(%arg10 : memref<!tpu.dma_semaphore, #tpu.memory_space<semaphore_mem>>)
      %dma_start3A_250 = arith.constant 0 : i32
      %dma_start3A_251 = arith.constant 3 : i32
      %dma_start3A_252 = arith.constant 1 : i32
      %dma_start3A_253 = arith.constant 1 : i32
      %dma_start3A_254 = arith.constant 128 : i32
      %dma_start3A_255 = arith.constant 0 : i32
      %dma_start3A_256 = tpu.memref_slice %arg7[%dma_start3A_252, %dma_start3A_253, %dma_start3A_254, %dma_start3A_255] : memref<2x2x200x128xf32, #tpu.memory_space<vmem>> -> memref<1x1x72x128xf32, #tpu.memory_space<vmem>>
      %dma_start3A_257 = tpu.memref_squeeze %dma_start3A_256 : memref<1x1x72x128xf32, #tpu.memory_space<vmem>> -> memref<72x128xf32, #tpu.memory_space<vmem>>
      %dma_start3A_258 = arith.constant 128 : i32
      %dma_start3A_259 = tpu.memref_slice %arg6[%dma_start3A_250, %dma_start3A_251, %dma_start3A_258] : memref<2x16x200xi32, #tpu.memory_space<vmem>> -> memref<1x1x72xi32, #tpu.memory_space<vmem>>
      %dma_start3A_260 = tpu.memref_squeeze %dma_start3A_259 : memref<1x1x72xi32, #tpu.memory_space<vmem>> -> memref<72xi32, #tpu.memory_space<vmem>>
      %dma_start3A_261 = arith.constant 0 : i32
      %dma_start3A_262 = arith.constant 0 : i32
      %dma_start3A_263 = tpu.memref_slice %arg5[%dma_start3A_261, %dma_start3A_262] : memref<1000x128xf32, #tpu.memory_space<vmem_shared>> -> memref<1000x128xf32, #tpu.memory_space<vmem_shared>>
      tpu.enqueue_indirect_dma source(%dma_start3A_263 : memref<1000x128xf32, #tpu.memory_space<vmem_shared>>) target(%dma_start3A_257 : memref<72x128xf32, #tpu.memory_space<vmem>>) offsets(%dma_start3A_260 : memref<72xi32, #tpu.memory_space<vmem>>) semaphore(%arg10 : memref<!tpu.dma_semaphore, #tpu.memory_space<semaphore_mem>>)
      %dma_wait3A_264 = arith.constant 0 : i32
      %dma_wait3A_265 = arith.constant 2 : i32
      %dma_wait3A_266 = arith.constant 1 : i32
      %dma_wait3A_267 = arith.constant 0 : i32
      %dma_wait3A_268 = arith.constant 0 : i32
      %dma_wait3A_269 = arith.constant 0 : i32
      %dma_wait3A_270 = tpu.memref_slice %arg7[%dma_wait3A_266, %dma_wait3A_267, %dma_wait3A_268, %dma_wait3A_269] : memref<2x2x200x128xf32, #tpu.memory_space<vmem>> -> memref<1x1x128x128xf32, #tpu.memory_space<vmem>>
      %dma_wait3A_271 = tpu.memref_squeeze %dma_wait3A_270 : memref<1x1x128x128xf32, #tpu.memory_space<vmem>> -> memref<128x128xf32, #tpu.memory_space<vmem>>
      %dma_wait3A_272 = arith.constant 0 : i32
      %dma_wait3A_273 = tpu.memref_slice %arg6[%dma_wait3A_264, %dma_wait3A_265, %dma_wait3A_272] : memref<2x16x200xi32, #tpu.memory_space<vmem>> -> memref<1x1x128xi32, #tpu.memory_space<vmem>>
      %dma_wait3A_274 = tpu.memref_squeeze %dma_wait3A_273 : memref<1x1x128xi32, #tpu.memory_space<vmem>> -> memref<128xi32, #tpu.memory_space<vmem>>
      %dma_wait3A_275 = arith.constant 0 : i32
      %dma_wait3A_276 = arith.constant 0 : i32
      %dma_wait3A_277 = tpu.memref_slice %arg5[%dma_wait3A_275, %dma_wait3A_276] : memref<1000x128xf32, #tpu.memory_space<vmem_shared>> -> memref<1000x128xf32, #tpu.memory_space<vmem_shared>>
      tpu.wait_indirect_dma semaphore(%arg10 : memref<!tpu.dma_semaphore, #tpu.memory_space<semaphore_mem>>) src(%dma_wait3A_277 : memref<1000x128xf32, #tpu.memory_space<vmem_shared>>) dst(%dma_wait3A_271 : memref<128x128xf32, #tpu.memory_space<vmem>>)
      %dma_wait3A_278 = arith.constant 0 : i32
      %dma_wait3A_279 = arith.constant 2 : i32
      %dma_wait3A_280 = arith.constant 1 : i32
      %dma_wait3A_281 = arith.constant 0 : i32
      %dma_wait3A_282 = arith.constant 128 : i32
      %dma_wait3A_283 = arith.constant 0 : i32
      %dma_wait3A_284 = tpu.memref_slice %arg7[%dma_wait3A_280, %dma_wait3A_281, %dma_wait3A_282, %dma_wait3A_283] : memref<2x2x200x128xf32, #tpu.memory_space<vmem>> -> memref<1x1x72x128xf32, #tpu.memory_space<vmem>>
      %dma_wait3A_285 = tpu.memref_squeeze %dma_wait3A_284 : memref<1x1x72x128xf32, #tpu.memory_space<vmem>> -> memref<72x128xf32, #tpu.memory_space<vmem>>
      %dma_wait3A_286 = arith.constant 128 : i32
      %dma_wait3A_287 = tpu.memref_slice %arg6[%dma_wait3A_278, %dma_wait3A_279, %dma_wait3A_286] : memref<2x16x200xi32, #tpu.memory_space<vmem>> -> memref<1x1x72xi32, #tpu.memory_space<vmem>>
      %dma_wait3A_288 = tpu.memref_squeeze %dma_wait3A_287 : memref<1x1x72xi32, #tpu.memory_space<vmem>> -> memref<72xi32, #tpu.memory_space<vmem>>
      %dma_wait3A_289 = arith.constant 0 : i32
      %dma_wait3A_290 = arith.constant 0 : i32
      %dma_wait3A_291 = tpu.memref_slice %arg5[%dma_wait3A_289, %dma_wait3A_290] : memref<1000x128xf32, #tpu.memory_space<vmem_shared>> -> memref<1000x128xf32, #tpu.memory_space<vmem_shared>>
      tpu.wait_indirect_dma semaphore(%arg10 : memref<!tpu.dma_semaphore, #tpu.memory_space<semaphore_mem>>) src(%dma_wait3A_291 : memref<1000x128xf32, #tpu.memory_space<vmem_shared>>) dst(%dma_wait3A_285 : memref<72x128xf32, #tpu.memory_space<vmem>>)
      %dma_wait3A_292 = arith.constant 0 : i32
      %dma_wait3A_293 = arith.constant 3 : i32
      %dma_wait3A_294 = arith.constant 1 : i32
      %dma_wait3A_295 = arith.constant 1 : i32
      %dma_wait3A_296 = arith.constant 0 : i32
      %dma_wait3A_297 = arith.constant 0 : i32
      %dma_wait3A_298 = tpu.memref_slice %arg7[%dma_wait3A_294, %dma_wait3A_295, %dma_wait3A_296, %dma_wait3A_297] : memref<2x2x200x128xf32, #tpu.memory_space<vmem>> -> memref<1x1x128x128xf32, #tpu.memory_space<vmem>>
      %dma_wait3A_299 = tpu.memref_squeeze %dma_wait3A_298 : memref<1x1x128x128xf32, #tpu.memory_space<vmem>> -> memref<128x128xf32, #tpu.memory_space<vmem>>
      %dma_wait3A_300 = arith.constant 0 : i32
      %dma_wait3A_301 = tpu.memref_slice %arg6[%dma_wait3A_292, %dma_wait3A_293, %dma_wait3A_300] : memref<2x16x200xi32, #tpu.memory_space<vmem>> -> memref<1x1x128xi32, #tpu.memory_space<vmem>>
      %dma_wait3A_302 = tpu.memref_squeeze %dma_wait3A_301 : memref<1x1x128xi32, #tpu.memory_space<vmem>> -> memref<128xi32, #tpu.memory_space<vmem>>
      %dma_wait3A_303 = arith.constant 0 : i32
      %dma_wait3A_304 = arith.constant 0 : i32
      %dma_wait3A_305 = tpu.memref_slice %arg5[%dma_wait3A_303, %dma_wait3A_304] : memref<1000x128xf32, #tpu.memory_space<vmem_shared>> -> memref<1000x128xf32, #tpu.memory_space<vmem_shared>>
      tpu.wait_indirect_dma semaphore(%arg10 : memref<!tpu.dma_semaphore, #tpu.memory_space<semaphore_mem>>) src(%dma_wait3A_305 : memref<1000x128xf32, #tpu.memory_space<vmem_shared>>) dst(%dma_wait3A_299 : memref<128x128xf32, #tpu.memory_space<vmem>>)
      %dma_wait3A_306 = arith.constant 0 : i32
      %dma_wait3A_307 = arith.constant 3 : i32
      %dma_wait3A_308 = arith.constant 1 : i32
      %dma_wait3A_309 = arith.constant 1 : i32
      %dma_wait3A_310 = arith.constant 128 : i32
      %dma_wait3A_311 = arith.constant 0 : i32
      %dma_wait3A_312 = tpu.memref_slice %arg7[%dma_wait3A_308, %dma_wait3A_309, %dma_wait3A_310, %dma_wait3A_311] : memref<2x2x200x128xf32, #tpu.memory_space<vmem>> -> memref<1x1x72x128xf32, #tpu.memory_space<vmem>>
      %dma_wait3A_313 = tpu.memref_squeeze %dma_wait3A_312 : memref<1x1x72x128xf32, #tpu.memory_space<vmem>> -> memref<72x128xf32, #tpu.memory_space<vmem>>
      %dma_wait3A_314 = arith.constant 128 : i32
      %dma_wait3A_315 = tpu.memref_slice %arg6[%dma_wait3A_306, %dma_wait3A_307, %dma_wait3A_314] : memref<2x16x200xi32, #tpu.memory_space<vmem>> -> memref<1x1x72xi32, #tpu.memory_space<vmem>>
      %dma_wait3A_316 = tpu.memref_squeeze %dma_wait3A_315 : memref<1x1x72xi32, #tpu.memory_space<vmem>> -> memref<72xi32, #tpu.memory_space<vmem>>
      %dma_wait3A_317 = arith.constant 0 : i32
      %dma_wait3A_318 = arith.constant 0 : i32
      %dma_wait3A_319 = tpu.memref_slice %arg5[%dma_wait3A_317, %dma_wait3A_318] : memref<1000x128xf32, #tpu.memory_space<vmem_shared>> -> memref<1000x128xf32, #tpu.memory_space<vmem_shared>>
      tpu.wait_indirect_dma semaphore(%arg10 : memref<!tpu.dma_semaphore, #tpu.memory_space<semaphore_mem>>) src(%dma_wait3A_319 : memref<1000x128xf32, #tpu.memory_space<vmem_shared>>) dst(%dma_wait3A_313 : memref<72x128xf32, #tpu.memory_space<vmem>>)
      %mul3A_320 = arith.constant 16 : i32
      %mul3A_321 = arith.muli %mul3A_55, %mul3A_320 : i32
      %add3A_322 = arith.addi %mul3A_2, %mul3A_321 : i32
      %add3A_323 = arith.constant 2 : i32
      %add3A_324 = arith.addi %add3A_322, %add3A_323 : i32
      %multiple_of3A_325 = tpu.assume_multiple %add3A_324, 2 : i32
      %dma_start3A_326 = arith.constant 1 : i32
      %dma_start3A_327 = arith.constant 0 : i32
      %dma_start3A_328 = arith.constant 0 : i32
      %dma_start3A_329 = arith.constant 0 : i32
      %dma_start3A_330 = tpu.memref_slice %arg7[%dma_start3A_326, %dma_start3A_327, %dma_start3A_328, %dma_start3A_329] : memref<2x2x200x128xf32, #tpu.memory_space<vmem>> -> memref<1x2x200x128xf32, #tpu.memory_space<vmem>>
      %dma_start3A_331 = tpu.memref_squeeze %dma_start3A_330 : memref<1x2x200x128xf32, #tpu.memory_space<vmem>> -> memref<2x200x128xf32, #tpu.memory_space<vmem>>
      %dma_start3A_332 = arith.constant 0 : i32
      %dma_start3A_333 = arith.constant 0 : i32
      %dma_start3A_334 = tpu.memref_slice %arg4[%multiple_of3A_325, %dma_start3A_332, %dma_start3A_333] : memref<16384x200x128xf32, #tpu.memory_space<hbm>> -> memref<2x200x128xf32, #tpu.memory_space<hbm>>
      %dma_start3A_335 = arith.constant 0 : i32
      %dma_start3A_336 = arith.constant 0 : i32
      %dma_start3A_337 = tpu.memref_slice %arg4[%multiple_of3A_325, %dma_start3A_335, %dma_start3A_336] : memref<16384x200x128xf32, #tpu.memory_space<hbm>> -> memref<2x200x128xf32, #tpu.memory_space<hbm>>
      %dma_start3A_338 = arith.constant 0 : i32
      %dma_start3A_339 = arith.constant 0 : i32
      %dma_start3A_340 = arith.constant 0 : i32
      %dma_start3A_341 = tpu.memref_slice %arg7[%dma_start3A_326, %dma_start3A_338, %dma_start3A_339, %dma_start3A_340] : memref<2x2x200x128xf32, #tpu.memory_space<vmem>> -> memref<1x2x200x128xf32, #tpu.memory_space<vmem>>
      %dma_start3A_342 = tpu.memref_squeeze %dma_start3A_341 : memref<1x2x200x128xf32, #tpu.memory_space<vmem>> -> memref<2x200x128xf32, #tpu.memory_space<vmem>>
      tpu.enqueue_dma source(%dma_start3A_342 : memref<2x200x128xf32, #tpu.memory_space<vmem>>) target(%dma_start3A_337 : memref<2x200x128xf32, #tpu.memory_space<hbm>>) target_semaphore(%arg12 : memref<!tpu.dma_semaphore, #tpu.memory_space<semaphore_mem>>)
      %gt3A_343 = arith.constant 0 : i32
      %gt3A_344 = arith.cmpi sgt, %mul3A_55, %gt3A_343 : i32
      %or3A_345 = arith.constant true
      %or3A_346 = arith.ori %gt3A_344, %or3A_345 : i1
      %convert_element_type3A_347 = arith.extui %or3A_346 : i1 to i32
      %cond3A_348 = arith.constant 0 : i32
      %cond3A_349 = arith.cmpi ne, %convert_element_type3A_347, %cond3A_348 : i32
      scf.if %cond3A_349 {
        %mul3A_2356 = arith.constant 16 : i32
        %mul3A_2357 = arith.muli %mul3A_55, %mul3A_2356 : i32
        %add3A_2358 = arith.addi %mul3A_2, %mul3A_2357 : i32
        %add3A_2359 = arith.constant 0 : i32
        %add3A_2360 = arith.addi %add3A_2358, %add3A_2359 : i32
        %multiple_of3A_2361 = tpu.assume_multiple %add3A_2360, 2 : i32
        %dma_wait3A_2362 = arith.constant 0 : i32
        %dma_wait3A_2363 = arith.constant 0 : i32
        %dma_wait3A_2364 = arith.constant 0 : i32
        %dma_wait3A_2365 = arith.constant 0 : i32
        %dma_wait3A_2366 = tpu.memref_slice %arg7[%dma_wait3A_2362, %dma_wait3A_2363, %dma_wait3A_2364, %dma_wait3A_2365] : memref<2x2x200x128xf32, #tpu.memory_space<vmem>> -> memref<1x2x200x128xf32, #tpu.memory_space<vmem>>
        %dma_wait3A_2367 = tpu.memref_squeeze %dma_wait3A_2366 : memref<1x2x200x128xf32, #tpu.memory_space<vmem>> -> memref<2x200x128xf32, #tpu.memory_space<vmem>>
        %dma_wait3A_2368 = arith.constant 0 : i32
        %dma_wait3A_2369 = arith.constant 0 : i32
        %dma_wait3A_2370 = tpu.memref_slice %arg4[%multiple_of3A_2361, %dma_wait3A_2368, %dma_wait3A_2369] : memref<16384x200x128xf32, #tpu.memory_space<hbm>> -> memref<2x200x128xf32, #tpu.memory_space<hbm>>
        %dma_wait3A_2371 = arith.constant 0 : i32
        %dma_wait3A_2372 = arith.constant 0 : i32
        %dma_wait3A_2373 = tpu.memref_slice %arg4[%multiple_of3A_2361, %dma_wait3A_2371, %dma_wait3A_2372] : memref<16384x200x128xf32, #tpu.memory_space<hbm>> -> memref<2x200x128xf32, #tpu.memory_space<hbm>>
        %dma_wait3A_2374 = arith.constant 0 : i32
        %dma_wait3A_2375 = arith.constant 0 : i32
        %dma_wait3A_2376 = arith.constant 0 : i32
        %dma_wait3A_2377 = tpu.memref_slice %arg7[%dma_wait3A_2362, %dma_wait3A_2374, %dma_wait3A_2375, %dma_wait3A_2376] : memref<2x2x200x128xf32, #tpu.memory_space<vmem>> -> memref<1x2x200x128xf32, #tpu.memory_space<vmem>>
        %dma_wait3A_2378 = tpu.memref_squeeze %dma_wait3A_2377 : memref<1x2x200x128xf32, #tpu.memory_space<vmem>> -> memref<2x200x128xf32, #tpu.memory_space<vmem>>
        tpu.wait_dma2 semaphore(%arg11 : memref<!tpu.dma_semaphore, #tpu.memory_space<semaphore_mem>>) src(%dma_wait3A_2378 : memref<2x200x128xf32, #tpu.memory_space<vmem>>) dst(%dma_wait3A_2373 : memref<2x200x128xf32, #tpu.memory_space<hbm>>)
      } else {
      }
      %dma_start3A_350 = arith.constant 0 : i32
      %dma_start3A_351 = arith.constant 4 : i32
      %dma_start3A_352 = arith.constant 0 : i32
      %dma_start3A_353 = arith.constant 0 : i32
      %dma_start3A_354 = arith.constant 0 : i32
      %dma_start3A_355 = arith.constant 0 : i32
      %dma_start3A_356 = tpu.memref_slice %arg7[%dma_start3A_352, %dma_start3A_353, %dma_start3A_354, %dma_start3A_355] : memref<2x2x200x128xf32, #tpu.memory_space<vmem>> -> memref<1x1x128x128xf32, #tpu.memory_space<vmem>>
      %dma_start3A_357 = tpu.memref_squeeze %dma_start3A_356 : memref<1x1x128x128xf32, #tpu.memory_space<vmem>> -> memref<128x128xf32, #tpu.memory_space<vmem>>
      %dma_start3A_358 = arith.constant 0 : i32
      %dma_start3A_359 = tpu.memref_slice %arg6[%dma_start3A_350, %dma_start3A_351, %dma_start3A_358] : memref<2x16x200xi32, #tpu.memory_space<vmem>> -> memref<1x1x128xi32, #tpu.memory_space<vmem>>
      %dma_start3A_360 = tpu.memref_squeeze %dma_start3A_359 : memref<1x1x128xi32, #tpu.memory_space<vmem>> -> memref<128xi32, #tpu.memory_space<vmem>>
      %dma_start3A_361 = arith.constant 0 : i32
      %dma_start3A_362 = arith.constant 0 : i32
      %dma_start3A_363 = tpu.memref_slice %arg5[%dma_start3A_361, %dma_start3A_362] : memref<1000x128xf32, #tpu.memory_space<vmem_shared>> -> memref<1000x128xf32, #tpu.memory_space<vmem_shared>>
      tpu.enqueue_indirect_dma source(%dma_start3A_363 : memref<1000x128xf32, #tpu.memory_space<vmem_shared>>) target(%dma_start3A_357 : memref<128x128xf32, #tpu.memory_space<vmem>>) offsets(%dma_start3A_360 : memref<128xi32, #tpu.memory_space<vmem>>) semaphore(%arg9 : memref<!tpu.dma_semaphore, #tpu.memory_space<semaphore_mem>>)
      %dma_start3A_364 = arith.constant 0 : i32
      %dma_start3A_365 = arith.constant 4 : i32
      %dma_start3A_366 = arith.constant 0 : i32
      %dma_start3A_367 = arith.constant 0 : i32
      %dma_start3A_368 = arith.constant 128 : i32
      %dma_start3A_369 = arith.constant 0 : i32
      %dma_start3A_370 = tpu.memref_slice %arg7[%dma_start3A_366, %dma_start3A_367, %dma_start3A_368, %dma_start3A_369] : memref<2x2x200x128xf32, #tpu.memory_space<vmem>> -> memref<1x1x72x128xf32, #tpu.memory_space<vmem>>
      %dma_start3A_371 = tpu.memref_squeeze %dma_start3A_370 : memref<1x1x72x128xf32, #tpu.memory_space<vmem>> -> memref<72x128xf32, #tpu.memory_space<vmem>>
      %dma_start3A_372 = arith.constant 128 : i32
      %dma_start3A_373 = tpu.memref_slice %arg6[%dma_start3A_364, %dma_start3A_365, %dma_start3A_372] : memref<2x16x200xi32, #tpu.memory_space<vmem>> -> memref<1x1x72xi32, #tpu.memory_space<vmem>>
      %dma_start3A_374 = tpu.memref_squeeze %dma_start3A_373 : memref<1x1x72xi32, #tpu.memory_space<vmem>> -> memref<72xi32, #tpu.memory_space<vmem>>
      %dma_start3A_375 = arith.constant 0 : i32
      %dma_start3A_376 = arith.constant 0 : i32
      %dma_start3A_377 = tpu.memref_slice %arg5[%dma_start3A_375, %dma_start3A_376] : memref<1000x128xf32, #tpu.memory_space<vmem_shared>> -> memref<1000x128xf32, #tpu.memory_space<vmem_shared>>
      tpu.enqueue_indirect_dma source(%dma_start3A_377 : memref<1000x128xf32, #tpu.memory_space<vmem_shared>>) target(%dma_start3A_371 : memref<72x128xf32, #tpu.memory_space<vmem>>) offsets(%dma_start3A_374 : memref<72xi32, #tpu.memory_space<vmem>>) semaphore(%arg9 : memref<!tpu.dma_semaphore, #tpu.memory_space<semaphore_mem>>)
      %dma_start3A_378 = arith.constant 0 : i32
      %dma_start3A_379 = arith.constant 5 : i32
      %dma_start3A_380 = arith.constant 0 : i32
      %dma_start3A_381 = arith.constant 1 : i32
      %dma_start3A_382 = arith.constant 0 : i32
      %dma_start3A_383 = arith.constant 0 : i32
      %dma_start3A_384 = tpu.memref_slice %arg7[%dma_start3A_380, %dma_start3A_381, %dma_start3A_382, %dma_start3A_383] : memref<2x2x200x128xf32, #tpu.memory_space<vmem>> -> memref<1x1x128x128xf32, #tpu.memory_space<vmem>>
      %dma_start3A_385 = tpu.memref_squeeze %dma_start3A_384 : memref<1x1x128x128xf32, #tpu.memory_space<vmem>> -> memref<128x128xf32, #tpu.memory_space<vmem>>
      %dma_start3A_386 = arith.constant 0 : i32
      %dma_start3A_387 = tpu.memref_slice %arg6[%dma_start3A_378, %dma_start3A_379, %dma_start3A_386] : memref<2x16x200xi32, #tpu.memory_space<vmem>> -> memref<1x1x128xi32, #tpu.memory_space<vmem>>
      %dma_start3A_388 = tpu.memref_squeeze %dma_start3A_387 : memref<1x1x128xi32, #tpu.memory_space<vmem>> -> memref<128xi32, #tpu.memory_space<vmem>>
      %dma_start3A_389 = arith.constant 0 : i32
      %dma_start3A_390 = arith.constant 0 : i32
      %dma_start3A_391 = tpu.memref_slice %arg5[%dma_start3A_389, %dma_start3A_390] : memref<1000x128xf32, #tpu.memory_space<vmem_shared>> -> memref<1000x128xf32, #tpu.memory_space<vmem_shared>>
      tpu.enqueue_indirect_dma source(%dma_start3A_391 : memref<1000x128xf32, #tpu.memory_space<vmem_shared>>) target(%dma_start3A_385 : memref<128x128xf32, #tpu.memory_space<vmem>>) offsets(%dma_start3A_388 : memref<128xi32, #tpu.memory_space<vmem>>) semaphore(%arg9 : memref<!tpu.dma_semaphore, #tpu.memory_space<semaphore_mem>>)
      %dma_start3A_392 = arith.constant 0 : i32
      %dma_start3A_393 = arith.constant 5 : i32
      %dma_start3A_394 = arith.constant 0 : i32
      %dma_start3A_395 = arith.constant 1 : i32
      %dma_start3A_396 = arith.constant 128 : i32
      %dma_start3A_397 = arith.constant 0 : i32
      %dma_start3A_398 = tpu.memref_slice %arg7[%dma_start3A_394, %dma_start3A_395, %dma_start3A_396, %dma_start3A_397] : memref<2x2x200x128xf32, #tpu.memory_space<vmem>> -> memref<1x1x72x128xf32, #tpu.memory_space<vmem>>
      %dma_start3A_399 = tpu.memref_squeeze %dma_start3A_398 : memref<1x1x72x128xf32, #tpu.memory_space<vmem>> -> memref<72x128xf32, #tpu.memory_space<vmem>>
      %dma_start3A_400 = arith.constant 128 : i32
      %dma_start3A_401 = tpu.memref_slice %arg6[%dma_start3A_392, %dma_start3A_393, %dma_start3A_400] : memref<2x16x200xi32, #tpu.memory_space<vmem>> -> memref<1x1x72xi32, #tpu.memory_space<vmem>>
      %dma_start3A_402 = tpu.memref_squeeze %dma_start3A_401 : memref<1x1x72xi32, #tpu.memory_space<vmem>> -> memref<72xi32, #tpu.memory_space<vmem>>
      %dma_start3A_403 = arith.constant 0 : i32
      %dma_start3A_404 = arith.constant 0 : i32
      %dma_start3A_405 = tpu.memref_slice %arg5[%dma_start3A_403, %dma_start3A_404] : memref<1000x128xf32, #tpu.memory_space<vmem_shared>> -> memref<1000x128xf32, #tpu.memory_space<vmem_shared>>
      tpu.enqueue_indirect_dma source(%dma_start3A_405 : memref<1000x128xf32, #tpu.memory_space<vmem_shared>>) target(%dma_start3A_399 : memref<72x128xf32, #tpu.memory_space<vmem>>) offsets(%dma_start3A_402 : memref<72xi32, #tpu.memory_space<vmem>>) semaphore(%arg9 : memref<!tpu.dma_semaphore, #tpu.memory_space<semaphore_mem>>)
      %dma_wait3A_406 = arith.constant 0 : i32
      %dma_wait3A_407 = arith.constant 4 : i32
      %dma_wait3A_408 = arith.constant 0 : i32
      %dma_wait3A_409 = arith.constant 0 : i32
      %dma_wait3A_410 = arith.constant 0 : i32
      %dma_wait3A_411 = arith.constant 0 : i32
      %dma_wait3A_412 = tpu.memref_slice %arg7[%dma_wait3A_408, %dma_wait3A_409, %dma_wait3A_410, %dma_wait3A_411] : memref<2x2x200x128xf32, #tpu.memory_space<vmem>> -> memref<1x1x128x128xf32, #tpu.memory_space<vmem>>
      %dma_wait3A_413 = tpu.memref_squeeze %dma_wait3A_412 : memref<1x1x128x128xf32, #tpu.memory_space<vmem>> -> memref<128x128xf32, #tpu.memory_space<vmem>>
      %dma_wait3A_414 = arith.constant 0 : i32
      %dma_wait3A_415 = tpu.memref_slice %arg6[%dma_wait3A_406, %dma_wait3A_407, %dma_wait3A_414] : memref<2x16x200xi32, #tpu.memory_space<vmem>> -> memref<1x1x128xi32, #tpu.memory_space<vmem>>
      %dma_wait3A_416 = tpu.memref_squeeze %dma_wait3A_415 : memref<1x1x128xi32, #tpu.memory_space<vmem>> -> memref<128xi32, #tpu.memory_space<vmem>>
      %dma_wait3A_417 = arith.constant 0 : i32
      %dma_wait3A_418 = arith.constant 0 : i32
      %dma_wait3A_419 = tpu.memref_slice %arg5[%dma_wait3A_417, %dma_wait3A_418] : memref<1000x128xf32, #tpu.memory_space<vmem_shared>> -> memref<1000x128xf32, #tpu.memory_space<vmem_shared>>
      tpu.wait_indirect_dma semaphore(%arg9 : memref<!tpu.dma_semaphore, #tpu.memory_space<semaphore_mem>>) src(%dma_wait3A_419 : memref<1000x128xf32, #tpu.memory_space<vmem_shared>>) dst(%dma_wait3A_413 : memref<128x128xf32, #tpu.memory_space<vmem>>)
      %dma_wait3A_420 = arith.constant 0 : i32
      %dma_wait3A_421 = arith.constant 4 : i32
      %dma_wait3A_422 = arith.constant 0 : i32
      %dma_wait3A_423 = arith.constant 0 : i32
      %dma_wait3A_424 = arith.constant 128 : i32
      %dma_wait3A_425 = arith.constant 0 : i32
      %dma_wait3A_426 = tpu.memref_slice %arg7[%dma_wait3A_422, %dma_wait3A_423, %dma_wait3A_424, %dma_wait3A_425] : memref<2x2x200x128xf32, #tpu.memory_space<vmem>> -> memref<1x1x72x128xf32, #tpu.memory_space<vmem>>
      %dma_wait3A_427 = tpu.memref_squeeze %dma_wait3A_426 : memref<1x1x72x128xf32, #tpu.memory_space<vmem>> -> memref<72x128xf32, #tpu.memory_space<vmem>>
      %dma_wait3A_428 = arith.constant 128 : i32
      %dma_wait3A_429 = tpu.memref_slice %arg6[%dma_wait3A_420, %dma_wait3A_421, %dma_wait3A_428] : memref<2x16x200xi32, #tpu.memory_space<vmem>> -> memref<1x1x72xi32, #tpu.memory_space<vmem>>
      %dma_wait3A_430 = tpu.memref_squeeze %dma_wait3A_429 : memref<1x1x72xi32, #tpu.memory_space<vmem>> -> memref<72xi32, #tpu.memory_space<vmem>>
      %dma_wait3A_431 = arith.constant 0 : i32
      %dma_wait3A_432 = arith.constant 0 : i32
      %dma_wait3A_433 = tpu.memref_slice %arg5[%dma_wait3A_431, %dma_wait3A_432] : memref<1000x128xf32, #tpu.memory_space<vmem_shared>> -> memref<1000x128xf32, #tpu.memory_space<vmem_shared>>
      tpu.wait_indirect_dma semaphore(%arg9 : memref<!tpu.dma_semaphore, #tpu.memory_space<semaphore_mem>>) src(%dma_wait3A_433 : memref<1000x128xf32, #tpu.memory_space<vmem_shared>>) dst(%dma_wait3A_427 : memref<72x128xf32, #tpu.memory_space<vmem>>)
      %dma_wait3A_434 = arith.constant 0 : i32
      %dma_wait3A_435 = arith.constant 5 : i32
      %dma_wait3A_436 = arith.constant 0 : i32
      %dma_wait3A_437 = arith.constant 1 : i32
      %dma_wait3A_438 = arith.constant 0 : i32
      %dma_wait3A_439 = arith.constant 0 : i32
      %dma_wait3A_440 = tpu.memref_slice %arg7[%dma_wait3A_436, %dma_wait3A_437, %dma_wait3A_438, %dma_wait3A_439] : memref<2x2x200x128xf32, #tpu.memory_space<vmem>> -> memref<1x1x128x128xf32, #tpu.memory_space<vmem>>
      %dma_wait3A_441 = tpu.memref_squeeze %dma_wait3A_440 : memref<1x1x128x128xf32, #tpu.memory_space<vmem>> -> memref<128x128xf32, #tpu.memory_space<vmem>>
      %dma_wait3A_442 = arith.constant 0 : i32
      %dma_wait3A_443 = tpu.memref_slice %arg6[%dma_wait3A_434, %dma_wait3A_435, %dma_wait3A_442] : memref<2x16x200xi32, #tpu.memory_space<vmem>> -> memref<1x1x128xi32, #tpu.memory_space<vmem>>
      %dma_wait3A_444 = tpu.memref_squeeze %dma_wait3A_443 : memref<1x1x128xi32, #tpu.memory_space<vmem>> -> memref<128xi32, #tpu.memory_space<vmem>>
      %dma_wait3A_445 = arith.constant 0 : i32
      %dma_wait3A_446 = arith.constant 0 : i32
      %dma_wait3A_447 = tpu.memref_slice %arg5[%dma_wait3A_445, %dma_wait3A_446] : memref<1000x128xf32, #tpu.memory_space<vmem_shared>> -> memref<1000x128xf32, #tpu.memory_space<vmem_shared>>
      tpu.wait_indirect_dma semaphore(%arg9 : memref<!tpu.dma_semaphore, #tpu.memory_space<semaphore_mem>>) src(%dma_wait3A_447 : memref<1000x128xf32, #tpu.memory_space<vmem_shared>>) dst(%dma_wait3A_441 : memref<128x128xf32, #tpu.memory_space<vmem>>)
      %dma_wait3A_448 = arith.constant 0 : i32
      %dma_wait3A_449 = arith.constant 5 : i32
      %dma_wait3A_450 = arith.constant 0 : i32
      %dma_wait3A_451 = arith.constant 1 : i32
      %dma_wait3A_452 = arith.constant 128 : i32
      %dma_wait3A_453 = arith.constant 0 : i32
      %dma_wait3A_454 = tpu.memref_slice %arg7[%dma_wait3A_450, %dma_wait3A_451, %dma_wait3A_452, %dma_wait3A_453] : memref<2x2x200x128xf32, #tpu.memory_space<vmem>> -> memref<1x1x72x128xf32, #tpu.memory_space<vmem>>
      %dma_wait3A_455 = tpu.memref_squeeze %dma_wait3A_454 : memref<1x1x72x128xf32, #tpu.memory_space<vmem>> -> memref<72x128xf32, #tpu.memory_space<vmem>>
      %dma_wait3A_456 = arith.constant 128 : i32
      %dma_wait3A_457 = tpu.memref_slice %arg6[%dma_wait3A_448, %dma_wait3A_449, %dma_wait3A_456] : memref<2x16x200xi32, #tpu.memory_space<vmem>> -> memref<1x1x72xi32, #tpu.memory_space<vmem>>
      %dma_wait3A_458 = tpu.memref_squeeze %dma_wait3A_457 : memref<1x1x72xi32, #tpu.memory_space<vmem>> -> memref<72xi32, #tpu.memory_space<vmem>>
      %dma_wait3A_459 = arith.constant 0 : i32
      %dma_wait3A_460 = arith.constant 0 : i32
      %dma_wait3A_461 = tpu.memref_slice %arg5[%dma_wait3A_459, %dma_wait3A_460] : memref<1000x128xf32, #tpu.memory_space<vmem_shared>> -> memref<1000x128xf32, #tpu.memory_space<vmem_shared>>
      tpu.wait_indirect_dma semaphore(%arg9 : memref<!tpu.dma_semaphore, #tpu.memory_space<semaphore_mem>>) src(%dma_wait3A_461 : memref<1000x128xf32, #tpu.memory_space<vmem_shared>>) dst(%dma_wait3A_455 : memref<72x128xf32, #tpu.memory_space<vmem>>)
      %mul3A_462 = arith.constant 16 : i32
      %mul3A_463 = arith.muli %mul3A_55, %mul3A_462 : i32
      %add3A_464 = arith.addi %mul3A_2, %mul3A_463 : i32
      %add3A_465 = arith.constant 4 : i32
      %add3A_466 = arith.addi %add3A_464, %add3A_465 : i32
      %multiple_of3A_467 = tpu.assume_multiple %add3A_466, 2 : i32
      %dma_start3A_468 = arith.constant 0 : i32
      %dma_start3A_469 = arith.constant 0 : i32
      %dma_start3A_470 = arith.constant 0 : i32
      %dma_start3A_471 = arith.constant 0 : i32
      %dma_start3A_472 = tpu.memref_slice %arg7[%dma_start3A_468, %dma_start3A_469, %dma_start3A_470, %dma_start3A_471] : memref<2x2x200x128xf32, #tpu.memory_space<vmem>> -> memref<1x2x200x128xf32, #tpu.memory_space<vmem>>
      %dma_start3A_473 = tpu.memref_squeeze %dma_start3A_472 : memref<1x2x200x128xf32, #tpu.memory_space<vmem>> -> memref<2x200x128xf32, #tpu.memory_space<vmem>>
      %dma_start3A_474 = arith.constant 0 : i32
      %dma_start3A_475 = arith.constant 0 : i32
      %dma_start3A_476 = tpu.memref_slice %arg4[%multiple_of3A_467, %dma_start3A_474, %dma_start3A_475] : memref<16384x200x128xf32, #tpu.memory_space<hbm>> -> memref<2x200x128xf32, #tpu.memory_space<hbm>>
      %dma_start3A_477 = arith.constant 0 : i32
      %dma_start3A_478 = arith.constant 0 : i32
      %dma_start3A_479 = tpu.memref_slice %arg4[%multiple_of3A_467, %dma_start3A_477, %dma_start3A_478] : memref<16384x200x128xf32, #tpu.memory_space<hbm>> -> memref<2x200x128xf32, #tpu.memory_space<hbm>>
      %dma_start3A_480 = arith.constant 0 : i32
      %dma_start3A_481 = arith.constant 0 : i32
      %dma_start3A_482 = arith.constant 0 : i32
      %dma_start3A_483 = tpu.memref_slice %arg7[%dma_start3A_468, %dma_start3A_480, %dma_start3A_481, %dma_start3A_482] : memref<2x2x200x128xf32, #tpu.memory_space<vmem>> -> memref<1x2x200x128xf32, #tpu.memory_space<vmem>>
      %dma_start3A_484 = tpu.memref_squeeze %dma_start3A_483 : memref<1x2x200x128xf32, #tpu.memory_space<vmem>> -> memref<2x200x128xf32, #tpu.memory_space<vmem>>
      tpu.enqueue_dma source(%dma_start3A_484 : memref<2x200x128xf32, #tpu.memory_space<vmem>>) target(%dma_start3A_479 : memref<2x200x128xf32, #tpu.memory_space<hbm>>) target_semaphore(%arg11 : memref<!tpu.dma_semaphore, #tpu.memory_space<semaphore_mem>>)
      %gt3A_485 = arith.constant 0 : i32
      %gt3A_486 = arith.cmpi sgt, %mul3A_55, %gt3A_485 : i32
      %or3A_487 = arith.constant true
      %or3A_488 = arith.ori %gt3A_486, %or3A_487 : i1
      %convert_element_type3A_489 = arith.extui %or3A_488 : i1 to i32
      %cond3A_490 = arith.constant 0 : i32
      %cond3A_491 = arith.cmpi ne, %convert_element_type3A_489, %cond3A_490 : i32
      scf.if %cond3A_491 {
        %mul3A_2356 = arith.constant 16 : i32
        %mul3A_2357 = arith.muli %mul3A_55, %mul3A_2356 : i32
        %add3A_2358 = arith.addi %mul3A_2, %mul3A_2357 : i32
        %add3A_2359 = arith.constant 2 : i32
        %add3A_2360 = arith.addi %add3A_2358, %add3A_2359 : i32
        %multiple_of3A_2361 = tpu.assume_multiple %add3A_2360, 2 : i32
        %dma_wait3A_2362 = arith.constant 1 : i32
        %dma_wait3A_2363 = arith.constant 0 : i32
        %dma_wait3A_2364 = arith.constant 0 : i32
        %dma_wait3A_2365 = arith.constant 0 : i32
        %dma_wait3A_2366 = tpu.memref_slice %arg7[%dma_wait3A_2362, %dma_wait3A_2363, %dma_wait3A_2364, %dma_wait3A_2365] : memref<2x2x200x128xf32, #tpu.memory_space<vmem>> -> memref<1x2x200x128xf32, #tpu.memory_space<vmem>>
        %dma_wait3A_2367 = tpu.memref_squeeze %dma_wait3A_2366 : memref<1x2x200x128xf32, #tpu.memory_space<vmem>> -> memref<2x200x128xf32, #tpu.memory_space<vmem>>
        %dma_wait3A_2368 = arith.constant 0 : i32
        %dma_wait3A_2369 = arith.constant 0 : i32
        %dma_wait3A_2370 = tpu.memref_slice %arg4[%multiple_of3A_2361, %dma_wait3A_2368, %dma_wait3A_2369] : memref<16384x200x128xf32, #tpu.memory_space<hbm>> -> memref<2x200x128xf32, #tpu.memory_space<hbm>>
        %dma_wait3A_2371 = arith.constant 0 : i32
        %dma_wait3A_2372 = arith.constant 0 : i32
        %dma_wait3A_2373 = tpu.memref_slice %arg4[%multiple_of3A_2361, %dma_wait3A_2371, %dma_wait3A_2372] : memref<16384x200x128xf32, #tpu.memory_space<hbm>> -> memref<2x200x128xf32, #tpu.memory_space<hbm>>
        %dma_wait3A_2374 = arith.constant 0 : i32
        %dma_wait3A_2375 = arith.constant 0 : i32
        %dma_wait3A_2376 = arith.constant 0 : i32
        %dma_wait3A_2377 = tpu.memref_slice %arg7[%dma_wait3A_2362, %dma_wait3A_2374, %dma_wait3A_2375, %dma_wait3A_2376] : memref<2x2x200x128xf32, #tpu.memory_space<vmem>> -> memref<1x2x200x128xf32, #tpu.memory_space<vmem>>
        %dma_wait3A_2378 = tpu.memref_squeeze %dma_wait3A_2377 : memref<1x2x200x128xf32, #tpu.memory_space<vmem>> -> memref<2x200x128xf32, #tpu.memory_space<vmem>>
        tpu.wait_dma2 semaphore(%arg12 : memref<!tpu.dma_semaphore, #tpu.memory_space<semaphore_mem>>) src(%dma_wait3A_2378 : memref<2x200x128xf32, #tpu.memory_space<vmem>>) dst(%dma_wait3A_2373 : memref<2x200x128xf32, #tpu.memory_space<hbm>>)
      } else {
      }
      %dma_start3A_492 = arith.constant 0 : i32
      %dma_start3A_493 = arith.constant 6 : i32
      %dma_start3A_494 = arith.constant 1 : i32
      %dma_start3A_495 = arith.constant 0 : i32
      %dma_start3A_496 = arith.constant 0 : i32
      %dma_start3A_497 = arith.constant 0 : i32
      %dma_start3A_498 = tpu.memref_slice %arg7[%dma_start3A_494, %dma_start3A_495, %dma_start3A_496, %dma_start3A_497] : memref<2x2x200x128xf32, #tpu.memory_space<vmem>> -> memref<1x1x128x128xf32, #tpu.memory_space<vmem>>
      %dma_start3A_499 = tpu.memref_squeeze %dma_start3A_498 : memref<1x1x128x128xf32, #tpu.memory_space<vmem>> -> memref<128x128xf32, #tpu.memory_space<vmem>>
      %dma_start3A_500 = arith.constant 0 : i32
      %dma_start3A_501 = tpu.memref_slice %arg6[%dma_start3A_492, %dma_start3A_493, %dma_start3A_500] : memref<2x16x200xi32, #tpu.memory_space<vmem>> -> memref<1x1x128xi32, #tpu.memory_space<vmem>>
      %dma_start3A_502 = tpu.memref_squeeze %dma_start3A_501 : memref<1x1x128xi32, #tpu.memory_space<vmem>> -> memref<128xi32, #tpu.memory_space<vmem>>
      %dma_start3A_503 = arith.constant 0 : i32
      %dma_start3A_504 = arith.constant 0 : i32
      %dma_start3A_505 = tpu.memref_slice %arg5[%dma_start3A_503, %dma_start3A_504] : memref<1000x128xf32, #tpu.memory_space<vmem_shared>> -> memref<1000x128xf32, #tpu.memory_space<vmem_shared>>
      tpu.enqueue_indirect_dma source(%dma_start3A_505 : memref<1000x128xf32, #tpu.memory_space<vmem_shared>>) target(%dma_start3A_499 : memref<128x128xf32, #tpu.memory_space<vmem>>) offsets(%dma_start3A_502 : memref<128xi32, #tpu.memory_space<vmem>>) semaphore(%arg10 : memref<!tpu.dma_semaphore, #tpu.memory_space<semaphore_mem>>)
      %dma_start3A_506 = arith.constant 0 : i32
      %dma_start3A_507 = arith.constant 6 : i32
      %dma_start3A_508 = arith.constant 1 : i32
      %dma_start3A_509 = arith.constant 0 : i32
      %dma_start3A_510 = arith.constant 128 : i32
      %dma_start3A_511 = arith.constant 0 : i32
      %dma_start3A_512 = tpu.memref_slice %arg7[%dma_start3A_508, %dma_start3A_509, %dma_start3A_510, %dma_start3A_511] : memref<2x2x200x128xf32, #tpu.memory_space<vmem>> -> memref<1x1x72x128xf32, #tpu.memory_space<vmem>>
      %dma_start3A_513 = tpu.memref_squeeze %dma_start3A_512 : memref<1x1x72x128xf32, #tpu.memory_space<vmem>> -> memref<72x128xf32, #tpu.memory_space<vmem>>
      %dma_start3A_514 = arith.constant 128 : i32
      %dma_start3A_515 = tpu.memref_slice %arg6[%dma_start3A_506, %dma_start3A_507, %dma_start3A_514] : memref<2x16x200xi32, #tpu.memory_space<vmem>> -> memref<1x1x72xi32, #tpu.memory_space<vmem>>
      %dma_start3A_516 = tpu.memref_squeeze %dma_start3A_515 : memref<1x1x72xi32, #tpu.memory_space<vmem>> -> memref<72xi32, #tpu.memory_space<vmem>>
      %dma_start3A_517 = arith.constant 0 : i32
      %dma_start3A_518 = arith.constant 0 : i32
      %dma_start3A_519 = tpu.memref_slice %arg5[%dma_start3A_517, %dma_start3A_518] : memref<1000x128xf32, #tpu.memory_space<vmem_shared>> -> memref<1000x128xf32, #tpu.memory_space<vmem_shared>>
      tpu.enqueue_indirect_dma source(%dma_start3A_519 : memref<1000x128xf32, #tpu.memory_space<vmem_shared>>) target(%dma_start3A_513 : memref<72x128xf32, #tpu.memory_space<vmem>>) offsets(%dma_start3A_516 : memref<72xi32, #tpu.memory_space<vmem>>) semaphore(%arg10 : memref<!tpu.dma_semaphore, #tpu.memory_space<semaphore_mem>>)
      %dma_start3A_520 = arith.constant 0 : i32
      %dma_start3A_521 = arith.constant 7 : i32
      %dma_start3A_522 = arith.constant 1 : i32
      %dma_start3A_523 = arith.constant 1 : i32
      %dma_start3A_524 = arith.constant 0 : i32
      %dma_start3A_525 = arith.constant 0 : i32
      %dma_start3A_526 = tpu.memref_slice %arg7[%dma_start3A_522, %dma_start3A_523, %dma_start3A_524, %dma_start3A_525] : memref<2x2x200x128xf32, #tpu.memory_space<vmem>> -> memref<1x1x128x128xf32, #tpu.memory_space<vmem>>
      %dma_start3A_527 = tpu.memref_squeeze %dma_start3A_526 : memref<1x1x128x128xf32, #tpu.memory_space<vmem>> -> memref<128x128xf32, #tpu.memory_space<vmem>>
      %dma_start3A_528 = arith.constant 0 : i32
      %dma_start3A_529 = tpu.memref_slice %arg6[%dma_start3A_520, %dma_start3A_521, %dma_start3A_528] : memref<2x16x200xi32, #tpu.memory_space<vmem>> -> memref<1x1x128xi32, #tpu.memory_space<vmem>>
      %dma_start3A_530 = tpu.memref_squeeze %dma_start3A_529 : memref<1x1x128xi32, #tpu.memory_space<vmem>> -> memref<128xi32, #tpu.memory_space<vmem>>
      %dma_start3A_531 = arith.constant 0 : i32
      %dma_start3A_532 = arith.constant 0 : i32
      %dma_start3A_533 = tpu.memref_slice %arg5[%dma_start3A_531, %dma_start3A_532] : memref<1000x128xf32, #tpu.memory_space<vmem_shared>> -> memref<1000x128xf32, #tpu.memory_space<vmem_shared>>
      tpu.enqueue_indirect_dma source(%dma_start3A_533 : memref<1000x128xf32, #tpu.memory_space<vmem_shared>>) target(%dma_start3A_527 : memref<128x128xf32, #tpu.memory_space<vmem>>) offsets(%dma_start3A_530 : memref<128xi32, #tpu.memory_space<vmem>>) semaphore(%arg10 : memref<!tpu.dma_semaphore, #tpu.memory_space<semaphore_mem>>)
      %dma_start3A_534 = arith.constant 0 : i32
      %dma_start3A_535 = arith.constant 7 : i32
      %dma_start3A_536 = arith.constant 1 : i32
      %dma_start3A_537 = arith.constant 1 : i32
      %dma_start3A_538 = arith.constant 128 : i32
      %dma_start3A_539 = arith.constant 0 : i32
      %dma_start3A_540 = tpu.memref_slice %arg7[%dma_start3A_536, %dma_start3A_537, %dma_start3A_538, %dma_start3A_539] : memref<2x2x200x128xf32, #tpu.memory_space<vmem>> -> memref<1x1x72x128xf32, #tpu.memory_space<vmem>>
      %dma_start3A_541 = tpu.memref_squeeze %dma_start3A_540 : memref<1x1x72x128xf32, #tpu.memory_space<vmem>> -> memref<72x128xf32, #tpu.memory_space<vmem>>
      %dma_start3A_542 = arith.constant 128 : i32
      %dma_start3A_543 = tpu.memref_slice %arg6[%dma_start3A_534, %dma_start3A_535, %dma_start3A_542] : memref<2x16x200xi32, #tpu.memory_space<vmem>> -> memref<1x1x72xi32, #tpu.memory_space<vmem>>
      %dma_start3A_544 = tpu.memref_squeeze %dma_start3A_543 : memref<1x1x72xi32, #tpu.memory_space<vmem>> -> memref<72xi32, #tpu.memory_space<vmem>>
      %dma_start3A_545 = arith.constant 0 : i32
      %dma_start3A_546 = arith.constant 0 : i32
      %dma_start3A_547 = tpu.memref_slice %arg5[%dma_start3A_545, %dma_start3A_546] : memref<1000x128xf32, #tpu.memory_space<vmem_shared>> -> memref<1000x128xf32, #tpu.memory_space<vmem_shared>>
      tpu.enqueue_indirect_dma source(%dma_start3A_547 : memref<1000x128xf32, #tpu.memory_space<vmem_shared>>) target(%dma_start3A_541 : memref<72x128xf32, #tpu.memory_space<vmem>>) offsets(%dma_start3A_544 : memref<72xi32, #tpu.memory_space<vmem>>) semaphore(%arg10 : memref<!tpu.dma_semaphore, #tpu.memory_space<semaphore_mem>>)
      %dma_wait3A_548 = arith.constant 0 : i32
      %dma_wait3A_549 = arith.constant 6 : i32
      %dma_wait3A_550 = arith.constant 1 : i32
      %dma_wait3A_551 = arith.constant 0 : i32
      %dma_wait3A_552 = arith.constant 0 : i32
      %dma_wait3A_553 = arith.constant 0 : i32
      %dma_wait3A_554 = tpu.memref_slice %arg7[%dma_wait3A_550, %dma_wait3A_551, %dma_wait3A_552, %dma_wait3A_553] : memref<2x2x200x128xf32, #tpu.memory_space<vmem>> -> memref<1x1x128x128xf32, #tpu.memory_space<vmem>>
      %dma_wait3A_555 = tpu.memref_squeeze %dma_wait3A_554 : memref<1x1x128x128xf32, #tpu.memory_space<vmem>> -> memref<128x128xf32, #tpu.memory_space<vmem>>
      %dma_wait3A_556 = arith.constant 0 : i32
      %dma_wait3A_557 = tpu.memref_slice %arg6[%dma_wait3A_548, %dma_wait3A_549, %dma_wait3A_556] : memref<2x16x200xi32, #tpu.memory_space<vmem>> -> memref<1x1x128xi32, #tpu.memory_space<vmem>>
      %dma_wait3A_558 = tpu.memref_squeeze %dma_wait3A_557 : memref<1x1x128xi32, #tpu.memory_space<vmem>> -> memref<128xi32, #tpu.memory_space<vmem>>
      %dma_wait3A_559 = arith.constant 0 : i32
      %dma_wait3A_560 = arith.constant 0 : i32
      %dma_wait3A_561 = tpu.memref_slice %arg5[%dma_wait3A_559, %dma_wait3A_560] : memref<1000x128xf32, #tpu.memory_space<vmem_shared>> -> memref<1000x128xf32, #tpu.memory_space<vmem_shared>>
      tpu.wait_indirect_dma semaphore(%arg10 : memref<!tpu.dma_semaphore, #tpu.memory_space<semaphore_mem>>) src(%dma_wait3A_561 : memref<1000x128xf32, #tpu.memory_space<vmem_shared>>) dst(%dma_wait3A_555 : memref<128x128xf32, #tpu.memory_space<vmem>>)
      %dma_wait3A_562 = arith.constant 0 : i32
      %dma_wait3A_563 = arith.constant 6 : i32
      %dma_wait3A_564 = arith.constant 1 : i32
      %dma_wait3A_565 = arith.constant 0 : i32
      %dma_wait3A_566 = arith.constant 128 : i32
      %dma_wait3A_567 = arith.constant 0 : i32
      %dma_wait3A_568 = tpu.memref_slice %arg7[%dma_wait3A_564, %dma_wait3A_565, %dma_wait3A_566, %dma_wait3A_567] : memref<2x2x200x128xf32, #tpu.memory_space<vmem>> -> memref<1x1x72x128xf32, #tpu.memory_space<vmem>>
      %dma_wait3A_569 = tpu.memref_squeeze %dma_wait3A_568 : memref<1x1x72x128xf32, #tpu.memory_space<vmem>> -> memref<72x128xf32, #tpu.memory_space<vmem>>
      %dma_wait3A_570 = arith.constant 128 : i32
      %dma_wait3A_571 = tpu.memref_slice %arg6[%dma_wait3A_562, %dma_wait3A_563, %dma_wait3A_570] : memref<2x16x200xi32, #tpu.memory_space<vmem>> -> memref<1x1x72xi32, #tpu.memory_space<vmem>>
      %dma_wait3A_572 = tpu.memref_squeeze %dma_wait3A_571 : memref<1x1x72xi32, #tpu.memory_space<vmem>> -> memref<72xi32, #tpu.memory_space<vmem>>
      %dma_wait3A_573 = arith.constant 0 : i32
      %dma_wait3A_574 = arith.constant 0 : i32
      %dma_wait3A_575 = tpu.memref_slice %arg5[%dma_wait3A_573, %dma_wait3A_574] : memref<1000x128xf32, #tpu.memory_space<vmem_shared>> -> memref<1000x128xf32, #tpu.memory_space<vmem_shared>>
      tpu.wait_indirect_dma semaphore(%arg10 : memref<!tpu.dma_semaphore, #tpu.memory_space<semaphore_mem>>) src(%dma_wait3A_575 : memref<1000x128xf32, #tpu.memory_space<vmem_shared>>) dst(%dma_wait3A_569 : memref<72x128xf32, #tpu.memory_space<vmem>>)
      %dma_wait3A_576 = arith.constant 0 : i32
      %dma_wait3A_577 = arith.constant 7 : i32
      %dma_wait3A_578 = arith.constant 1 : i32
      %dma_wait3A_579 = arith.constant 1 : i32
      %dma_wait3A_580 = arith.constant 0 : i32
      %dma_wait3A_581 = arith.constant 0 : i32
      %dma_wait3A_582 = tpu.memref_slice %arg7[%dma_wait3A_578, %dma_wait3A_579, %dma_wait3A_580, %dma_wait3A_581] : memref<2x2x200x128xf32, #tpu.memory_space<vmem>> -> memref<1x1x128x128xf32, #tpu.memory_space<vmem>>
      %dma_wait3A_583 = tpu.memref_squeeze %dma_wait3A_582 : memref<1x1x128x128xf32, #tpu.memory_space<vmem>> -> memref<128x128xf32, #tpu.memory_space<vmem>>
      %dma_wait3A_584 = arith.constant 0 : i32
      %dma_wait3A_585 = tpu.memref_slice %arg6[%dma_wait3A_576, %dma_wait3A_577, %dma_wait3A_584] : memref<2x16x200xi32, #tpu.memory_space<vmem>> -> memref<1x1x128xi32, #tpu.memory_space<vmem>>
      %dma_wait3A_586 = tpu.memref_squeeze %dma_wait3A_585 : memref<1x1x128xi32, #tpu.memory_space<vmem>> -> memref<128xi32, #tpu.memory_space<vmem>>
      %dma_wait3A_587 = arith.constant 0 : i32
      %dma_wait3A_588 = arith.constant 0 : i32
      %dma_wait3A_589 = tpu.memref_slice %arg5[%dma_wait3A_587, %dma_wait3A_588] : memref<1000x128xf32, #tpu.memory_space<vmem_shared>> -> memref<1000x128xf32, #tpu.memory_space<vmem_shared>>
      tpu.wait_indirect_dma semaphore(%arg10 : memref<!tpu.dma_semaphore, #tpu.memory_space<semaphore_mem>>) src(%dma_wait3A_589 : memref<1000x128xf32, #tpu.memory_space<vmem_shared>>) dst(%dma_wait3A_583 : memref<128x128xf32, #tpu.memory_space<vmem>>)
      %dma_wait3A_590 = arith.constant 0 : i32
      %dma_wait3A_591 = arith.constant 7 : i32
      %dma_wait3A_592 = arith.constant 1 : i32
      %dma_wait3A_593 = arith.constant 1 : i32
      %dma_wait3A_594 = arith.constant 128 : i32
      %dma_wait3A_595 = arith.constant 0 : i32
      %dma_wait3A_596 = tpu.memref_slice %arg7[%dma_wait3A_592, %dma_wait3A_593, %dma_wait3A_594, %dma_wait3A_595] : memref<2x2x200x128xf32, #tpu.memory_space<vmem>> -> memref<1x1x72x128xf32, #tpu.memory_space<vmem>>
      %dma_wait3A_597 = tpu.memref_squeeze %dma_wait3A_596 : memref<1x1x72x128xf32, #tpu.memory_space<vmem>> -> memref<72x128xf32, #tpu.memory_space<vmem>>
      %dma_wait3A_598 = arith.constant 128 : i32
      %dma_wait3A_599 = tpu.memref_slice %arg6[%dma_wait3A_590, %dma_wait3A_591, %dma_wait3A_598] : memref<2x16x200xi32, #tpu.memory_space<vmem>> -> memref<1x1x72xi32, #tpu.memory_space<vmem>>
      %dma_wait3A_600 = tpu.memref_squeeze %dma_wait3A_599 : memref<1x1x72xi32, #tpu.memory_space<vmem>> -> memref<72xi32, #tpu.memory_space<vmem>>
      %dma_wait3A_601 = arith.constant 0 : i32
      %dma_wait3A_602 = arith.constant 0 : i32
      %dma_wait3A_603 = tpu.memref_slice %arg5[%dma_wait3A_601, %dma_wait3A_602] : memref<1000x128xf32, #tpu.memory_space<vmem_shared>> -> memref<1000x128xf32, #tpu.memory_space<vmem_shared>>
      tpu.wait_indirect_dma semaphore(%arg10 : memref<!tpu.dma_semaphore, #tpu.memory_space<semaphore_mem>>) src(%dma_wait3A_603 : memref<1000x128xf32, #tpu.memory_space<vmem_shared>>) dst(%dma_wait3A_597 : memref<72x128xf32, #tpu.memory_space<vmem>>)
      %mul3A_604 = arith.constant 16 : i32
      %mul3A_605 = arith.muli %mul3A_55, %mul3A_604 : i32
      %add3A_606 = arith.addi %mul3A_2, %mul3A_605 : i32
      %add3A_607 = arith.constant 6 : i32
      %add3A_608 = arith.addi %add3A_606, %add3A_607 : i32
      %multiple_of3A_609 = tpu.assume_multiple %add3A_608, 2 : i32
      %dma_start3A_610 = arith.constant 1 : i32
      %dma_start3A_611 = arith.constant 0 : i32
      %dma_start3A_612 = arith.constant 0 : i32
      %dma_start3A_613 = arith.constant 0 : i32
      %dma_start3A_614 = tpu.memref_slice %arg7[%dma_start3A_610, %dma_start3A_611, %dma_start3A_612, %dma_start3A_613] : memref<2x2x200x128xf32, #tpu.memory_space<vmem>> -> memref<1x2x200x128xf32, #tpu.memory_space<vmem>>
      %dma_start3A_615 = tpu.memref_squeeze %dma_start3A_614 : memref<1x2x200x128xf32, #tpu.memory_space<vmem>> -> memref<2x200x128xf32, #tpu.memory_space<vmem>>
      %dma_start3A_616 = arith.constant 0 : i32
      %dma_start3A_617 = arith.constant 0 : i32
      %dma_start3A_618 = tpu.memref_slice %arg4[%multiple_of3A_609, %dma_start3A_616, %dma_start3A_617] : memref<16384x200x128xf32, #tpu.memory_space<hbm>> -> memref<2x200x128xf32, #tpu.memory_space<hbm>>
      %dma_start3A_619 = arith.constant 0 : i32
      %dma_start3A_620 = arith.constant 0 : i32
      %dma_start3A_621 = tpu.memref_slice %arg4[%multiple_of3A_609, %dma_start3A_619, %dma_start3A_620] : memref<16384x200x128xf32, #tpu.memory_space<hbm>> -> memref<2x200x128xf32, #tpu.memory_space<hbm>>
      %dma_start3A_622 = arith.constant 0 : i32
      %dma_start3A_623 = arith.constant 0 : i32
      %dma_start3A_624 = arith.constant 0 : i32
      %dma_start3A_625 = tpu.memref_slice %arg7[%dma_start3A_610, %dma_start3A_622, %dma_start3A_623, %dma_start3A_624] : memref<2x2x200x128xf32, #tpu.memory_space<vmem>> -> memref<1x2x200x128xf32, #tpu.memory_space<vmem>>
      %dma_start3A_626 = tpu.memref_squeeze %dma_start3A_625 : memref<1x2x200x128xf32, #tpu.memory_space<vmem>> -> memref<2x200x128xf32, #tpu.memory_space<vmem>>
      tpu.enqueue_dma source(%dma_start3A_626 : memref<2x200x128xf32, #tpu.memory_space<vmem>>) target(%dma_start3A_621 : memref<2x200x128xf32, #tpu.memory_space<hbm>>) target_semaphore(%arg12 : memref<!tpu.dma_semaphore, #tpu.memory_space<semaphore_mem>>)
      %gt3A_627 = arith.constant 0 : i32
      %gt3A_628 = arith.cmpi sgt, %mul3A_55, %gt3A_627 : i32
      %or3A_629 = arith.constant true
      %or3A_630 = arith.ori %gt3A_628, %or3A_629 : i1
      %convert_element_type3A_631 = arith.extui %or3A_630 : i1 to i32
      %cond3A_632 = arith.constant 0 : i32
      %cond3A_633 = arith.cmpi ne, %convert_element_type3A_631, %cond3A_632 : i32
      scf.if %cond3A_633 {
        %mul3A_2356 = arith.constant 16 : i32
        %mul3A_2357 = arith.muli %mul3A_55, %mul3A_2356 : i32
        %add3A_2358 = arith.addi %mul3A_2, %mul3A_2357 : i32
        %add3A_2359 = arith.constant 4 : i32
        %add3A_2360 = arith.addi %add3A_2358, %add3A_2359 : i32
        %multiple_of3A_2361 = tpu.assume_multiple %add3A_2360, 2 : i32
        %dma_wait3A_2362 = arith.constant 0 : i32
        %dma_wait3A_2363 = arith.constant 0 : i32
        %dma_wait3A_2364 = arith.constant 0 : i32
        %dma_wait3A_2365 = arith.constant 0 : i32
        %dma_wait3A_2366 = tpu.memref_slice %arg7[%dma_wait3A_2362, %dma_wait3A_2363, %dma_wait3A_2364, %dma_wait3A_2365] : memref<2x2x200x128xf32, #tpu.memory_space<vmem>> -> memref<1x2x200x128xf32, #tpu.memory_space<vmem>>
        %dma_wait3A_2367 = tpu.memref_squeeze %dma_wait3A_2366 : memref<1x2x200x128xf32, #tpu.memory_space<vmem>> -> memref<2x200x128xf32, #tpu.memory_space<vmem>>
        %dma_wait3A_2368 = arith.constant 0 : i32
        %dma_wait3A_2369 = arith.constant 0 : i32
        %dma_wait3A_2370 = tpu.memref_slice %arg4[%multiple_of3A_2361, %dma_wait3A_2368, %dma_wait3A_2369] : memref<16384x200x128xf32, #tpu.memory_space<hbm>> -> memref<2x200x128xf32, #tpu.memory_space<hbm>>
        %dma_wait3A_2371 = arith.constant 0 : i32
        %dma_wait3A_2372 = arith.constant 0 : i32
        %dma_wait3A_2373 = tpu.memref_slice %arg4[%multiple_of3A_2361, %dma_wait3A_2371, %dma_wait3A_2372] : memref<16384x200x128xf32, #tpu.memory_space<hbm>> -> memref<2x200x128xf32, #tpu.memory_space<hbm>>
        %dma_wait3A_2374 = arith.constant 0 : i32
        %dma_wait3A_2375 = arith.constant 0 : i32
        %dma_wait3A_2376 = arith.constant 0 : i32
        %dma_wait3A_2377 = tpu.memref_slice %arg7[%dma_wait3A_2362, %dma_wait3A_2374, %dma_wait3A_2375, %dma_wait3A_2376] : memref<2x2x200x128xf32, #tpu.memory_space<vmem>> -> memref<1x2x200x128xf32, #tpu.memory_space<vmem>>
        %dma_wait3A_2378 = tpu.memref_squeeze %dma_wait3A_2377 : memref<1x2x200x128xf32, #tpu.memory_space<vmem>> -> memref<2x200x128xf32, #tpu.memory_space<vmem>>
        tpu.wait_dma2 semaphore(%arg11 : memref<!tpu.dma_semaphore, #tpu.memory_space<semaphore_mem>>) src(%dma_wait3A_2378 : memref<2x200x128xf32, #tpu.memory_space<vmem>>) dst(%dma_wait3A_2373 : memref<2x200x128xf32, #tpu.memory_space<hbm>>)
      } else {
      }
      %dma_start3A_634 = arith.constant 0 : i32
      %dma_start3A_635 = arith.constant 8 : i32
      %dma_start3A_636 = arith.constant 0 : i32
      %dma_start3A_637 = arith.constant 0 : i32
      %dma_start3A_638 = arith.constant 0 : i32
      %dma_start3A_639 = arith.constant 0 : i32
      %dma_start3A_640 = tpu.memref_slice %arg7[%dma_start3A_636, %dma_start3A_637, %dma_start3A_638, %dma_start3A_639] : memref<2x2x200x128xf32, #tpu.memory_space<vmem>> -> memref<1x1x128x128xf32, #tpu.memory_space<vmem>>
      %dma_start3A_641 = tpu.memref_squeeze %dma_start3A_640 : memref<1x1x128x128xf32, #tpu.memory_space<vmem>> -> memref<128x128xf32, #tpu.memory_space<vmem>>
      %dma_start3A_642 = arith.constant 0 : i32
      %dma_start3A_643 = tpu.memref_slice %arg6[%dma_start3A_634, %dma_start3A_635, %dma_start3A_642] : memref<2x16x200xi32, #tpu.memory_space<vmem>> -> memref<1x1x128xi32, #tpu.memory_space<vmem>>
      %dma_start3A_644 = tpu.memref_squeeze %dma_start3A_643 : memref<1x1x128xi32, #tpu.memory_space<vmem>> -> memref<128xi32, #tpu.memory_space<vmem>>
      %dma_start3A_645 = arith.constant 0 : i32
      %dma_start3A_646 = arith.constant 0 : i32
      %dma_start3A_647 = tpu.memref_slice %arg5[%dma_start3A_645, %dma_start3A_646] : memref<1000x128xf32, #tpu.memory_space<vmem_shared>> -> memref<1000x128xf32, #tpu.memory_space<vmem_shared>>
      tpu.enqueue_indirect_dma source(%dma_start3A_647 : memref<1000x128xf32, #tpu.memory_space<vmem_shared>>) target(%dma_start3A_641 : memref<128x128xf32, #tpu.memory_space<vmem>>) offsets(%dma_start3A_644 : memref<128xi32, #tpu.memory_space<vmem>>) semaphore(%arg9 : memref<!tpu.dma_semaphore, #tpu.memory_space<semaphore_mem>>)
      %dma_start3A_648 = arith.constant 0 : i32
      %dma_start3A_649 = arith.constant 8 : i32
      %dma_start3A_650 = arith.constant 0 : i32
      %dma_start3A_651 = arith.constant 0 : i32
      %dma_start3A_652 = arith.constant 128 : i32
      %dma_start3A_653 = arith.constant 0 : i32
      %dma_start3A_654 = tpu.memref_slice %arg7[%dma_start3A_650, %dma_start3A_651, %dma_start3A_652, %dma_start3A_653] : memref<2x2x200x128xf32, #tpu.memory_space<vmem>> -> memref<1x1x72x128xf32, #tpu.memory_space<vmem>>
      %dma_start3A_655 = tpu.memref_squeeze %dma_start3A_654 : memref<1x1x72x128xf32, #tpu.memory_space<vmem>> -> memref<72x128xf32, #tpu.memory_space<vmem>>
      %dma_start3A_656 = arith.constant 128 : i32
      %dma_start3A_657 = tpu.memref_slice %arg6[%dma_start3A_648, %dma_start3A_649, %dma_start3A_656] : memref<2x16x200xi32, #tpu.memory_space<vmem>> -> memref<1x1x72xi32, #tpu.memory_space<vmem>>
      %dma_start3A_658 = tpu.memref_squeeze %dma_start3A_657 : memref<1x1x72xi32, #tpu.memory_space<vmem>> -> memref<72xi32, #tpu.memory_space<vmem>>
      %dma_start3A_659 = arith.constant 0 : i32
      %dma_start3A_660 = arith.constant 0 : i32
      %dma_start3A_661 = tpu.memref_slice %arg5[%dma_start3A_659, %dma_start3A_660] : memref<1000x128xf32, #tpu.memory_space<vmem_shared>> -> memref<1000x128xf32, #tpu.memory_space<vmem_shared>>
      tpu.enqueue_indirect_dma source(%dma_start3A_661 : memref<1000x128xf32, #tpu.memory_space<vmem_shared>>) target(%dma_start3A_655 : memref<72x128xf32, #tpu.memory_space<vmem>>) offsets(%dma_start3A_658 : memref<72xi32, #tpu.memory_space<vmem>>) semaphore(%arg9 : memref<!tpu.dma_semaphore, #tpu.memory_space<semaphore_mem>>)
      %dma_start3A_662 = arith.constant 0 : i32
      %dma_start3A_663 = arith.constant 9 : i32
      %dma_start3A_664 = arith.constant 0 : i32
      %dma_start3A_665 = arith.constant 1 : i32
      %dma_start3A_666 = arith.constant 0 : i32
      %dma_start3A_667 = arith.constant 0 : i32
      %dma_start3A_668 = tpu.memref_slice %arg7[%dma_start3A_664, %dma_start3A_665, %dma_start3A_666, %dma_start3A_667] : memref<2x2x200x128xf32, #tpu.memory_space<vmem>> -> memref<1x1x128x128xf32, #tpu.memory_space<vmem>>
      %dma_start3A_669 = tpu.memref_squeeze %dma_start3A_668 : memref<1x1x128x128xf32, #tpu.memory_space<vmem>> -> memref<128x128xf32, #tpu.memory_space<vmem>>
      %dma_start3A_670 = arith.constant 0 : i32
      %dma_start3A_671 = tpu.memref_slice %arg6[%dma_start3A_662, %dma_start3A_663, %dma_start3A_670] : memref<2x16x200xi32, #tpu.memory_space<vmem>> -> memref<1x1x128xi32, #tpu.memory_space<vmem>>
      %dma_start3A_672 = tpu.memref_squeeze %dma_start3A_671 : memref<1x1x128xi32, #tpu.memory_space<vmem>> -> memref<128xi32, #tpu.memory_space<vmem>>
      %dma_start3A_673 = arith.constant 0 : i32
      %dma_start3A_674 = arith.constant 0 : i32
      %dma_start3A_675 = tpu.memref_slice %arg5[%dma_start3A_673, %dma_start3A_674] : memref<1000x128xf32, #tpu.memory_space<vmem_shared>> -> memref<1000x128xf32, #tpu.memory_space<vmem_shared>>
      tpu.enqueue_indirect_dma source(%dma_start3A_675 : memref<1000x128xf32, #tpu.memory_space<vmem_shared>>) target(%dma_start3A_669 : memref<128x128xf32, #tpu.memory_space<vmem>>) offsets(%dma_start3A_672 : memref<128xi32, #tpu.memory_space<vmem>>) semaphore(%arg9 : memref<!tpu.dma_semaphore, #tpu.memory_space<semaphore_mem>>)
      %dma_start3A_676 = arith.constant 0 : i32
      %dma_start3A_677 = arith.constant 9 : i32
      %dma_start3A_678 = arith.constant 0 : i32
      %dma_start3A_679 = arith.constant 1 : i32
      %dma_start3A_680 = arith.constant 128 : i32
      %dma_start3A_681 = arith.constant 0 : i32
      %dma_start3A_682 = tpu.memref_slice %arg7[%dma_start3A_678, %dma_start3A_679, %dma_start3A_680, %dma_start3A_681] : memref<2x2x200x128xf32, #tpu.memory_space<vmem>> -> memref<1x1x72x128xf32, #tpu.memory_space<vmem>>
      %dma_start3A_683 = tpu.memref_squeeze %dma_start3A_682 : memref<1x1x72x128xf32, #tpu.memory_space<vmem>> -> memref<72x128xf32, #tpu.memory_space<vmem>>
      %dma_start3A_684 = arith.constant 128 : i32
      %dma_start3A_685 = tpu.memref_slice %arg6[%dma_start3A_676, %dma_start3A_677, %dma_start3A_684] : memref<2x16x200xi32, #tpu.memory_space<vmem>> -> memref<1x1x72xi32, #tpu.memory_space<vmem>>
      %dma_start3A_686 = tpu.memref_squeeze %dma_start3A_685 : memref<1x1x72xi32, #tpu.memory_space<vmem>> -> memref<72xi32, #tpu.memory_space<vmem>>
      %dma_start3A_687 = arith.constant 0 : i32
      %dma_start3A_688 = arith.constant 0 : i32
      %dma_start3A_689 = tpu.memref_slice %arg5[%dma_start3A_687, %dma_start3A_688] : memref<1000x128xf32, #tpu.memory_space<vmem_shared>> -> memref<1000x128xf32, #tpu.memory_space<vmem_shared>>
      tpu.enqueue_indirect_dma source(%dma_start3A_689 : memref<1000x128xf32, #tpu.memory_space<vmem_shared>>) target(%dma_start3A_683 : memref<72x128xf32, #tpu.memory_space<vmem>>) offsets(%dma_start3A_686 : memref<72xi32, #tpu.memory_space<vmem>>) semaphore(%arg9 : memref<!tpu.dma_semaphore, #tpu.memory_space<semaphore_mem>>)
      %dma_wait3A_690 = arith.constant 0 : i32
      %dma_wait3A_691 = arith.constant 8 : i32
      %dma_wait3A_692 = arith.constant 0 : i32
      %dma_wait3A_693 = arith.constant 0 : i32
      %dma_wait3A_694 = arith.constant 0 : i32
      %dma_wait3A_695 = arith.constant 0 : i32
      %dma_wait3A_696 = tpu.memref_slice %arg7[%dma_wait3A_692, %dma_wait3A_693, %dma_wait3A_694, %dma_wait3A_695] : memref<2x2x200x128xf32, #tpu.memory_space<vmem>> -> memref<1x1x128x128xf32, #tpu.memory_space<vmem>>
      %dma_wait3A_697 = tpu.memref_squeeze %dma_wait3A_696 : memref<1x1x128x128xf32, #tpu.memory_space<vmem>> -> memref<128x128xf32, #tpu.memory_space<vmem>>
      %dma_wait3A_698 = arith.constant 0 : i32
      %dma_wait3A_699 = tpu.memref_slice %arg6[%dma_wait3A_690, %dma_wait3A_691, %dma_wait3A_698] : memref<2x16x200xi32, #tpu.memory_space<vmem>> -> memref<1x1x128xi32, #tpu.memory_space<vmem>>
      %dma_wait3A_700 = tpu.memref_squeeze %dma_wait3A_699 : memref<1x1x128xi32, #tpu.memory_space<vmem>> -> memref<128xi32, #tpu.memory_space<vmem>>
      %dma_wait3A_701 = arith.constant 0 : i32
      %dma_wait3A_702 = arith.constant 0 : i32
      %dma_wait3A_703 = tpu.memref_slice %arg5[%dma_wait3A_701, %dma_wait3A_702] : memref<1000x128xf32, #tpu.memory_space<vmem_shared>> -> memref<1000x128xf32, #tpu.memory_space<vmem_shared>>
      tpu.wait_indirect_dma semaphore(%arg9 : memref<!tpu.dma_semaphore, #tpu.memory_space<semaphore_mem>>) src(%dma_wait3A_703 : memref<1000x128xf32, #tpu.memory_space<vmem_shared>>) dst(%dma_wait3A_697 : memref<128x128xf32, #tpu.memory_space<vmem>>)
      %dma_wait3A_704 = arith.constant 0 : i32
      %dma_wait3A_705 = arith.constant 8 : i32
      %dma_wait3A_706 = arith.constant 0 : i32
      %dma_wait3A_707 = arith.constant 0 : i32
      %dma_wait3A_708 = arith.constant 128 : i32
      %dma_wait3A_709 = arith.constant 0 : i32
      %dma_wait3A_710 = tpu.memref_slice %arg7[%dma_wait3A_706, %dma_wait3A_707, %dma_wait3A_708, %dma_wait3A_709] : memref<2x2x200x128xf32, #tpu.memory_space<vmem>> -> memref<1x1x72x128xf32, #tpu.memory_space<vmem>>
      %dma_wait3A_711 = tpu.memref_squeeze %dma_wait3A_710 : memref<1x1x72x128xf32, #tpu.memory_space<vmem>> -> memref<72x128xf32, #tpu.memory_space<vmem>>
      %dma_wait3A_712 = arith.constant 128 : i32
      %dma_wait3A_713 = tpu.memref_slice %arg6[%dma_wait3A_704, %dma_wait3A_705, %dma_wait3A_712] : memref<2x16x200xi32, #tpu.memory_space<vmem>> -> memref<1x1x72xi32, #tpu.memory_space<vmem>>
      %dma_wait3A_714 = tpu.memref_squeeze %dma_wait3A_713 : memref<1x1x72xi32, #tpu.memory_space<vmem>> -> memref<72xi32, #tpu.memory_space<vmem>>
      %dma_wait3A_715 = arith.constant 0 : i32
      %dma_wait3A_716 = arith.constant 0 : i32
      %dma_wait3A_717 = tpu.memref_slice %arg5[%dma_wait3A_715, %dma_wait3A_716] : memref<1000x128xf32, #tpu.memory_space<vmem_shared>> -> memref<1000x128xf32, #tpu.memory_space<vmem_shared>>
      tpu.wait_indirect_dma semaphore(%arg9 : memref<!tpu.dma_semaphore, #tpu.memory_space<semaphore_mem>>) src(%dma_wait3A_717 : memref<1000x128xf32, #tpu.memory_space<vmem_shared>>) dst(%dma_wait3A_711 : memref<72x128xf32, #tpu.memory_space<vmem>>)
      %dma_wait3A_718 = arith.constant 0 : i32
      %dma_wait3A_719 = arith.constant 9 : i32
      %dma_wait3A_720 = arith.constant 0 : i32
      %dma_wait3A_721 = arith.constant 1 : i32
      %dma_wait3A_722 = arith.constant 0 : i32
      %dma_wait3A_723 = arith.constant 0 : i32
      %dma_wait3A_724 = tpu.memref_slice %arg7[%dma_wait3A_720, %dma_wait3A_721, %dma_wait3A_722, %dma_wait3A_723] : memref<2x2x200x128xf32, #tpu.memory_space<vmem>> -> memref<1x1x128x128xf32, #tpu.memory_space<vmem>>
      %dma_wait3A_725 = tpu.memref_squeeze %dma_wait3A_724 : memref<1x1x128x128xf32, #tpu.memory_space<vmem>> -> memref<128x128xf32, #tpu.memory_space<vmem>>
      %dma_wait3A_726 = arith.constant 0 : i32
      %dma_wait3A_727 = tpu.memref_slice %arg6[%dma_wait3A_718, %dma_wait3A_719, %dma_wait3A_726] : memref<2x16x200xi32, #tpu.memory_space<vmem>> -> memref<1x1x128xi32, #tpu.memory_space<vmem>>
      %dma_wait3A_728 = tpu.memref_squeeze %dma_wait3A_727 : memref<1x1x128xi32, #tpu.memory_space<vmem>> -> memref<128xi32, #tpu.memory_space<vmem>>
      %dma_wait3A_729 = arith.constant 0 : i32
      %dma_wait3A_730 = arith.constant 0 : i32
      %dma_wait3A_731 = tpu.memref_slice %arg5[%dma_wait3A_729, %dma_wait3A_730] : memref<1000x128xf32, #tpu.memory_space<vmem_shared>> -> memref<1000x128xf32, #tpu.memory_space<vmem_shared>>
      tpu.wait_indirect_dma semaphore(%arg9 : memref<!tpu.dma_semaphore, #tpu.memory_space<semaphore_mem>>) src(%dma_wait3A_731 : memref<1000x128xf32, #tpu.memory_space<vmem_shared>>) dst(%dma_wait3A_725 : memref<128x128xf32, #tpu.memory_space<vmem>>)
      %dma_wait3A_732 = arith.constant 0 : i32
      %dma_wait3A_733 = arith.constant 9 : i32
      %dma_wait3A_734 = arith.constant 0 : i32
      %dma_wait3A_735 = arith.constant 1 : i32
      %dma_wait3A_736 = arith.constant 128 : i32
      %dma_wait3A_737 = arith.constant 0 : i32
      %dma_wait3A_738 = tpu.memref_slice %arg7[%dma_wait3A_734, %dma_wait3A_735, %dma_wait3A_736, %dma_wait3A_737] : memref<2x2x200x128xf32, #tpu.memory_space<vmem>> -> memref<1x1x72x128xf32, #tpu.memory_space<vmem>>
      %dma_wait3A_739 = tpu.memref_squeeze %dma_wait3A_738 : memref<1x1x72x128xf32, #tpu.memory_space<vmem>> -> memref<72x128xf32, #tpu.memory_space<vmem>>
      %dma_wait3A_740 = arith.constant 128 : i32
      %dma_wait3A_741 = tpu.memref_slice %arg6[%dma_wait3A_732, %dma_wait3A_733, %dma_wait3A_740] : memref<2x16x200xi32, #tpu.memory_space<vmem>> -> memref<1x1x72xi32, #tpu.memory_space<vmem>>
      %dma_wait3A_742 = tpu.memref_squeeze %dma_wait3A_741 : memref<1x1x72xi32, #tpu.memory_space<vmem>> -> memref<72xi32, #tpu.memory_space<vmem>>
      %dma_wait3A_743 = arith.constant 0 : i32
      %dma_wait3A_744 = arith.constant 0 : i32
      %dma_wait3A_745 = tpu.memref_slice %arg5[%dma_wait3A_743, %dma_wait3A_744] : memref<1000x128xf32, #tpu.memory_space<vmem_shared>> -> memref<1000x128xf32, #tpu.memory_space<vmem_shared>>
      tpu.wait_indirect_dma semaphore(%arg9 : memref<!tpu.dma_semaphore, #tpu.memory_space<semaphore_mem>>) src(%dma_wait3A_745 : memref<1000x128xf32, #tpu.memory_space<vmem_shared>>) dst(%dma_wait3A_739 : memref<72x128xf32, #tpu.memory_space<vmem>>)
      %mul3A_746 = arith.constant 16 : i32
      %mul3A_747 = arith.muli %mul3A_55, %mul3A_746 : i32
      %add3A_748 = arith.addi %mul3A_2, %mul3A_747 : i32
      %add3A_749 = arith.constant 8 : i32
      %add3A_750 = arith.addi %add3A_748, %add3A_749 : i32
      %multiple_of3A_751 = tpu.assume_multiple %add3A_750, 2 : i32
      %dma_start3A_752 = arith.constant 0 : i32
      %dma_start3A_753 = arith.constant 0 : i32
      %dma_start3A_754 = arith.constant 0 : i32
      %dma_start3A_755 = arith.constant 0 : i32
      %dma_start3A_756 = tpu.memref_slice %arg7[%dma_start3A_752, %dma_start3A_753, %dma_start3A_754, %dma_start3A_755] : memref<2x2x200x128xf32, #tpu.memory_space<vmem>> -> memref<1x2x200x128xf32, #tpu.memory_space<vmem>>
      %dma_start3A_757 = tpu.memref_squeeze %dma_start3A_756 : memref<1x2x200x128xf32, #tpu.memory_space<vmem>> -> memref<2x200x128xf32, #tpu.memory_space<vmem>>
      %dma_start3A_758 = arith.constant 0 : i32
      %dma_start3A_759 = arith.constant 0 : i32
      %dma_start3A_760 = tpu.memref_slice %arg4[%multiple_of3A_751, %dma_start3A_758, %dma_start3A_759] : memref<16384x200x128xf32, #tpu.memory_space<hbm>> -> memref<2x200x128xf32, #tpu.memory_space<hbm>>
      %dma_start3A_761 = arith.constant 0 : i32
      %dma_start3A_762 = arith.constant 0 : i32
      %dma_start3A_763 = tpu.memref_slice %arg4[%multiple_of3A_751, %dma_start3A_761, %dma_start3A_762] : memref<16384x200x128xf32, #tpu.memory_space<hbm>> -> memref<2x200x128xf32, #tpu.memory_space<hbm>>
      %dma_start3A_764 = arith.constant 0 : i32
      %dma_start3A_765 = arith.constant 0 : i32
      %dma_start3A_766 = arith.constant 0 : i32
      %dma_start3A_767 = tpu.memref_slice %arg7[%dma_start3A_752, %dma_start3A_764, %dma_start3A_765, %dma_start3A_766] : memref<2x2x200x128xf32, #tpu.memory_space<vmem>> -> memref<1x2x200x128xf32, #tpu.memory_space<vmem>>
      %dma_start3A_768 = tpu.memref_squeeze %dma_start3A_767 : memref<1x2x200x128xf32, #tpu.memory_space<vmem>> -> memref<2x200x128xf32, #tpu.memory_space<vmem>>
      tpu.enqueue_dma source(%dma_start3A_768 : memref<2x200x128xf32, #tpu.memory_space<vmem>>) target(%dma_start3A_763 : memref<2x200x128xf32, #tpu.memory_space<hbm>>) target_semaphore(%arg11 : memref<!tpu.dma_semaphore, #tpu.memory_space<semaphore_mem>>)
      %gt3A_769 = arith.constant 0 : i32
      %gt3A_770 = arith.cmpi sgt, %mul3A_55, %gt3A_769 : i32
      %or3A_771 = arith.constant true
      %or3A_772 = arith.ori %gt3A_770, %or3A_771 : i1
      %convert_element_type3A_773 = arith.extui %or3A_772 : i1 to i32
      %cond3A_774 = arith.constant 0 : i32
      %cond3A_775 = arith.cmpi ne, %convert_element_type3A_773, %cond3A_774 : i32
      scf.if %cond3A_775 {
        %mul3A_2356 = arith.constant 16 : i32
        %mul3A_2357 = arith.muli %mul3A_55, %mul3A_2356 : i32
        %add3A_2358 = arith.addi %mul3A_2, %mul3A_2357 : i32
        %add3A_2359 = arith.constant 6 : i32
        %add3A_2360 = arith.addi %add3A_2358, %add3A_2359 : i32
        %multiple_of3A_2361 = tpu.assume_multiple %add3A_2360, 2 : i32
        %dma_wait3A_2362 = arith.constant 1 : i32
        %dma_wait3A_2363 = arith.constant 0 : i32
        %dma_wait3A_2364 = arith.constant 0 : i32
        %dma_wait3A_2365 = arith.constant 0 : i32
        %dma_wait3A_2366 = tpu.memref_slice %arg7[%dma_wait3A_2362, %dma_wait3A_2363, %dma_wait3A_2364, %dma_wait3A_2365] : memref<2x2x200x128xf32, #tpu.memory_space<vmem>> -> memref<1x2x200x128xf32, #tpu.memory_space<vmem>>
        %dma_wait3A_2367 = tpu.memref_squeeze %dma_wait3A_2366 : memref<1x2x200x128xf32, #tpu.memory_space<vmem>> -> memref<2x200x128xf32, #tpu.memory_space<vmem>>
        %dma_wait3A_2368 = arith.constant 0 : i32
        %dma_wait3A_2369 = arith.constant 0 : i32
        %dma_wait3A_2370 = tpu.memref_slice %arg4[%multiple_of3A_2361, %dma_wait3A_2368, %dma_wait3A_2369] : memref<16384x200x128xf32, #tpu.memory_space<hbm>> -> memref<2x200x128xf32, #tpu.memory_space<hbm>>
        %dma_wait3A_2371 = arith.constant 0 : i32
        %dma_wait3A_2372 = arith.constant 0 : i32
        %dma_wait3A_2373 = tpu.memref_slice %arg4[%multiple_of3A_2361, %dma_wait3A_2371, %dma_wait3A_2372] : memref<16384x200x128xf32, #tpu.memory_space<hbm>> -> memref<2x200x128xf32, #tpu.memory_space<hbm>>
        %dma_wait3A_2374 = arith.constant 0 : i32
        %dma_wait3A_2375 = arith.constant 0 : i32
        %dma_wait3A_2376 = arith.constant 0 : i32
        %dma_wait3A_2377 = tpu.memref_slice %arg7[%dma_wait3A_2362, %dma_wait3A_2374, %dma_wait3A_2375, %dma_wait3A_2376] : memref<2x2x200x128xf32, #tpu.memory_space<vmem>> -> memref<1x2x200x128xf32, #tpu.memory_space<vmem>>
        %dma_wait3A_2378 = tpu.memref_squeeze %dma_wait3A_2377 : memref<1x2x200x128xf32, #tpu.memory_space<vmem>> -> memref<2x200x128xf32, #tpu.memory_space<vmem>>
        tpu.wait_dma2 semaphore(%arg12 : memref<!tpu.dma_semaphore, #tpu.memory_space<semaphore_mem>>) src(%dma_wait3A_2378 : memref<2x200x128xf32, #tpu.memory_space<vmem>>) dst(%dma_wait3A_2373 : memref<2x200x128xf32, #tpu.memory_space<hbm>>)
      } else {
      }
      %dma_start3A_776 = arith.constant 0 : i32
      %dma_start3A_777 = arith.constant 10 : i32
      %dma_start3A_778 = arith.constant 1 : i32
      %dma_start3A_779 = arith.constant 0 : i32
      %dma_start3A_780 = arith.constant 0 : i32
      %dma_start3A_781 = arith.constant 0 : i32
      %dma_start3A_782 = tpu.memref_slice %arg7[%dma_start3A_778, %dma_start3A_779, %dma_start3A_780, %dma_start3A_781] : memref<2x2x200x128xf32, #tpu.memory_space<vmem>> -> memref<1x1x128x128xf32, #tpu.memory_space<vmem>>
      %dma_start3A_783 = tpu.memref_squeeze %dma_start3A_782 : memref<1x1x128x128xf32, #tpu.memory_space<vmem>> -> memref<128x128xf32, #tpu.memory_space<vmem>>
      %dma_start3A_784 = arith.constant 0 : i32
      %dma_start3A_785 = tpu.memref_slice %arg6[%dma_start3A_776, %dma_start3A_777, %dma_start3A_784] : memref<2x16x200xi32, #tpu.memory_space<vmem>> -> memref<1x1x128xi32, #tpu.memory_space<vmem>>
      %dma_start3A_786 = tpu.memref_squeeze %dma_start3A_785 : memref<1x1x128xi32, #tpu.memory_space<vmem>> -> memref<128xi32, #tpu.memory_space<vmem>>
      %dma_start3A_787 = arith.constant 0 : i32
      %dma_start3A_788 = arith.constant 0 : i32
      %dma_start3A_789 = tpu.memref_slice %arg5[%dma_start3A_787, %dma_start3A_788] : memref<1000x128xf32, #tpu.memory_space<vmem_shared>> -> memref<1000x128xf32, #tpu.memory_space<vmem_shared>>
      tpu.enqueue_indirect_dma source(%dma_start3A_789 : memref<1000x128xf32, #tpu.memory_space<vmem_shared>>) target(%dma_start3A_783 : memref<128x128xf32, #tpu.memory_space<vmem>>) offsets(%dma_start3A_786 : memref<128xi32, #tpu.memory_space<vmem>>) semaphore(%arg10 : memref<!tpu.dma_semaphore, #tpu.memory_space<semaphore_mem>>)
      %dma_start3A_790 = arith.constant 0 : i32
      %dma_start3A_791 = arith.constant 10 : i32
      %dma_start3A_792 = arith.constant 1 : i32
      %dma_start3A_793 = arith.constant 0 : i32
      %dma_start3A_794 = arith.constant 128 : i32
      %dma_start3A_795 = arith.constant 0 : i32
      %dma_start3A_796 = tpu.memref_slice %arg7[%dma_start3A_792, %dma_start3A_793, %dma_start3A_794, %dma_start3A_795] : memref<2x2x200x128xf32, #tpu.memory_space<vmem>> -> memref<1x1x72x128xf32, #tpu.memory_space<vmem>>
      %dma_start3A_797 = tpu.memref_squeeze %dma_start3A_796 : memref<1x1x72x128xf32, #tpu.memory_space<vmem>> -> memref<72x128xf32, #tpu.memory_space<vmem>>
      %dma_start3A_798 = arith.constant 128 : i32
      %dma_start3A_799 = tpu.memref_slice %arg6[%dma_start3A_790, %dma_start3A_791, %dma_start3A_798] : memref<2x16x200xi32, #tpu.memory_space<vmem>> -> memref<1x1x72xi32, #tpu.memory_space<vmem>>
      %dma_start3A_800 = tpu.memref_squeeze %dma_start3A_799 : memref<1x1x72xi32, #tpu.memory_space<vmem>> -> memref<72xi32, #tpu.memory_space<vmem>>
      %dma_start3A_801 = arith.constant 0 : i32
      %dma_start3A_802 = arith.constant 0 : i32
      %dma_start3A_803 = tpu.memref_slice %arg5[%dma_start3A_801, %dma_start3A_802] : memref<1000x128xf32, #tpu.memory_space<vmem_shared>> -> memref<1000x128xf32, #tpu.memory_space<vmem_shared>>
      tpu.enqueue_indirect_dma source(%dma_start3A_803 : memref<1000x128xf32, #tpu.memory_space<vmem_shared>>) target(%dma_start3A_797 : memref<72x128xf32, #tpu.memory_space<vmem>>) offsets(%dma_start3A_800 : memref<72xi32, #tpu.memory_space<vmem>>) semaphore(%arg10 : memref<!tpu.dma_semaphore, #tpu.memory_space<semaphore_mem>>)
      %dma_start3A_804 = arith.constant 0 : i32
      %dma_start3A_805 = arith.constant 11 : i32
      %dma_start3A_806 = arith.constant 1 : i32
      %dma_start3A_807 = arith.constant 1 : i32
      %dma_start3A_808 = arith.constant 0 : i32
      %dma_start3A_809 = arith.constant 0 : i32
      %dma_start3A_810 = tpu.memref_slice %arg7[%dma_start3A_806, %dma_start3A_807, %dma_start3A_808, %dma_start3A_809] : memref<2x2x200x128xf32, #tpu.memory_space<vmem>> -> memref<1x1x128x128xf32, #tpu.memory_space<vmem>>
      %dma_start3A_811 = tpu.memref_squeeze %dma_start3A_810 : memref<1x1x128x128xf32, #tpu.memory_space<vmem>> -> memref<128x128xf32, #tpu.memory_space<vmem>>
      %dma_start3A_812 = arith.constant 0 : i32
      %dma_start3A_813 = tpu.memref_slice %arg6[%dma_start3A_804, %dma_start3A_805, %dma_start3A_812] : memref<2x16x200xi32, #tpu.memory_space<vmem>> -> memref<1x1x128xi32, #tpu.memory_space<vmem>>
      %dma_start3A_814 = tpu.memref_squeeze %dma_start3A_813 : memref<1x1x128xi32, #tpu.memory_space<vmem>> -> memref<128xi32, #tpu.memory_space<vmem>>
      %dma_start3A_815 = arith.constant 0 : i32
      %dma_start3A_816 = arith.constant 0 : i32
      %dma_start3A_817 = tpu.memref_slice %arg5[%dma_start3A_815, %dma_start3A_816] : memref<1000x128xf32, #tpu.memory_space<vmem_shared>> -> memref<1000x128xf32, #tpu.memory_space<vmem_shared>>
      tpu.enqueue_indirect_dma source(%dma_start3A_817 : memref<1000x128xf32, #tpu.memory_space<vmem_shared>>) target(%dma_start3A_811 : memref<128x128xf32, #tpu.memory_space<vmem>>) offsets(%dma_start3A_814 : memref<128xi32, #tpu.memory_space<vmem>>) semaphore(%arg10 : memref<!tpu.dma_semaphore, #tpu.memory_space<semaphore_mem>>)
      %dma_start3A_818 = arith.constant 0 : i32
      %dma_start3A_819 = arith.constant 11 : i32
      %dma_start3A_820 = arith.constant 1 : i32
      %dma_start3A_821 = arith.constant 1 : i32
      %dma_start3A_822 = arith.constant 128 : i32
      %dma_start3A_823 = arith.constant 0 : i32
      %dma_start3A_824 = tpu.memref_slice %arg7[%dma_start3A_820, %dma_start3A_821, %dma_start3A_822, %dma_start3A_823] : memref<2x2x200x128xf32, #tpu.memory_space<vmem>> -> memref<1x1x72x128xf32, #tpu.memory_space<vmem>>
      %dma_start3A_825 = tpu.memref_squeeze %dma_start3A_824 : memref<1x1x72x128xf32, #tpu.memory_space<vmem>> -> memref<72x128xf32, #tpu.memory_space<vmem>>
      %dma_start3A_826 = arith.constant 128 : i32
      %dma_start3A_827 = tpu.memref_slice %arg6[%dma_start3A_818, %dma_start3A_819, %dma_start3A_826] : memref<2x16x200xi32, #tpu.memory_space<vmem>> -> memref<1x1x72xi32, #tpu.memory_space<vmem>>
      %dma_start3A_828 = tpu.memref_squeeze %dma_start3A_827 : memref<1x1x72xi32, #tpu.memory_space<vmem>> -> memref<72xi32, #tpu.memory_space<vmem>>
      %dma_start3A_829 = arith.constant 0 : i32
      %dma_start3A_830 = arith.constant 0 : i32
      %dma_start3A_831 = tpu.memref_slice %arg5[%dma_start3A_829, %dma_start3A_830] : memref<1000x128xf32, #tpu.memory_space<vmem_shared>> -> memref<1000x128xf32, #tpu.memory_space<vmem_shared>>
      tpu.enqueue_indirect_dma source(%dma_start3A_831 : memref<1000x128xf32, #tpu.memory_space<vmem_shared>>) target(%dma_start3A_825 : memref<72x128xf32, #tpu.memory_space<vmem>>) offsets(%dma_start3A_828 : memref<72xi32, #tpu.memory_space<vmem>>) semaphore(%arg10 : memref<!tpu.dma_semaphore, #tpu.memory_space<semaphore_mem>>)
      %dma_wait3A_832 = arith.constant 0 : i32
      %dma_wait3A_833 = arith.constant 10 : i32
      %dma_wait3A_834 = arith.constant 1 : i32
      %dma_wait3A_835 = arith.constant 0 : i32
      %dma_wait3A_836 = arith.constant 0 : i32
      %dma_wait3A_837 = arith.constant 0 : i32
      %dma_wait3A_838 = tpu.memref_slice %arg7[%dma_wait3A_834, %dma_wait3A_835, %dma_wait3A_836, %dma_wait3A_837] : memref<2x2x200x128xf32, #tpu.memory_space<vmem>> -> memref<1x1x128x128xf32, #tpu.memory_space<vmem>>
      %dma_wait3A_839 = tpu.memref_squeeze %dma_wait3A_838 : memref<1x1x128x128xf32, #tpu.memory_space<vmem>> -> memref<128x128xf32, #tpu.memory_space<vmem>>
      %dma_wait3A_840 = arith.constant 0 : i32
      %dma_wait3A_841 = tpu.memref_slice %arg6[%dma_wait3A_832, %dma_wait3A_833, %dma_wait3A_840] : memref<2x16x200xi32, #tpu.memory_space<vmem>> -> memref<1x1x128xi32, #tpu.memory_space<vmem>>
      %dma_wait3A_842 = tpu.memref_squeeze %dma_wait3A_841 : memref<1x1x128xi32, #tpu.memory_space<vmem>> -> memref<128xi32, #tpu.memory_space<vmem>>
      %dma_wait3A_843 = arith.constant 0 : i32
      %dma_wait3A_844 = arith.constant 0 : i32
      %dma_wait3A_845 = tpu.memref_slice %arg5[%dma_wait3A_843, %dma_wait3A_844] : memref<1000x128xf32, #tpu.memory_space<vmem_shared>> -> memref<1000x128xf32, #tpu.memory_space<vmem_shared>>
      tpu.wait_indirect_dma semaphore(%arg10 : memref<!tpu.dma_semaphore, #tpu.memory_space<semaphore_mem>>) src(%dma_wait3A_845 : memref<1000x128xf32, #tpu.memory_space<vmem_shared>>) dst(%dma_wait3A_839 : memref<128x128xf32, #tpu.memory_space<vmem>>)
      %dma_wait3A_846 = arith.constant 0 : i32
      %dma_wait3A_847 = arith.constant 10 : i32
      %dma_wait3A_848 = arith.constant 1 : i32
      %dma_wait3A_849 = arith.constant 0 : i32
      %dma_wait3A_850 = arith.constant 128 : i32
      %dma_wait3A_851 = arith.constant 0 : i32
      %dma_wait3A_852 = tpu.memref_slice %arg7[%dma_wait3A_848, %dma_wait3A_849, %dma_wait3A_850, %dma_wait3A_851] : memref<2x2x200x128xf32, #tpu.memory_space<vmem>> -> memref<1x1x72x128xf32, #tpu.memory_space<vmem>>
      %dma_wait3A_853 = tpu.memref_squeeze %dma_wait3A_852 : memref<1x1x72x128xf32, #tpu.memory_space<vmem>> -> memref<72x128xf32, #tpu.memory_space<vmem>>
      %dma_wait3A_854 = arith.constant 128 : i32
      %dma_wait3A_855 = tpu.memref_slice %arg6[%dma_wait3A_846, %dma_wait3A_847, %dma_wait3A_854] : memref<2x16x200xi32, #tpu.memory_space<vmem>> -> memref<1x1x72xi32, #tpu.memory_space<vmem>>
      %dma_wait3A_856 = tpu.memref_squeeze %dma_wait3A_855 : memref<1x1x72xi32, #tpu.memory_space<vmem>> -> memref<72xi32, #tpu.memory_space<vmem>>
      %dma_wait3A_857 = arith.constant 0 : i32
      %dma_wait3A_858 = arith.constant 0 : i32
      %dma_wait3A_859 = tpu.memref_slice %arg5[%dma_wait3A_857, %dma_wait3A_858] : memref<1000x128xf32, #tpu.memory_space<vmem_shared>> -> memref<1000x128xf32, #tpu.memory_space<vmem_shared>>
      tpu.wait_indirect_dma semaphore(%arg10 : memref<!tpu.dma_semaphore, #tpu.memory_space<semaphore_mem>>) src(%dma_wait3A_859 : memref<1000x128xf32, #tpu.memory_space<vmem_shared>>) dst(%dma_wait3A_853 : memref<72x128xf32, #tpu.memory_space<vmem>>)
      %dma_wait3A_860 = arith.constant 0 : i32
      %dma_wait3A_861 = arith.constant 11 : i32
      %dma_wait3A_862 = arith.constant 1 : i32
      %dma_wait3A_863 = arith.constant 1 : i32
      %dma_wait3A_864 = arith.constant 0 : i32
      %dma_wait3A_865 = arith.constant 0 : i32
      %dma_wait3A_866 = tpu.memref_slice %arg7[%dma_wait3A_862, %dma_wait3A_863, %dma_wait3A_864, %dma_wait3A_865] : memref<2x2x200x128xf32, #tpu.memory_space<vmem>> -> memref<1x1x128x128xf32, #tpu.memory_space<vmem>>
      %dma_wait3A_867 = tpu.memref_squeeze %dma_wait3A_866 : memref<1x1x128x128xf32, #tpu.memory_space<vmem>> -> memref<128x128xf32, #tpu.memory_space<vmem>>
      %dma_wait3A_868 = arith.constant 0 : i32
      %dma_wait3A_869 = tpu.memref_slice %arg6[%dma_wait3A_860, %dma_wait3A_861, %dma_wait3A_868] : memref<2x16x200xi32, #tpu.memory_space<vmem>> -> memref<1x1x128xi32, #tpu.memory_space<vmem>>
      %dma_wait3A_870 = tpu.memref_squeeze %dma_wait3A_869 : memref<1x1x128xi32, #tpu.memory_space<vmem>> -> memref<128xi32, #tpu.memory_space<vmem>>
      %dma_wait3A_871 = arith.constant 0 : i32
      %dma_wait3A_872 = arith.constant 0 : i32
      %dma_wait3A_873 = tpu.memref_slice %arg5[%dma_wait3A_871, %dma_wait3A_872] : memref<1000x128xf32, #tpu.memory_space<vmem_shared>> -> memref<1000x128xf32, #tpu.memory_space<vmem_shared>>
      tpu.wait_indirect_dma semaphore(%arg10 : memref<!tpu.dma_semaphore, #tpu.memory_space<semaphore_mem>>) src(%dma_wait3A_873 : memref<1000x128xf32, #tpu.memory_space<vmem_shared>>) dst(%dma_wait3A_867 : memref<128x128xf32, #tpu.memory_space<vmem>>)
      %dma_wait3A_874 = arith.constant 0 : i32
      %dma_wait3A_875 = arith.constant 11 : i32
      %dma_wait3A_876 = arith.constant 1 : i32
      %dma_wait3A_877 = arith.constant 1 : i32
      %dma_wait3A_878 = arith.constant 128 : i32
      %dma_wait3A_879 = arith.constant 0 : i32
      %dma_wait3A_880 = tpu.memref_slice %arg7[%dma_wait3A_876, %dma_wait3A_877, %dma_wait3A_878, %dma_wait3A_879] : memref<2x2x200x128xf32, #tpu.memory_space<vmem>> -> memref<1x1x72x128xf32, #tpu.memory_space<vmem>>
      %dma_wait3A_881 = tpu.memref_squeeze %dma_wait3A_880 : memref<1x1x72x128xf32, #tpu.memory_space<vmem>> -> memref<72x128xf32, #tpu.memory_space<vmem>>
      %dma_wait3A_882 = arith.constant 128 : i32
      %dma_wait3A_883 = tpu.memref_slice %arg6[%dma_wait3A_874, %dma_wait3A_875, %dma_wait3A_882] : memref<2x16x200xi32, #tpu.memory_space<vmem>> -> memref<1x1x72xi32, #tpu.memory_space<vmem>>
      %dma_wait3A_884 = tpu.memref_squeeze %dma_wait3A_883 : memref<1x1x72xi32, #tpu.memory_space<vmem>> -> memref<72xi32, #tpu.memory_space<vmem>>
      %dma_wait3A_885 = arith.constant 0 : i32
      %dma_wait3A_886 = arith.constant 0 : i32
      %dma_wait3A_887 = tpu.memref_slice %arg5[%dma_wait3A_885, %dma_wait3A_886] : memref<1000x128xf32, #tpu.memory_space<vmem_shared>> -> memref<1000x128xf32, #tpu.memory_space<vmem_shared>>
      tpu.wait_indirect_dma semaphore(%arg10 : memref<!tpu.dma_semaphore, #tpu.memory_space<semaphore_mem>>) src(%dma_wait3A_887 : memref<1000x128xf32, #tpu.memory_space<vmem_shared>>) dst(%dma_wait3A_881 : memref<72x128xf32, #tpu.memory_space<vmem>>)
      %mul3A_888 = arith.constant 16 : i32
      %mul3A_889 = arith.muli %mul3A_55, %mul3A_888 : i32
      %add3A_890 = arith.addi %mul3A_2, %mul3A_889 : i32
      %add3A_891 = arith.constant 10 : i32
      %add3A_892 = arith.addi %add3A_890, %add3A_891 : i32
      %multiple_of3A_893 = tpu.assume_multiple %add3A_892, 2 : i32
      %dma_start3A_894 = arith.constant 1 : i32
      %dma_start3A_895 = arith.constant 0 : i32
      %dma_start3A_896 = arith.constant 0 : i32
      %dma_start3A_897 = arith.constant 0 : i32
      %dma_start3A_898 = tpu.memref_slice %arg7[%dma_start3A_894, %dma_start3A_895, %dma_start3A_896, %dma_start3A_897] : memref<2x2x200x128xf32, #tpu.memory_space<vmem>> -> memref<1x2x200x128xf32, #tpu.memory_space<vmem>>
      %dma_start3A_899 = tpu.memref_squeeze %dma_start3A_898 : memref<1x2x200x128xf32, #tpu.memory_space<vmem>> -> memref<2x200x128xf32, #tpu.memory_space<vmem>>
      %dma_start3A_900 = arith.constant 0 : i32
      %dma_start3A_901 = arith.constant 0 : i32
      %dma_start3A_902 = tpu.memref_slice %arg4[%multiple_of3A_893, %dma_start3A_900, %dma_start3A_901] : memref<16384x200x128xf32, #tpu.memory_space<hbm>> -> memref<2x200x128xf32, #tpu.memory_space<hbm>>
      %dma_start3A_903 = arith.constant 0 : i32
      %dma_start3A_904 = arith.constant 0 : i32
      %dma_start3A_905 = tpu.memref_slice %arg4[%multiple_of3A_893, %dma_start3A_903, %dma_start3A_904] : memref<16384x200x128xf32, #tpu.memory_space<hbm>> -> memref<2x200x128xf32, #tpu.memory_space<hbm>>
      %dma_start3A_906 = arith.constant 0 : i32
      %dma_start3A_907 = arith.constant 0 : i32
      %dma_start3A_908 = arith.constant 0 : i32
      %dma_start3A_909 = tpu.memref_slice %arg7[%dma_start3A_894, %dma_start3A_906, %dma_start3A_907, %dma_start3A_908] : memref<2x2x200x128xf32, #tpu.memory_space<vmem>> -> memref<1x2x200x128xf32, #tpu.memory_space<vmem>>
      %dma_start3A_910 = tpu.memref_squeeze %dma_start3A_909 : memref<1x2x200x128xf32, #tpu.memory_space<vmem>> -> memref<2x200x128xf32, #tpu.memory_space<vmem>>
      tpu.enqueue_dma source(%dma_start3A_910 : memref<2x200x128xf32, #tpu.memory_space<vmem>>) target(%dma_start3A_905 : memref<2x200x128xf32, #tpu.memory_space<hbm>>) target_semaphore(%arg12 : memref<!tpu.dma_semaphore, #tpu.memory_space<semaphore_mem>>)
      %gt3A_911 = arith.constant 0 : i32
      %gt3A_912 = arith.cmpi sgt, %mul3A_55, %gt3A_911 : i32
      %or3A_913 = arith.constant true
      %or3A_914 = arith.ori %gt3A_912, %or3A_913 : i1
      %convert_element_type3A_915 = arith.extui %or3A_914 : i1 to i32
      %cond3A_916 = arith.constant 0 : i32
      %cond3A_917 = arith.cmpi ne, %convert_element_type3A_915, %cond3A_916 : i32
      scf.if %cond3A_917 {
        %mul3A_2356 = arith.constant 16 : i32
        %mul3A_2357 = arith.muli %mul3A_55, %mul3A_2356 : i32
        %add3A_2358 = arith.addi %mul3A_2, %mul3A_2357 : i32
        %add3A_2359 = arith.constant 8 : i32
        %add3A_2360 = arith.addi %add3A_2358, %add3A_2359 : i32
        %multiple_of3A_2361 = tpu.assume_multiple %add3A_2360, 2 : i32
        %dma_wait3A_2362 = arith.constant 0 : i32
        %dma_wait3A_2363 = arith.constant 0 : i32
        %dma_wait3A_2364 = arith.constant 0 : i32
        %dma_wait3A_2365 = arith.constant 0 : i32
        %dma_wait3A_2366 = tpu.memref_slice %arg7[%dma_wait3A_2362, %dma_wait3A_2363, %dma_wait3A_2364, %dma_wait3A_2365] : memref<2x2x200x128xf32, #tpu.memory_space<vmem>> -> memref<1x2x200x128xf32, #tpu.memory_space<vmem>>
        %dma_wait3A_2367 = tpu.memref_squeeze %dma_wait3A_2366 : memref<1x2x200x128xf32, #tpu.memory_space<vmem>> -> memref<2x200x128xf32, #tpu.memory_space<vmem>>
        %dma_wait3A_2368 = arith.constant 0 : i32
        %dma_wait3A_2369 = arith.constant 0 : i32
        %dma_wait3A_2370 = tpu.memref_slice %arg4[%multiple_of3A_2361, %dma_wait3A_2368, %dma_wait3A_2369] : memref<16384x200x128xf32, #tpu.memory_space<hbm>> -> memref<2x200x128xf32, #tpu.memory_space<hbm>>
        %dma_wait3A_2371 = arith.constant 0 : i32
        %dma_wait3A_2372 = arith.constant 0 : i32
        %dma_wait3A_2373 = tpu.memref_slice %arg4[%multiple_of3A_2361, %dma_wait3A_2371, %dma_wait3A_2372] : memref<16384x200x128xf32, #tpu.memory_space<hbm>> -> memref<2x200x128xf32, #tpu.memory_space<hbm>>
        %dma_wait3A_2374 = arith.constant 0 : i32
        %dma_wait3A_2375 = arith.constant 0 : i32
        %dma_wait3A_2376 = arith.constant 0 : i32
        %dma_wait3A_2377 = tpu.memref_slice %arg7[%dma_wait3A_2362, %dma_wait3A_2374, %dma_wait3A_2375, %dma_wait3A_2376] : memref<2x2x200x128xf32, #tpu.memory_space<vmem>> -> memref<1x2x200x128xf32, #tpu.memory_space<vmem>>
        %dma_wait3A_2378 = tpu.memref_squeeze %dma_wait3A_2377 : memref<1x2x200x128xf32, #tpu.memory_space<vmem>> -> memref<2x200x128xf32, #tpu.memory_space<vmem>>
        tpu.wait_dma2 semaphore(%arg11 : memref<!tpu.dma_semaphore, #tpu.memory_space<semaphore_mem>>) src(%dma_wait3A_2378 : memref<2x200x128xf32, #tpu.memory_space<vmem>>) dst(%dma_wait3A_2373 : memref<2x200x128xf32, #tpu.memory_space<hbm>>)
      } else {
      }
      %dma_start3A_918 = arith.constant 0 : i32
      %dma_start3A_919 = arith.constant 12 : i32
      %dma_start3A_920 = arith.constant 0 : i32
      %dma_start3A_921 = arith.constant 0 : i32
      %dma_start3A_922 = arith.constant 0 : i32
      %dma_start3A_923 = arith.constant 0 : i32
      %dma_start3A_924 = tpu.memref_slice %arg7[%dma_start3A_920, %dma_start3A_921, %dma_start3A_922, %dma_start3A_923] : memref<2x2x200x128xf32, #tpu.memory_space<vmem>> -> memref<1x1x128x128xf32, #tpu.memory_space<vmem>>
      %dma_start3A_925 = tpu.memref_squeeze %dma_start3A_924 : memref<1x1x128x128xf32, #tpu.memory_space<vmem>> -> memref<128x128xf32, #tpu.memory_space<vmem>>
      %dma_start3A_926 = arith.constant 0 : i32
      %dma_start3A_927 = tpu.memref_slice %arg6[%dma_start3A_918, %dma_start3A_919, %dma_start3A_926] : memref<2x16x200xi32, #tpu.memory_space<vmem>> -> memref<1x1x128xi32, #tpu.memory_space<vmem>>
      %dma_start3A_928 = tpu.memref_squeeze %dma_start3A_927 : memref<1x1x128xi32, #tpu.memory_space<vmem>> -> memref<128xi32, #tpu.memory_space<vmem>>
      %dma_start3A_929 = arith.constant 0 : i32
      %dma_start3A_930 = arith.constant 0 : i32
      %dma_start3A_931 = tpu.memref_slice %arg5[%dma_start3A_929, %dma_start3A_930] : memref<1000x128xf32, #tpu.memory_space<vmem_shared>> -> memref<1000x128xf32, #tpu.memory_space<vmem_shared>>
      tpu.enqueue_indirect_dma source(%dma_start3A_931 : memref<1000x128xf32, #tpu.memory_space<vmem_shared>>) target(%dma_start3A_925 : memref<128x128xf32, #tpu.memory_space<vmem>>) offsets(%dma_start3A_928 : memref<128xi32, #tpu.memory_space<vmem>>) semaphore(%arg9 : memref<!tpu.dma_semaphore, #tpu.memory_space<semaphore_mem>>)
      %dma_start3A_932 = arith.constant 0 : i32
      %dma_start3A_933 = arith.constant 12 : i32
      %dma_start3A_934 = arith.constant 0 : i32
      %dma_start3A_935 = arith.constant 0 : i32
      %dma_start3A_936 = arith.constant 128 : i32
      %dma_start3A_937 = arith.constant 0 : i32
      %dma_start3A_938 = tpu.memref_slice %arg7[%dma_start3A_934, %dma_start3A_935, %dma_start3A_936, %dma_start3A_937] : memref<2x2x200x128xf32, #tpu.memory_space<vmem>> -> memref<1x1x72x128xf32, #tpu.memory_space<vmem>>
      %dma_start3A_939 = tpu.memref_squeeze %dma_start3A_938 : memref<1x1x72x128xf32, #tpu.memory_space<vmem>> -> memref<72x128xf32, #tpu.memory_space<vmem>>
      %dma_start3A_940 = arith.constant 128 : i32
      %dma_start3A_941 = tpu.memref_slice %arg6[%dma_start3A_932, %dma_start3A_933, %dma_start3A_940] : memref<2x16x200xi32, #tpu.memory_space<vmem>> -> memref<1x1x72xi32, #tpu.memory_space<vmem>>
      %dma_start3A_942 = tpu.memref_squeeze %dma_start3A_941 : memref<1x1x72xi32, #tpu.memory_space<vmem>> -> memref<72xi32, #tpu.memory_space<vmem>>
      %dma_start3A_943 = arith.constant 0 : i32
      %dma_start3A_944 = arith.constant 0 : i32
      %dma_start3A_945 = tpu.memref_slice %arg5[%dma_start3A_943, %dma_start3A_944] : memref<1000x128xf32, #tpu.memory_space<vmem_shared>> -> memref<1000x128xf32, #tpu.memory_space<vmem_shared>>
      tpu.enqueue_indirect_dma source(%dma_start3A_945 : memref<1000x128xf32, #tpu.memory_space<vmem_shared>>) target(%dma_start3A_939 : memref<72x128xf32, #tpu.memory_space<vmem>>) offsets(%dma_start3A_942 : memref<72xi32, #tpu.memory_space<vmem>>) semaphore(%arg9 : memref<!tpu.dma_semaphore, #tpu.memory_space<semaphore_mem>>)
      %dma_start3A_946 = arith.constant 0 : i32
      %dma_start3A_947 = arith.constant 13 : i32
      %dma_start3A_948 = arith.constant 0 : i32
      %dma_start3A_949 = arith.constant 1 : i32
      %dma_start3A_950 = arith.constant 0 : i32
      %dma_start3A_951 = arith.constant 0 : i32
      %dma_start3A_952 = tpu.memref_slice %arg7[%dma_start3A_948, %dma_start3A_949, %dma_start3A_950, %dma_start3A_951] : memref<2x2x200x128xf32, #tpu.memory_space<vmem>> -> memref<1x1x128x128xf32, #tpu.memory_space<vmem>>
      %dma_start3A_953 = tpu.memref_squeeze %dma_start3A_952 : memref<1x1x128x128xf32, #tpu.memory_space<vmem>> -> memref<128x128xf32, #tpu.memory_space<vmem>>
      %dma_start3A_954 = arith.constant 0 : i32
      %dma_start3A_955 = tpu.memref_slice %arg6[%dma_start3A_946, %dma_start3A_947, %dma_start3A_954] : memref<2x16x200xi32, #tpu.memory_space<vmem>> -> memref<1x1x128xi32, #tpu.memory_space<vmem>>
      %dma_start3A_956 = tpu.memref_squeeze %dma_start3A_955 : memref<1x1x128xi32, #tpu.memory_space<vmem>> -> memref<128xi32, #tpu.memory_space<vmem>>
      %dma_start3A_957 = arith.constant 0 : i32
      %dma_start3A_958 = arith.constant 0 : i32
      %dma_start3A_959 = tpu.memref_slice %arg5[%dma_start3A_957, %dma_start3A_958] : memref<1000x128xf32, #tpu.memory_space<vmem_shared>> -> memref<1000x128xf32, #tpu.memory_space<vmem_shared>>
      tpu.enqueue_indirect_dma source(%dma_start3A_959 : memref<1000x128xf32, #tpu.memory_space<vmem_shared>>) target(%dma_start3A_953 : memref<128x128xf32, #tpu.memory_space<vmem>>) offsets(%dma_start3A_956 : memref<128xi32, #tpu.memory_space<vmem>>) semaphore(%arg9 : memref<!tpu.dma_semaphore, #tpu.memory_space<semaphore_mem>>)
      %dma_start3A_960 = arith.constant 0 : i32
      %dma_start3A_961 = arith.constant 13 : i32
      %dma_start3A_962 = arith.constant 0 : i32
      %dma_start3A_963 = arith.constant 1 : i32
      %dma_start3A_964 = arith.constant 128 : i32
      %dma_start3A_965 = arith.constant 0 : i32
      %dma_start3A_966 = tpu.memref_slice %arg7[%dma_start3A_962, %dma_start3A_963, %dma_start3A_964, %dma_start3A_965] : memref<2x2x200x128xf32, #tpu.memory_space<vmem>> -> memref<1x1x72x128xf32, #tpu.memory_space<vmem>>
      %dma_start3A_967 = tpu.memref_squeeze %dma_start3A_966 : memref<1x1x72x128xf32, #tpu.memory_space<vmem>> -> memref<72x128xf32, #tpu.memory_space<vmem>>
      %dma_start3A_968 = arith.constant 128 : i32
      %dma_start3A_969 = tpu.memref_slice %arg6[%dma_start3A_960, %dma_start3A_961, %dma_start3A_968] : memref<2x16x200xi32, #tpu.memory_space<vmem>> -> memref<1x1x72xi32, #tpu.memory_space<vmem>>
      %dma_start3A_970 = tpu.memref_squeeze %dma_start3A_969 : memref<1x1x72xi32, #tpu.memory_space<vmem>> -> memref<72xi32, #tpu.memory_space<vmem>>
      %dma_start3A_971 = arith.constant 0 : i32
      %dma_start3A_972 = arith.constant 0 : i32
      %dma_start3A_973 = tpu.memref_slice %arg5[%dma_start3A_971, %dma_start3A_972] : memref<1000x128xf32, #tpu.memory_space<vmem_shared>> -> memref<1000x128xf32, #tpu.memory_space<vmem_shared>>
      tpu.enqueue_indirect_dma source(%dma_start3A_973 : memref<1000x128xf32, #tpu.memory_space<vmem_shared>>) target(%dma_start3A_967 : memref<72x128xf32, #tpu.memory_space<vmem>>) offsets(%dma_start3A_970 : memref<72xi32, #tpu.memory_space<vmem>>) semaphore(%arg9 : memref<!tpu.dma_semaphore, #tpu.memory_space<semaphore_mem>>)
      %dma_wait3A_974 = arith.constant 0 : i32
      %dma_wait3A_975 = arith.constant 12 : i32
      %dma_wait3A_976 = arith.constant 0 : i32
      %dma_wait3A_977 = arith.constant 0 : i32
      %dma_wait3A_978 = arith.constant 0 : i32
      %dma_wait3A_979 = arith.constant 0 : i32
      %dma_wait3A_980 = tpu.memref_slice %arg7[%dma_wait3A_976, %dma_wait3A_977, %dma_wait3A_978, %dma_wait3A_979] : memref<2x2x200x128xf32, #tpu.memory_space<vmem>> -> memref<1x1x128x128xf32, #tpu.memory_space<vmem>>
      %dma_wait3A_981 = tpu.memref_squeeze %dma_wait3A_980 : memref<1x1x128x128xf32, #tpu.memory_space<vmem>> -> memref<128x128xf32, #tpu.memory_space<vmem>>
      %dma_wait3A_982 = arith.constant 0 : i32
      %dma_wait3A_983 = tpu.memref_slice %arg6[%dma_wait3A_974, %dma_wait3A_975, %dma_wait3A_982] : memref<2x16x200xi32, #tpu.memory_space<vmem>> -> memref<1x1x128xi32, #tpu.memory_space<vmem>>
      %dma_wait3A_984 = tpu.memref_squeeze %dma_wait3A_983 : memref<1x1x128xi32, #tpu.memory_space<vmem>> -> memref<128xi32, #tpu.memory_space<vmem>>
      %dma_wait3A_985 = arith.constant 0 : i32
      %dma_wait3A_986 = arith.constant 0 : i32
      %dma_wait3A_987 = tpu.memref_slice %arg5[%dma_wait3A_985, %dma_wait3A_986] : memref<1000x128xf32, #tpu.memory_space<vmem_shared>> -> memref<1000x128xf32, #tpu.memory_space<vmem_shared>>
      tpu.wait_indirect_dma semaphore(%arg9 : memref<!tpu.dma_semaphore, #tpu.memory_space<semaphore_mem>>) src(%dma_wait3A_987 : memref<1000x128xf32, #tpu.memory_space<vmem_shared>>) dst(%dma_wait3A_981 : memref<128x128xf32, #tpu.memory_space<vmem>>)
      %dma_wait3A_988 = arith.constant 0 : i32
      %dma_wait3A_989 = arith.constant 12 : i32
      %dma_wait3A_990 = arith.constant 0 : i32
      %dma_wait3A_991 = arith.constant 0 : i32
      %dma_wait3A_992 = arith.constant 128 : i32
      %dma_wait3A_993 = arith.constant 0 : i32
      %dma_wait3A_994 = tpu.memref_slice %arg7[%dma_wait3A_990, %dma_wait3A_991, %dma_wait3A_992, %dma_wait3A_993] : memref<2x2x200x128xf32, #tpu.memory_space<vmem>> -> memref<1x1x72x128xf32, #tpu.memory_space<vmem>>
      %dma_wait3A_995 = tpu.memref_squeeze %dma_wait3A_994 : memref<1x1x72x128xf32, #tpu.memory_space<vmem>> -> memref<72x128xf32, #tpu.memory_space<vmem>>
      %dma_wait3A_996 = arith.constant 128 : i32
      %dma_wait3A_997 = tpu.memref_slice %arg6[%dma_wait3A_988, %dma_wait3A_989, %dma_wait3A_996] : memref<2x16x200xi32, #tpu.memory_space<vmem>> -> memref<1x1x72xi32, #tpu.memory_space<vmem>>
      %dma_wait3A_998 = tpu.memref_squeeze %dma_wait3A_997 : memref<1x1x72xi32, #tpu.memory_space<vmem>> -> memref<72xi32, #tpu.memory_space<vmem>>
      %dma_wait3A_999 = arith.constant 0 : i32
      %dma_wait3A_1000 = arith.constant 0 : i32
      %dma_wait3A_1001 = tpu.memref_slice %arg5[%dma_wait3A_999, %dma_wait3A_1000] : memref<1000x128xf32, #tpu.memory_space<vmem_shared>> -> memref<1000x128xf32, #tpu.memory_space<vmem_shared>>
      tpu.wait_indirect_dma semaphore(%arg9 : memref<!tpu.dma_semaphore, #tpu.memory_space<semaphore_mem>>) src(%dma_wait3A_1001 : memref<1000x128xf32, #tpu.memory_space<vmem_shared>>) dst(%dma_wait3A_995 : memref<72x128xf32, #tpu.memory_space<vmem>>)
      %dma_wait3A_1002 = arith.constant 0 : i32
      %dma_wait3A_1003 = arith.constant 13 : i32
      %dma_wait3A_1004 = arith.constant 0 : i32
      %dma_wait3A_1005 = arith.constant 1 : i32
      %dma_wait3A_1006 = arith.constant 0 : i32
      %dma_wait3A_1007 = arith.constant 0 : i32
      %dma_wait3A_1008 = tpu.memref_slice %arg7[%dma_wait3A_1004, %dma_wait3A_1005, %dma_wait3A_1006, %dma_wait3A_1007] : memref<2x2x200x128xf32, #tpu.memory_space<vmem>> -> memref<1x1x128x128xf32, #tpu.memory_space<vmem>>
      %dma_wait3A_1009 = tpu.memref_squeeze %dma_wait3A_1008 : memref<1x1x128x128xf32, #tpu.memory_space<vmem>> -> memref<128x128xf32, #tpu.memory_space<vmem>>
      %dma_wait3A_1010 = arith.constant 0 : i32
      %dma_wait3A_1011 = tpu.memref_slice %arg6[%dma_wait3A_1002, %dma_wait3A_1003, %dma_wait3A_1010] : memref<2x16x200xi32, #tpu.memory_space<vmem>> -> memref<1x1x128xi32, #tpu.memory_space<vmem>>
      %dma_wait3A_1012 = tpu.memref_squeeze %dma_wait3A_1011 : memref<1x1x128xi32, #tpu.memory_space<vmem>> -> memref<128xi32, #tpu.memory_space<vmem>>
      %dma_wait3A_1013 = arith.constant 0 : i32
      %dma_wait3A_1014 = arith.constant 0 : i32
      %dma_wait3A_1015 = tpu.memref_slice %arg5[%dma_wait3A_1013, %dma_wait3A_1014] : memref<1000x128xf32, #tpu.memory_space<vmem_shared>> -> memref<1000x128xf32, #tpu.memory_space<vmem_shared>>
      tpu.wait_indirect_dma semaphore(%arg9 : memref<!tpu.dma_semaphore, #tpu.memory_space<semaphore_mem>>) src(%dma_wait3A_1015 : memref<1000x128xf32, #tpu.memory_space<vmem_shared>>) dst(%dma_wait3A_1009 : memref<128x128xf32, #tpu.memory_space<vmem>>)
      %dma_wait3A_1016 = arith.constant 0 : i32
      %dma_wait3A_1017 = arith.constant 13 : i32
      %dma_wait3A_1018 = arith.constant 0 : i32
      %dma_wait3A_1019 = arith.constant 1 : i32
      %dma_wait3A_1020 = arith.constant 128 : i32
      %dma_wait3A_1021 = arith.constant 0 : i32
      %dma_wait3A_1022 = tpu.memref_slice %arg7[%dma_wait3A_1018, %dma_wait3A_1019, %dma_wait3A_1020, %dma_wait3A_1021] : memref<2x2x200x128xf32, #tpu.memory_space<vmem>> -> memref<1x1x72x128xf32, #tpu.memory_space<vmem>>
      %dma_wait3A_1023 = tpu.memref_squeeze %dma_wait3A_1022 : memref<1x1x72x128xf32, #tpu.memory_space<vmem>> -> memref<72x128xf32, #tpu.memory_space<vmem>>
      %dma_wait3A_1024 = arith.constant 128 : i32
      %dma_wait3A_1025 = tpu.memref_slice %arg6[%dma_wait3A_1016, %dma_wait3A_1017, %dma_wait3A_1024] : memref<2x16x200xi32, #tpu.memory_space<vmem>> -> memref<1x1x72xi32, #tpu.memory_space<vmem>>
      %dma_wait3A_1026 = tpu.memref_squeeze %dma_wait3A_1025 : memref<1x1x72xi32, #tpu.memory_space<vmem>> -> memref<72xi32, #tpu.memory_space<vmem>>
      %dma_wait3A_1027 = arith.constant 0 : i32
      %dma_wait3A_1028 = arith.constant 0 : i32
      %dma_wait3A_1029 = tpu.memref_slice %arg5[%dma_wait3A_1027, %dma_wait3A_1028] : memref<1000x128xf32, #tpu.memory_space<vmem_shared>> -> memref<1000x128xf32, #tpu.memory_space<vmem_shared>>
      tpu.wait_indirect_dma semaphore(%arg9 : memref<!tpu.dma_semaphore, #tpu.memory_space<semaphore_mem>>) src(%dma_wait3A_1029 : memref<1000x128xf32, #tpu.memory_space<vmem_shared>>) dst(%dma_wait3A_1023 : memref<72x128xf32, #tpu.memory_space<vmem>>)
      %mul3A_1030 = arith.constant 16 : i32
      %mul3A_1031 = arith.muli %mul3A_55, %mul3A_1030 : i32
      %add3A_1032 = arith.addi %mul3A_2, %mul3A_1031 : i32
      %add3A_1033 = arith.constant 12 : i32
      %add3A_1034 = arith.addi %add3A_1032, %add3A_1033 : i32
      %multiple_of3A_1035 = tpu.assume_multiple %add3A_1034, 2 : i32
      %dma_start3A_1036 = arith.constant 0 : i32
      %dma_start3A_1037 = arith.constant 0 : i32
      %dma_start3A_1038 = arith.constant 0 : i32
      %dma_start3A_1039 = arith.constant 0 : i32
      %dma_start3A_1040 = tpu.memref_slice %arg7[%dma_start3A_1036, %dma_start3A_1037, %dma_start3A_1038, %dma_start3A_1039] : memref<2x2x200x128xf32, #tpu.memory_space<vmem>> -> memref<1x2x200x128xf32, #tpu.memory_space<vmem>>
      %dma_start3A_1041 = tpu.memref_squeeze %dma_start3A_1040 : memref<1x2x200x128xf32, #tpu.memory_space<vmem>> -> memref<2x200x128xf32, #tpu.memory_space<vmem>>
      %dma_start3A_1042 = arith.constant 0 : i32
      %dma_start3A_1043 = arith.constant 0 : i32
      %dma_start3A_1044 = tpu.memref_slice %arg4[%multiple_of3A_1035, %dma_start3A_1042, %dma_start3A_1043] : memref<16384x200x128xf32, #tpu.memory_space<hbm>> -> memref<2x200x128xf32, #tpu.memory_space<hbm>>
      %dma_start3A_1045 = arith.constant 0 : i32
      %dma_start3A_1046 = arith.constant 0 : i32
      %dma_start3A_1047 = tpu.memref_slice %arg4[%multiple_of3A_1035, %dma_start3A_1045, %dma_start3A_1046] : memref<16384x200x128xf32, #tpu.memory_space<hbm>> -> memref<2x200x128xf32, #tpu.memory_space<hbm>>
      %dma_start3A_1048 = arith.constant 0 : i32
      %dma_start3A_1049 = arith.constant 0 : i32
      %dma_start3A_1050 = arith.constant 0 : i32
      %dma_start3A_1051 = tpu.memref_slice %arg7[%dma_start3A_1036, %dma_start3A_1048, %dma_start3A_1049, %dma_start3A_1050] : memref<2x2x200x128xf32, #tpu.memory_space<vmem>> -> memref<1x2x200x128xf32, #tpu.memory_space<vmem>>
      %dma_start3A_1052 = tpu.memref_squeeze %dma_start3A_1051 : memref<1x2x200x128xf32, #tpu.memory_space<vmem>> -> memref<2x200x128xf32, #tpu.memory_space<vmem>>
      tpu.enqueue_dma source(%dma_start3A_1052 : memref<2x200x128xf32, #tpu.memory_space<vmem>>) target(%dma_start3A_1047 : memref<2x200x128xf32, #tpu.memory_space<hbm>>) target_semaphore(%arg11 : memref<!tpu.dma_semaphore, #tpu.memory_space<semaphore_mem>>)
      %gt3A_1053 = arith.constant 0 : i32
      %gt3A_1054 = arith.cmpi sgt, %mul3A_55, %gt3A_1053 : i32
      %or3A_1055 = arith.constant true
      %or3A_1056 = arith.ori %gt3A_1054, %or3A_1055 : i1
      %convert_element_type3A_1057 = arith.extui %or3A_1056 : i1 to i32
      %cond3A_1058 = arith.constant 0 : i32
      %cond3A_1059 = arith.cmpi ne, %convert_element_type3A_1057, %cond3A_1058 : i32
      scf.if %cond3A_1059 {
        %mul3A_2356 = arith.constant 16 : i32
        %mul3A_2357 = arith.muli %mul3A_55, %mul3A_2356 : i32
        %add3A_2358 = arith.addi %mul3A_2, %mul3A_2357 : i32
        %add3A_2359 = arith.constant 10 : i32
        %add3A_2360 = arith.addi %add3A_2358, %add3A_2359 : i32
        %multiple_of3A_2361 = tpu.assume_multiple %add3A_2360, 2 : i32
        %dma_wait3A_2362 = arith.constant 1 : i32
        %dma_wait3A_2363 = arith.constant 0 : i32
        %dma_wait3A_2364 = arith.constant 0 : i32
        %dma_wait3A_2365 = arith.constant 0 : i32
        %dma_wait3A_2366 = tpu.memref_slice %arg7[%dma_wait3A_2362, %dma_wait3A_2363, %dma_wait3A_2364, %dma_wait3A_2365] : memref<2x2x200x128xf32, #tpu.memory_space<vmem>> -> memref<1x2x200x128xf32, #tpu.memory_space<vmem>>
        %dma_wait3A_2367 = tpu.memref_squeeze %dma_wait3A_2366 : memref<1x2x200x128xf32, #tpu.memory_space<vmem>> -> memref<2x200x128xf32, #tpu.memory_space<vmem>>
        %dma_wait3A_2368 = arith.constant 0 : i32
        %dma_wait3A_2369 = arith.constant 0 : i32
        %dma_wait3A_2370 = tpu.memref_slice %arg4[%multiple_of3A_2361, %dma_wait3A_2368, %dma_wait3A_2369] : memref<16384x200x128xf32, #tpu.memory_space<hbm>> -> memref<2x200x128xf32, #tpu.memory_space<hbm>>
        %dma_wait3A_2371 = arith.constant 0 : i32
        %dma_wait3A_2372 = arith.constant 0 : i32
        %dma_wait3A_2373 = tpu.memref_slice %arg4[%multiple_of3A_2361, %dma_wait3A_2371, %dma_wait3A_2372] : memref<16384x200x128xf32, #tpu.memory_space<hbm>> -> memref<2x200x128xf32, #tpu.memory_space<hbm>>
        %dma_wait3A_2374 = arith.constant 0 : i32
        %dma_wait3A_2375 = arith.constant 0 : i32
        %dma_wait3A_2376 = arith.constant 0 : i32
        %dma_wait3A_2377 = tpu.memref_slice %arg7[%dma_wait3A_2362, %dma_wait3A_2374, %dma_wait3A_2375, %dma_wait3A_2376] : memref<2x2x200x128xf32, #tpu.memory_space<vmem>> -> memref<1x2x200x128xf32, #tpu.memory_space<vmem>>
        %dma_wait3A_2378 = tpu.memref_squeeze %dma_wait3A_2377 : memref<1x2x200x128xf32, #tpu.memory_space<vmem>> -> memref<2x200x128xf32, #tpu.memory_space<vmem>>
        tpu.wait_dma2 semaphore(%arg12 : memref<!tpu.dma_semaphore, #tpu.memory_space<semaphore_mem>>) src(%dma_wait3A_2378 : memref<2x200x128xf32, #tpu.memory_space<vmem>>) dst(%dma_wait3A_2373 : memref<2x200x128xf32, #tpu.memory_space<hbm>>)
      } else {
      }
      %dma_start3A_1060 = arith.constant 0 : i32
      %dma_start3A_1061 = arith.constant 14 : i32
      %dma_start3A_1062 = arith.constant 1 : i32
      %dma_start3A_1063 = arith.constant 0 : i32
      %dma_start3A_1064 = arith.constant 0 : i32
      %dma_start3A_1065 = arith.constant 0 : i32
      %dma_start3A_1066 = tpu.memref_slice %arg7[%dma_start3A_1062, %dma_start3A_1063, %dma_start3A_1064, %dma_start3A_1065] : memref<2x2x200x128xf32, #tpu.memory_space<vmem>> -> memref<1x1x128x128xf32, #tpu.memory_space<vmem>>
      %dma_start3A_1067 = tpu.memref_squeeze %dma_start3A_1066 : memref<1x1x128x128xf32, #tpu.memory_space<vmem>> -> memref<128x128xf32, #tpu.memory_space<vmem>>
      %dma_start3A_1068 = arith.constant 0 : i32
      %dma_start3A_1069 = tpu.memref_slice %arg6[%dma_start3A_1060, %dma_start3A_1061, %dma_start3A_1068] : memref<2x16x200xi32, #tpu.memory_space<vmem>> -> memref<1x1x128xi32, #tpu.memory_space<vmem>>
      %dma_start3A_1070 = tpu.memref_squeeze %dma_start3A_1069 : memref<1x1x128xi32, #tpu.memory_space<vmem>> -> memref<128xi32, #tpu.memory_space<vmem>>
      %dma_start3A_1071 = arith.constant 0 : i32
      %dma_start3A_1072 = arith.constant 0 : i32
      %dma_start3A_1073 = tpu.memref_slice %arg5[%dma_start3A_1071, %dma_start3A_1072] : memref<1000x128xf32, #tpu.memory_space<vmem_shared>> -> memref<1000x128xf32, #tpu.memory_space<vmem_shared>>
      tpu.enqueue_indirect_dma source(%dma_start3A_1073 : memref<1000x128xf32, #tpu.memory_space<vmem_shared>>) target(%dma_start3A_1067 : memref<128x128xf32, #tpu.memory_space<vmem>>) offsets(%dma_start3A_1070 : memref<128xi32, #tpu.memory_space<vmem>>) semaphore(%arg10 : memref<!tpu.dma_semaphore, #tpu.memory_space<semaphore_mem>>)
      %dma_start3A_1074 = arith.constant 0 : i32
      %dma_start3A_1075 = arith.constant 14 : i32
      %dma_start3A_1076 = arith.constant 1 : i32
      %dma_start3A_1077 = arith.constant 0 : i32
      %dma_start3A_1078 = arith.constant 128 : i32
      %dma_start3A_1079 = arith.constant 0 : i32
      %dma_start3A_1080 = tpu.memref_slice %arg7[%dma_start3A_1076, %dma_start3A_1077, %dma_start3A_1078, %dma_start3A_1079] : memref<2x2x200x128xf32, #tpu.memory_space<vmem>> -> memref<1x1x72x128xf32, #tpu.memory_space<vmem>>
      %dma_start3A_1081 = tpu.memref_squeeze %dma_start3A_1080 : memref<1x1x72x128xf32, #tpu.memory_space<vmem>> -> memref<72x128xf32, #tpu.memory_space<vmem>>
      %dma_start3A_1082 = arith.constant 128 : i32
      %dma_start3A_1083 = tpu.memref_slice %arg6[%dma_start3A_1074, %dma_start3A_1075, %dma_start3A_1082] : memref<2x16x200xi32, #tpu.memory_space<vmem>> -> memref<1x1x72xi32, #tpu.memory_space<vmem>>
      %dma_start3A_1084 = tpu.memref_squeeze %dma_start3A_1083 : memref<1x1x72xi32, #tpu.memory_space<vmem>> -> memref<72xi32, #tpu.memory_space<vmem>>
      %dma_start3A_1085 = arith.constant 0 : i32
      %dma_start3A_1086 = arith.constant 0 : i32
      %dma_start3A_1087 = tpu.memref_slice %arg5[%dma_start3A_1085, %dma_start3A_1086] : memref<1000x128xf32, #tpu.memory_space<vmem_shared>> -> memref<1000x128xf32, #tpu.memory_space<vmem_shared>>
      tpu.enqueue_indirect_dma source(%dma_start3A_1087 : memref<1000x128xf32, #tpu.memory_space<vmem_shared>>) target(%dma_start3A_1081 : memref<72x128xf32, #tpu.memory_space<vmem>>) offsets(%dma_start3A_1084 : memref<72xi32, #tpu.memory_space<vmem>>) semaphore(%arg10 : memref<!tpu.dma_semaphore, #tpu.memory_space<semaphore_mem>>)
      %dma_start3A_1088 = arith.constant 0 : i32
      %dma_start3A_1089 = arith.constant 15 : i32
      %dma_start3A_1090 = arith.constant 1 : i32
      %dma_start3A_1091 = arith.constant 1 : i32
      %dma_start3A_1092 = arith.constant 0 : i32
      %dma_start3A_1093 = arith.constant 0 : i32
      %dma_start3A_1094 = tpu.memref_slice %arg7[%dma_start3A_1090, %dma_start3A_1091, %dma_start3A_1092, %dma_start3A_1093] : memref<2x2x200x128xf32, #tpu.memory_space<vmem>> -> memref<1x1x128x128xf32, #tpu.memory_space<vmem>>
      %dma_start3A_1095 = tpu.memref_squeeze %dma_start3A_1094 : memref<1x1x128x128xf32, #tpu.memory_space<vmem>> -> memref<128x128xf32, #tpu.memory_space<vmem>>
      %dma_start3A_1096 = arith.constant 0 : i32
      %dma_start3A_1097 = tpu.memref_slice %arg6[%dma_start3A_1088, %dma_start3A_1089, %dma_start3A_1096] : memref<2x16x200xi32, #tpu.memory_space<vmem>> -> memref<1x1x128xi32, #tpu.memory_space<vmem>>
      %dma_start3A_1098 = tpu.memref_squeeze %dma_start3A_1097 : memref<1x1x128xi32, #tpu.memory_space<vmem>> -> memref<128xi32, #tpu.memory_space<vmem>>
      %dma_start3A_1099 = arith.constant 0 : i32
      %dma_start3A_1100 = arith.constant 0 : i32
      %dma_start3A_1101 = tpu.memref_slice %arg5[%dma_start3A_1099, %dma_start3A_1100] : memref<1000x128xf32, #tpu.memory_space<vmem_shared>> -> memref<1000x128xf32, #tpu.memory_space<vmem_shared>>
      tpu.enqueue_indirect_dma source(%dma_start3A_1101 : memref<1000x128xf32, #tpu.memory_space<vmem_shared>>) target(%dma_start3A_1095 : memref<128x128xf32, #tpu.memory_space<vmem>>) offsets(%dma_start3A_1098 : memref<128xi32, #tpu.memory_space<vmem>>) semaphore(%arg10 : memref<!tpu.dma_semaphore, #tpu.memory_space<semaphore_mem>>)
      %dma_start3A_1102 = arith.constant 0 : i32
      %dma_start3A_1103 = arith.constant 15 : i32
      %dma_start3A_1104 = arith.constant 1 : i32
      %dma_start3A_1105 = arith.constant 1 : i32
      %dma_start3A_1106 = arith.constant 128 : i32
      %dma_start3A_1107 = arith.constant 0 : i32
      %dma_start3A_1108 = tpu.memref_slice %arg7[%dma_start3A_1104, %dma_start3A_1105, %dma_start3A_1106, %dma_start3A_1107] : memref<2x2x200x128xf32, #tpu.memory_space<vmem>> -> memref<1x1x72x128xf32, #tpu.memory_space<vmem>>
      %dma_start3A_1109 = tpu.memref_squeeze %dma_start3A_1108 : memref<1x1x72x128xf32, #tpu.memory_space<vmem>> -> memref<72x128xf32, #tpu.memory_space<vmem>>
      %dma_start3A_1110 = arith.constant 128 : i32
      %dma_start3A_1111 = tpu.memref_slice %arg6[%dma_start3A_1102, %dma_start3A_1103, %dma_start3A_1110] : memref<2x16x200xi32, #tpu.memory_space<vmem>> -> memref<1x1x72xi32, #tpu.memory_space<vmem>>
      %dma_start3A_1112 = tpu.memref_squeeze %dma_start3A_1111 : memref<1x1x72xi32, #tpu.memory_space<vmem>> -> memref<72xi32, #tpu.memory_space<vmem>>
      %dma_start3A_1113 = arith.constant 0 : i32
      %dma_start3A_1114 = arith.constant 0 : i32
      %dma_start3A_1115 = tpu.memref_slice %arg5[%dma_start3A_1113, %dma_start3A_1114] : memref<1000x128xf32, #tpu.memory_space<vmem_shared>> -> memref<1000x128xf32, #tpu.memory_space<vmem_shared>>
      tpu.enqueue_indirect_dma source(%dma_start3A_1115 : memref<1000x128xf32, #tpu.memory_space<vmem_shared>>) target(%dma_start3A_1109 : memref<72x128xf32, #tpu.memory_space<vmem>>) offsets(%dma_start3A_1112 : memref<72xi32, #tpu.memory_space<vmem>>) semaphore(%arg10 : memref<!tpu.dma_semaphore, #tpu.memory_space<semaphore_mem>>)
      %dma_wait3A_1116 = arith.constant 0 : i32
      %dma_wait3A_1117 = arith.constant 14 : i32
      %dma_wait3A_1118 = arith.constant 1 : i32
      %dma_wait3A_1119 = arith.constant 0 : i32
      %dma_wait3A_1120 = arith.constant 0 : i32
      %dma_wait3A_1121 = arith.constant 0 : i32
      %dma_wait3A_1122 = tpu.memref_slice %arg7[%dma_wait3A_1118, %dma_wait3A_1119, %dma_wait3A_1120, %dma_wait3A_1121] : memref<2x2x200x128xf32, #tpu.memory_space<vmem>> -> memref<1x1x128x128xf32, #tpu.memory_space<vmem>>
      %dma_wait3A_1123 = tpu.memref_squeeze %dma_wait3A_1122 : memref<1x1x128x128xf32, #tpu.memory_space<vmem>> -> memref<128x128xf32, #tpu.memory_space<vmem>>
      %dma_wait3A_1124 = arith.constant 0 : i32
      %dma_wait3A_1125 = tpu.memref_slice %arg6[%dma_wait3A_1116, %dma_wait3A_1117, %dma_wait3A_1124] : memref<2x16x200xi32, #tpu.memory_space<vmem>> -> memref<1x1x128xi32, #tpu.memory_space<vmem>>
      %dma_wait3A_1126 = tpu.memref_squeeze %dma_wait3A_1125 : memref<1x1x128xi32, #tpu.memory_space<vmem>> -> memref<128xi32, #tpu.memory_space<vmem>>
      %dma_wait3A_1127 = arith.constant 0 : i32
      %dma_wait3A_1128 = arith.constant 0 : i32
      %dma_wait3A_1129 = tpu.memref_slice %arg5[%dma_wait3A_1127, %dma_wait3A_1128] : memref<1000x128xf32, #tpu.memory_space<vmem_shared>> -> memref<1000x128xf32, #tpu.memory_space<vmem_shared>>
      tpu.wait_indirect_dma semaphore(%arg10 : memref<!tpu.dma_semaphore, #tpu.memory_space<semaphore_mem>>) src(%dma_wait3A_1129 : memref<1000x128xf32, #tpu.memory_space<vmem_shared>>) dst(%dma_wait3A_1123 : memref<128x128xf32, #tpu.memory_space<vmem>>)
      %dma_wait3A_1130 = arith.constant 0 : i32
      %dma_wait3A_1131 = arith.constant 14 : i32
      %dma_wait3A_1132 = arith.constant 1 : i32
      %dma_wait3A_1133 = arith.constant 0 : i32
      %dma_wait3A_1134 = arith.constant 128 : i32
      %dma_wait3A_1135 = arith.constant 0 : i32
      %dma_wait3A_1136 = tpu.memref_slice %arg7[%dma_wait3A_1132, %dma_wait3A_1133, %dma_wait3A_1134, %dma_wait3A_1135] : memref<2x2x200x128xf32, #tpu.memory_space<vmem>> -> memref<1x1x72x128xf32, #tpu.memory_space<vmem>>
      %dma_wait3A_1137 = tpu.memref_squeeze %dma_wait3A_1136 : memref<1x1x72x128xf32, #tpu.memory_space<vmem>> -> memref<72x128xf32, #tpu.memory_space<vmem>>
      %dma_wait3A_1138 = arith.constant 128 : i32
      %dma_wait3A_1139 = tpu.memref_slice %arg6[%dma_wait3A_1130, %dma_wait3A_1131, %dma_wait3A_1138] : memref<2x16x200xi32, #tpu.memory_space<vmem>> -> memref<1x1x72xi32, #tpu.memory_space<vmem>>
      %dma_wait3A_1140 = tpu.memref_squeeze %dma_wait3A_1139 : memref<1x1x72xi32, #tpu.memory_space<vmem>> -> memref<72xi32, #tpu.memory_space<vmem>>
      %dma_wait3A_1141 = arith.constant 0 : i32
      %dma_wait3A_1142 = arith.constant 0 : i32
      %dma_wait3A_1143 = tpu.memref_slice %arg5[%dma_wait3A_1141, %dma_wait3A_1142] : memref<1000x128xf32, #tpu.memory_space<vmem_shared>> -> memref<1000x128xf32, #tpu.memory_space<vmem_shared>>
      tpu.wait_indirect_dma semaphore(%arg10 : memref<!tpu.dma_semaphore, #tpu.memory_space<semaphore_mem>>) src(%dma_wait3A_1143 : memref<1000x128xf32, #tpu.memory_space<vmem_shared>>) dst(%dma_wait3A_1137 : memref<72x128xf32, #tpu.memory_space<vmem>>)
      %dma_wait3A_1144 = arith.constant 0 : i32
      %dma_wait3A_1145 = arith.constant 15 : i32
      %dma_wait3A_1146 = arith.constant 1 : i32
      %dma_wait3A_1147 = arith.constant 1 : i32
      %dma_wait3A_1148 = arith.constant 0 : i32
      %dma_wait3A_1149 = arith.constant 0 : i32
      %dma_wait3A_1150 = tpu.memref_slice %arg7[%dma_wait3A_1146, %dma_wait3A_1147, %dma_wait3A_1148, %dma_wait3A_1149] : memref<2x2x200x128xf32, #tpu.memory_space<vmem>> -> memref<1x1x128x128xf32, #tpu.memory_space<vmem>>
      %dma_wait3A_1151 = tpu.memref_squeeze %dma_wait3A_1150 : memref<1x1x128x128xf32, #tpu.memory_space<vmem>> -> memref<128x128xf32, #tpu.memory_space<vmem>>
      %dma_wait3A_1152 = arith.constant 0 : i32
      %dma_wait3A_1153 = tpu.memref_slice %arg6[%dma_wait3A_1144, %dma_wait3A_1145, %dma_wait3A_1152] : memref<2x16x200xi32, #tpu.memory_space<vmem>> -> memref<1x1x128xi32, #tpu.memory_space<vmem>>
      %dma_wait3A_1154 = tpu.memref_squeeze %dma_wait3A_1153 : memref<1x1x128xi32, #tpu.memory_space<vmem>> -> memref<128xi32, #tpu.memory_space<vmem>>
      %dma_wait3A_1155 = arith.constant 0 : i32
      %dma_wait3A_1156 = arith.constant 0 : i32
      %dma_wait3A_1157 = tpu.memref_slice %arg5[%dma_wait3A_1155, %dma_wait3A_1156] : memref<1000x128xf32, #tpu.memory_space<vmem_shared>> -> memref<1000x128xf32, #tpu.memory_space<vmem_shared>>
      tpu.wait_indirect_dma semaphore(%arg10 : memref<!tpu.dma_semaphore, #tpu.memory_space<semaphore_mem>>) src(%dma_wait3A_1157 : memref<1000x128xf32, #tpu.memory_space<vmem_shared>>) dst(%dma_wait3A_1151 : memref<128x128xf32, #tpu.memory_space<vmem>>)
      %dma_wait3A_1158 = arith.constant 0 : i32
      %dma_wait3A_1159 = arith.constant 15 : i32
      %dma_wait3A_1160 = arith.constant 1 : i32
      %dma_wait3A_1161 = arith.constant 1 : i32
      %dma_wait3A_1162 = arith.constant 128 : i32
      %dma_wait3A_1163 = arith.constant 0 : i32
      %dma_wait3A_1164 = tpu.memref_slice %arg7[%dma_wait3A_1160, %dma_wait3A_1161, %dma_wait3A_1162, %dma_wait3A_1163] : memref<2x2x200x128xf32, #tpu.memory_space<vmem>> -> memref<1x1x72x128xf32, #tpu.memory_space<vmem>>
      %dma_wait3A_1165 = tpu.memref_squeeze %dma_wait3A_1164 : memref<1x1x72x128xf32, #tpu.memory_space<vmem>> -> memref<72x128xf32, #tpu.memory_space<vmem>>
      %dma_wait3A_1166 = arith.constant 128 : i32
      %dma_wait3A_1167 = tpu.memref_slice %arg6[%dma_wait3A_1158, %dma_wait3A_1159, %dma_wait3A_1166] : memref<2x16x200xi32, #tpu.memory_space<vmem>> -> memref<1x1x72xi32, #tpu.memory_space<vmem>>
      %dma_wait3A_1168 = tpu.memref_squeeze %dma_wait3A_1167 : memref<1x1x72xi32, #tpu.memory_space<vmem>> -> memref<72xi32, #tpu.memory_space<vmem>>
      %dma_wait3A_1169 = arith.constant 0 : i32
      %dma_wait3A_1170 = arith.constant 0 : i32
      %dma_wait3A_1171 = tpu.memref_slice %arg5[%dma_wait3A_1169, %dma_wait3A_1170] : memref<1000x128xf32, #tpu.memory_space<vmem_shared>> -> memref<1000x128xf32, #tpu.memory_space<vmem_shared>>
      tpu.wait_indirect_dma semaphore(%arg10 : memref<!tpu.dma_semaphore, #tpu.memory_space<semaphore_mem>>) src(%dma_wait3A_1171 : memref<1000x128xf32, #tpu.memory_space<vmem_shared>>) dst(%dma_wait3A_1165 : memref<72x128xf32, #tpu.memory_space<vmem>>)
      %mul3A_1172 = arith.constant 16 : i32
      %mul3A_1173 = arith.muli %mul3A_55, %mul3A_1172 : i32
      %add3A_1174 = arith.addi %mul3A_2, %mul3A_1173 : i32
      %add3A_1175 = arith.constant 14 : i32
      %add3A_1176 = arith.addi %add3A_1174, %add3A_1175 : i32
      %multiple_of3A_1177 = tpu.assume_multiple %add3A_1176, 2 : i32
      %dma_start3A_1178 = arith.constant 1 : i32
      %dma_start3A_1179 = arith.constant 0 : i32
      %dma_start3A_1180 = arith.constant 0 : i32
      %dma_start3A_1181 = arith.constant 0 : i32
      %dma_start3A_1182 = tpu.memref_slice %arg7[%dma_start3A_1178, %dma_start3A_1179, %dma_start3A_1180, %dma_start3A_1181] : memref<2x2x200x128xf32, #tpu.memory_space<vmem>> -> memref<1x2x200x128xf32, #tpu.memory_space<vmem>>
      %dma_start3A_1183 = tpu.memref_squeeze %dma_start3A_1182 : memref<1x2x200x128xf32, #tpu.memory_space<vmem>> -> memref<2x200x128xf32, #tpu.memory_space<vmem>>
      %dma_start3A_1184 = arith.constant 0 : i32
      %dma_start3A_1185 = arith.constant 0 : i32
      %dma_start3A_1186 = tpu.memref_slice %arg4[%multiple_of3A_1177, %dma_start3A_1184, %dma_start3A_1185] : memref<16384x200x128xf32, #tpu.memory_space<hbm>> -> memref<2x200x128xf32, #tpu.memory_space<hbm>>
      %dma_start3A_1187 = arith.constant 0 : i32
      %dma_start3A_1188 = arith.constant 0 : i32
      %dma_start3A_1189 = tpu.memref_slice %arg4[%multiple_of3A_1177, %dma_start3A_1187, %dma_start3A_1188] : memref<16384x200x128xf32, #tpu.memory_space<hbm>> -> memref<2x200x128xf32, #tpu.memory_space<hbm>>
      %dma_start3A_1190 = arith.constant 0 : i32
      %dma_start3A_1191 = arith.constant 0 : i32
      %dma_start3A_1192 = arith.constant 0 : i32
      %dma_start3A_1193 = tpu.memref_slice %arg7[%dma_start3A_1178, %dma_start3A_1190, %dma_start3A_1191, %dma_start3A_1192] : memref<2x2x200x128xf32, #tpu.memory_space<vmem>> -> memref<1x2x200x128xf32, #tpu.memory_space<vmem>>
      %dma_start3A_1194 = tpu.memref_squeeze %dma_start3A_1193 : memref<1x2x200x128xf32, #tpu.memory_space<vmem>> -> memref<2x200x128xf32, #tpu.memory_space<vmem>>
      tpu.enqueue_dma source(%dma_start3A_1194 : memref<2x200x128xf32, #tpu.memory_space<vmem>>) target(%dma_start3A_1189 : memref<2x200x128xf32, #tpu.memory_space<hbm>>) target_semaphore(%arg12 : memref<!tpu.dma_semaphore, #tpu.memory_space<semaphore_mem>>)
      %add3A_1195 = arith.constant 1 : i32
      %add3A_1196 = arith.addi %mul3A_55, %add3A_1195 : i32
      %lt3A_1197 = arith.constant 32 : i32
      %lt3A_1198 = arith.cmpi slt, %add3A_1196, %lt3A_1197 : i32
      %convert_element_type3A_1199 = arith.extui %lt3A_1198 : i1 to i32
      %cond3A_1200 = arith.constant 0 : i32
      %cond3A_1201 = arith.cmpi ne, %convert_element_type3A_1199, %cond3A_1200 : i32
      scf.if %cond3A_1201 {
        %dma_wait3A_2356 = arith.constant 1 : i32
        %dma_wait3A_2357 = arith.constant 0 : i32
        %dma_wait3A_2358 = arith.constant 0 : i32
        %dma_wait3A_2359 = tpu.memref_slice %arg6[%dma_wait3A_2356, %dma_wait3A_2357, %dma_wait3A_2358] : memref<2x16x200xi32, #tpu.memory_space<vmem>> -> memref<1x16x200xi32, #tpu.memory_space<vmem>>
        %dma_wait3A_2360 = tpu.memref_squeeze %dma_wait3A_2359 : memref<1x16x200xi32, #tpu.memory_space<vmem>> -> memref<16x200xi32, #tpu.memory_space<vmem>>
        %dma_wait3A_2361 = arith.constant 0 : i32
        %dma_wait3A_2362 = arith.constant 0 : i32
        %dma_wait3A_2363 = tpu.memref_slice %arg2[%dma_wait3A_2361, %dma_wait3A_2362] : memref<16384x200xi32, #tpu.memory_space<hbm>> -> memref<16x200xi32, #tpu.memory_space<hbm>>
        %dma_wait3A_2364 = arith.constant 0 : i32
        %dma_wait3A_2365 = arith.constant 0 : i32
        %dma_wait3A_2366 = tpu.memref_slice %arg6[%dma_wait3A_2356, %dma_wait3A_2364, %dma_wait3A_2365] : memref<2x16x200xi32, #tpu.memory_space<vmem>> -> memref<1x16x200xi32, #tpu.memory_space<vmem>>
        %dma_wait3A_2367 = tpu.memref_squeeze %dma_wait3A_2366 : memref<1x16x200xi32, #tpu.memory_space<vmem>> -> memref<16x200xi32, #tpu.memory_space<vmem>>
        %dma_wait3A_2368 = arith.constant 0 : i32
        %dma_wait3A_2369 = arith.constant 0 : i32
        %dma_wait3A_2370 = tpu.memref_slice %arg2[%dma_wait3A_2368, %dma_wait3A_2369] : memref<16384x200xi32, #tpu.memory_space<hbm>> -> memref<16x200xi32, #tpu.memory_space<hbm>>
        tpu.wait_dma2 semaphore(%arg8 : memref<!tpu.dma_semaphore, #tpu.memory_space<semaphore_mem>>) src(%dma_wait3A_2370 : memref<16x200xi32, #tpu.memory_space<hbm>>) dst(%dma_wait3A_2367 : memref<16x200xi32, #tpu.memory_space<vmem>>)
      } else {
      }
      %mul3A_1202 = arith.constant 2 : i32
      %mul3A_1203 = arith.muli %scan3A_53, %mul3A_1202 : i32
      %add3A_1204 = arith.constant 1 : i32
      %add3A_1205 = arith.addi %mul3A_1203, %add3A_1204 : i32
      %add3A_1206 = arith.constant 1 : i32
      %add3A_1207 = arith.addi %add3A_1205, %add3A_1206 : i32
      %lt3A_1208 = arith.constant 32 : i32
      %lt3A_1209 = arith.cmpi slt, %add3A_1207, %lt3A_1208 : i32
      %convert_element_type3A_1210 = arith.extui %lt3A_1209 : i1 to i32
      %cond3A_1211 = arith.constant 0 : i32
      %cond3A_1212 = arith.cmpi ne, %convert_element_type3A_1210, %cond3A_1211 : i32
      scf.if %cond3A_1212 {
        %add3A_2356 = arith.constant 1 : i32
        %add3A_2357 = arith.addi %add3A_1205, %add3A_2356 : i32
        %mul3A_2358 = arith.constant 16 : i32
        %mul3A_2359 = arith.muli %add3A_2357, %mul3A_2358 : i32
        %add3A_2360 = arith.addi %mul3A_2, %mul3A_2359 : i32
        %multiple_of3A_2361 = tpu.assume_multiple %add3A_2360, 16 : i32
        %dma_start3A_2362 = arith.constant 0 : i32
        %dma_start3A_2363 = arith.constant 0 : i32
        %dma_start3A_2364 = arith.constant 0 : i32
        %dma_start3A_2365 = tpu.memref_slice %arg6[%dma_start3A_2362, %dma_start3A_2363, %dma_start3A_2364] : memref<2x16x200xi32, #tpu.memory_space<vmem>> -> memref<1x16x200xi32, #tpu.memory_space<vmem>>
        %dma_start3A_2366 = tpu.memref_squeeze %dma_start3A_2365 : memref<1x16x200xi32, #tpu.memory_space<vmem>> -> memref<16x200xi32, #tpu.memory_space<vmem>>
        %dma_start3A_2367 = arith.constant 0 : i32
        %dma_start3A_2368 = tpu.memref_slice %arg2[%multiple_of3A_2361, %dma_start3A_2367] : memref<16384x200xi32, #tpu.memory_space<hbm>> -> memref<16x200xi32, #tpu.memory_space<hbm>>
        %dma_start3A_2369 = arith.constant 0 : i32
        %dma_start3A_2370 = arith.constant 0 : i32
        %dma_start3A_2371 = tpu.memref_slice %arg6[%dma_start3A_2362, %dma_start3A_2369, %dma_start3A_2370] : memref<2x16x200xi32, #tpu.memory_space<vmem>> -> memref<1x16x200xi32, #tpu.memory_space<vmem>>
        %dma_start3A_2372 = tpu.memref_squeeze %dma_start3A_2371 : memref<1x16x200xi32, #tpu.memory_space<vmem>> -> memref<16x200xi32, #tpu.memory_space<vmem>>
        %dma_start3A_2373 = arith.constant 0 : i32
        %dma_start3A_2374 = tpu.memref_slice %arg2[%multiple_of3A_2361, %dma_start3A_2373] : memref<16384x200xi32, #tpu.memory_space<hbm>> -> memref<16x200xi32, #tpu.memory_space<hbm>>
        tpu.enqueue_dma source(%dma_start3A_2374 : memref<16x200xi32, #tpu.memory_space<hbm>>) target(%dma_start3A_2372 : memref<16x200xi32, #tpu.memory_space<vmem>>) target_semaphore(%arg8 : memref<!tpu.dma_semaphore, #tpu.memory_space<semaphore_mem>>)
      } else {
      }
      %gt3A_1213 = arith.constant 0 : i32
      %gt3A_1214 = arith.cmpi sgt, %add3A_1205, %gt3A_1213 : i32
      %or3A_1215 = arith.constant false
      %or3A_1216 = arith.ori %gt3A_1214, %or3A_1215 : i1
      %convert_element_type3A_1217 = arith.extui %or3A_1216 : i1 to i32
      %cond3A_1218 = arith.constant 0 : i32
      %cond3A_1219 = arith.cmpi ne, %convert_element_type3A_1217, %cond3A_1218 : i32
      scf.if %cond3A_1219 {
        %sub3A = arith.constant 1 : i32
        %sub3A_2356 = arith.subi %add3A_1205, %sub3A : i32
        %mul3A_2357 = arith.constant 16 : i32
        %mul3A_2358 = arith.muli %sub3A_2356, %mul3A_2357 : i32
        %add3A_2359 = arith.addi %mul3A_2, %mul3A_2358 : i32
        %add3A_2360 = arith.constant 12 : i32
        %add3A_2361 = arith.addi %add3A_2359, %add3A_2360 : i32
        %multiple_of3A_2362 = tpu.assume_multiple %add3A_2361, 2 : i32
        %dma_wait3A_2363 = arith.constant 0 : i32
        %dma_wait3A_2364 = arith.constant 0 : i32
        %dma_wait3A_2365 = arith.constant 0 : i32
        %dma_wait3A_2366 = arith.constant 0 : i32
        %dma_wait3A_2367 = tpu.memref_slice %arg7[%dma_wait3A_2363, %dma_wait3A_2364, %dma_wait3A_2365, %dma_wait3A_2366] : memref<2x2x200x128xf32, #tpu.memory_space<vmem>> -> memref<1x2x200x128xf32, #tpu.memory_space<vmem>>
        %dma_wait3A_2368 = tpu.memref_squeeze %dma_wait3A_2367 : memref<1x2x200x128xf32, #tpu.memory_space<vmem>> -> memref<2x200x128xf32, #tpu.memory_space<vmem>>
        %dma_wait3A_2369 = arith.constant 0 : i32
        %dma_wait3A_2370 = arith.constant 0 : i32
        %dma_wait3A_2371 = tpu.memref_slice %arg4[%multiple_of3A_2362, %dma_wait3A_2369, %dma_wait3A_2370] : memref<16384x200x128xf32, #tpu.memory_space<hbm>> -> memref<2x200x128xf32, #tpu.memory_space<hbm>>
        %dma_wait3A_2372 = arith.constant 0 : i32
        %dma_wait3A_2373 = arith.constant 0 : i32
        %dma_wait3A_2374 = tpu.memref_slice %arg4[%multiple_of3A_2362, %dma_wait3A_2372, %dma_wait3A_2373] : memref<16384x200x128xf32, #tpu.memory_space<hbm>> -> memref<2x200x128xf32, #tpu.memory_space<hbm>>
        %dma_wait3A_2375 = arith.constant 0 : i32
        %dma_wait3A_2376 = arith.constant 0 : i32
        %dma_wait3A_2377 = arith.constant 0 : i32
        %dma_wait3A_2378 = tpu.memref_slice %arg7[%dma_wait3A_2363, %dma_wait3A_2375, %dma_wait3A_2376, %dma_wait3A_2377] : memref<2x2x200x128xf32, #tpu.memory_space<vmem>> -> memref<1x2x200x128xf32, #tpu.memory_space<vmem>>
        %dma_wait3A_2379 = tpu.memref_squeeze %dma_wait3A_2378 : memref<1x2x200x128xf32, #tpu.memory_space<vmem>> -> memref<2x200x128xf32, #tpu.memory_space<vmem>>
        tpu.wait_dma2 semaphore(%arg11 : memref<!tpu.dma_semaphore, #tpu.memory_space<semaphore_mem>>) src(%dma_wait3A_2379 : memref<2x200x128xf32, #tpu.memory_space<vmem>>) dst(%dma_wait3A_2374 : memref<2x200x128xf32, #tpu.memory_space<hbm>>)
      } else {
      }
      %dma_start3A_1220 = arith.constant 1 : i32
      %dma_start3A_1221 = arith.constant 0 : i32
      %dma_start3A_1222 = arith.constant 0 : i32
      %dma_start3A_1223 = arith.constant 0 : i32
      %dma_start3A_1224 = arith.constant 0 : i32
      %dma_start3A_1225 = arith.constant 0 : i32
      %dma_start3A_1226 = tpu.memref_slice %arg7[%dma_start3A_1222, %dma_start3A_1223, %dma_start3A_1224, %dma_start3A_1225] : memref<2x2x200x128xf32, #tpu.memory_space<vmem>> -> memref<1x1x128x128xf32, #tpu.memory_space<vmem>>
      %dma_start3A_1227 = tpu.memref_squeeze %dma_start3A_1226 : memref<1x1x128x128xf32, #tpu.memory_space<vmem>> -> memref<128x128xf32, #tpu.memory_space<vmem>>
      %dma_start3A_1228 = arith.constant 0 : i32
      %dma_start3A_1229 = tpu.memref_slice %arg6[%dma_start3A_1220, %dma_start3A_1221, %dma_start3A_1228] : memref<2x16x200xi32, #tpu.memory_space<vmem>> -> memref<1x1x128xi32, #tpu.memory_space<vmem>>
      %dma_start3A_1230 = tpu.memref_squeeze %dma_start3A_1229 : memref<1x1x128xi32, #tpu.memory_space<vmem>> -> memref<128xi32, #tpu.memory_space<vmem>>
      %dma_start3A_1231 = arith.constant 0 : i32
      %dma_start3A_1232 = arith.constant 0 : i32
      %dma_start3A_1233 = tpu.memref_slice %arg5[%dma_start3A_1231, %dma_start3A_1232] : memref<1000x128xf32, #tpu.memory_space<vmem_shared>> -> memref<1000x128xf32, #tpu.memory_space<vmem_shared>>
      tpu.enqueue_indirect_dma source(%dma_start3A_1233 : memref<1000x128xf32, #tpu.memory_space<vmem_shared>>) target(%dma_start3A_1227 : memref<128x128xf32, #tpu.memory_space<vmem>>) offsets(%dma_start3A_1230 : memref<128xi32, #tpu.memory_space<vmem>>) semaphore(%arg9 : memref<!tpu.dma_semaphore, #tpu.memory_space<semaphore_mem>>)
      %dma_start3A_1234 = arith.constant 1 : i32
      %dma_start3A_1235 = arith.constant 0 : i32
      %dma_start3A_1236 = arith.constant 0 : i32
      %dma_start3A_1237 = arith.constant 0 : i32
      %dma_start3A_1238 = arith.constant 128 : i32
      %dma_start3A_1239 = arith.constant 0 : i32
      %dma_start3A_1240 = tpu.memref_slice %arg7[%dma_start3A_1236, %dma_start3A_1237, %dma_start3A_1238, %dma_start3A_1239] : memref<2x2x200x128xf32, #tpu.memory_space<vmem>> -> memref<1x1x72x128xf32, #tpu.memory_space<vmem>>
      %dma_start3A_1241 = tpu.memref_squeeze %dma_start3A_1240 : memref<1x1x72x128xf32, #tpu.memory_space<vmem>> -> memref<72x128xf32, #tpu.memory_space<vmem>>
      %dma_start3A_1242 = arith.constant 128 : i32
      %dma_start3A_1243 = tpu.memref_slice %arg6[%dma_start3A_1234, %dma_start3A_1235, %dma_start3A_1242] : memref<2x16x200xi32, #tpu.memory_space<vmem>> -> memref<1x1x72xi32, #tpu.memory_space<vmem>>
      %dma_start3A_1244 = tpu.memref_squeeze %dma_start3A_1243 : memref<1x1x72xi32, #tpu.memory_space<vmem>> -> memref<72xi32, #tpu.memory_space<vmem>>
      %dma_start3A_1245 = arith.constant 0 : i32
      %dma_start3A_1246 = arith.constant 0 : i32
      %dma_start3A_1247 = tpu.memref_slice %arg5[%dma_start3A_1245, %dma_start3A_1246] : memref<1000x128xf32, #tpu.memory_space<vmem_shared>> -> memref<1000x128xf32, #tpu.memory_space<vmem_shared>>
      tpu.enqueue_indirect_dma source(%dma_start3A_1247 : memref<1000x128xf32, #tpu.memory_space<vmem_shared>>) target(%dma_start3A_1241 : memref<72x128xf32, #tpu.memory_space<vmem>>) offsets(%dma_start3A_1244 : memref<72xi32, #tpu.memory_space<vmem>>) semaphore(%arg9 : memref<!tpu.dma_semaphore, #tpu.memory_space<semaphore_mem>>)
      %dma_start3A_1248 = arith.constant 1 : i32
      %dma_start3A_1249 = arith.constant 1 : i32
      %dma_start3A_1250 = arith.constant 0 : i32
      %dma_start3A_1251 = arith.constant 1 : i32
      %dma_start3A_1252 = arith.constant 0 : i32
      %dma_start3A_1253 = arith.constant 0 : i32
      %dma_start3A_1254 = tpu.memref_slice %arg7[%dma_start3A_1250, %dma_start3A_1251, %dma_start3A_1252, %dma_start3A_1253] : memref<2x2x200x128xf32, #tpu.memory_space<vmem>> -> memref<1x1x128x128xf32, #tpu.memory_space<vmem>>
      %dma_start3A_1255 = tpu.memref_squeeze %dma_start3A_1254 : memref<1x1x128x128xf32, #tpu.memory_space<vmem>> -> memref<128x128xf32, #tpu.memory_space<vmem>>
      %dma_start3A_1256 = arith.constant 0 : i32
      %dma_start3A_1257 = tpu.memref_slice %arg6[%dma_start3A_1248, %dma_start3A_1249, %dma_start3A_1256] : memref<2x16x200xi32, #tpu.memory_space<vmem>> -> memref<1x1x128xi32, #tpu.memory_space<vmem>>
      %dma_start3A_1258 = tpu.memref_squeeze %dma_start3A_1257 : memref<1x1x128xi32, #tpu.memory_space<vmem>> -> memref<128xi32, #tpu.memory_space<vmem>>
      %dma_start3A_1259 = arith.constant 0 : i32
      %dma_start3A_1260 = arith.constant 0 : i32
      %dma_start3A_1261 = tpu.memref_slice %arg5[%dma_start3A_1259, %dma_start3A_1260] : memref<1000x128xf32, #tpu.memory_space<vmem_shared>> -> memref<1000x128xf32, #tpu.memory_space<vmem_shared>>
      tpu.enqueue_indirect_dma source(%dma_start3A_1261 : memref<1000x128xf32, #tpu.memory_space<vmem_shared>>) target(%dma_start3A_1255 : memref<128x128xf32, #tpu.memory_space<vmem>>) offsets(%dma_start3A_1258 : memref<128xi32, #tpu.memory_space<vmem>>) semaphore(%arg9 : memref<!tpu.dma_semaphore, #tpu.memory_space<semaphore_mem>>)
      %dma_start3A_1262 = arith.constant 1 : i32
      %dma_start3A_1263 = arith.constant 1 : i32
      %dma_start3A_1264 = arith.constant 0 : i32
      %dma_start3A_1265 = arith.constant 1 : i32
      %dma_start3A_1266 = arith.constant 128 : i32
      %dma_start3A_1267 = arith.constant 0 : i32
      %dma_start3A_1268 = tpu.memref_slice %arg7[%dma_start3A_1264, %dma_start3A_1265, %dma_start3A_1266, %dma_start3A_1267] : memref<2x2x200x128xf32, #tpu.memory_space<vmem>> -> memref<1x1x72x128xf32, #tpu.memory_space<vmem>>
      %dma_start3A_1269 = tpu.memref_squeeze %dma_start3A_1268 : memref<1x1x72x128xf32, #tpu.memory_space<vmem>> -> memref<72x128xf32, #tpu.memory_space<vmem>>
      %dma_start3A_1270 = arith.constant 128 : i32
      %dma_start3A_1271 = tpu.memref_slice %arg6[%dma_start3A_1262, %dma_start3A_1263, %dma_start3A_1270] : memref<2x16x200xi32, #tpu.memory_space<vmem>> -> memref<1x1x72xi32, #tpu.memory_space<vmem>>
      %dma_start3A_1272 = tpu.memref_squeeze %dma_start3A_1271 : memref<1x1x72xi32, #tpu.memory_space<vmem>> -> memref<72xi32, #tpu.memory_space<vmem>>
      %dma_start3A_1273 = arith.constant 0 : i32
      %dma_start3A_1274 = arith.constant 0 : i32
      %dma_start3A_1275 = tpu.memref_slice %arg5[%dma_start3A_1273, %dma_start3A_1274] : memref<1000x128xf32, #tpu.memory_space<vmem_shared>> -> memref<1000x128xf32, #tpu.memory_space<vmem_shared>>
      tpu.enqueue_indirect_dma source(%dma_start3A_1275 : memref<1000x128xf32, #tpu.memory_space<vmem_shared>>) target(%dma_start3A_1269 : memref<72x128xf32, #tpu.memory_space<vmem>>) offsets(%dma_start3A_1272 : memref<72xi32, #tpu.memory_space<vmem>>) semaphore(%arg9 : memref<!tpu.dma_semaphore, #tpu.memory_space<semaphore_mem>>)
      %dma_wait3A_1276 = arith.constant 1 : i32
      %dma_wait3A_1277 = arith.constant 0 : i32
      %dma_wait3A_1278 = arith.constant 0 : i32
      %dma_wait3A_1279 = arith.constant 0 : i32
      %dma_wait3A_1280 = arith.constant 0 : i32
      %dma_wait3A_1281 = arith.constant 0 : i32
      %dma_wait3A_1282 = tpu.memref_slice %arg7[%dma_wait3A_1278, %dma_wait3A_1279, %dma_wait3A_1280, %dma_wait3A_1281] : memref<2x2x200x128xf32, #tpu.memory_space<vmem>> -> memref<1x1x128x128xf32, #tpu.memory_space<vmem>>
      %dma_wait3A_1283 = tpu.memref_squeeze %dma_wait3A_1282 : memref<1x1x128x128xf32, #tpu.memory_space<vmem>> -> memref<128x128xf32, #tpu.memory_space<vmem>>
      %dma_wait3A_1284 = arith.constant 0 : i32
      %dma_wait3A_1285 = tpu.memref_slice %arg6[%dma_wait3A_1276, %dma_wait3A_1277, %dma_wait3A_1284] : memref<2x16x200xi32, #tpu.memory_space<vmem>> -> memref<1x1x128xi32, #tpu.memory_space<vmem>>
      %dma_wait3A_1286 = tpu.memref_squeeze %dma_wait3A_1285 : memref<1x1x128xi32, #tpu.memory_space<vmem>> -> memref<128xi32, #tpu.memory_space<vmem>>
      %dma_wait3A_1287 = arith.constant 0 : i32
      %dma_wait3A_1288 = arith.constant 0 : i32
      %dma_wait3A_1289 = tpu.memref_slice %arg5[%dma_wait3A_1287, %dma_wait3A_1288] : memref<1000x128xf32, #tpu.memory_space<vmem_shared>> -> memref<1000x128xf32, #tpu.memory_space<vmem_shared>>
      tpu.wait_indirect_dma semaphore(%arg9 : memref<!tpu.dma_semaphore, #tpu.memory_space<semaphore_mem>>) src(%dma_wait3A_1289 : memref<1000x128xf32, #tpu.memory_space<vmem_shared>>) dst(%dma_wait3A_1283 : memref<128x128xf32, #tpu.memory_space<vmem>>)
      %dma_wait3A_1290 = arith.constant 1 : i32
      %dma_wait3A_1291 = arith.constant 0 : i32
      %dma_wait3A_1292 = arith.constant 0 : i32
      %dma_wait3A_1293 = arith.constant 0 : i32
      %dma_wait3A_1294 = arith.constant 128 : i32
      %dma_wait3A_1295 = arith.constant 0 : i32
      %dma_wait3A_1296 = tpu.memref_slice %arg7[%dma_wait3A_1292, %dma_wait3A_1293, %dma_wait3A_1294, %dma_wait3A_1295] : memref<2x2x200x128xf32, #tpu.memory_space<vmem>> -> memref<1x1x72x128xf32, #tpu.memory_space<vmem>>
      %dma_wait3A_1297 = tpu.memref_squeeze %dma_wait3A_1296 : memref<1x1x72x128xf32, #tpu.memory_space<vmem>> -> memref<72x128xf32, #tpu.memory_space<vmem>>
      %dma_wait3A_1298 = arith.constant 128 : i32
      %dma_wait3A_1299 = tpu.memref_slice %arg6[%dma_wait3A_1290, %dma_wait3A_1291, %dma_wait3A_1298] : memref<2x16x200xi32, #tpu.memory_space<vmem>> -> memref<1x1x72xi32, #tpu.memory_space<vmem>>
      %dma_wait3A_1300 = tpu.memref_squeeze %dma_wait3A_1299 : memref<1x1x72xi32, #tpu.memory_space<vmem>> -> memref<72xi32, #tpu.memory_space<vmem>>
      %dma_wait3A_1301 = arith.constant 0 : i32
      %dma_wait3A_1302 = arith.constant 0 : i32
      %dma_wait3A_1303 = tpu.memref_slice %arg5[%dma_wait3A_1301, %dma_wait3A_1302] : memref<1000x128xf32, #tpu.memory_space<vmem_shared>> -> memref<1000x128xf32, #tpu.memory_space<vmem_shared>>
      tpu.wait_indirect_dma semaphore(%arg9 : memref<!tpu.dma_semaphore, #tpu.memory_space<semaphore_mem>>) src(%dma_wait3A_1303 : memref<1000x128xf32, #tpu.memory_space<vmem_shared>>) dst(%dma_wait3A_1297 : memref<72x128xf32, #tpu.memory_space<vmem>>)
      %dma_wait3A_1304 = arith.constant 1 : i32
      %dma_wait3A_1305 = arith.constant 1 : i32
      %dma_wait3A_1306 = arith.constant 0 : i32
      %dma_wait3A_1307 = arith.constant 1 : i32
      %dma_wait3A_1308 = arith.constant 0 : i32
      %dma_wait3A_1309 = arith.constant 0 : i32
      %dma_wait3A_1310 = tpu.memref_slice %arg7[%dma_wait3A_1306, %dma_wait3A_1307, %dma_wait3A_1308, %dma_wait3A_1309] : memref<2x2x200x128xf32, #tpu.memory_space<vmem>> -> memref<1x1x128x128xf32, #tpu.memory_space<vmem>>
      %dma_wait3A_1311 = tpu.memref_squeeze %dma_wait3A_1310 : memref<1x1x128x128xf32, #tpu.memory_space<vmem>> -> memref<128x128xf32, #tpu.memory_space<vmem>>
      %dma_wait3A_1312 = arith.constant 0 : i32
      %dma_wait3A_1313 = tpu.memref_slice %arg6[%dma_wait3A_1304, %dma_wait3A_1305, %dma_wait3A_1312] : memref<2x16x200xi32, #tpu.memory_space<vmem>> -> memref<1x1x128xi32, #tpu.memory_space<vmem>>
      %dma_wait3A_1314 = tpu.memref_squeeze %dma_wait3A_1313 : memref<1x1x128xi32, #tpu.memory_space<vmem>> -> memref<128xi32, #tpu.memory_space<vmem>>
      %dma_wait3A_1315 = arith.constant 0 : i32
      %dma_wait3A_1316 = arith.constant 0 : i32
      %dma_wait3A_1317 = tpu.memref_slice %arg5[%dma_wait3A_1315, %dma_wait3A_1316] : memref<1000x128xf32, #tpu.memory_space<vmem_shared>> -> memref<1000x128xf32, #tpu.memory_space<vmem_shared>>
      tpu.wait_indirect_dma semaphore(%arg9 : memref<!tpu.dma_semaphore, #tpu.memory_space<semaphore_mem>>) src(%dma_wait3A_1317 : memref<1000x128xf32, #tpu.memory_space<vmem_shared>>) dst(%dma_wait3A_1311 : memref<128x128xf32, #tpu.memory_space<vmem>>)
      %dma_wait3A_1318 = arith.constant 1 : i32
      %dma_wait3A_1319 = arith.constant 1 : i32
      %dma_wait3A_1320 = arith.constant 0 : i32
      %dma_wait3A_1321 = arith.constant 1 : i32
      %dma_wait3A_1322 = arith.constant 128 : i32
      %dma_wait3A_1323 = arith.constant 0 : i32
      %dma_wait3A_1324 = tpu.memref_slice %arg7[%dma_wait3A_1320, %dma_wait3A_1321, %dma_wait3A_1322, %dma_wait3A_1323] : memref<2x2x200x128xf32, #tpu.memory_space<vmem>> -> memref<1x1x72x128xf32, #tpu.memory_space<vmem>>
      %dma_wait3A_1325 = tpu.memref_squeeze %dma_wait3A_1324 : memref<1x1x72x128xf32, #tpu.memory_space<vmem>> -> memref<72x128xf32, #tpu.memory_space<vmem>>
      %dma_wait3A_1326 = arith.constant 128 : i32
      %dma_wait3A_1327 = tpu.memref_slice %arg6[%dma_wait3A_1318, %dma_wait3A_1319, %dma_wait3A_1326] : memref<2x16x200xi32, #tpu.memory_space<vmem>> -> memref<1x1x72xi32, #tpu.memory_space<vmem>>
      %dma_wait3A_1328 = tpu.memref_squeeze %dma_wait3A_1327 : memref<1x1x72xi32, #tpu.memory_space<vmem>> -> memref<72xi32, #tpu.memory_space<vmem>>
      %dma_wait3A_1329 = arith.constant 0 : i32
      %dma_wait3A_1330 = arith.constant 0 : i32
      %dma_wait3A_1331 = tpu.memref_slice %arg5[%dma_wait3A_1329, %dma_wait3A_1330] : memref<1000x128xf32, #tpu.memory_space<vmem_shared>> -> memref<1000x128xf32, #tpu.memory_space<vmem_shared>>
      tpu.wait_indirect_dma semaphore(%arg9 : memref<!tpu.dma_semaphore, #tpu.memory_space<semaphore_mem>>) src(%dma_wait3A_1331 : memref<1000x128xf32, #tpu.memory_space<vmem_shared>>) dst(%dma_wait3A_1325 : memref<72x128xf32, #tpu.memory_space<vmem>>)
      %mul3A_1332 = arith.constant 16 : i32
      %mul3A_1333 = arith.muli %add3A_1205, %mul3A_1332 : i32
      %add3A_1334 = arith.addi %mul3A_2, %mul3A_1333 : i32
      %add3A_1335 = arith.constant 0 : i32
      %add3A_1336 = arith.addi %add3A_1334, %add3A_1335 : i32
      %multiple_of3A_1337 = tpu.assume_multiple %add3A_1336, 2 : i32
      %dma_start3A_1338 = arith.constant 0 : i32
      %dma_start3A_1339 = arith.constant 0 : i32
      %dma_start3A_1340 = arith.constant 0 : i32
      %dma_start3A_1341 = arith.constant 0 : i32
      %dma_start3A_1342 = tpu.memref_slice %arg7[%dma_start3A_1338, %dma_start3A_1339, %dma_start3A_1340, %dma_start3A_1341] : memref<2x2x200x128xf32, #tpu.memory_space<vmem>> -> memref<1x2x200x128xf32, #tpu.memory_space<vmem>>
      %dma_start3A_1343 = tpu.memref_squeeze %dma_start3A_1342 : memref<1x2x200x128xf32, #tpu.memory_space<vmem>> -> memref<2x200x128xf32, #tpu.memory_space<vmem>>
      %dma_start3A_1344 = arith.constant 0 : i32
      %dma_start3A_1345 = arith.constant 0 : i32
      %dma_start3A_1346 = tpu.memref_slice %arg4[%multiple_of3A_1337, %dma_start3A_1344, %dma_start3A_1345] : memref<16384x200x128xf32, #tpu.memory_space<hbm>> -> memref<2x200x128xf32, #tpu.memory_space<hbm>>
      %dma_start3A_1347 = arith.constant 0 : i32
      %dma_start3A_1348 = arith.constant 0 : i32
      %dma_start3A_1349 = tpu.memref_slice %arg4[%multiple_of3A_1337, %dma_start3A_1347, %dma_start3A_1348] : memref<16384x200x128xf32, #tpu.memory_space<hbm>> -> memref<2x200x128xf32, #tpu.memory_space<hbm>>
      %dma_start3A_1350 = arith.constant 0 : i32
      %dma_start3A_1351 = arith.constant 0 : i32
      %dma_start3A_1352 = arith.constant 0 : i32
      %dma_start3A_1353 = tpu.memref_slice %arg7[%dma_start3A_1338, %dma_start3A_1350, %dma_start3A_1351, %dma_start3A_1352] : memref<2x2x200x128xf32, #tpu.memory_space<vmem>> -> memref<1x2x200x128xf32, #tpu.memory_space<vmem>>
      %dma_start3A_1354 = tpu.memref_squeeze %dma_start3A_1353 : memref<1x2x200x128xf32, #tpu.memory_space<vmem>> -> memref<2x200x128xf32, #tpu.memory_space<vmem>>
      tpu.enqueue_dma source(%dma_start3A_1354 : memref<2x200x128xf32, #tpu.memory_space<vmem>>) target(%dma_start3A_1349 : memref<2x200x128xf32, #tpu.memory_space<hbm>>) target_semaphore(%arg11 : memref<!tpu.dma_semaphore, #tpu.memory_space<semaphore_mem>>)
      %gt3A_1355 = arith.constant 0 : i32
      %gt3A_1356 = arith.cmpi sgt, %add3A_1205, %gt3A_1355 : i32
      %or3A_1357 = arith.constant false
      %or3A_1358 = arith.ori %gt3A_1356, %or3A_1357 : i1
      %convert_element_type3A_1359 = arith.extui %or3A_1358 : i1 to i32
      %cond3A_1360 = arith.constant 0 : i32
      %cond3A_1361 = arith.cmpi ne, %convert_element_type3A_1359, %cond3A_1360 : i32
      scf.if %cond3A_1361 {
        %sub3A = arith.constant 1 : i32
        %sub3A_2356 = arith.subi %add3A_1205, %sub3A : i32
        %mul3A_2357 = arith.constant 16 : i32
        %mul3A_2358 = arith.muli %sub3A_2356, %mul3A_2357 : i32
        %add3A_2359 = arith.addi %mul3A_2, %mul3A_2358 : i32
        %add3A_2360 = arith.constant 14 : i32
        %add3A_2361 = arith.addi %add3A_2359, %add3A_2360 : i32
        %multiple_of3A_2362 = tpu.assume_multiple %add3A_2361, 2 : i32
        %dma_wait3A_2363 = arith.constant 1 : i32
        %dma_wait3A_2364 = arith.constant 0 : i32
        %dma_wait3A_2365 = arith.constant 0 : i32
        %dma_wait3A_2366 = arith.constant 0 : i32
        %dma_wait3A_2367 = tpu.memref_slice %arg7[%dma_wait3A_2363, %dma_wait3A_2364, %dma_wait3A_2365, %dma_wait3A_2366] : memref<2x2x200x128xf32, #tpu.memory_space<vmem>> -> memref<1x2x200x128xf32, #tpu.memory_space<vmem>>
        %dma_wait3A_2368 = tpu.memref_squeeze %dma_wait3A_2367 : memref<1x2x200x128xf32, #tpu.memory_space<vmem>> -> memref<2x200x128xf32, #tpu.memory_space<vmem>>
        %dma_wait3A_2369 = arith.constant 0 : i32
        %dma_wait3A_2370 = arith.constant 0 : i32
        %dma_wait3A_2371 = tpu.memref_slice %arg4[%multiple_of3A_2362, %dma_wait3A_2369, %dma_wait3A_2370] : memref<16384x200x128xf32, #tpu.memory_space<hbm>> -> memref<2x200x128xf32, #tpu.memory_space<hbm>>
        %dma_wait3A_2372 = arith.constant 0 : i32
        %dma_wait3A_2373 = arith.constant 0 : i32
        %dma_wait3A_2374 = tpu.memref_slice %arg4[%multiple_of3A_2362, %dma_wait3A_2372, %dma_wait3A_2373] : memref<16384x200x128xf32, #tpu.memory_space<hbm>> -> memref<2x200x128xf32, #tpu.memory_space<hbm>>
        %dma_wait3A_2375 = arith.constant 0 : i32
        %dma_wait3A_2376 = arith.constant 0 : i32
        %dma_wait3A_2377 = arith.constant 0 : i32
        %dma_wait3A_2378 = tpu.memref_slice %arg7[%dma_wait3A_2363, %dma_wait3A_2375, %dma_wait3A_2376, %dma_wait3A_2377] : memref<2x2x200x128xf32, #tpu.memory_space<vmem>> -> memref<1x2x200x128xf32, #tpu.memory_space<vmem>>
        %dma_wait3A_2379 = tpu.memref_squeeze %dma_wait3A_2378 : memref<1x2x200x128xf32, #tpu.memory_space<vmem>> -> memref<2x200x128xf32, #tpu.memory_space<vmem>>
        tpu.wait_dma2 semaphore(%arg12 : memref<!tpu.dma_semaphore, #tpu.memory_space<semaphore_mem>>) src(%dma_wait3A_2379 : memref<2x200x128xf32, #tpu.memory_space<vmem>>) dst(%dma_wait3A_2374 : memref<2x200x128xf32, #tpu.memory_space<hbm>>)
      } else {
      }
      %dma_start3A_1362 = arith.constant 1 : i32
      %dma_start3A_1363 = arith.constant 2 : i32
      %dma_start3A_1364 = arith.constant 1 : i32
      %dma_start3A_1365 = arith.constant 0 : i32
      %dma_start3A_1366 = arith.constant 0 : i32
      %dma_start3A_1367 = arith.constant 0 : i32
      %dma_start3A_1368 = tpu.memref_slice %arg7[%dma_start3A_1364, %dma_start3A_1365, %dma_start3A_1366, %dma_start3A_1367] : memref<2x2x200x128xf32, #tpu.memory_space<vmem>> -> memref<1x1x128x128xf32, #tpu.memory_space<vmem>>
      %dma_start3A_1369 = tpu.memref_squeeze %dma_start3A_1368 : memref<1x1x128x128xf32, #tpu.memory_space<vmem>> -> memref<128x128xf32, #tpu.memory_space<vmem>>
      %dma_start3A_1370 = arith.constant 0 : i32
      %dma_start3A_1371 = tpu.memref_slice %arg6[%dma_start3A_1362, %dma_start3A_1363, %dma_start3A_1370] : memref<2x16x200xi32, #tpu.memory_space<vmem>> -> memref<1x1x128xi32, #tpu.memory_space<vmem>>
      %dma_start3A_1372 = tpu.memref_squeeze %dma_start3A_1371 : memref<1x1x128xi32, #tpu.memory_space<vmem>> -> memref<128xi32, #tpu.memory_space<vmem>>
      %dma_start3A_1373 = arith.constant 0 : i32
      %dma_start3A_1374 = arith.constant 0 : i32
      %dma_start3A_1375 = tpu.memref_slice %arg5[%dma_start3A_1373, %dma_start3A_1374] : memref<1000x128xf32, #tpu.memory_space<vmem_shared>> -> memref<1000x128xf32, #tpu.memory_space<vmem_shared>>
      tpu.enqueue_indirect_dma source(%dma_start3A_1375 : memref<1000x128xf32, #tpu.memory_space<vmem_shared>>) target(%dma_start3A_1369 : memref<128x128xf32, #tpu.memory_space<vmem>>) offsets(%dma_start3A_1372 : memref<128xi32, #tpu.memory_space<vmem>>) semaphore(%arg10 : memref<!tpu.dma_semaphore, #tpu.memory_space<semaphore_mem>>)
      %dma_start3A_1376 = arith.constant 1 : i32
      %dma_start3A_1377 = arith.constant 2 : i32
      %dma_start3A_1378 = arith.constant 1 : i32
      %dma_start3A_1379 = arith.constant 0 : i32
      %dma_start3A_1380 = arith.constant 128 : i32
      %dma_start3A_1381 = arith.constant 0 : i32
      %dma_start3A_1382 = tpu.memref_slice %arg7[%dma_start3A_1378, %dma_start3A_1379, %dma_start3A_1380, %dma_start3A_1381] : memref<2x2x200x128xf32, #tpu.memory_space<vmem>> -> memref<1x1x72x128xf32, #tpu.memory_space<vmem>>
      %dma_start3A_1383 = tpu.memref_squeeze %dma_start3A_1382 : memref<1x1x72x128xf32, #tpu.memory_space<vmem>> -> memref<72x128xf32, #tpu.memory_space<vmem>>
      %dma_start3A_1384 = arith.constant 128 : i32
      %dma_start3A_1385 = tpu.memref_slice %arg6[%dma_start3A_1376, %dma_start3A_1377, %dma_start3A_1384] : memref<2x16x200xi32, #tpu.memory_space<vmem>> -> memref<1x1x72xi32, #tpu.memory_space<vmem>>
      %dma_start3A_1386 = tpu.memref_squeeze %dma_start3A_1385 : memref<1x1x72xi32, #tpu.memory_space<vmem>> -> memref<72xi32, #tpu.memory_space<vmem>>
      %dma_start3A_1387 = arith.constant 0 : i32
      %dma_start3A_1388 = arith.constant 0 : i32
      %dma_start3A_1389 = tpu.memref_slice %arg5[%dma_start3A_1387, %dma_start3A_1388] : memref<1000x128xf32, #tpu.memory_space<vmem_shared>> -> memref<1000x128xf32, #tpu.memory_space<vmem_shared>>
      tpu.enqueue_indirect_dma source(%dma_start3A_1389 : memref<1000x128xf32, #tpu.memory_space<vmem_shared>>) target(%dma_start3A_1383 : memref<72x128xf32, #tpu.memory_space<vmem>>) offsets(%dma_start3A_1386 : memref<72xi32, #tpu.memory_space<vmem>>) semaphore(%arg10 : memref<!tpu.dma_semaphore, #tpu.memory_space<semaphore_mem>>)
      %dma_start3A_1390 = arith.constant 1 : i32
      %dma_start3A_1391 = arith.constant 3 : i32
      %dma_start3A_1392 = arith.constant 1 : i32
      %dma_start3A_1393 = arith.constant 1 : i32
      %dma_start3A_1394 = arith.constant 0 : i32
      %dma_start3A_1395 = arith.constant 0 : i32
      %dma_start3A_1396 = tpu.memref_slice %arg7[%dma_start3A_1392, %dma_start3A_1393, %dma_start3A_1394, %dma_start3A_1395] : memref<2x2x200x128xf32, #tpu.memory_space<vmem>> -> memref<1x1x128x128xf32, #tpu.memory_space<vmem>>
      %dma_start3A_1397 = tpu.memref_squeeze %dma_start3A_1396 : memref<1x1x128x128xf32, #tpu.memory_space<vmem>> -> memref<128x128xf32, #tpu.memory_space<vmem>>
      %dma_start3A_1398 = arith.constant 0 : i32
      %dma_start3A_1399 = tpu.memref_slice %arg6[%dma_start3A_1390, %dma_start3A_1391, %dma_start3A_1398] : memref<2x16x200xi32, #tpu.memory_space<vmem>> -> memref<1x1x128xi32, #tpu.memory_space<vmem>>
      %dma_start3A_1400 = tpu.memref_squeeze %dma_start3A_1399 : memref<1x1x128xi32, #tpu.memory_space<vmem>> -> memref<128xi32, #tpu.memory_space<vmem>>
      %dma_start3A_1401 = arith.constant 0 : i32
      %dma_start3A_1402 = arith.constant 0 : i32
      %dma_start3A_1403 = tpu.memref_slice %arg5[%dma_start3A_1401, %dma_start3A_1402] : memref<1000x128xf32, #tpu.memory_space<vmem_shared>> -> memref<1000x128xf32, #tpu.memory_space<vmem_shared>>
      tpu.enqueue_indirect_dma source(%dma_start3A_1403 : memref<1000x128xf32, #tpu.memory_space<vmem_shared>>) target(%dma_start3A_1397 : memref<128x128xf32, #tpu.memory_space<vmem>>) offsets(%dma_start3A_1400 : memref<128xi32, #tpu.memory_space<vmem>>) semaphore(%arg10 : memref<!tpu.dma_semaphore, #tpu.memory_space<semaphore_mem>>)
      %dma_start3A_1404 = arith.constant 1 : i32
      %dma_start3A_1405 = arith.constant 3 : i32
      %dma_start3A_1406 = arith.constant 1 : i32
      %dma_start3A_1407 = arith.constant 1 : i32
      %dma_start3A_1408 = arith.constant 128 : i32
      %dma_start3A_1409 = arith.constant 0 : i32
      %dma_start3A_1410 = tpu.memref_slice %arg7[%dma_start3A_1406, %dma_start3A_1407, %dma_start3A_1408, %dma_start3A_1409] : memref<2x2x200x128xf32, #tpu.memory_space<vmem>> -> memref<1x1x72x128xf32, #tpu.memory_space<vmem>>
      %dma_start3A_1411 = tpu.memref_squeeze %dma_start3A_1410 : memref<1x1x72x128xf32, #tpu.memory_space<vmem>> -> memref<72x128xf32, #tpu.memory_space<vmem>>
      %dma_start3A_1412 = arith.constant 128 : i32
      %dma_start3A_1413 = tpu.memref_slice %arg6[%dma_start3A_1404, %dma_start3A_1405, %dma_start3A_1412] : memref<2x16x200xi32, #tpu.memory_space<vmem>> -> memref<1x1x72xi32, #tpu.memory_space<vmem>>
      %dma_start3A_1414 = tpu.memref_squeeze %dma_start3A_1413 : memref<1x1x72xi32, #tpu.memory_space<vmem>> -> memref<72xi32, #tpu.memory_space<vmem>>
      %dma_start3A_1415 = arith.constant 0 : i32
      %dma_start3A_1416 = arith.constant 0 : i32
      %dma_start3A_1417 = tpu.memref_slice %arg5[%dma_start3A_1415, %dma_start3A_1416] : memref<1000x128xf32, #tpu.memory_space<vmem_shared>> -> memref<1000x128xf32, #tpu.memory_space<vmem_shared>>
      tpu.enqueue_indirect_dma source(%dma_start3A_1417 : memref<1000x128xf32, #tpu.memory_space<vmem_shared>>) target(%dma_start3A_1411 : memref<72x128xf32, #tpu.memory_space<vmem>>) offsets(%dma_start3A_1414 : memref<72xi32, #tpu.memory_space<vmem>>) semaphore(%arg10 : memref<!tpu.dma_semaphore, #tpu.memory_space<semaphore_mem>>)
      %dma_wait3A_1418 = arith.constant 1 : i32
      %dma_wait3A_1419 = arith.constant 2 : i32
      %dma_wait3A_1420 = arith.constant 1 : i32
      %dma_wait3A_1421 = arith.constant 0 : i32
      %dma_wait3A_1422 = arith.constant 0 : i32
      %dma_wait3A_1423 = arith.constant 0 : i32
      %dma_wait3A_1424 = tpu.memref_slice %arg7[%dma_wait3A_1420, %dma_wait3A_1421, %dma_wait3A_1422, %dma_wait3A_1423] : memref<2x2x200x128xf32, #tpu.memory_space<vmem>> -> memref<1x1x128x128xf32, #tpu.memory_space<vmem>>
      %dma_wait3A_1425 = tpu.memref_squeeze %dma_wait3A_1424 : memref<1x1x128x128xf32, #tpu.memory_space<vmem>> -> memref<128x128xf32, #tpu.memory_space<vmem>>
      %dma_wait3A_1426 = arith.constant 0 : i32
      %dma_wait3A_1427 = tpu.memref_slice %arg6[%dma_wait3A_1418, %dma_wait3A_1419, %dma_wait3A_1426] : memref<2x16x200xi32, #tpu.memory_space<vmem>> -> memref<1x1x128xi32, #tpu.memory_space<vmem>>
      %dma_wait3A_1428 = tpu.memref_squeeze %dma_wait3A_1427 : memref<1x1x128xi32, #tpu.memory_space<vmem>> -> memref<128xi32, #tpu.memory_space<vmem>>
      %dma_wait3A_1429 = arith.constant 0 : i32
      %dma_wait3A_1430 = arith.constant 0 : i32
      %dma_wait3A_1431 = tpu.memref_slice %arg5[%dma_wait3A_1429, %dma_wait3A_1430] : memref<1000x128xf32, #tpu.memory_space<vmem_shared>> -> memref<1000x128xf32, #tpu.memory_space<vmem_shared>>
      tpu.wait_indirect_dma semaphore(%arg10 : memref<!tpu.dma_semaphore, #tpu.memory_space<semaphore_mem>>) src(%dma_wait3A_1431 : memref<1000x128xf32, #tpu.memory_space<vmem_shared>>) dst(%dma_wait3A_1425 : memref<128x128xf32, #tpu.memory_space<vmem>>)
      %dma_wait3A_1432 = arith.constant 1 : i32
      %dma_wait3A_1433 = arith.constant 2 : i32
      %dma_wait3A_1434 = arith.constant 1 : i32
      %dma_wait3A_1435 = arith.constant 0 : i32
      %dma_wait3A_1436 = arith.constant 128 : i32
      %dma_wait3A_1437 = arith.constant 0 : i32
      %dma_wait3A_1438 = tpu.memref_slice %arg7[%dma_wait3A_1434, %dma_wait3A_1435, %dma_wait3A_1436, %dma_wait3A_1437] : memref<2x2x200x128xf32, #tpu.memory_space<vmem>> -> memref<1x1x72x128xf32, #tpu.memory_space<vmem>>
      %dma_wait3A_1439 = tpu.memref_squeeze %dma_wait3A_1438 : memref<1x1x72x128xf32, #tpu.memory_space<vmem>> -> memref<72x128xf32, #tpu.memory_space<vmem>>
      %dma_wait3A_1440 = arith.constant 128 : i32
      %dma_wait3A_1441 = tpu.memref_slice %arg6[%dma_wait3A_1432, %dma_wait3A_1433, %dma_wait3A_1440] : memref<2x16x200xi32, #tpu.memory_space<vmem>> -> memref<1x1x72xi32, #tpu.memory_space<vmem>>
      %dma_wait3A_1442 = tpu.memref_squeeze %dma_wait3A_1441 : memref<1x1x72xi32, #tpu.memory_space<vmem>> -> memref<72xi32, #tpu.memory_space<vmem>>
      %dma_wait3A_1443 = arith.constant 0 : i32
      %dma_wait3A_1444 = arith.constant 0 : i32
      %dma_wait3A_1445 = tpu.memref_slice %arg5[%dma_wait3A_1443, %dma_wait3A_1444] : memref<1000x128xf32, #tpu.memory_space<vmem_shared>> -> memref<1000x128xf32, #tpu.memory_space<vmem_shared>>
      tpu.wait_indirect_dma semaphore(%arg10 : memref<!tpu.dma_semaphore, #tpu.memory_space<semaphore_mem>>) src(%dma_wait3A_1445 : memref<1000x128xf32, #tpu.memory_space<vmem_shared>>) dst(%dma_wait3A_1439 : memref<72x128xf32, #tpu.memory_space<vmem>>)
      %dma_wait3A_1446 = arith.constant 1 : i32
      %dma_wait3A_1447 = arith.constant 3 : i32
      %dma_wait3A_1448 = arith.constant 1 : i32
      %dma_wait3A_1449 = arith.constant 1 : i32
      %dma_wait3A_1450 = arith.constant 0 : i32
      %dma_wait3A_1451 = arith.constant 0 : i32
      %dma_wait3A_1452 = tpu.memref_slice %arg7[%dma_wait3A_1448, %dma_wait3A_1449, %dma_wait3A_1450, %dma_wait3A_1451] : memref<2x2x200x128xf32, #tpu.memory_space<vmem>> -> memref<1x1x128x128xf32, #tpu.memory_space<vmem>>
      %dma_wait3A_1453 = tpu.memref_squeeze %dma_wait3A_1452 : memref<1x1x128x128xf32, #tpu.memory_space<vmem>> -> memref<128x128xf32, #tpu.memory_space<vmem>>
      %dma_wait3A_1454 = arith.constant 0 : i32
      %dma_wait3A_1455 = tpu.memref_slice %arg6[%dma_wait3A_1446, %dma_wait3A_1447, %dma_wait3A_1454] : memref<2x16x200xi32, #tpu.memory_space<vmem>> -> memref<1x1x128xi32, #tpu.memory_space<vmem>>
      %dma_wait3A_1456 = tpu.memref_squeeze %dma_wait3A_1455 : memref<1x1x128xi32, #tpu.memory_space<vmem>> -> memref<128xi32, #tpu.memory_space<vmem>>
      %dma_wait3A_1457 = arith.constant 0 : i32
      %dma_wait3A_1458 = arith.constant 0 : i32
      %dma_wait3A_1459 = tpu.memref_slice %arg5[%dma_wait3A_1457, %dma_wait3A_1458] : memref<1000x128xf32, #tpu.memory_space<vmem_shared>> -> memref<1000x128xf32, #tpu.memory_space<vmem_shared>>
      tpu.wait_indirect_dma semaphore(%arg10 : memref<!tpu.dma_semaphore, #tpu.memory_space<semaphore_mem>>) src(%dma_wait3A_1459 : memref<1000x128xf32, #tpu.memory_space<vmem_shared>>) dst(%dma_wait3A_1453 : memref<128x128xf32, #tpu.memory_space<vmem>>)
      %dma_wait3A_1460 = arith.constant 1 : i32
      %dma_wait3A_1461 = arith.constant 3 : i32
      %dma_wait3A_1462 = arith.constant 1 : i32
      %dma_wait3A_1463 = arith.constant 1 : i32
      %dma_wait3A_1464 = arith.constant 128 : i32
      %dma_wait3A_1465 = arith.constant 0 : i32
      %dma_wait3A_1466 = tpu.memref_slice %arg7[%dma_wait3A_1462, %dma_wait3A_1463, %dma_wait3A_1464, %dma_wait3A_1465] : memref<2x2x200x128xf32, #tpu.memory_space<vmem>> -> memref<1x1x72x128xf32, #tpu.memory_space<vmem>>
      %dma_wait3A_1467 = tpu.memref_squeeze %dma_wait3A_1466 : memref<1x1x72x128xf32, #tpu.memory_space<vmem>> -> memref<72x128xf32, #tpu.memory_space<vmem>>
      %dma_wait3A_1468 = arith.constant 128 : i32
      %dma_wait3A_1469 = tpu.memref_slice %arg6[%dma_wait3A_1460, %dma_wait3A_1461, %dma_wait3A_1468] : memref<2x16x200xi32, #tpu.memory_space<vmem>> -> memref<1x1x72xi32, #tpu.memory_space<vmem>>
      %dma_wait3A_1470 = tpu.memref_squeeze %dma_wait3A_1469 : memref<1x1x72xi32, #tpu.memory_space<vmem>> -> memref<72xi32, #tpu.memory_space<vmem>>
      %dma_wait3A_1471 = arith.constant 0 : i32
      %dma_wait3A_1472 = arith.constant 0 : i32
      %dma_wait3A_1473 = tpu.memref_slice %arg5[%dma_wait3A_1471, %dma_wait3A_1472] : memref<1000x128xf32, #tpu.memory_space<vmem_shared>> -> memref<1000x128xf32, #tpu.memory_space<vmem_shared>>
      tpu.wait_indirect_dma semaphore(%arg10 : memref<!tpu.dma_semaphore, #tpu.memory_space<semaphore_mem>>) src(%dma_wait3A_1473 : memref<1000x128xf32, #tpu.memory_space<vmem_shared>>) dst(%dma_wait3A_1467 : memref<72x128xf32, #tpu.memory_space<vmem>>)
      %mul3A_1474 = arith.constant 16 : i32
      %mul3A_1475 = arith.muli %add3A_1205, %mul3A_1474 : i32
      %add3A_1476 = arith.addi %mul3A_2, %mul3A_1475 : i32
      %add3A_1477 = arith.constant 2 : i32
      %add3A_1478 = arith.addi %add3A_1476, %add3A_1477 : i32
      %multiple_of3A_1479 = tpu.assume_multiple %add3A_1478, 2 : i32
      %dma_start3A_1480 = arith.constant 1 : i32
      %dma_start3A_1481 = arith.constant 0 : i32
      %dma_start3A_1482 = arith.constant 0 : i32
      %dma_start3A_1483 = arith.constant 0 : i32
      %dma_start3A_1484 = tpu.memref_slice %arg7[%dma_start3A_1480, %dma_start3A_1481, %dma_start3A_1482, %dma_start3A_1483] : memref<2x2x200x128xf32, #tpu.memory_space<vmem>> -> memref<1x2x200x128xf32, #tpu.memory_space<vmem>>
      %dma_start3A_1485 = tpu.memref_squeeze %dma_start3A_1484 : memref<1x2x200x128xf32, #tpu.memory_space<vmem>> -> memref<2x200x128xf32, #tpu.memory_space<vmem>>
      %dma_start3A_1486 = arith.constant 0 : i32
      %dma_start3A_1487 = arith.constant 0 : i32
      %dma_start3A_1488 = tpu.memref_slice %arg4[%multiple_of3A_1479, %dma_start3A_1486, %dma_start3A_1487] : memref<16384x200x128xf32, #tpu.memory_space<hbm>> -> memref<2x200x128xf32, #tpu.memory_space<hbm>>
      %dma_start3A_1489 = arith.constant 0 : i32
      %dma_start3A_1490 = arith.constant 0 : i32
      %dma_start3A_1491 = tpu.memref_slice %arg4[%multiple_of3A_1479, %dma_start3A_1489, %dma_start3A_1490] : memref<16384x200x128xf32, #tpu.memory_space<hbm>> -> memref<2x200x128xf32, #tpu.memory_space<hbm>>
      %dma_start3A_1492 = arith.constant 0 : i32
      %dma_start3A_1493 = arith.constant 0 : i32
      %dma_start3A_1494 = arith.constant 0 : i32
      %dma_start3A_1495 = tpu.memref_slice %arg7[%dma_start3A_1480, %dma_start3A_1492, %dma_start3A_1493, %dma_start3A_1494] : memref<2x2x200x128xf32, #tpu.memory_space<vmem>> -> memref<1x2x200x128xf32, #tpu.memory_space<vmem>>
      %dma_start3A_1496 = tpu.memref_squeeze %dma_start3A_1495 : memref<1x2x200x128xf32, #tpu.memory_space<vmem>> -> memref<2x200x128xf32, #tpu.memory_space<vmem>>
      tpu.enqueue_dma source(%dma_start3A_1496 : memref<2x200x128xf32, #tpu.memory_space<vmem>>) target(%dma_start3A_1491 : memref<2x200x128xf32, #tpu.memory_space<hbm>>) target_semaphore(%arg12 : memref<!tpu.dma_semaphore, #tpu.memory_space<semaphore_mem>>)
      %gt3A_1497 = arith.constant 0 : i32
      %gt3A_1498 = arith.cmpi sgt, %add3A_1205, %gt3A_1497 : i32
      %or3A_1499 = arith.constant true
      %or3A_1500 = arith.ori %gt3A_1498, %or3A_1499 : i1
      %convert_element_type3A_1501 = arith.extui %or3A_1500 : i1 to i32
      %cond3A_1502 = arith.constant 0 : i32
      %cond3A_1503 = arith.cmpi ne, %convert_element_type3A_1501, %cond3A_1502 : i32
      scf.if %cond3A_1503 {
        %mul3A_2356 = arith.constant 16 : i32
        %mul3A_2357 = arith.muli %add3A_1205, %mul3A_2356 : i32
        %add3A_2358 = arith.addi %mul3A_2, %mul3A_2357 : i32
        %add3A_2359 = arith.constant 0 : i32
        %add3A_2360 = arith.addi %add3A_2358, %add3A_2359 : i32
        %multiple_of3A_2361 = tpu.assume_multiple %add3A_2360, 2 : i32
        %dma_wait3A_2362 = arith.constant 0 : i32
        %dma_wait3A_2363 = arith.constant 0 : i32
        %dma_wait3A_2364 = arith.constant 0 : i32
        %dma_wait3A_2365 = arith.constant 0 : i32
        %dma_wait3A_2366 = tpu.memref_slice %arg7[%dma_wait3A_2362, %dma_wait3A_2363, %dma_wait3A_2364, %dma_wait3A_2365] : memref<2x2x200x128xf32, #tpu.memory_space<vmem>> -> memref<1x2x200x128xf32, #tpu.memory_space<vmem>>
        %dma_wait3A_2367 = tpu.memref_squeeze %dma_wait3A_2366 : memref<1x2x200x128xf32, #tpu.memory_space<vmem>> -> memref<2x200x128xf32, #tpu.memory_space<vmem>>
        %dma_wait3A_2368 = arith.constant 0 : i32
        %dma_wait3A_2369 = arith.constant 0 : i32
        %dma_wait3A_2370 = tpu.memref_slice %arg4[%multiple_of3A_2361, %dma_wait3A_2368, %dma_wait3A_2369] : memref<16384x200x128xf32, #tpu.memory_space<hbm>> -> memref<2x200x128xf32, #tpu.memory_space<hbm>>
        %dma_wait3A_2371 = arith.constant 0 : i32
        %dma_wait3A_2372 = arith.constant 0 : i32
        %dma_wait3A_2373 = tpu.memref_slice %arg4[%multiple_of3A_2361, %dma_wait3A_2371, %dma_wait3A_2372] : memref<16384x200x128xf32, #tpu.memory_space<hbm>> -> memref<2x200x128xf32, #tpu.memory_space<hbm>>
        %dma_wait3A_2374 = arith.constant 0 : i32
        %dma_wait3A_2375 = arith.constant 0 : i32
        %dma_wait3A_2376 = arith.constant 0 : i32
        %dma_wait3A_2377 = tpu.memref_slice %arg7[%dma_wait3A_2362, %dma_wait3A_2374, %dma_wait3A_2375, %dma_wait3A_2376] : memref<2x2x200x128xf32, #tpu.memory_space<vmem>> -> memref<1x2x200x128xf32, #tpu.memory_space<vmem>>
        %dma_wait3A_2378 = tpu.memref_squeeze %dma_wait3A_2377 : memref<1x2x200x128xf32, #tpu.memory_space<vmem>> -> memref<2x200x128xf32, #tpu.memory_space<vmem>>
        tpu.wait_dma2 semaphore(%arg11 : memref<!tpu.dma_semaphore, #tpu.memory_space<semaphore_mem>>) src(%dma_wait3A_2378 : memref<2x200x128xf32, #tpu.memory_space<vmem>>) dst(%dma_wait3A_2373 : memref<2x200x128xf32, #tpu.memory_space<hbm>>)
      } else {
      }
      %dma_start3A_1504 = arith.constant 1 : i32
      %dma_start3A_1505 = arith.constant 4 : i32
      %dma_start3A_1506 = arith.constant 0 : i32
      %dma_start3A_1507 = arith.constant 0 : i32
      %dma_start3A_1508 = arith.constant 0 : i32
      %dma_start3A_1509 = arith.constant 0 : i32
      %dma_start3A_1510 = tpu.memref_slice %arg7[%dma_start3A_1506, %dma_start3A_1507, %dma_start3A_1508, %dma_start3A_1509] : memref<2x2x200x128xf32, #tpu.memory_space<vmem>> -> memref<1x1x128x128xf32, #tpu.memory_space<vmem>>
      %dma_start3A_1511 = tpu.memref_squeeze %dma_start3A_1510 : memref<1x1x128x128xf32, #tpu.memory_space<vmem>> -> memref<128x128xf32, #tpu.memory_space<vmem>>
      %dma_start3A_1512 = arith.constant 0 : i32
      %dma_start3A_1513 = tpu.memref_slice %arg6[%dma_start3A_1504, %dma_start3A_1505, %dma_start3A_1512] : memref<2x16x200xi32, #tpu.memory_space<vmem>> -> memref<1x1x128xi32, #tpu.memory_space<vmem>>
      %dma_start3A_1514 = tpu.memref_squeeze %dma_start3A_1513 : memref<1x1x128xi32, #tpu.memory_space<vmem>> -> memref<128xi32, #tpu.memory_space<vmem>>
      %dma_start3A_1515 = arith.constant 0 : i32
      %dma_start3A_1516 = arith.constant 0 : i32
      %dma_start3A_1517 = tpu.memref_slice %arg5[%dma_start3A_1515, %dma_start3A_1516] : memref<1000x128xf32, #tpu.memory_space<vmem_shared>> -> memref<1000x128xf32, #tpu.memory_space<vmem_shared>>
      tpu.enqueue_indirect_dma source(%dma_start3A_1517 : memref<1000x128xf32, #tpu.memory_space<vmem_shared>>) target(%dma_start3A_1511 : memref<128x128xf32, #tpu.memory_space<vmem>>) offsets(%dma_start3A_1514 : memref<128xi32, #tpu.memory_space<vmem>>) semaphore(%arg9 : memref<!tpu.dma_semaphore, #tpu.memory_space<semaphore_mem>>)
      %dma_start3A_1518 = arith.constant 1 : i32
      %dma_start3A_1519 = arith.constant 4 : i32
      %dma_start3A_1520 = arith.constant 0 : i32
      %dma_start3A_1521 = arith.constant 0 : i32
      %dma_start3A_1522 = arith.constant 128 : i32
      %dma_start3A_1523 = arith.constant 0 : i32
      %dma_start3A_1524 = tpu.memref_slice %arg7[%dma_start3A_1520, %dma_start3A_1521, %dma_start3A_1522, %dma_start3A_1523] : memref<2x2x200x128xf32, #tpu.memory_space<vmem>> -> memref<1x1x72x128xf32, #tpu.memory_space<vmem>>
      %dma_start3A_1525 = tpu.memref_squeeze %dma_start3A_1524 : memref<1x1x72x128xf32, #tpu.memory_space<vmem>> -> memref<72x128xf32, #tpu.memory_space<vmem>>
      %dma_start3A_1526 = arith.constant 128 : i32
      %dma_start3A_1527 = tpu.memref_slice %arg6[%dma_start3A_1518, %dma_start3A_1519, %dma_start3A_1526] : memref<2x16x200xi32, #tpu.memory_space<vmem>> -> memref<1x1x72xi32, #tpu.memory_space<vmem>>
      %dma_start3A_1528 = tpu.memref_squeeze %dma_start3A_1527 : memref<1x1x72xi32, #tpu.memory_space<vmem>> -> memref<72xi32, #tpu.memory_space<vmem>>
      %dma_start3A_1529 = arith.constant 0 : i32
      %dma_start3A_1530 = arith.constant 0 : i32
      %dma_start3A_1531 = tpu.memref_slice %arg5[%dma_start3A_1529, %dma_start3A_1530] : memref<1000x128xf32, #tpu.memory_space<vmem_shared>> -> memref<1000x128xf32, #tpu.memory_space<vmem_shared>>
      tpu.enqueue_indirect_dma source(%dma_start3A_1531 : memref<1000x128xf32, #tpu.memory_space<vmem_shared>>) target(%dma_start3A_1525 : memref<72x128xf32, #tpu.memory_space<vmem>>) offsets(%dma_start3A_1528 : memref<72xi32, #tpu.memory_space<vmem>>) semaphore(%arg9 : memref<!tpu.dma_semaphore, #tpu.memory_space<semaphore_mem>>)
      %dma_start3A_1532 = arith.constant 1 : i32
      %dma_start3A_1533 = arith.constant 5 : i32
      %dma_start3A_1534 = arith.constant 0 : i32
      %dma_start3A_1535 = arith.constant 1 : i32
      %dma_start3A_1536 = arith.constant 0 : i32
      %dma_start3A_1537 = arith.constant 0 : i32
      %dma_start3A_1538 = tpu.memref_slice %arg7[%dma_start3A_1534, %dma_start3A_1535, %dma_start3A_1536, %dma_start3A_1537] : memref<2x2x200x128xf32, #tpu.memory_space<vmem>> -> memref<1x1x128x128xf32, #tpu.memory_space<vmem>>
      %dma_start3A_1539 = tpu.memref_squeeze %dma_start3A_1538 : memref<1x1x128x128xf32, #tpu.memory_space<vmem>> -> memref<128x128xf32, #tpu.memory_space<vmem>>
      %dma_start3A_1540 = arith.constant 0 : i32
      %dma_start3A_1541 = tpu.memref_slice %arg6[%dma_start3A_1532, %dma_start3A_1533, %dma_start3A_1540] : memref<2x16x200xi32, #tpu.memory_space<vmem>> -> memref<1x1x128xi32, #tpu.memory_space<vmem>>
      %dma_start3A_1542 = tpu.memref_squeeze %dma_start3A_1541 : memref<1x1x128xi32, #tpu.memory_space<vmem>> -> memref<128xi32, #tpu.memory_space<vmem>>
      %dma_start3A_1543 = arith.constant 0 : i32
      %dma_start3A_1544 = arith.constant 0 : i32
      %dma_start3A_1545 = tpu.memref_slice %arg5[%dma_start3A_1543, %dma_start3A_1544] : memref<1000x128xf32, #tpu.memory_space<vmem_shared>> -> memref<1000x128xf32, #tpu.memory_space<vmem_shared>>
      tpu.enqueue_indirect_dma source(%dma_start3A_1545 : memref<1000x128xf32, #tpu.memory_space<vmem_shared>>) target(%dma_start3A_1539 : memref<128x128xf32, #tpu.memory_space<vmem>>) offsets(%dma_start3A_1542 : memref<128xi32, #tpu.memory_space<vmem>>) semaphore(%arg9 : memref<!tpu.dma_semaphore, #tpu.memory_space<semaphore_mem>>)
      %dma_start3A_1546 = arith.constant 1 : i32
      %dma_start3A_1547 = arith.constant 5 : i32
      %dma_start3A_1548 = arith.constant 0 : i32
      %dma_start3A_1549 = arith.constant 1 : i32
      %dma_start3A_1550 = arith.constant 128 : i32
      %dma_start3A_1551 = arith.constant 0 : i32
      %dma_start3A_1552 = tpu.memref_slice %arg7[%dma_start3A_1548, %dma_start3A_1549, %dma_start3A_1550, %dma_start3A_1551] : memref<2x2x200x128xf32, #tpu.memory_space<vmem>> -> memref<1x1x72x128xf32, #tpu.memory_space<vmem>>
      %dma_start3A_1553 = tpu.memref_squeeze %dma_start3A_1552 : memref<1x1x72x128xf32, #tpu.memory_space<vmem>> -> memref<72x128xf32, #tpu.memory_space<vmem>>
      %dma_start3A_1554 = arith.constant 128 : i32
      %dma_start3A_1555 = tpu.memref_slice %arg6[%dma_start3A_1546, %dma_start3A_1547, %dma_start3A_1554] : memref<2x16x200xi32, #tpu.memory_space<vmem>> -> memref<1x1x72xi32, #tpu.memory_space<vmem>>
      %dma_start3A_1556 = tpu.memref_squeeze %dma_start3A_1555 : memref<1x1x72xi32, #tpu.memory_space<vmem>> -> memref<72xi32, #tpu.memory_space<vmem>>
      %dma_start3A_1557 = arith.constant 0 : i32
      %dma_start3A_1558 = arith.constant 0 : i32
      %dma_start3A_1559 = tpu.memref_slice %arg5[%dma_start3A_1557, %dma_start3A_1558] : memref<1000x128xf32, #tpu.memory_space<vmem_shared>> -> memref<1000x128xf32, #tpu.memory_space<vmem_shared>>
      tpu.enqueue_indirect_dma source(%dma_start3A_1559 : memref<1000x128xf32, #tpu.memory_space<vmem_shared>>) target(%dma_start3A_1553 : memref<72x128xf32, #tpu.memory_space<vmem>>) offsets(%dma_start3A_1556 : memref<72xi32, #tpu.memory_space<vmem>>) semaphore(%arg9 : memref<!tpu.dma_semaphore, #tpu.memory_space<semaphore_mem>>)
      %dma_wait3A_1560 = arith.constant 1 : i32
      %dma_wait3A_1561 = arith.constant 4 : i32
      %dma_wait3A_1562 = arith.constant 0 : i32
      %dma_wait3A_1563 = arith.constant 0 : i32
      %dma_wait3A_1564 = arith.constant 0 : i32
      %dma_wait3A_1565 = arith.constant 0 : i32
      %dma_wait3A_1566 = tpu.memref_slice %arg7[%dma_wait3A_1562, %dma_wait3A_1563, %dma_wait3A_1564, %dma_wait3A_1565] : memref<2x2x200x128xf32, #tpu.memory_space<vmem>> -> memref<1x1x128x128xf32, #tpu.memory_space<vmem>>
      %dma_wait3A_1567 = tpu.memref_squeeze %dma_wait3A_1566 : memref<1x1x128x128xf32, #tpu.memory_space<vmem>> -> memref<128x128xf32, #tpu.memory_space<vmem>>
      %dma_wait3A_1568 = arith.constant 0 : i32
      %dma_wait3A_1569 = tpu.memref_slice %arg6[%dma_wait3A_1560, %dma_wait3A_1561, %dma_wait3A_1568] : memref<2x16x200xi32, #tpu.memory_space<vmem>> -> memref<1x1x128xi32, #tpu.memory_space<vmem>>
      %dma_wait3A_1570 = tpu.memref_squeeze %dma_wait3A_1569 : memref<1x1x128xi32, #tpu.memory_space<vmem>> -> memref<128xi32, #tpu.memory_space<vmem>>
      %dma_wait3A_1571 = arith.constant 0 : i32
      %dma_wait3A_1572 = arith.constant 0 : i32
      %dma_wait3A_1573 = tpu.memref_slice %arg5[%dma_wait3A_1571, %dma_wait3A_1572] : memref<1000x128xf32, #tpu.memory_space<vmem_shared>> -> memref<1000x128xf32, #tpu.memory_space<vmem_shared>>
      tpu.wait_indirect_dma semaphore(%arg9 : memref<!tpu.dma_semaphore, #tpu.memory_space<semaphore_mem>>) src(%dma_wait3A_1573 : memref<1000x128xf32, #tpu.memory_space<vmem_shared>>) dst(%dma_wait3A_1567 : memref<128x128xf32, #tpu.memory_space<vmem>>)
      %dma_wait3A_1574 = arith.constant 1 : i32
      %dma_wait3A_1575 = arith.constant 4 : i32
      %dma_wait3A_1576 = arith.constant 0 : i32
      %dma_wait3A_1577 = arith.constant 0 : i32
      %dma_wait3A_1578 = arith.constant 128 : i32
      %dma_wait3A_1579 = arith.constant 0 : i32
      %dma_wait3A_1580 = tpu.memref_slice %arg7[%dma_wait3A_1576, %dma_wait3A_1577, %dma_wait3A_1578, %dma_wait3A_1579] : memref<2x2x200x128xf32, #tpu.memory_space<vmem>> -> memref<1x1x72x128xf32, #tpu.memory_space<vmem>>
      %dma_wait3A_1581 = tpu.memref_squeeze %dma_wait3A_1580 : memref<1x1x72x128xf32, #tpu.memory_space<vmem>> -> memref<72x128xf32, #tpu.memory_space<vmem>>
      %dma_wait3A_1582 = arith.constant 128 : i32
      %dma_wait3A_1583 = tpu.memref_slice %arg6[%dma_wait3A_1574, %dma_wait3A_1575, %dma_wait3A_1582] : memref<2x16x200xi32, #tpu.memory_space<vmem>> -> memref<1x1x72xi32, #tpu.memory_space<vmem>>
      %dma_wait3A_1584 = tpu.memref_squeeze %dma_wait3A_1583 : memref<1x1x72xi32, #tpu.memory_space<vmem>> -> memref<72xi32, #tpu.memory_space<vmem>>
      %dma_wait3A_1585 = arith.constant 0 : i32
      %dma_wait3A_1586 = arith.constant 0 : i32
      %dma_wait3A_1587 = tpu.memref_slice %arg5[%dma_wait3A_1585, %dma_wait3A_1586] : memref<1000x128xf32, #tpu.memory_space<vmem_shared>> -> memref<1000x128xf32, #tpu.memory_space<vmem_shared>>
      tpu.wait_indirect_dma semaphore(%arg9 : memref<!tpu.dma_semaphore, #tpu.memory_space<semaphore_mem>>) src(%dma_wait3A_1587 : memref<1000x128xf32, #tpu.memory_space<vmem_shared>>) dst(%dma_wait3A_1581 : memref<72x128xf32, #tpu.memory_space<vmem>>)
      %dma_wait3A_1588 = arith.constant 1 : i32
      %dma_wait3A_1589 = arith.constant 5 : i32
      %dma_wait3A_1590 = arith.constant 0 : i32
      %dma_wait3A_1591 = arith.constant 1 : i32
      %dma_wait3A_1592 = arith.constant 0 : i32
      %dma_wait3A_1593 = arith.constant 0 : i32
      %dma_wait3A_1594 = tpu.memref_slice %arg7[%dma_wait3A_1590, %dma_wait3A_1591, %dma_wait3A_1592, %dma_wait3A_1593] : memref<2x2x200x128xf32, #tpu.memory_space<vmem>> -> memref<1x1x128x128xf32, #tpu.memory_space<vmem>>
      %dma_wait3A_1595 = tpu.memref_squeeze %dma_wait3A_1594 : memref<1x1x128x128xf32, #tpu.memory_space<vmem>> -> memref<128x128xf32, #tpu.memory_space<vmem>>
      %dma_wait3A_1596 = arith.constant 0 : i32
      %dma_wait3A_1597 = tpu.memref_slice %arg6[%dma_wait3A_1588, %dma_wait3A_1589, %dma_wait3A_1596] : memref<2x16x200xi32, #tpu.memory_space<vmem>> -> memref<1x1x128xi32, #tpu.memory_space<vmem>>
      %dma_wait3A_1598 = tpu.memref_squeeze %dma_wait3A_1597 : memref<1x1x128xi32, #tpu.memory_space<vmem>> -> memref<128xi32, #tpu.memory_space<vmem>>
      %dma_wait3A_1599 = arith.constant 0 : i32
      %dma_wait3A_1600 = arith.constant 0 : i32
      %dma_wait3A_1601 = tpu.memref_slice %arg5[%dma_wait3A_1599, %dma_wait3A_1600] : memref<1000x128xf32, #tpu.memory_space<vmem_shared>> -> memref<1000x128xf32, #tpu.memory_space<vmem_shared>>
      tpu.wait_indirect_dma semaphore(%arg9 : memref<!tpu.dma_semaphore, #tpu.memory_space<semaphore_mem>>) src(%dma_wait3A_1601 : memref<1000x128xf32, #tpu.memory_space<vmem_shared>>) dst(%dma_wait3A_1595 : memref<128x128xf32, #tpu.memory_space<vmem>>)
      %dma_wait3A_1602 = arith.constant 1 : i32
      %dma_wait3A_1603 = arith.constant 5 : i32
      %dma_wait3A_1604 = arith.constant 0 : i32
      %dma_wait3A_1605 = arith.constant 1 : i32
      %dma_wait3A_1606 = arith.constant 128 : i32
      %dma_wait3A_1607 = arith.constant 0 : i32
      %dma_wait3A_1608 = tpu.memref_slice %arg7[%dma_wait3A_1604, %dma_wait3A_1605, %dma_wait3A_1606, %dma_wait3A_1607] : memref<2x2x200x128xf32, #tpu.memory_space<vmem>> -> memref<1x1x72x128xf32, #tpu.memory_space<vmem>>
      %dma_wait3A_1609 = tpu.memref_squeeze %dma_wait3A_1608 : memref<1x1x72x128xf32, #tpu.memory_space<vmem>> -> memref<72x128xf32, #tpu.memory_space<vmem>>
      %dma_wait3A_1610 = arith.constant 128 : i32
      %dma_wait3A_1611 = tpu.memref_slice %arg6[%dma_wait3A_1602, %dma_wait3A_1603, %dma_wait3A_1610] : memref<2x16x200xi32, #tpu.memory_space<vmem>> -> memref<1x1x72xi32, #tpu.memory_space<vmem>>
      %dma_wait3A_1612 = tpu.memref_squeeze %dma_wait3A_1611 : memref<1x1x72xi32, #tpu.memory_space<vmem>> -> memref<72xi32, #tpu.memory_space<vmem>>
      %dma_wait3A_1613 = arith.constant 0 : i32
      %dma_wait3A_1614 = arith.constant 0 : i32
      %dma_wait3A_1615 = tpu.memref_slice %arg5[%dma_wait3A_1613, %dma_wait3A_1614] : memref<1000x128xf32, #tpu.memory_space<vmem_shared>> -> memref<1000x128xf32, #tpu.memory_space<vmem_shared>>
      tpu.wait_indirect_dma semaphore(%arg9 : memref<!tpu.dma_semaphore, #tpu.memory_space<semaphore_mem>>) src(%dma_wait3A_1615 : memref<1000x128xf32, #tpu.memory_space<vmem_shared>>) dst(%dma_wait3A_1609 : memref<72x128xf32, #tpu.memory_space<vmem>>)
      %mul3A_1616 = arith.constant 16 : i32
      %mul3A_1617 = arith.muli %add3A_1205, %mul3A_1616 : i32
      %add3A_1618 = arith.addi %mul3A_2, %mul3A_1617 : i32
      %add3A_1619 = arith.constant 4 : i32
      %add3A_1620 = arith.addi %add3A_1618, %add3A_1619 : i32
      %multiple_of3A_1621 = tpu.assume_multiple %add3A_1620, 2 : i32
      %dma_start3A_1622 = arith.constant 0 : i32
      %dma_start3A_1623 = arith.constant 0 : i32
      %dma_start3A_1624 = arith.constant 0 : i32
      %dma_start3A_1625 = arith.constant 0 : i32
      %dma_start3A_1626 = tpu.memref_slice %arg7[%dma_start3A_1622, %dma_start3A_1623, %dma_start3A_1624, %dma_start3A_1625] : memref<2x2x200x128xf32, #tpu.memory_space<vmem>> -> memref<1x2x200x128xf32, #tpu.memory_space<vmem>>
      %dma_start3A_1627 = tpu.memref_squeeze %dma_start3A_1626 : memref<1x2x200x128xf32, #tpu.memory_space<vmem>> -> memref<2x200x128xf32, #tpu.memory_space<vmem>>
      %dma_start3A_1628 = arith.constant 0 : i32
      %dma_start3A_1629 = arith.constant 0 : i32
      %dma_start3A_1630 = tpu.memref_slice %arg4[%multiple_of3A_1621, %dma_start3A_1628, %dma_start3A_1629] : memref<16384x200x128xf32, #tpu.memory_space<hbm>> -> memref<2x200x128xf32, #tpu.memory_space<hbm>>
      %dma_start3A_1631 = arith.constant 0 : i32
      %dma_start3A_1632 = arith.constant 0 : i32
      %dma_start3A_1633 = tpu.memref_slice %arg4[%multiple_of3A_1621, %dma_start3A_1631, %dma_start3A_1632] : memref<16384x200x128xf32, #tpu.memory_space<hbm>> -> memref<2x200x128xf32, #tpu.memory_space<hbm>>
      %dma_start3A_1634 = arith.constant 0 : i32
      %dma_start3A_1635 = arith.constant 0 : i32
      %dma_start3A_1636 = arith.constant 0 : i32
      %dma_start3A_1637 = tpu.memref_slice %arg7[%dma_start3A_1622, %dma_start3A_1634, %dma_start3A_1635, %dma_start3A_1636] : memref<2x2x200x128xf32, #tpu.memory_space<vmem>> -> memref<1x2x200x128xf32, #tpu.memory_space<vmem>>
      %dma_start3A_1638 = tpu.memref_squeeze %dma_start3A_1637 : memref<1x2x200x128xf32, #tpu.memory_space<vmem>> -> memref<2x200x128xf32, #tpu.memory_space<vmem>>
      tpu.enqueue_dma source(%dma_start3A_1638 : memref<2x200x128xf32, #tpu.memory_space<vmem>>) target(%dma_start3A_1633 : memref<2x200x128xf32, #tpu.memory_space<hbm>>) target_semaphore(%arg11 : memref<!tpu.dma_semaphore, #tpu.memory_space<semaphore_mem>>)
      %gt3A_1639 = arith.constant 0 : i32
      %gt3A_1640 = arith.cmpi sgt, %add3A_1205, %gt3A_1639 : i32
      %or3A_1641 = arith.constant true
      %or3A_1642 = arith.ori %gt3A_1640, %or3A_1641 : i1
      %convert_element_type3A_1643 = arith.extui %or3A_1642 : i1 to i32
      %cond3A_1644 = arith.constant 0 : i32
      %cond3A_1645 = arith.cmpi ne, %convert_element_type3A_1643, %cond3A_1644 : i32
      scf.if %cond3A_1645 {
        %mul3A_2356 = arith.constant 16 : i32
        %mul3A_2357 = arith.muli %add3A_1205, %mul3A_2356 : i32
        %add3A_2358 = arith.addi %mul3A_2, %mul3A_2357 : i32
        %add3A_2359 = arith.constant 2 : i32
        %add3A_2360 = arith.addi %add3A_2358, %add3A_2359 : i32
        %multiple_of3A_2361 = tpu.assume_multiple %add3A_2360, 2 : i32
        %dma_wait3A_2362 = arith.constant 1 : i32
        %dma_wait3A_2363 = arith.constant 0 : i32
        %dma_wait3A_2364 = arith.constant 0 : i32
        %dma_wait3A_2365 = arith.constant 0 : i32
        %dma_wait3A_2366 = tpu.memref_slice %arg7[%dma_wait3A_2362, %dma_wait3A_2363, %dma_wait3A_2364, %dma_wait3A_2365] : memref<2x2x200x128xf32, #tpu.memory_space<vmem>> -> memref<1x2x200x128xf32, #tpu.memory_space<vmem>>
        %dma_wait3A_2367 = tpu.memref_squeeze %dma_wait3A_2366 : memref<1x2x200x128xf32, #tpu.memory_space<vmem>> -> memref<2x200x128xf32, #tpu.memory_space<vmem>>
        %dma_wait3A_2368 = arith.constant 0 : i32
        %dma_wait3A_2369 = arith.constant 0 : i32
        %dma_wait3A_2370 = tpu.memref_slice %arg4[%multiple_of3A_2361, %dma_wait3A_2368, %dma_wait3A_2369] : memref<16384x200x128xf32, #tpu.memory_space<hbm>> -> memref<2x200x128xf32, #tpu.memory_space<hbm>>
        %dma_wait3A_2371 = arith.constant 0 : i32
        %dma_wait3A_2372 = arith.constant 0 : i32
        %dma_wait3A_2373 = tpu.memref_slice %arg4[%multiple_of3A_2361, %dma_wait3A_2371, %dma_wait3A_2372] : memref<16384x200x128xf32, #tpu.memory_space<hbm>> -> memref<2x200x128xf32, #tpu.memory_space<hbm>>
        %dma_wait3A_2374 = arith.constant 0 : i32
        %dma_wait3A_2375 = arith.constant 0 : i32
        %dma_wait3A_2376 = arith.constant 0 : i32
        %dma_wait3A_2377 = tpu.memref_slice %arg7[%dma_wait3A_2362, %dma_wait3A_2374, %dma_wait3A_2375, %dma_wait3A_2376] : memref<2x2x200x128xf32, #tpu.memory_space<vmem>> -> memref<1x2x200x128xf32, #tpu.memory_space<vmem>>
        %dma_wait3A_2378 = tpu.memref_squeeze %dma_wait3A_2377 : memref<1x2x200x128xf32, #tpu.memory_space<vmem>> -> memref<2x200x128xf32, #tpu.memory_space<vmem>>
        tpu.wait_dma2 semaphore(%arg12 : memref<!tpu.dma_semaphore, #tpu.memory_space<semaphore_mem>>) src(%dma_wait3A_2378 : memref<2x200x128xf32, #tpu.memory_space<vmem>>) dst(%dma_wait3A_2373 : memref<2x200x128xf32, #tpu.memory_space<hbm>>)
      } else {
      }
      %dma_start3A_1646 = arith.constant 1 : i32
      %dma_start3A_1647 = arith.constant 6 : i32
      %dma_start3A_1648 = arith.constant 1 : i32
      %dma_start3A_1649 = arith.constant 0 : i32
      %dma_start3A_1650 = arith.constant 0 : i32
      %dma_start3A_1651 = arith.constant 0 : i32
      %dma_start3A_1652 = tpu.memref_slice %arg7[%dma_start3A_1648, %dma_start3A_1649, %dma_start3A_1650, %dma_start3A_1651] : memref<2x2x200x128xf32, #tpu.memory_space<vmem>> -> memref<1x1x128x128xf32, #tpu.memory_space<vmem>>
      %dma_start3A_1653 = tpu.memref_squeeze %dma_start3A_1652 : memref<1x1x128x128xf32, #tpu.memory_space<vmem>> -> memref<128x128xf32, #tpu.memory_space<vmem>>
      %dma_start3A_1654 = arith.constant 0 : i32
      %dma_start3A_1655 = tpu.memref_slice %arg6[%dma_start3A_1646, %dma_start3A_1647, %dma_start3A_1654] : memref<2x16x200xi32, #tpu.memory_space<vmem>> -> memref<1x1x128xi32, #tpu.memory_space<vmem>>
      %dma_start3A_1656 = tpu.memref_squeeze %dma_start3A_1655 : memref<1x1x128xi32, #tpu.memory_space<vmem>> -> memref<128xi32, #tpu.memory_space<vmem>>
      %dma_start3A_1657 = arith.constant 0 : i32
      %dma_start3A_1658 = arith.constant 0 : i32
      %dma_start3A_1659 = tpu.memref_slice %arg5[%dma_start3A_1657, %dma_start3A_1658] : memref<1000x128xf32, #tpu.memory_space<vmem_shared>> -> memref<1000x128xf32, #tpu.memory_space<vmem_shared>>
      tpu.enqueue_indirect_dma source(%dma_start3A_1659 : memref<1000x128xf32, #tpu.memory_space<vmem_shared>>) target(%dma_start3A_1653 : memref<128x128xf32, #tpu.memory_space<vmem>>) offsets(%dma_start3A_1656 : memref<128xi32, #tpu.memory_space<vmem>>) semaphore(%arg10 : memref<!tpu.dma_semaphore, #tpu.memory_space<semaphore_mem>>)
      %dma_start3A_1660 = arith.constant 1 : i32
      %dma_start3A_1661 = arith.constant 6 : i32
      %dma_start3A_1662 = arith.constant 1 : i32
      %dma_start3A_1663 = arith.constant 0 : i32
      %dma_start3A_1664 = arith.constant 128 : i32
      %dma_start3A_1665 = arith.constant 0 : i32
      %dma_start3A_1666 = tpu.memref_slice %arg7[%dma_start3A_1662, %dma_start3A_1663, %dma_start3A_1664, %dma_start3A_1665] : memref<2x2x200x128xf32, #tpu.memory_space<vmem>> -> memref<1x1x72x128xf32, #tpu.memory_space<vmem>>
      %dma_start3A_1667 = tpu.memref_squeeze %dma_start3A_1666 : memref<1x1x72x128xf32, #tpu.memory_space<vmem>> -> memref<72x128xf32, #tpu.memory_space<vmem>>
      %dma_start3A_1668 = arith.constant 128 : i32
      %dma_start3A_1669 = tpu.memref_slice %arg6[%dma_start3A_1660, %dma_start3A_1661, %dma_start3A_1668] : memref<2x16x200xi32, #tpu.memory_space<vmem>> -> memref<1x1x72xi32, #tpu.memory_space<vmem>>
      %dma_start3A_1670 = tpu.memref_squeeze %dma_start3A_1669 : memref<1x1x72xi32, #tpu.memory_space<vmem>> -> memref<72xi32, #tpu.memory_space<vmem>>
      %dma_start3A_1671 = arith.constant 0 : i32
      %dma_start3A_1672 = arith.constant 0 : i32
      %dma_start3A_1673 = tpu.memref_slice %arg5[%dma_start3A_1671, %dma_start3A_1672] : memref<1000x128xf32, #tpu.memory_space<vmem_shared>> -> memref<1000x128xf32, #tpu.memory_space<vmem_shared>>
      tpu.enqueue_indirect_dma source(%dma_start3A_1673 : memref<1000x128xf32, #tpu.memory_space<vmem_shared>>) target(%dma_start3A_1667 : memref<72x128xf32, #tpu.memory_space<vmem>>) offsets(%dma_start3A_1670 : memref<72xi32, #tpu.memory_space<vmem>>) semaphore(%arg10 : memref<!tpu.dma_semaphore, #tpu.memory_space<semaphore_mem>>)
      %dma_start3A_1674 = arith.constant 1 : i32
      %dma_start3A_1675 = arith.constant 7 : i32
      %dma_start3A_1676 = arith.constant 1 : i32
      %dma_start3A_1677 = arith.constant 1 : i32
      %dma_start3A_1678 = arith.constant 0 : i32
      %dma_start3A_1679 = arith.constant 0 : i32
      %dma_start3A_1680 = tpu.memref_slice %arg7[%dma_start3A_1676, %dma_start3A_1677, %dma_start3A_1678, %dma_start3A_1679] : memref<2x2x200x128xf32, #tpu.memory_space<vmem>> -> memref<1x1x128x128xf32, #tpu.memory_space<vmem>>
      %dma_start3A_1681 = tpu.memref_squeeze %dma_start3A_1680 : memref<1x1x128x128xf32, #tpu.memory_space<vmem>> -> memref<128x128xf32, #tpu.memory_space<vmem>>
      %dma_start3A_1682 = arith.constant 0 : i32
      %dma_start3A_1683 = tpu.memref_slice %arg6[%dma_start3A_1674, %dma_start3A_1675, %dma_start3A_1682] : memref<2x16x200xi32, #tpu.memory_space<vmem>> -> memref<1x1x128xi32, #tpu.memory_space<vmem>>
      %dma_start3A_1684 = tpu.memref_squeeze %dma_start3A_1683 : memref<1x1x128xi32, #tpu.memory_space<vmem>> -> memref<128xi32, #tpu.memory_space<vmem>>
      %dma_start3A_1685 = arith.constant 0 : i32
      %dma_start3A_1686 = arith.constant 0 : i32
      %dma_start3A_1687 = tpu.memref_slice %arg5[%dma_start3A_1685, %dma_start3A_1686] : memref<1000x128xf32, #tpu.memory_space<vmem_shared>> -> memref<1000x128xf32, #tpu.memory_space<vmem_shared>>
      tpu.enqueue_indirect_dma source(%dma_start3A_1687 : memref<1000x128xf32, #tpu.memory_space<vmem_shared>>) target(%dma_start3A_1681 : memref<128x128xf32, #tpu.memory_space<vmem>>) offsets(%dma_start3A_1684 : memref<128xi32, #tpu.memory_space<vmem>>) semaphore(%arg10 : memref<!tpu.dma_semaphore, #tpu.memory_space<semaphore_mem>>)
      %dma_start3A_1688 = arith.constant 1 : i32
      %dma_start3A_1689 = arith.constant 7 : i32
      %dma_start3A_1690 = arith.constant 1 : i32
      %dma_start3A_1691 = arith.constant 1 : i32
      %dma_start3A_1692 = arith.constant 128 : i32
      %dma_start3A_1693 = arith.constant 0 : i32
      %dma_start3A_1694 = tpu.memref_slice %arg7[%dma_start3A_1690, %dma_start3A_1691, %dma_start3A_1692, %dma_start3A_1693] : memref<2x2x200x128xf32, #tpu.memory_space<vmem>> -> memref<1x1x72x128xf32, #tpu.memory_space<vmem>>
      %dma_start3A_1695 = tpu.memref_squeeze %dma_start3A_1694 : memref<1x1x72x128xf32, #tpu.memory_space<vmem>> -> memref<72x128xf32, #tpu.memory_space<vmem>>
      %dma_start3A_1696 = arith.constant 128 : i32
      %dma_start3A_1697 = tpu.memref_slice %arg6[%dma_start3A_1688, %dma_start3A_1689, %dma_start3A_1696] : memref<2x16x200xi32, #tpu.memory_space<vmem>> -> memref<1x1x72xi32, #tpu.memory_space<vmem>>
      %dma_start3A_1698 = tpu.memref_squeeze %dma_start3A_1697 : memref<1x1x72xi32, #tpu.memory_space<vmem>> -> memref<72xi32, #tpu.memory_space<vmem>>
      %dma_start3A_1699 = arith.constant 0 : i32
      %dma_start3A_1700 = arith.constant 0 : i32
      %dma_start3A_1701 = tpu.memref_slice %arg5[%dma_start3A_1699, %dma_start3A_1700] : memref<1000x128xf32, #tpu.memory_space<vmem_shared>> -> memref<1000x128xf32, #tpu.memory_space<vmem_shared>>
      tpu.enqueue_indirect_dma source(%dma_start3A_1701 : memref<1000x128xf32, #tpu.memory_space<vmem_shared>>) target(%dma_start3A_1695 : memref<72x128xf32, #tpu.memory_space<vmem>>) offsets(%dma_start3A_1698 : memref<72xi32, #tpu.memory_space<vmem>>) semaphore(%arg10 : memref<!tpu.dma_semaphore, #tpu.memory_space<semaphore_mem>>)
      %dma_wait3A_1702 = arith.constant 1 : i32
      %dma_wait3A_1703 = arith.constant 6 : i32
      %dma_wait3A_1704 = arith.constant 1 : i32
      %dma_wait3A_1705 = arith.constant 0 : i32
      %dma_wait3A_1706 = arith.constant 0 : i32
      %dma_wait3A_1707 = arith.constant 0 : i32
      %dma_wait3A_1708 = tpu.memref_slice %arg7[%dma_wait3A_1704, %dma_wait3A_1705, %dma_wait3A_1706, %dma_wait3A_1707] : memref<2x2x200x128xf32, #tpu.memory_space<vmem>> -> memref<1x1x128x128xf32, #tpu.memory_space<vmem>>
      %dma_wait3A_1709 = tpu.memref_squeeze %dma_wait3A_1708 : memref<1x1x128x128xf32, #tpu.memory_space<vmem>> -> memref<128x128xf32, #tpu.memory_space<vmem>>
      %dma_wait3A_1710 = arith.constant 0 : i32
      %dma_wait3A_1711 = tpu.memref_slice %arg6[%dma_wait3A_1702, %dma_wait3A_1703, %dma_wait3A_1710] : memref<2x16x200xi32, #tpu.memory_space<vmem>> -> memref<1x1x128xi32, #tpu.memory_space<vmem>>
      %dma_wait3A_1712 = tpu.memref_squeeze %dma_wait3A_1711 : memref<1x1x128xi32, #tpu.memory_space<vmem>> -> memref<128xi32, #tpu.memory_space<vmem>>
      %dma_wait3A_1713 = arith.constant 0 : i32
      %dma_wait3A_1714 = arith.constant 0 : i32
      %dma_wait3A_1715 = tpu.memref_slice %arg5[%dma_wait3A_1713, %dma_wait3A_1714] : memref<1000x128xf32, #tpu.memory_space<vmem_shared>> -> memref<1000x128xf32, #tpu.memory_space<vmem_shared>>
      tpu.wait_indirect_dma semaphore(%arg10 : memref<!tpu.dma_semaphore, #tpu.memory_space<semaphore_mem>>) src(%dma_wait3A_1715 : memref<1000x128xf32, #tpu.memory_space<vmem_shared>>) dst(%dma_wait3A_1709 : memref<128x128xf32, #tpu.memory_space<vmem>>)
      %dma_wait3A_1716 = arith.constant 1 : i32
      %dma_wait3A_1717 = arith.constant 6 : i32
      %dma_wait3A_1718 = arith.constant 1 : i32
      %dma_wait3A_1719 = arith.constant 0 : i32
      %dma_wait3A_1720 = arith.constant 128 : i32
      %dma_wait3A_1721 = arith.constant 0 : i32
      %dma_wait3A_1722 = tpu.memref_slice %arg7[%dma_wait3A_1718, %dma_wait3A_1719, %dma_wait3A_1720, %dma_wait3A_1721] : memref<2x2x200x128xf32, #tpu.memory_space<vmem>> -> memref<1x1x72x128xf32, #tpu.memory_space<vmem>>
      %dma_wait3A_1723 = tpu.memref_squeeze %dma_wait3A_1722 : memref<1x1x72x128xf32, #tpu.memory_space<vmem>> -> memref<72x128xf32, #tpu.memory_space<vmem>>
      %dma_wait3A_1724 = arith.constant 128 : i32
      %dma_wait3A_1725 = tpu.memref_slice %arg6[%dma_wait3A_1716, %dma_wait3A_1717, %dma_wait3A_1724] : memref<2x16x200xi32, #tpu.memory_space<vmem>> -> memref<1x1x72xi32, #tpu.memory_space<vmem>>
      %dma_wait3A_1726 = tpu.memref_squeeze %dma_wait3A_1725 : memref<1x1x72xi32, #tpu.memory_space<vmem>> -> memref<72xi32, #tpu.memory_space<vmem>>
      %dma_wait3A_1727 = arith.constant 0 : i32
      %dma_wait3A_1728 = arith.constant 0 : i32
      %dma_wait3A_1729 = tpu.memref_slice %arg5[%dma_wait3A_1727, %dma_wait3A_1728] : memref<1000x128xf32, #tpu.memory_space<vmem_shared>> -> memref<1000x128xf32, #tpu.memory_space<vmem_shared>>
      tpu.wait_indirect_dma semaphore(%arg10 : memref<!tpu.dma_semaphore, #tpu.memory_space<semaphore_mem>>) src(%dma_wait3A_1729 : memref<1000x128xf32, #tpu.memory_space<vmem_shared>>) dst(%dma_wait3A_1723 : memref<72x128xf32, #tpu.memory_space<vmem>>)
      %dma_wait3A_1730 = arith.constant 1 : i32
      %dma_wait3A_1731 = arith.constant 7 : i32
      %dma_wait3A_1732 = arith.constant 1 : i32
      %dma_wait3A_1733 = arith.constant 1 : i32
      %dma_wait3A_1734 = arith.constant 0 : i32
      %dma_wait3A_1735 = arith.constant 0 : i32
      %dma_wait3A_1736 = tpu.memref_slice %arg7[%dma_wait3A_1732, %dma_wait3A_1733, %dma_wait3A_1734, %dma_wait3A_1735] : memref<2x2x200x128xf32, #tpu.memory_space<vmem>> -> memref<1x1x128x128xf32, #tpu.memory_space<vmem>>
      %dma_wait3A_1737 = tpu.memref_squeeze %dma_wait3A_1736 : memref<1x1x128x128xf32, #tpu.memory_space<vmem>> -> memref<128x128xf32, #tpu.memory_space<vmem>>
      %dma_wait3A_1738 = arith.constant 0 : i32
      %dma_wait3A_1739 = tpu.memref_slice %arg6[%dma_wait3A_1730, %dma_wait3A_1731, %dma_wait3A_1738] : memref<2x16x200xi32, #tpu.memory_space<vmem>> -> memref<1x1x128xi32, #tpu.memory_space<vmem>>
      %dma_wait3A_1740 = tpu.memref_squeeze %dma_wait3A_1739 : memref<1x1x128xi32, #tpu.memory_space<vmem>> -> memref<128xi32, #tpu.memory_space<vmem>>
      %dma_wait3A_1741 = arith.constant 0 : i32
      %dma_wait3A_1742 = arith.constant 0 : i32
      %dma_wait3A_1743 = tpu.memref_slice %arg5[%dma_wait3A_1741, %dma_wait3A_1742] : memref<1000x128xf32, #tpu.memory_space<vmem_shared>> -> memref<1000x128xf32, #tpu.memory_space<vmem_shared>>
      tpu.wait_indirect_dma semaphore(%arg10 : memref<!tpu.dma_semaphore, #tpu.memory_space<semaphore_mem>>) src(%dma_wait3A_1743 : memref<1000x128xf32, #tpu.memory_space<vmem_shared>>) dst(%dma_wait3A_1737 : memref<128x128xf32, #tpu.memory_space<vmem>>)
      %dma_wait3A_1744 = arith.constant 1 : i32
      %dma_wait3A_1745 = arith.constant 7 : i32
      %dma_wait3A_1746 = arith.constant 1 : i32
      %dma_wait3A_1747 = arith.constant 1 : i32
      %dma_wait3A_1748 = arith.constant 128 : i32
      %dma_wait3A_1749 = arith.constant 0 : i32
      %dma_wait3A_1750 = tpu.memref_slice %arg7[%dma_wait3A_1746, %dma_wait3A_1747, %dma_wait3A_1748, %dma_wait3A_1749] : memref<2x2x200x128xf32, #tpu.memory_space<vmem>> -> memref<1x1x72x128xf32, #tpu.memory_space<vmem>>
      %dma_wait3A_1751 = tpu.memref_squeeze %dma_wait3A_1750 : memref<1x1x72x128xf32, #tpu.memory_space<vmem>> -> memref<72x128xf32, #tpu.memory_space<vmem>>
      %dma_wait3A_1752 = arith.constant 128 : i32
      %dma_wait3A_1753 = tpu.memref_slice %arg6[%dma_wait3A_1744, %dma_wait3A_1745, %dma_wait3A_1752] : memref<2x16x200xi32, #tpu.memory_space<vmem>> -> memref<1x1x72xi32, #tpu.memory_space<vmem>>
      %dma_wait3A_1754 = tpu.memref_squeeze %dma_wait3A_1753 : memref<1x1x72xi32, #tpu.memory_space<vmem>> -> memref<72xi32, #tpu.memory_space<vmem>>
      %dma_wait3A_1755 = arith.constant 0 : i32
      %dma_wait3A_1756 = arith.constant 0 : i32
      %dma_wait3A_1757 = tpu.memref_slice %arg5[%dma_wait3A_1755, %dma_wait3A_1756] : memref<1000x128xf32, #tpu.memory_space<vmem_shared>> -> memref<1000x128xf32, #tpu.memory_space<vmem_shared>>
      tpu.wait_indirect_dma semaphore(%arg10 : memref<!tpu.dma_semaphore, #tpu.memory_space<semaphore_mem>>) src(%dma_wait3A_1757 : memref<1000x128xf32, #tpu.memory_space<vmem_shared>>) dst(%dma_wait3A_1751 : memref<72x128xf32, #tpu.memory_space<vmem>>)
      %mul3A_1758 = arith.constant 16 : i32
      %mul3A_1759 = arith.muli %add3A_1205, %mul3A_1758 : i32
      %add3A_1760 = arith.addi %mul3A_2, %mul3A_1759 : i32
      %add3A_1761 = arith.constant 6 : i32
      %add3A_1762 = arith.addi %add3A_1760, %add3A_1761 : i32
      %multiple_of3A_1763 = tpu.assume_multiple %add3A_1762, 2 : i32
      %dma_start3A_1764 = arith.constant 1 : i32
      %dma_start3A_1765 = arith.constant 0 : i32
      %dma_start3A_1766 = arith.constant 0 : i32
      %dma_start3A_1767 = arith.constant 0 : i32
      %dma_start3A_1768 = tpu.memref_slice %arg7[%dma_start3A_1764, %dma_start3A_1765, %dma_start3A_1766, %dma_start3A_1767] : memref<2x2x200x128xf32, #tpu.memory_space<vmem>> -> memref<1x2x200x128xf32, #tpu.memory_space<vmem>>
      %dma_start3A_1769 = tpu.memref_squeeze %dma_start3A_1768 : memref<1x2x200x128xf32, #tpu.memory_space<vmem>> -> memref<2x200x128xf32, #tpu.memory_space<vmem>>
      %dma_start3A_1770 = arith.constant 0 : i32
      %dma_start3A_1771 = arith.constant 0 : i32
      %dma_start3A_1772 = tpu.memref_slice %arg4[%multiple_of3A_1763, %dma_start3A_1770, %dma_start3A_1771] : memref<16384x200x128xf32, #tpu.memory_space<hbm>> -> memref<2x200x128xf32, #tpu.memory_space<hbm>>
      %dma_start3A_1773 = arith.constant 0 : i32
      %dma_start3A_1774 = arith.constant 0 : i32
      %dma_start3A_1775 = tpu.memref_slice %arg4[%multiple_of3A_1763, %dma_start3A_1773, %dma_start3A_1774] : memref<16384x200x128xf32, #tpu.memory_space<hbm>> -> memref<2x200x128xf32, #tpu.memory_space<hbm>>
      %dma_start3A_1776 = arith.constant 0 : i32
      %dma_start3A_1777 = arith.constant 0 : i32
      %dma_start3A_1778 = arith.constant 0 : i32
      %dma_start3A_1779 = tpu.memref_slice %arg7[%dma_start3A_1764, %dma_start3A_1776, %dma_start3A_1777, %dma_start3A_1778] : memref<2x2x200x128xf32, #tpu.memory_space<vmem>> -> memref<1x2x200x128xf32, #tpu.memory_space<vmem>>
      %dma_start3A_1780 = tpu.memref_squeeze %dma_start3A_1779 : memref<1x2x200x128xf32, #tpu.memory_space<vmem>> -> memref<2x200x128xf32, #tpu.memory_space<vmem>>
      tpu.enqueue_dma source(%dma_start3A_1780 : memref<2x200x128xf32, #tpu.memory_space<vmem>>) target(%dma_start3A_1775 : memref<2x200x128xf32, #tpu.memory_space<hbm>>) target_semaphore(%arg12 : memref<!tpu.dma_semaphore, #tpu.memory_space<semaphore_mem>>)
      %gt3A_1781 = arith.constant 0 : i32
      %gt3A_1782 = arith.cmpi sgt, %add3A_1205, %gt3A_1781 : i32
      %or3A_1783 = arith.constant true
      %or3A_1784 = arith.ori %gt3A_1782, %or3A_1783 : i1
      %convert_element_type3A_1785 = arith.extui %or3A_1784 : i1 to i32
      %cond3A_1786 = arith.constant 0 : i32
      %cond3A_1787 = arith.cmpi ne, %convert_element_type3A_1785, %cond3A_1786 : i32
      scf.if %cond3A_1787 {
        %mul3A_2356 = arith.constant 16 : i32
        %mul3A_2357 = arith.muli %add3A_1205, %mul3A_2356 : i32
        %add3A_2358 = arith.addi %mul3A_2, %mul3A_2357 : i32
        %add3A_2359 = arith.constant 4 : i32
        %add3A_2360 = arith.addi %add3A_2358, %add3A_2359 : i32
        %multiple_of3A_2361 = tpu.assume_multiple %add3A_2360, 2 : i32
        %dma_wait3A_2362 = arith.constant 0 : i32
        %dma_wait3A_2363 = arith.constant 0 : i32
        %dma_wait3A_2364 = arith.constant 0 : i32
        %dma_wait3A_2365 = arith.constant 0 : i32
        %dma_wait3A_2366 = tpu.memref_slice %arg7[%dma_wait3A_2362, %dma_wait3A_2363, %dma_wait3A_2364, %dma_wait3A_2365] : memref<2x2x200x128xf32, #tpu.memory_space<vmem>> -> memref<1x2x200x128xf32, #tpu.memory_space<vmem>>
        %dma_wait3A_2367 = tpu.memref_squeeze %dma_wait3A_2366 : memref<1x2x200x128xf32, #tpu.memory_space<vmem>> -> memref<2x200x128xf32, #tpu.memory_space<vmem>>
        %dma_wait3A_2368 = arith.constant 0 : i32
        %dma_wait3A_2369 = arith.constant 0 : i32
        %dma_wait3A_2370 = tpu.memref_slice %arg4[%multiple_of3A_2361, %dma_wait3A_2368, %dma_wait3A_2369] : memref<16384x200x128xf32, #tpu.memory_space<hbm>> -> memref<2x200x128xf32, #tpu.memory_space<hbm>>
        %dma_wait3A_2371 = arith.constant 0 : i32
        %dma_wait3A_2372 = arith.constant 0 : i32
        %dma_wait3A_2373 = tpu.memref_slice %arg4[%multiple_of3A_2361, %dma_wait3A_2371, %dma_wait3A_2372] : memref<16384x200x128xf32, #tpu.memory_space<hbm>> -> memref<2x200x128xf32, #tpu.memory_space<hbm>>
        %dma_wait3A_2374 = arith.constant 0 : i32
        %dma_wait3A_2375 = arith.constant 0 : i32
        %dma_wait3A_2376 = arith.constant 0 : i32
        %dma_wait3A_2377 = tpu.memref_slice %arg7[%dma_wait3A_2362, %dma_wait3A_2374, %dma_wait3A_2375, %dma_wait3A_2376] : memref<2x2x200x128xf32, #tpu.memory_space<vmem>> -> memref<1x2x200x128xf32, #tpu.memory_space<vmem>>
        %dma_wait3A_2378 = tpu.memref_squeeze %dma_wait3A_2377 : memref<1x2x200x128xf32, #tpu.memory_space<vmem>> -> memref<2x200x128xf32, #tpu.memory_space<vmem>>
        tpu.wait_dma2 semaphore(%arg11 : memref<!tpu.dma_semaphore, #tpu.memory_space<semaphore_mem>>) src(%dma_wait3A_2378 : memref<2x200x128xf32, #tpu.memory_space<vmem>>) dst(%dma_wait3A_2373 : memref<2x200x128xf32, #tpu.memory_space<hbm>>)
      } else {
      }
      %dma_start3A_1788 = arith.constant 1 : i32
      %dma_start3A_1789 = arith.constant 8 : i32
      %dma_start3A_1790 = arith.constant 0 : i32
      %dma_start3A_1791 = arith.constant 0 : i32
      %dma_start3A_1792 = arith.constant 0 : i32
      %dma_start3A_1793 = arith.constant 0 : i32
      %dma_start3A_1794 = tpu.memref_slice %arg7[%dma_start3A_1790, %dma_start3A_1791, %dma_start3A_1792, %dma_start3A_1793] : memref<2x2x200x128xf32, #tpu.memory_space<vmem>> -> memref<1x1x128x128xf32, #tpu.memory_space<vmem>>
      %dma_start3A_1795 = tpu.memref_squeeze %dma_start3A_1794 : memref<1x1x128x128xf32, #tpu.memory_space<vmem>> -> memref<128x128xf32, #tpu.memory_space<vmem>>
      %dma_start3A_1796 = arith.constant 0 : i32
      %dma_start3A_1797 = tpu.memref_slice %arg6[%dma_start3A_1788, %dma_start3A_1789, %dma_start3A_1796] : memref<2x16x200xi32, #tpu.memory_space<vmem>> -> memref<1x1x128xi32, #tpu.memory_space<vmem>>
      %dma_start3A_1798 = tpu.memref_squeeze %dma_start3A_1797 : memref<1x1x128xi32, #tpu.memory_space<vmem>> -> memref<128xi32, #tpu.memory_space<vmem>>
      %dma_start3A_1799 = arith.constant 0 : i32
      %dma_start3A_1800 = arith.constant 0 : i32
      %dma_start3A_1801 = tpu.memref_slice %arg5[%dma_start3A_1799, %dma_start3A_1800] : memref<1000x128xf32, #tpu.memory_space<vmem_shared>> -> memref<1000x128xf32, #tpu.memory_space<vmem_shared>>
      tpu.enqueue_indirect_dma source(%dma_start3A_1801 : memref<1000x128xf32, #tpu.memory_space<vmem_shared>>) target(%dma_start3A_1795 : memref<128x128xf32, #tpu.memory_space<vmem>>) offsets(%dma_start3A_1798 : memref<128xi32, #tpu.memory_space<vmem>>) semaphore(%arg9 : memref<!tpu.dma_semaphore, #tpu.memory_space<semaphore_mem>>)
      %dma_start3A_1802 = arith.constant 1 : i32
      %dma_start3A_1803 = arith.constant 8 : i32
      %dma_start3A_1804 = arith.constant 0 : i32
      %dma_start3A_1805 = arith.constant 0 : i32
      %dma_start3A_1806 = arith.constant 128 : i32
      %dma_start3A_1807 = arith.constant 0 : i32
      %dma_start3A_1808 = tpu.memref_slice %arg7[%dma_start3A_1804, %dma_start3A_1805, %dma_start3A_1806, %dma_start3A_1807] : memref<2x2x200x128xf32, #tpu.memory_space<vmem>> -> memref<1x1x72x128xf32, #tpu.memory_space<vmem>>
      %dma_start3A_1809 = tpu.memref_squeeze %dma_start3A_1808 : memref<1x1x72x128xf32, #tpu.memory_space<vmem>> -> memref<72x128xf32, #tpu.memory_space<vmem>>
      %dma_start3A_1810 = arith.constant 128 : i32
      %dma_start3A_1811 = tpu.memref_slice %arg6[%dma_start3A_1802, %dma_start3A_1803, %dma_start3A_1810] : memref<2x16x200xi32, #tpu.memory_space<vmem>> -> memref<1x1x72xi32, #tpu.memory_space<vmem>>
      %dma_start3A_1812 = tpu.memref_squeeze %dma_start3A_1811 : memref<1x1x72xi32, #tpu.memory_space<vmem>> -> memref<72xi32, #tpu.memory_space<vmem>>
      %dma_start3A_1813 = arith.constant 0 : i32
      %dma_start3A_1814 = arith.constant 0 : i32
      %dma_start3A_1815 = tpu.memref_slice %arg5[%dma_start3A_1813, %dma_start3A_1814] : memref<1000x128xf32, #tpu.memory_space<vmem_shared>> -> memref<1000x128xf32, #tpu.memory_space<vmem_shared>>
      tpu.enqueue_indirect_dma source(%dma_start3A_1815 : memref<1000x128xf32, #tpu.memory_space<vmem_shared>>) target(%dma_start3A_1809 : memref<72x128xf32, #tpu.memory_space<vmem>>) offsets(%dma_start3A_1812 : memref<72xi32, #tpu.memory_space<vmem>>) semaphore(%arg9 : memref<!tpu.dma_semaphore, #tpu.memory_space<semaphore_mem>>)
      %dma_start3A_1816 = arith.constant 1 : i32
      %dma_start3A_1817 = arith.constant 9 : i32
      %dma_start3A_1818 = arith.constant 0 : i32
      %dma_start3A_1819 = arith.constant 1 : i32
      %dma_start3A_1820 = arith.constant 0 : i32
      %dma_start3A_1821 = arith.constant 0 : i32
      %dma_start3A_1822 = tpu.memref_slice %arg7[%dma_start3A_1818, %dma_start3A_1819, %dma_start3A_1820, %dma_start3A_1821] : memref<2x2x200x128xf32, #tpu.memory_space<vmem>> -> memref<1x1x128x128xf32, #tpu.memory_space<vmem>>
      %dma_start3A_1823 = tpu.memref_squeeze %dma_start3A_1822 : memref<1x1x128x128xf32, #tpu.memory_space<vmem>> -> memref<128x128xf32, #tpu.memory_space<vmem>>
      %dma_start3A_1824 = arith.constant 0 : i32
      %dma_start3A_1825 = tpu.memref_slice %arg6[%dma_start3A_1816, %dma_start3A_1817, %dma_start3A_1824] : memref<2x16x200xi32, #tpu.memory_space<vmem>> -> memref<1x1x128xi32, #tpu.memory_space<vmem>>
      %dma_start3A_1826 = tpu.memref_squeeze %dma_start3A_1825 : memref<1x1x128xi32, #tpu.memory_space<vmem>> -> memref<128xi32, #tpu.memory_space<vmem>>
      %dma_start3A_1827 = arith.constant 0 : i32
      %dma_start3A_1828 = arith.constant 0 : i32
      %dma_start3A_1829 = tpu.memref_slice %arg5[%dma_start3A_1827, %dma_start3A_1828] : memref<1000x128xf32, #tpu.memory_space<vmem_shared>> -> memref<1000x128xf32, #tpu.memory_space<vmem_shared>>
      tpu.enqueue_indirect_dma source(%dma_start3A_1829 : memref<1000x128xf32, #tpu.memory_space<vmem_shared>>) target(%dma_start3A_1823 : memref<128x128xf32, #tpu.memory_space<vmem>>) offsets(%dma_start3A_1826 : memref<128xi32, #tpu.memory_space<vmem>>) semaphore(%arg9 : memref<!tpu.dma_semaphore, #tpu.memory_space<semaphore_mem>>)
      %dma_start3A_1830 = arith.constant 1 : i32
      %dma_start3A_1831 = arith.constant 9 : i32
      %dma_start3A_1832 = arith.constant 0 : i32
      %dma_start3A_1833 = arith.constant 1 : i32
      %dma_start3A_1834 = arith.constant 128 : i32
      %dma_start3A_1835 = arith.constant 0 : i32
      %dma_start3A_1836 = tpu.memref_slice %arg7[%dma_start3A_1832, %dma_start3A_1833, %dma_start3A_1834, %dma_start3A_1835] : memref<2x2x200x128xf32, #tpu.memory_space<vmem>> -> memref<1x1x72x128xf32, #tpu.memory_space<vmem>>
      %dma_start3A_1837 = tpu.memref_squeeze %dma_start3A_1836 : memref<1x1x72x128xf32, #tpu.memory_space<vmem>> -> memref<72x128xf32, #tpu.memory_space<vmem>>
      %dma_start3A_1838 = arith.constant 128 : i32
      %dma_start3A_1839 = tpu.memref_slice %arg6[%dma_start3A_1830, %dma_start3A_1831, %dma_start3A_1838] : memref<2x16x200xi32, #tpu.memory_space<vmem>> -> memref<1x1x72xi32, #tpu.memory_space<vmem>>
      %dma_start3A_1840 = tpu.memref_squeeze %dma_start3A_1839 : memref<1x1x72xi32, #tpu.memory_space<vmem>> -> memref<72xi32, #tpu.memory_space<vmem>>
      %dma_start3A_1841 = arith.constant 0 : i32
      %dma_start3A_1842 = arith.constant 0 : i32
      %dma_start3A_1843 = tpu.memref_slice %arg5[%dma_start3A_1841, %dma_start3A_1842] : memref<1000x128xf32, #tpu.memory_space<vmem_shared>> -> memref<1000x128xf32, #tpu.memory_space<vmem_shared>>
      tpu.enqueue_indirect_dma source(%dma_start3A_1843 : memref<1000x128xf32, #tpu.memory_space<vmem_shared>>) target(%dma_start3A_1837 : memref<72x128xf32, #tpu.memory_space<vmem>>) offsets(%dma_start3A_1840 : memref<72xi32, #tpu.memory_space<vmem>>) semaphore(%arg9 : memref<!tpu.dma_semaphore, #tpu.memory_space<semaphore_mem>>)
      %dma_wait3A_1844 = arith.constant 1 : i32
      %dma_wait3A_1845 = arith.constant 8 : i32
      %dma_wait3A_1846 = arith.constant 0 : i32
      %dma_wait3A_1847 = arith.constant 0 : i32
      %dma_wait3A_1848 = arith.constant 0 : i32
      %dma_wait3A_1849 = arith.constant 0 : i32
      %dma_wait3A_1850 = tpu.memref_slice %arg7[%dma_wait3A_1846, %dma_wait3A_1847, %dma_wait3A_1848, %dma_wait3A_1849] : memref<2x2x200x128xf32, #tpu.memory_space<vmem>> -> memref<1x1x128x128xf32, #tpu.memory_space<vmem>>
      %dma_wait3A_1851 = tpu.memref_squeeze %dma_wait3A_1850 : memref<1x1x128x128xf32, #tpu.memory_space<vmem>> -> memref<128x128xf32, #tpu.memory_space<vmem>>
      %dma_wait3A_1852 = arith.constant 0 : i32
      %dma_wait3A_1853 = tpu.memref_slice %arg6[%dma_wait3A_1844, %dma_wait3A_1845, %dma_wait3A_1852] : memref<2x16x200xi32, #tpu.memory_space<vmem>> -> memref<1x1x128xi32, #tpu.memory_space<vmem>>
      %dma_wait3A_1854 = tpu.memref_squeeze %dma_wait3A_1853 : memref<1x1x128xi32, #tpu.memory_space<vmem>> -> memref<128xi32, #tpu.memory_space<vmem>>
      %dma_wait3A_1855 = arith.constant 0 : i32
      %dma_wait3A_1856 = arith.constant 0 : i32
      %dma_wait3A_1857 = tpu.memref_slice %arg5[%dma_wait3A_1855, %dma_wait3A_1856] : memref<1000x128xf32, #tpu.memory_space<vmem_shared>> -> memref<1000x128xf32, #tpu.memory_space<vmem_shared>>
      tpu.wait_indirect_dma semaphore(%arg9 : memref<!tpu.dma_semaphore, #tpu.memory_space<semaphore_mem>>) src(%dma_wait3A_1857 : memref<1000x128xf32, #tpu.memory_space<vmem_shared>>) dst(%dma_wait3A_1851 : memref<128x128xf32, #tpu.memory_space<vmem>>)
      %dma_wait3A_1858 = arith.constant 1 : i32
      %dma_wait3A_1859 = arith.constant 8 : i32
      %dma_wait3A_1860 = arith.constant 0 : i32
      %dma_wait3A_1861 = arith.constant 0 : i32
      %dma_wait3A_1862 = arith.constant 128 : i32
      %dma_wait3A_1863 = arith.constant 0 : i32
      %dma_wait3A_1864 = tpu.memref_slice %arg7[%dma_wait3A_1860, %dma_wait3A_1861, %dma_wait3A_1862, %dma_wait3A_1863] : memref<2x2x200x128xf32, #tpu.memory_space<vmem>> -> memref<1x1x72x128xf32, #tpu.memory_space<vmem>>
      %dma_wait3A_1865 = tpu.memref_squeeze %dma_wait3A_1864 : memref<1x1x72x128xf32, #tpu.memory_space<vmem>> -> memref<72x128xf32, #tpu.memory_space<vmem>>
      %dma_wait3A_1866 = arith.constant 128 : i32
      %dma_wait3A_1867 = tpu.memref_slice %arg6[%dma_wait3A_1858, %dma_wait3A_1859, %dma_wait3A_1866] : memref<2x16x200xi32, #tpu.memory_space<vmem>> -> memref<1x1x72xi32, #tpu.memory_space<vmem>>
      %dma_wait3A_1868 = tpu.memref_squeeze %dma_wait3A_1867 : memref<1x1x72xi32, #tpu.memory_space<vmem>> -> memref<72xi32, #tpu.memory_space<vmem>>
      %dma_wait3A_1869 = arith.constant 0 : i32
      %dma_wait3A_1870 = arith.constant 0 : i32
      %dma_wait3A_1871 = tpu.memref_slice %arg5[%dma_wait3A_1869, %dma_wait3A_1870] : memref<1000x128xf32, #tpu.memory_space<vmem_shared>> -> memref<1000x128xf32, #tpu.memory_space<vmem_shared>>
      tpu.wait_indirect_dma semaphore(%arg9 : memref<!tpu.dma_semaphore, #tpu.memory_space<semaphore_mem>>) src(%dma_wait3A_1871 : memref<1000x128xf32, #tpu.memory_space<vmem_shared>>) dst(%dma_wait3A_1865 : memref<72x128xf32, #tpu.memory_space<vmem>>)
      %dma_wait3A_1872 = arith.constant 1 : i32
      %dma_wait3A_1873 = arith.constant 9 : i32
      %dma_wait3A_1874 = arith.constant 0 : i32
      %dma_wait3A_1875 = arith.constant 1 : i32
      %dma_wait3A_1876 = arith.constant 0 : i32
      %dma_wait3A_1877 = arith.constant 0 : i32
      %dma_wait3A_1878 = tpu.memref_slice %arg7[%dma_wait3A_1874, %dma_wait3A_1875, %dma_wait3A_1876, %dma_wait3A_1877] : memref<2x2x200x128xf32, #tpu.memory_space<vmem>> -> memref<1x1x128x128xf32, #tpu.memory_space<vmem>>
      %dma_wait3A_1879 = tpu.memref_squeeze %dma_wait3A_1878 : memref<1x1x128x128xf32, #tpu.memory_space<vmem>> -> memref<128x128xf32, #tpu.memory_space<vmem>>
      %dma_wait3A_1880 = arith.constant 0 : i32
      %dma_wait3A_1881 = tpu.memref_slice %arg6[%dma_wait3A_1872, %dma_wait3A_1873, %dma_wait3A_1880] : memref<2x16x200xi32, #tpu.memory_space<vmem>> -> memref<1x1x128xi32, #tpu.memory_space<vmem>>
      %dma_wait3A_1882 = tpu.memref_squeeze %dma_wait3A_1881 : memref<1x1x128xi32, #tpu.memory_space<vmem>> -> memref<128xi32, #tpu.memory_space<vmem>>
      %dma_wait3A_1883 = arith.constant 0 : i32
      %dma_wait3A_1884 = arith.constant 0 : i32
      %dma_wait3A_1885 = tpu.memref_slice %arg5[%dma_wait3A_1883, %dma_wait3A_1884] : memref<1000x128xf32, #tpu.memory_space<vmem_shared>> -> memref<1000x128xf32, #tpu.memory_space<vmem_shared>>
      tpu.wait_indirect_dma semaphore(%arg9 : memref<!tpu.dma_semaphore, #tpu.memory_space<semaphore_mem>>) src(%dma_wait3A_1885 : memref<1000x128xf32, #tpu.memory_space<vmem_shared>>) dst(%dma_wait3A_1879 : memref<128x128xf32, #tpu.memory_space<vmem>>)
      %dma_wait3A_1886 = arith.constant 1 : i32
      %dma_wait3A_1887 = arith.constant 9 : i32
      %dma_wait3A_1888 = arith.constant 0 : i32
      %dma_wait3A_1889 = arith.constant 1 : i32
      %dma_wait3A_1890 = arith.constant 128 : i32
      %dma_wait3A_1891 = arith.constant 0 : i32
      %dma_wait3A_1892 = tpu.memref_slice %arg7[%dma_wait3A_1888, %dma_wait3A_1889, %dma_wait3A_1890, %dma_wait3A_1891] : memref<2x2x200x128xf32, #tpu.memory_space<vmem>> -> memref<1x1x72x128xf32, #tpu.memory_space<vmem>>
      %dma_wait3A_1893 = tpu.memref_squeeze %dma_wait3A_1892 : memref<1x1x72x128xf32, #tpu.memory_space<vmem>> -> memref<72x128xf32, #tpu.memory_space<vmem>>
      %dma_wait3A_1894 = arith.constant 128 : i32
      %dma_wait3A_1895 = tpu.memref_slice %arg6[%dma_wait3A_1886, %dma_wait3A_1887, %dma_wait3A_1894] : memref<2x16x200xi32, #tpu.memory_space<vmem>> -> memref<1x1x72xi32, #tpu.memory_space<vmem>>
      %dma_wait3A_1896 = tpu.memref_squeeze %dma_wait3A_1895 : memref<1x1x72xi32, #tpu.memory_space<vmem>> -> memref<72xi32, #tpu.memory_space<vmem>>
      %dma_wait3A_1897 = arith.constant 0 : i32
      %dma_wait3A_1898 = arith.constant 0 : i32
      %dma_wait3A_1899 = tpu.memref_slice %arg5[%dma_wait3A_1897, %dma_wait3A_1898] : memref<1000x128xf32, #tpu.memory_space<vmem_shared>> -> memref<1000x128xf32, #tpu.memory_space<vmem_shared>>
      tpu.wait_indirect_dma semaphore(%arg9 : memref<!tpu.dma_semaphore, #tpu.memory_space<semaphore_mem>>) src(%dma_wait3A_1899 : memref<1000x128xf32, #tpu.memory_space<vmem_shared>>) dst(%dma_wait3A_1893 : memref<72x128xf32, #tpu.memory_space<vmem>>)
      %mul3A_1900 = arith.constant 16 : i32
      %mul3A_1901 = arith.muli %add3A_1205, %mul3A_1900 : i32
      %add3A_1902 = arith.addi %mul3A_2, %mul3A_1901 : i32
      %add3A_1903 = arith.constant 8 : i32
      %add3A_1904 = arith.addi %add3A_1902, %add3A_1903 : i32
      %multiple_of3A_1905 = tpu.assume_multiple %add3A_1904, 2 : i32
      %dma_start3A_1906 = arith.constant 0 : i32
      %dma_start3A_1907 = arith.constant 0 : i32
      %dma_start3A_1908 = arith.constant 0 : i32
      %dma_start3A_1909 = arith.constant 0 : i32
      %dma_start3A_1910 = tpu.memref_slice %arg7[%dma_start3A_1906, %dma_start3A_1907, %dma_start3A_1908, %dma_start3A_1909] : memref<2x2x200x128xf32, #tpu.memory_space<vmem>> -> memref<1x2x200x128xf32, #tpu.memory_space<vmem>>
      %dma_start3A_1911 = tpu.memref_squeeze %dma_start3A_1910 : memref<1x2x200x128xf32, #tpu.memory_space<vmem>> -> memref<2x200x128xf32, #tpu.memory_space<vmem>>
      %dma_start3A_1912 = arith.constant 0 : i32
      %dma_start3A_1913 = arith.constant 0 : i32
      %dma_start3A_1914 = tpu.memref_slice %arg4[%multiple_of3A_1905, %dma_start3A_1912, %dma_start3A_1913] : memref<16384x200x128xf32, #tpu.memory_space<hbm>> -> memref<2x200x128xf32, #tpu.memory_space<hbm>>
      %dma_start3A_1915 = arith.constant 0 : i32
      %dma_start3A_1916 = arith.constant 0 : i32
      %dma_start3A_1917 = tpu.memref_slice %arg4[%multiple_of3A_1905, %dma_start3A_1915, %dma_start3A_1916] : memref<16384x200x128xf32, #tpu.memory_space<hbm>> -> memref<2x200x128xf32, #tpu.memory_space<hbm>>
      %dma_start3A_1918 = arith.constant 0 : i32
      %dma_start3A_1919 = arith.constant 0 : i32
      %dma_start3A_1920 = arith.constant 0 : i32
      %dma_start3A_1921 = tpu.memref_slice %arg7[%dma_start3A_1906, %dma_start3A_1918, %dma_start3A_1919, %dma_start3A_1920] : memref<2x2x200x128xf32, #tpu.memory_space<vmem>> -> memref<1x2x200x128xf32, #tpu.memory_space<vmem>>
      %dma_start3A_1922 = tpu.memref_squeeze %dma_start3A_1921 : memref<1x2x200x128xf32, #tpu.memory_space<vmem>> -> memref<2x200x128xf32, #tpu.memory_space<vmem>>
      tpu.enqueue_dma source(%dma_start3A_1922 : memref<2x200x128xf32, #tpu.memory_space<vmem>>) target(%dma_start3A_1917 : memref<2x200x128xf32, #tpu.memory_space<hbm>>) target_semaphore(%arg11 : memref<!tpu.dma_semaphore, #tpu.memory_space<semaphore_mem>>)
      %gt3A_1923 = arith.constant 0 : i32
      %gt3A_1924 = arith.cmpi sgt, %add3A_1205, %gt3A_1923 : i32
      %or3A_1925 = arith.constant true
      %or3A_1926 = arith.ori %gt3A_1924, %or3A_1925 : i1
      %convert_element_type3A_1927 = arith.extui %or3A_1926 : i1 to i32
      %cond3A_1928 = arith.constant 0 : i32
      %cond3A_1929 = arith.cmpi ne, %convert_element_type3A_1927, %cond3A_1928 : i32
      scf.if %cond3A_1929 {
        %mul3A_2356 = arith.constant 16 : i32
        %mul3A_2357 = arith.muli %add3A_1205, %mul3A_2356 : i32
        %add3A_2358 = arith.addi %mul3A_2, %mul3A_2357 : i32
        %add3A_2359 = arith.constant 6 : i32
        %add3A_2360 = arith.addi %add3A_2358, %add3A_2359 : i32
        %multiple_of3A_2361 = tpu.assume_multiple %add3A_2360, 2 : i32
        %dma_wait3A_2362 = arith.constant 1 : i32
        %dma_wait3A_2363 = arith.constant 0 : i32
        %dma_wait3A_2364 = arith.constant 0 : i32
        %dma_wait3A_2365 = arith.constant 0 : i32
        %dma_wait3A_2366 = tpu.memref_slice %arg7[%dma_wait3A_2362, %dma_wait3A_2363, %dma_wait3A_2364, %dma_wait3A_2365] : memref<2x2x200x128xf32, #tpu.memory_space<vmem>> -> memref<1x2x200x128xf32, #tpu.memory_space<vmem>>
        %dma_wait3A_2367 = tpu.memref_squeeze %dma_wait3A_2366 : memref<1x2x200x128xf32, #tpu.memory_space<vmem>> -> memref<2x200x128xf32, #tpu.memory_space<vmem>>
        %dma_wait3A_2368 = arith.constant 0 : i32
        %dma_wait3A_2369 = arith.constant 0 : i32
        %dma_wait3A_2370 = tpu.memref_slice %arg4[%multiple_of3A_2361, %dma_wait3A_2368, %dma_wait3A_2369] : memref<16384x200x128xf32, #tpu.memory_space<hbm>> -> memref<2x200x128xf32, #tpu.memory_space<hbm>>
        %dma_wait3A_2371 = arith.constant 0 : i32
        %dma_wait3A_2372 = arith.constant 0 : i32
        %dma_wait3A_2373 = tpu.memref_slice %arg4[%multiple_of3A_2361, %dma_wait3A_2371, %dma_wait3A_2372] : memref<16384x200x128xf32, #tpu.memory_space<hbm>> -> memref<2x200x128xf32, #tpu.memory_space<hbm>>
        %dma_wait3A_2374 = arith.constant 0 : i32
        %dma_wait3A_2375 = arith.constant 0 : i32
        %dma_wait3A_2376 = arith.constant 0 : i32
        %dma_wait3A_2377 = tpu.memref_slice %arg7[%dma_wait3A_2362, %dma_wait3A_2374, %dma_wait3A_2375, %dma_wait3A_2376] : memref<2x2x200x128xf32, #tpu.memory_space<vmem>> -> memref<1x2x200x128xf32, #tpu.memory_space<vmem>>
        %dma_wait3A_2378 = tpu.memref_squeeze %dma_wait3A_2377 : memref<1x2x200x128xf32, #tpu.memory_space<vmem>> -> memref<2x200x128xf32, #tpu.memory_space<vmem>>
        tpu.wait_dma2 semaphore(%arg12 : memref<!tpu.dma_semaphore, #tpu.memory_space<semaphore_mem>>) src(%dma_wait3A_2378 : memref<2x200x128xf32, #tpu.memory_space<vmem>>) dst(%dma_wait3A_2373 : memref<2x200x128xf32, #tpu.memory_space<hbm>>)
      } else {
      }
      %dma_start3A_1930 = arith.constant 1 : i32
      %dma_start3A_1931 = arith.constant 10 : i32
      %dma_start3A_1932 = arith.constant 1 : i32
      %dma_start3A_1933 = arith.constant 0 : i32
      %dma_start3A_1934 = arith.constant 0 : i32
      %dma_start3A_1935 = arith.constant 0 : i32
      %dma_start3A_1936 = tpu.memref_slice %arg7[%dma_start3A_1932, %dma_start3A_1933, %dma_start3A_1934, %dma_start3A_1935] : memref<2x2x200x128xf32, #tpu.memory_space<vmem>> -> memref<1x1x128x128xf32, #tpu.memory_space<vmem>>
      %dma_start3A_1937 = tpu.memref_squeeze %dma_start3A_1936 : memref<1x1x128x128xf32, #tpu.memory_space<vmem>> -> memref<128x128xf32, #tpu.memory_space<vmem>>
      %dma_start3A_1938 = arith.constant 0 : i32
      %dma_start3A_1939 = tpu.memref_slice %arg6[%dma_start3A_1930, %dma_start3A_1931, %dma_start3A_1938] : memref<2x16x200xi32, #tpu.memory_space<vmem>> -> memref<1x1x128xi32, #tpu.memory_space<vmem>>
      %dma_start3A_1940 = tpu.memref_squeeze %dma_start3A_1939 : memref<1x1x128xi32, #tpu.memory_space<vmem>> -> memref<128xi32, #tpu.memory_space<vmem>>
      %dma_start3A_1941 = arith.constant 0 : i32
      %dma_start3A_1942 = arith.constant 0 : i32
      %dma_start3A_1943 = tpu.memref_slice %arg5[%dma_start3A_1941, %dma_start3A_1942] : memref<1000x128xf32, #tpu.memory_space<vmem_shared>> -> memref<1000x128xf32, #tpu.memory_space<vmem_shared>>
      tpu.enqueue_indirect_dma source(%dma_start3A_1943 : memref<1000x128xf32, #tpu.memory_space<vmem_shared>>) target(%dma_start3A_1937 : memref<128x128xf32, #tpu.memory_space<vmem>>) offsets(%dma_start3A_1940 : memref<128xi32, #tpu.memory_space<vmem>>) semaphore(%arg10 : memref<!tpu.dma_semaphore, #tpu.memory_space<semaphore_mem>>)
      %dma_start3A_1944 = arith.constant 1 : i32
      %dma_start3A_1945 = arith.constant 10 : i32
      %dma_start3A_1946 = arith.constant 1 : i32
      %dma_start3A_1947 = arith.constant 0 : i32
      %dma_start3A_1948 = arith.constant 128 : i32
      %dma_start3A_1949 = arith.constant 0 : i32
      %dma_start3A_1950 = tpu.memref_slice %arg7[%dma_start3A_1946, %dma_start3A_1947, %dma_start3A_1948, %dma_start3A_1949] : memref<2x2x200x128xf32, #tpu.memory_space<vmem>> -> memref<1x1x72x128xf32, #tpu.memory_space<vmem>>
      %dma_start3A_1951 = tpu.memref_squeeze %dma_start3A_1950 : memref<1x1x72x128xf32, #tpu.memory_space<vmem>> -> memref<72x128xf32, #tpu.memory_space<vmem>>
      %dma_start3A_1952 = arith.constant 128 : i32
      %dma_start3A_1953 = tpu.memref_slice %arg6[%dma_start3A_1944, %dma_start3A_1945, %dma_start3A_1952] : memref<2x16x200xi32, #tpu.memory_space<vmem>> -> memref<1x1x72xi32, #tpu.memory_space<vmem>>
      %dma_start3A_1954 = tpu.memref_squeeze %dma_start3A_1953 : memref<1x1x72xi32, #tpu.memory_space<vmem>> -> memref<72xi32, #tpu.memory_space<vmem>>
      %dma_start3A_1955 = arith.constant 0 : i32
      %dma_start3A_1956 = arith.constant 0 : i32
      %dma_start3A_1957 = tpu.memref_slice %arg5[%dma_start3A_1955, %dma_start3A_1956] : memref<1000x128xf32, #tpu.memory_space<vmem_shared>> -> memref<1000x128xf32, #tpu.memory_space<vmem_shared>>
      tpu.enqueue_indirect_dma source(%dma_start3A_1957 : memref<1000x128xf32, #tpu.memory_space<vmem_shared>>) target(%dma_start3A_1951 : memref<72x128xf32, #tpu.memory_space<vmem>>) offsets(%dma_start3A_1954 : memref<72xi32, #tpu.memory_space<vmem>>) semaphore(%arg10 : memref<!tpu.dma_semaphore, #tpu.memory_space<semaphore_mem>>)
      %dma_start3A_1958 = arith.constant 1 : i32
      %dma_start3A_1959 = arith.constant 11 : i32
      %dma_start3A_1960 = arith.constant 1 : i32
      %dma_start3A_1961 = arith.constant 1 : i32
      %dma_start3A_1962 = arith.constant 0 : i32
      %dma_start3A_1963 = arith.constant 0 : i32
      %dma_start3A_1964 = tpu.memref_slice %arg7[%dma_start3A_1960, %dma_start3A_1961, %dma_start3A_1962, %dma_start3A_1963] : memref<2x2x200x128xf32, #tpu.memory_space<vmem>> -> memref<1x1x128x128xf32, #tpu.memory_space<vmem>>
      %dma_start3A_1965 = tpu.memref_squeeze %dma_start3A_1964 : memref<1x1x128x128xf32, #tpu.memory_space<vmem>> -> memref<128x128xf32, #tpu.memory_space<vmem>>
      %dma_start3A_1966 = arith.constant 0 : i32
      %dma_start3A_1967 = tpu.memref_slice %arg6[%dma_start3A_1958, %dma_start3A_1959, %dma_start3A_1966] : memref<2x16x200xi32, #tpu.memory_space<vmem>> -> memref<1x1x128xi32, #tpu.memory_space<vmem>>
      %dma_start3A_1968 = tpu.memref_squeeze %dma_start3A_1967 : memref<1x1x128xi32, #tpu.memory_space<vmem>> -> memref<128xi32, #tpu.memory_space<vmem>>
      %dma_start3A_1969 = arith.constant 0 : i32
      %dma_start3A_1970 = arith.constant 0 : i32
      %dma_start3A_1971 = tpu.memref_slice %arg5[%dma_start3A_1969, %dma_start3A_1970] : memref<1000x128xf32, #tpu.memory_space<vmem_shared>> -> memref<1000x128xf32, #tpu.memory_space<vmem_shared>>
      tpu.enqueue_indirect_dma source(%dma_start3A_1971 : memref<1000x128xf32, #tpu.memory_space<vmem_shared>>) target(%dma_start3A_1965 : memref<128x128xf32, #tpu.memory_space<vmem>>) offsets(%dma_start3A_1968 : memref<128xi32, #tpu.memory_space<vmem>>) semaphore(%arg10 : memref<!tpu.dma_semaphore, #tpu.memory_space<semaphore_mem>>)
      %dma_start3A_1972 = arith.constant 1 : i32
      %dma_start3A_1973 = arith.constant 11 : i32
      %dma_start3A_1974 = arith.constant 1 : i32
      %dma_start3A_1975 = arith.constant 1 : i32
      %dma_start3A_1976 = arith.constant 128 : i32
      %dma_start3A_1977 = arith.constant 0 : i32
      %dma_start3A_1978 = tpu.memref_slice %arg7[%dma_start3A_1974, %dma_start3A_1975, %dma_start3A_1976, %dma_start3A_1977] : memref<2x2x200x128xf32, #tpu.memory_space<vmem>> -> memref<1x1x72x128xf32, #tpu.memory_space<vmem>>
      %dma_start3A_1979 = tpu.memref_squeeze %dma_start3A_1978 : memref<1x1x72x128xf32, #tpu.memory_space<vmem>> -> memref<72x128xf32, #tpu.memory_space<vmem>>
      %dma_start3A_1980 = arith.constant 128 : i32
      %dma_start3A_1981 = tpu.memref_slice %arg6[%dma_start3A_1972, %dma_start3A_1973, %dma_start3A_1980] : memref<2x16x200xi32, #tpu.memory_space<vmem>> -> memref<1x1x72xi32, #tpu.memory_space<vmem>>
      %dma_start3A_1982 = tpu.memref_squeeze %dma_start3A_1981 : memref<1x1x72xi32, #tpu.memory_space<vmem>> -> memref<72xi32, #tpu.memory_space<vmem>>
      %dma_start3A_1983 = arith.constant 0 : i32
      %dma_start3A_1984 = arith.constant 0 : i32
      %dma_start3A_1985 = tpu.memref_slice %arg5[%dma_start3A_1983, %dma_start3A_1984] : memref<1000x128xf32, #tpu.memory_space<vmem_shared>> -> memref<1000x128xf32, #tpu.memory_space<vmem_shared>>
      tpu.enqueue_indirect_dma source(%dma_start3A_1985 : memref<1000x128xf32, #tpu.memory_space<vmem_shared>>) target(%dma_start3A_1979 : memref<72x128xf32, #tpu.memory_space<vmem>>) offsets(%dma_start3A_1982 : memref<72xi32, #tpu.memory_space<vmem>>) semaphore(%arg10 : memref<!tpu.dma_semaphore, #tpu.memory_space<semaphore_mem>>)
      %dma_wait3A_1986 = arith.constant 1 : i32
      %dma_wait3A_1987 = arith.constant 10 : i32
      %dma_wait3A_1988 = arith.constant 1 : i32
      %dma_wait3A_1989 = arith.constant 0 : i32
      %dma_wait3A_1990 = arith.constant 0 : i32
      %dma_wait3A_1991 = arith.constant 0 : i32
      %dma_wait3A_1992 = tpu.memref_slice %arg7[%dma_wait3A_1988, %dma_wait3A_1989, %dma_wait3A_1990, %dma_wait3A_1991] : memref<2x2x200x128xf32, #tpu.memory_space<vmem>> -> memref<1x1x128x128xf32, #tpu.memory_space<vmem>>
      %dma_wait3A_1993 = tpu.memref_squeeze %dma_wait3A_1992 : memref<1x1x128x128xf32, #tpu.memory_space<vmem>> -> memref<128x128xf32, #tpu.memory_space<vmem>>
      %dma_wait3A_1994 = arith.constant 0 : i32
      %dma_wait3A_1995 = tpu.memref_slice %arg6[%dma_wait3A_1986, %dma_wait3A_1987, %dma_wait3A_1994] : memref<2x16x200xi32, #tpu.memory_space<vmem>> -> memref<1x1x128xi32, #tpu.memory_space<vmem>>
      %dma_wait3A_1996 = tpu.memref_squeeze %dma_wait3A_1995 : memref<1x1x128xi32, #tpu.memory_space<vmem>> -> memref<128xi32, #tpu.memory_space<vmem>>
      %dma_wait3A_1997 = arith.constant 0 : i32
      %dma_wait3A_1998 = arith.constant 0 : i32
      %dma_wait3A_1999 = tpu.memref_slice %arg5[%dma_wait3A_1997, %dma_wait3A_1998] : memref<1000x128xf32, #tpu.memory_space<vmem_shared>> -> memref<1000x128xf32, #tpu.memory_space<vmem_shared>>
      tpu.wait_indirect_dma semaphore(%arg10 : memref<!tpu.dma_semaphore, #tpu.memory_space<semaphore_mem>>) src(%dma_wait3A_1999 : memref<1000x128xf32, #tpu.memory_space<vmem_shared>>) dst(%dma_wait3A_1993 : memref<128x128xf32, #tpu.memory_space<vmem>>)
      %dma_wait3A_2000 = arith.constant 1 : i32
      %dma_wait3A_2001 = arith.constant 10 : i32
      %dma_wait3A_2002 = arith.constant 1 : i32
      %dma_wait3A_2003 = arith.constant 0 : i32
      %dma_wait3A_2004 = arith.constant 128 : i32
      %dma_wait3A_2005 = arith.constant 0 : i32
      %dma_wait3A_2006 = tpu.memref_slice %arg7[%dma_wait3A_2002, %dma_wait3A_2003, %dma_wait3A_2004, %dma_wait3A_2005] : memref<2x2x200x128xf32, #tpu.memory_space<vmem>> -> memref<1x1x72x128xf32, #tpu.memory_space<vmem>>
      %dma_wait3A_2007 = tpu.memref_squeeze %dma_wait3A_2006 : memref<1x1x72x128xf32, #tpu.memory_space<vmem>> -> memref<72x128xf32, #tpu.memory_space<vmem>>
      %dma_wait3A_2008 = arith.constant 128 : i32
      %dma_wait3A_2009 = tpu.memref_slice %arg6[%dma_wait3A_2000, %dma_wait3A_2001, %dma_wait3A_2008] : memref<2x16x200xi32, #tpu.memory_space<vmem>> -> memref<1x1x72xi32, #tpu.memory_space<vmem>>
      %dma_wait3A_2010 = tpu.memref_squeeze %dma_wait3A_2009 : memref<1x1x72xi32, #tpu.memory_space<vmem>> -> memref<72xi32, #tpu.memory_space<vmem>>
      %dma_wait3A_2011 = arith.constant 0 : i32
      %dma_wait3A_2012 = arith.constant 0 : i32
      %dma_wait3A_2013 = tpu.memref_slice %arg5[%dma_wait3A_2011, %dma_wait3A_2012] : memref<1000x128xf32, #tpu.memory_space<vmem_shared>> -> memref<1000x128xf32, #tpu.memory_space<vmem_shared>>
      tpu.wait_indirect_dma semaphore(%arg10 : memref<!tpu.dma_semaphore, #tpu.memory_space<semaphore_mem>>) src(%dma_wait3A_2013 : memref<1000x128xf32, #tpu.memory_space<vmem_shared>>) dst(%dma_wait3A_2007 : memref<72x128xf32, #tpu.memory_space<vmem>>)
      %dma_wait3A_2014 = arith.constant 1 : i32
      %dma_wait3A_2015 = arith.constant 11 : i32
      %dma_wait3A_2016 = arith.constant 1 : i32
      %dma_wait3A_2017 = arith.constant 1 : i32
      %dma_wait3A_2018 = arith.constant 0 : i32
      %dma_wait3A_2019 = arith.constant 0 : i32
      %dma_wait3A_2020 = tpu.memref_slice %arg7[%dma_wait3A_2016, %dma_wait3A_2017, %dma_wait3A_2018, %dma_wait3A_2019] : memref<2x2x200x128xf32, #tpu.memory_space<vmem>> -> memref<1x1x128x128xf32, #tpu.memory_space<vmem>>
      %dma_wait3A_2021 = tpu.memref_squeeze %dma_wait3A_2020 : memref<1x1x128x128xf32, #tpu.memory_space<vmem>> -> memref<128x128xf32, #tpu.memory_space<vmem>>
      %dma_wait3A_2022 = arith.constant 0 : i32
      %dma_wait3A_2023 = tpu.memref_slice %arg6[%dma_wait3A_2014, %dma_wait3A_2015, %dma_wait3A_2022] : memref<2x16x200xi32, #tpu.memory_space<vmem>> -> memref<1x1x128xi32, #tpu.memory_space<vmem>>
      %dma_wait3A_2024 = tpu.memref_squeeze %dma_wait3A_2023 : memref<1x1x128xi32, #tpu.memory_space<vmem>> -> memref<128xi32, #tpu.memory_space<vmem>>
      %dma_wait3A_2025 = arith.constant 0 : i32
      %dma_wait3A_2026 = arith.constant 0 : i32
      %dma_wait3A_2027 = tpu.memref_slice %arg5[%dma_wait3A_2025, %dma_wait3A_2026] : memref<1000x128xf32, #tpu.memory_space<vmem_shared>> -> memref<1000x128xf32, #tpu.memory_space<vmem_shared>>
      tpu.wait_indirect_dma semaphore(%arg10 : memref<!tpu.dma_semaphore, #tpu.memory_space<semaphore_mem>>) src(%dma_wait3A_2027 : memref<1000x128xf32, #tpu.memory_space<vmem_shared>>) dst(%dma_wait3A_2021 : memref<128x128xf32, #tpu.memory_space<vmem>>)
      %dma_wait3A_2028 = arith.constant 1 : i32
      %dma_wait3A_2029 = arith.constant 11 : i32
      %dma_wait3A_2030 = arith.constant 1 : i32
      %dma_wait3A_2031 = arith.constant 1 : i32
      %dma_wait3A_2032 = arith.constant 128 : i32
      %dma_wait3A_2033 = arith.constant 0 : i32
      %dma_wait3A_2034 = tpu.memref_slice %arg7[%dma_wait3A_2030, %dma_wait3A_2031, %dma_wait3A_2032, %dma_wait3A_2033] : memref<2x2x200x128xf32, #tpu.memory_space<vmem>> -> memref<1x1x72x128xf32, #tpu.memory_space<vmem>>
      %dma_wait3A_2035 = tpu.memref_squeeze %dma_wait3A_2034 : memref<1x1x72x128xf32, #tpu.memory_space<vmem>> -> memref<72x128xf32, #tpu.memory_space<vmem>>
      %dma_wait3A_2036 = arith.constant 128 : i32
      %dma_wait3A_2037 = tpu.memref_slice %arg6[%dma_wait3A_2028, %dma_wait3A_2029, %dma_wait3A_2036] : memref<2x16x200xi32, #tpu.memory_space<vmem>> -> memref<1x1x72xi32, #tpu.memory_space<vmem>>
      %dma_wait3A_2038 = tpu.memref_squeeze %dma_wait3A_2037 : memref<1x1x72xi32, #tpu.memory_space<vmem>> -> memref<72xi32, #tpu.memory_space<vmem>>
      %dma_wait3A_2039 = arith.constant 0 : i32
      %dma_wait3A_2040 = arith.constant 0 : i32
      %dma_wait3A_2041 = tpu.memref_slice %arg5[%dma_wait3A_2039, %dma_wait3A_2040] : memref<1000x128xf32, #tpu.memory_space<vmem_shared>> -> memref<1000x128xf32, #tpu.memory_space<vmem_shared>>
      tpu.wait_indirect_dma semaphore(%arg10 : memref<!tpu.dma_semaphore, #tpu.memory_space<semaphore_mem>>) src(%dma_wait3A_2041 : memref<1000x128xf32, #tpu.memory_space<vmem_shared>>) dst(%dma_wait3A_2035 : memref<72x128xf32, #tpu.memory_space<vmem>>)
      %mul3A_2042 = arith.constant 16 : i32
      %mul3A_2043 = arith.muli %add3A_1205, %mul3A_2042 : i32
      %add3A_2044 = arith.addi %mul3A_2, %mul3A_2043 : i32
      %add3A_2045 = arith.constant 10 : i32
      %add3A_2046 = arith.addi %add3A_2044, %add3A_2045 : i32
      %multiple_of3A_2047 = tpu.assume_multiple %add3A_2046, 2 : i32
      %dma_start3A_2048 = arith.constant 1 : i32
      %dma_start3A_2049 = arith.constant 0 : i32
      %dma_start3A_2050 = arith.constant 0 : i32
      %dma_start3A_2051 = arith.constant 0 : i32
      %dma_start3A_2052 = tpu.memref_slice %arg7[%dma_start3A_2048, %dma_start3A_2049, %dma_start3A_2050, %dma_start3A_2051] : memref<2x2x200x128xf32, #tpu.memory_space<vmem>> -> memref<1x2x200x128xf32, #tpu.memory_space<vmem>>
      %dma_start3A_2053 = tpu.memref_squeeze %dma_start3A_2052 : memref<1x2x200x128xf32, #tpu.memory_space<vmem>> -> memref<2x200x128xf32, #tpu.memory_space<vmem>>
      %dma_start3A_2054 = arith.constant 0 : i32
      %dma_start3A_2055 = arith.constant 0 : i32
      %dma_start3A_2056 = tpu.memref_slice %arg4[%multiple_of3A_2047, %dma_start3A_2054, %dma_start3A_2055] : memref<16384x200x128xf32, #tpu.memory_space<hbm>> -> memref<2x200x128xf32, #tpu.memory_space<hbm>>
      %dma_start3A_2057 = arith.constant 0 : i32
      %dma_start3A_2058 = arith.constant 0 : i32
      %dma_start3A_2059 = tpu.memref_slice %arg4[%multiple_of3A_2047, %dma_start3A_2057, %dma_start3A_2058] : memref<16384x200x128xf32, #tpu.memory_space<hbm>> -> memref<2x200x128xf32, #tpu.memory_space<hbm>>
      %dma_start3A_2060 = arith.constant 0 : i32
      %dma_start3A_2061 = arith.constant 0 : i32
      %dma_start3A_2062 = arith.constant 0 : i32
      %dma_start3A_2063 = tpu.memref_slice %arg7[%dma_start3A_2048, %dma_start3A_2060, %dma_start3A_2061, %dma_start3A_2062] : memref<2x2x200x128xf32, #tpu.memory_space<vmem>> -> memref<1x2x200x128xf32, #tpu.memory_space<vmem>>
      %dma_start3A_2064 = tpu.memref_squeeze %dma_start3A_2063 : memref<1x2x200x128xf32, #tpu.memory_space<vmem>> -> memref<2x200x128xf32, #tpu.memory_space<vmem>>
      tpu.enqueue_dma source(%dma_start3A_2064 : memref<2x200x128xf32, #tpu.memory_space<vmem>>) target(%dma_start3A_2059 : memref<2x200x128xf32, #tpu.memory_space<hbm>>) target_semaphore(%arg12 : memref<!tpu.dma_semaphore, #tpu.memory_space<semaphore_mem>>)
      %gt3A_2065 = arith.constant 0 : i32
      %gt3A_2066 = arith.cmpi sgt, %add3A_1205, %gt3A_2065 : i32
      %or3A_2067 = arith.constant true
      %or3A_2068 = arith.ori %gt3A_2066, %or3A_2067 : i1
      %convert_element_type3A_2069 = arith.extui %or3A_2068 : i1 to i32
      %cond3A_2070 = arith.constant 0 : i32
      %cond3A_2071 = arith.cmpi ne, %convert_element_type3A_2069, %cond3A_2070 : i32
      scf.if %cond3A_2071 {
        %mul3A_2356 = arith.constant 16 : i32
        %mul3A_2357 = arith.muli %add3A_1205, %mul3A_2356 : i32
        %add3A_2358 = arith.addi %mul3A_2, %mul3A_2357 : i32
        %add3A_2359 = arith.constant 8 : i32
        %add3A_2360 = arith.addi %add3A_2358, %add3A_2359 : i32
        %multiple_of3A_2361 = tpu.assume_multiple %add3A_2360, 2 : i32
        %dma_wait3A_2362 = arith.constant 0 : i32
        %dma_wait3A_2363 = arith.constant 0 : i32
        %dma_wait3A_2364 = arith.constant 0 : i32
        %dma_wait3A_2365 = arith.constant 0 : i32
        %dma_wait3A_2366 = tpu.memref_slice %arg7[%dma_wait3A_2362, %dma_wait3A_2363, %dma_wait3A_2364, %dma_wait3A_2365] : memref<2x2x200x128xf32, #tpu.memory_space<vmem>> -> memref<1x2x200x128xf32, #tpu.memory_space<vmem>>
        %dma_wait3A_2367 = tpu.memref_squeeze %dma_wait3A_2366 : memref<1x2x200x128xf32, #tpu.memory_space<vmem>> -> memref<2x200x128xf32, #tpu.memory_space<vmem>>
        %dma_wait3A_2368 = arith.constant 0 : i32
        %dma_wait3A_2369 = arith.constant 0 : i32
        %dma_wait3A_2370 = tpu.memref_slice %arg4[%multiple_of3A_2361, %dma_wait3A_2368, %dma_wait3A_2369] : memref<16384x200x128xf32, #tpu.memory_space<hbm>> -> memref<2x200x128xf32, #tpu.memory_space<hbm>>
        %dma_wait3A_2371 = arith.constant 0 : i32
        %dma_wait3A_2372 = arith.constant 0 : i32
        %dma_wait3A_2373 = tpu.memref_slice %arg4[%multiple_of3A_2361, %dma_wait3A_2371, %dma_wait3A_2372] : memref<16384x200x128xf32, #tpu.memory_space<hbm>> -> memref<2x200x128xf32, #tpu.memory_space<hbm>>
        %dma_wait3A_2374 = arith.constant 0 : i32
        %dma_wait3A_2375 = arith.constant 0 : i32
        %dma_wait3A_2376 = arith.constant 0 : i32
        %dma_wait3A_2377 = tpu.memref_slice %arg7[%dma_wait3A_2362, %dma_wait3A_2374, %dma_wait3A_2375, %dma_wait3A_2376] : memref<2x2x200x128xf32, #tpu.memory_space<vmem>> -> memref<1x2x200x128xf32, #tpu.memory_space<vmem>>
        %dma_wait3A_2378 = tpu.memref_squeeze %dma_wait3A_2377 : memref<1x2x200x128xf32, #tpu.memory_space<vmem>> -> memref<2x200x128xf32, #tpu.memory_space<vmem>>
        tpu.wait_dma2 semaphore(%arg11 : memref<!tpu.dma_semaphore, #tpu.memory_space<semaphore_mem>>) src(%dma_wait3A_2378 : memref<2x200x128xf32, #tpu.memory_space<vmem>>) dst(%dma_wait3A_2373 : memref<2x200x128xf32, #tpu.memory_space<hbm>>)
      } else {
      }
      %dma_start3A_2072 = arith.constant 1 : i32
      %dma_start3A_2073 = arith.constant 12 : i32
      %dma_start3A_2074 = arith.constant 0 : i32
      %dma_start3A_2075 = arith.constant 0 : i32
      %dma_start3A_2076 = arith.constant 0 : i32
      %dma_start3A_2077 = arith.constant 0 : i32
      %dma_start3A_2078 = tpu.memref_slice %arg7[%dma_start3A_2074, %dma_start3A_2075, %dma_start3A_2076, %dma_start3A_2077] : memref<2x2x200x128xf32, #tpu.memory_space<vmem>> -> memref<1x1x128x128xf32, #tpu.memory_space<vmem>>
      %dma_start3A_2079 = tpu.memref_squeeze %dma_start3A_2078 : memref<1x1x128x128xf32, #tpu.memory_space<vmem>> -> memref<128x128xf32, #tpu.memory_space<vmem>>
      %dma_start3A_2080 = arith.constant 0 : i32
      %dma_start3A_2081 = tpu.memref_slice %arg6[%dma_start3A_2072, %dma_start3A_2073, %dma_start3A_2080] : memref<2x16x200xi32, #tpu.memory_space<vmem>> -> memref<1x1x128xi32, #tpu.memory_space<vmem>>
      %dma_start3A_2082 = tpu.memref_squeeze %dma_start3A_2081 : memref<1x1x128xi32, #tpu.memory_space<vmem>> -> memref<128xi32, #tpu.memory_space<vmem>>
      %dma_start3A_2083 = arith.constant 0 : i32
      %dma_start3A_2084 = arith.constant 0 : i32
      %dma_start3A_2085 = tpu.memref_slice %arg5[%dma_start3A_2083, %dma_start3A_2084] : memref<1000x128xf32, #tpu.memory_space<vmem_shared>> -> memref<1000x128xf32, #tpu.memory_space<vmem_shared>>
      tpu.enqueue_indirect_dma source(%dma_start3A_2085 : memref<1000x128xf32, #tpu.memory_space<vmem_shared>>) target(%dma_start3A_2079 : memref<128x128xf32, #tpu.memory_space<vmem>>) offsets(%dma_start3A_2082 : memref<128xi32, #tpu.memory_space<vmem>>) semaphore(%arg9 : memref<!tpu.dma_semaphore, #tpu.memory_space<semaphore_mem>>)
      %dma_start3A_2086 = arith.constant 1 : i32
      %dma_start3A_2087 = arith.constant 12 : i32
      %dma_start3A_2088 = arith.constant 0 : i32
      %dma_start3A_2089 = arith.constant 0 : i32
      %dma_start3A_2090 = arith.constant 128 : i32
      %dma_start3A_2091 = arith.constant 0 : i32
      %dma_start3A_2092 = tpu.memref_slice %arg7[%dma_start3A_2088, %dma_start3A_2089, %dma_start3A_2090, %dma_start3A_2091] : memref<2x2x200x128xf32, #tpu.memory_space<vmem>> -> memref<1x1x72x128xf32, #tpu.memory_space<vmem>>
      %dma_start3A_2093 = tpu.memref_squeeze %dma_start3A_2092 : memref<1x1x72x128xf32, #tpu.memory_space<vmem>> -> memref<72x128xf32, #tpu.memory_space<vmem>>
      %dma_start3A_2094 = arith.constant 128 : i32
      %dma_start3A_2095 = tpu.memref_slice %arg6[%dma_start3A_2086, %dma_start3A_2087, %dma_start3A_2094] : memref<2x16x200xi32, #tpu.memory_space<vmem>> -> memref<1x1x72xi32, #tpu.memory_space<vmem>>
      %dma_start3A_2096 = tpu.memref_squeeze %dma_start3A_2095 : memref<1x1x72xi32, #tpu.memory_space<vmem>> -> memref<72xi32, #tpu.memory_space<vmem>>
      %dma_start3A_2097 = arith.constant 0 : i32
      %dma_start3A_2098 = arith.constant 0 : i32
      %dma_start3A_2099 = tpu.memref_slice %arg5[%dma_start3A_2097, %dma_start3A_2098] : memref<1000x128xf32, #tpu.memory_space<vmem_shared>> -> memref<1000x128xf32, #tpu.memory_space<vmem_shared>>
      tpu.enqueue_indirect_dma source(%dma_start3A_2099 : memref<1000x128xf32, #tpu.memory_space<vmem_shared>>) target(%dma_start3A_2093 : memref<72x128xf32, #tpu.memory_space<vmem>>) offsets(%dma_start3A_2096 : memref<72xi32, #tpu.memory_space<vmem>>) semaphore(%arg9 : memref<!tpu.dma_semaphore, #tpu.memory_space<semaphore_mem>>)
      %dma_start3A_2100 = arith.constant 1 : i32
      %dma_start3A_2101 = arith.constant 13 : i32
      %dma_start3A_2102 = arith.constant 0 : i32
      %dma_start3A_2103 = arith.constant 1 : i32
      %dma_start3A_2104 = arith.constant 0 : i32
      %dma_start3A_2105 = arith.constant 0 : i32
      %dma_start3A_2106 = tpu.memref_slice %arg7[%dma_start3A_2102, %dma_start3A_2103, %dma_start3A_2104, %dma_start3A_2105] : memref<2x2x200x128xf32, #tpu.memory_space<vmem>> -> memref<1x1x128x128xf32, #tpu.memory_space<vmem>>
      %dma_start3A_2107 = tpu.memref_squeeze %dma_start3A_2106 : memref<1x1x128x128xf32, #tpu.memory_space<vmem>> -> memref<128x128xf32, #tpu.memory_space<vmem>>
      %dma_start3A_2108 = arith.constant 0 : i32
      %dma_start3A_2109 = tpu.memref_slice %arg6[%dma_start3A_2100, %dma_start3A_2101, %dma_start3A_2108] : memref<2x16x200xi32, #tpu.memory_space<vmem>> -> memref<1x1x128xi32, #tpu.memory_space<vmem>>
      %dma_start3A_2110 = tpu.memref_squeeze %dma_start3A_2109 : memref<1x1x128xi32, #tpu.memory_space<vmem>> -> memref<128xi32, #tpu.memory_space<vmem>>
      %dma_start3A_2111 = arith.constant 0 : i32
      %dma_start3A_2112 = arith.constant 0 : i32
      %dma_start3A_2113 = tpu.memref_slice %arg5[%dma_start3A_2111, %dma_start3A_2112] : memref<1000x128xf32, #tpu.memory_space<vmem_shared>> -> memref<1000x128xf32, #tpu.memory_space<vmem_shared>>
      tpu.enqueue_indirect_dma source(%dma_start3A_2113 : memref<1000x128xf32, #tpu.memory_space<vmem_shared>>) target(%dma_start3A_2107 : memref<128x128xf32, #tpu.memory_space<vmem>>) offsets(%dma_start3A_2110 : memref<128xi32, #tpu.memory_space<vmem>>) semaphore(%arg9 : memref<!tpu.dma_semaphore, #tpu.memory_space<semaphore_mem>>)
      %dma_start3A_2114 = arith.constant 1 : i32
      %dma_start3A_2115 = arith.constant 13 : i32
      %dma_start3A_2116 = arith.constant 0 : i32
      %dma_start3A_2117 = arith.constant 1 : i32
      %dma_start3A_2118 = arith.constant 128 : i32
      %dma_start3A_2119 = arith.constant 0 : i32
      %dma_start3A_2120 = tpu.memref_slice %arg7[%dma_start3A_2116, %dma_start3A_2117, %dma_start3A_2118, %dma_start3A_2119] : memref<2x2x200x128xf32, #tpu.memory_space<vmem>> -> memref<1x1x72x128xf32, #tpu.memory_space<vmem>>
      %dma_start3A_2121 = tpu.memref_squeeze %dma_start3A_2120 : memref<1x1x72x128xf32, #tpu.memory_space<vmem>> -> memref<72x128xf32, #tpu.memory_space<vmem>>
      %dma_start3A_2122 = arith.constant 128 : i32
      %dma_start3A_2123 = tpu.memref_slice %arg6[%dma_start3A_2114, %dma_start3A_2115, %dma_start3A_2122] : memref<2x16x200xi32, #tpu.memory_space<vmem>> -> memref<1x1x72xi32, #tpu.memory_space<vmem>>
      %dma_start3A_2124 = tpu.memref_squeeze %dma_start3A_2123 : memref<1x1x72xi32, #tpu.memory_space<vmem>> -> memref<72xi32, #tpu.memory_space<vmem>>
      %dma_start3A_2125 = arith.constant 0 : i32
      %dma_start3A_2126 = arith.constant 0 : i32
      %dma_start3A_2127 = tpu.memref_slice %arg5[%dma_start3A_2125, %dma_start3A_2126] : memref<1000x128xf32, #tpu.memory_space<vmem_shared>> -> memref<1000x128xf32, #tpu.memory_space<vmem_shared>>
      tpu.enqueue_indirect_dma source(%dma_start3A_2127 : memref<1000x128xf32, #tpu.memory_space<vmem_shared>>) target(%dma_start3A_2121 : memref<72x128xf32, #tpu.memory_space<vmem>>) offsets(%dma_start3A_2124 : memref<72xi32, #tpu.memory_space<vmem>>) semaphore(%arg9 : memref<!tpu.dma_semaphore, #tpu.memory_space<semaphore_mem>>)
      %dma_wait3A_2128 = arith.constant 1 : i32
      %dma_wait3A_2129 = arith.constant 12 : i32
      %dma_wait3A_2130 = arith.constant 0 : i32
      %dma_wait3A_2131 = arith.constant 0 : i32
      %dma_wait3A_2132 = arith.constant 0 : i32
      %dma_wait3A_2133 = arith.constant 0 : i32
      %dma_wait3A_2134 = tpu.memref_slice %arg7[%dma_wait3A_2130, %dma_wait3A_2131, %dma_wait3A_2132, %dma_wait3A_2133] : memref<2x2x200x128xf32, #tpu.memory_space<vmem>> -> memref<1x1x128x128xf32, #tpu.memory_space<vmem>>
      %dma_wait3A_2135 = tpu.memref_squeeze %dma_wait3A_2134 : memref<1x1x128x128xf32, #tpu.memory_space<vmem>> -> memref<128x128xf32, #tpu.memory_space<vmem>>
      %dma_wait3A_2136 = arith.constant 0 : i32
      %dma_wait3A_2137 = tpu.memref_slice %arg6[%dma_wait3A_2128, %dma_wait3A_2129, %dma_wait3A_2136] : memref<2x16x200xi32, #tpu.memory_space<vmem>> -> memref<1x1x128xi32, #tpu.memory_space<vmem>>
      %dma_wait3A_2138 = tpu.memref_squeeze %dma_wait3A_2137 : memref<1x1x128xi32, #tpu.memory_space<vmem>> -> memref<128xi32, #tpu.memory_space<vmem>>
      %dma_wait3A_2139 = arith.constant 0 : i32
      %dma_wait3A_2140 = arith.constant 0 : i32
      %dma_wait3A_2141 = tpu.memref_slice %arg5[%dma_wait3A_2139, %dma_wait3A_2140] : memref<1000x128xf32, #tpu.memory_space<vmem_shared>> -> memref<1000x128xf32, #tpu.memory_space<vmem_shared>>
      tpu.wait_indirect_dma semaphore(%arg9 : memref<!tpu.dma_semaphore, #tpu.memory_space<semaphore_mem>>) src(%dma_wait3A_2141 : memref<1000x128xf32, #tpu.memory_space<vmem_shared>>) dst(%dma_wait3A_2135 : memref<128x128xf32, #tpu.memory_space<vmem>>)
      %dma_wait3A_2142 = arith.constant 1 : i32
      %dma_wait3A_2143 = arith.constant 12 : i32
      %dma_wait3A_2144 = arith.constant 0 : i32
      %dma_wait3A_2145 = arith.constant 0 : i32
      %dma_wait3A_2146 = arith.constant 128 : i32
      %dma_wait3A_2147 = arith.constant 0 : i32
      %dma_wait3A_2148 = tpu.memref_slice %arg7[%dma_wait3A_2144, %dma_wait3A_2145, %dma_wait3A_2146, %dma_wait3A_2147] : memref<2x2x200x128xf32, #tpu.memory_space<vmem>> -> memref<1x1x72x128xf32, #tpu.memory_space<vmem>>
      %dma_wait3A_2149 = tpu.memref_squeeze %dma_wait3A_2148 : memref<1x1x72x128xf32, #tpu.memory_space<vmem>> -> memref<72x128xf32, #tpu.memory_space<vmem>>
      %dma_wait3A_2150 = arith.constant 128 : i32
      %dma_wait3A_2151 = tpu.memref_slice %arg6[%dma_wait3A_2142, %dma_wait3A_2143, %dma_wait3A_2150] : memref<2x16x200xi32, #tpu.memory_space<vmem>> -> memref<1x1x72xi32, #tpu.memory_space<vmem>>
      %dma_wait3A_2152 = tpu.memref_squeeze %dma_wait3A_2151 : memref<1x1x72xi32, #tpu.memory_space<vmem>> -> memref<72xi32, #tpu.memory_space<vmem>>
      %dma_wait3A_2153 = arith.constant 0 : i32
      %dma_wait3A_2154 = arith.constant 0 : i32
      %dma_wait3A_2155 = tpu.memref_slice %arg5[%dma_wait3A_2153, %dma_wait3A_2154] : memref<1000x128xf32, #tpu.memory_space<vmem_shared>> -> memref<1000x128xf32, #tpu.memory_space<vmem_shared>>
      tpu.wait_indirect_dma semaphore(%arg9 : memref<!tpu.dma_semaphore, #tpu.memory_space<semaphore_mem>>) src(%dma_wait3A_2155 : memref<1000x128xf32, #tpu.memory_space<vmem_shared>>) dst(%dma_wait3A_2149 : memref<72x128xf32, #tpu.memory_space<vmem>>)
      %dma_wait3A_2156 = arith.constant 1 : i32
      %dma_wait3A_2157 = arith.constant 13 : i32
      %dma_wait3A_2158 = arith.constant 0 : i32
      %dma_wait3A_2159 = arith.constant 1 : i32
      %dma_wait3A_2160 = arith.constant 0 : i32
      %dma_wait3A_2161 = arith.constant 0 : i32
      %dma_wait3A_2162 = tpu.memref_slice %arg7[%dma_wait3A_2158, %dma_wait3A_2159, %dma_wait3A_2160, %dma_wait3A_2161] : memref<2x2x200x128xf32, #tpu.memory_space<vmem>> -> memref<1x1x128x128xf32, #tpu.memory_space<vmem>>
      %dma_wait3A_2163 = tpu.memref_squeeze %dma_wait3A_2162 : memref<1x1x128x128xf32, #tpu.memory_space<vmem>> -> memref<128x128xf32, #tpu.memory_space<vmem>>
      %dma_wait3A_2164 = arith.constant 0 : i32
      %dma_wait3A_2165 = tpu.memref_slice %arg6[%dma_wait3A_2156, %dma_wait3A_2157, %dma_wait3A_2164] : memref<2x16x200xi32, #tpu.memory_space<vmem>> -> memref<1x1x128xi32, #tpu.memory_space<vmem>>
      %dma_wait3A_2166 = tpu.memref_squeeze %dma_wait3A_2165 : memref<1x1x128xi32, #tpu.memory_space<vmem>> -> memref<128xi32, #tpu.memory_space<vmem>>
      %dma_wait3A_2167 = arith.constant 0 : i32
      %dma_wait3A_2168 = arith.constant 0 : i32
      %dma_wait3A_2169 = tpu.memref_slice %arg5[%dma_wait3A_2167, %dma_wait3A_2168] : memref<1000x128xf32, #tpu.memory_space<vmem_shared>> -> memref<1000x128xf32, #tpu.memory_space<vmem_shared>>
      tpu.wait_indirect_dma semaphore(%arg9 : memref<!tpu.dma_semaphore, #tpu.memory_space<semaphore_mem>>) src(%dma_wait3A_2169 : memref<1000x128xf32, #tpu.memory_space<vmem_shared>>) dst(%dma_wait3A_2163 : memref<128x128xf32, #tpu.memory_space<vmem>>)
      %dma_wait3A_2170 = arith.constant 1 : i32
      %dma_wait3A_2171 = arith.constant 13 : i32
      %dma_wait3A_2172 = arith.constant 0 : i32
      %dma_wait3A_2173 = arith.constant 1 : i32
      %dma_wait3A_2174 = arith.constant 128 : i32
      %dma_wait3A_2175 = arith.constant 0 : i32
      %dma_wait3A_2176 = tpu.memref_slice %arg7[%dma_wait3A_2172, %dma_wait3A_2173, %dma_wait3A_2174, %dma_wait3A_2175] : memref<2x2x200x128xf32, #tpu.memory_space<vmem>> -> memref<1x1x72x128xf32, #tpu.memory_space<vmem>>
      %dma_wait3A_2177 = tpu.memref_squeeze %dma_wait3A_2176 : memref<1x1x72x128xf32, #tpu.memory_space<vmem>> -> memref<72x128xf32, #tpu.memory_space<vmem>>
      %dma_wait3A_2178 = arith.constant 128 : i32
      %dma_wait3A_2179 = tpu.memref_slice %arg6[%dma_wait3A_2170, %dma_wait3A_2171, %dma_wait3A_2178] : memref<2x16x200xi32, #tpu.memory_space<vmem>> -> memref<1x1x72xi32, #tpu.memory_space<vmem>>
      %dma_wait3A_2180 = tpu.memref_squeeze %dma_wait3A_2179 : memref<1x1x72xi32, #tpu.memory_space<vmem>> -> memref<72xi32, #tpu.memory_space<vmem>>
      %dma_wait3A_2181 = arith.constant 0 : i32
      %dma_wait3A_2182 = arith.constant 0 : i32
      %dma_wait3A_2183 = tpu.memref_slice %arg5[%dma_wait3A_2181, %dma_wait3A_2182] : memref<1000x128xf32, #tpu.memory_space<vmem_shared>> -> memref<1000x128xf32, #tpu.memory_space<vmem_shared>>
      tpu.wait_indirect_dma semaphore(%arg9 : memref<!tpu.dma_semaphore, #tpu.memory_space<semaphore_mem>>) src(%dma_wait3A_2183 : memref<1000x128xf32, #tpu.memory_space<vmem_shared>>) dst(%dma_wait3A_2177 : memref<72x128xf32, #tpu.memory_space<vmem>>)
      %mul3A_2184 = arith.constant 16 : i32
      %mul3A_2185 = arith.muli %add3A_1205, %mul3A_2184 : i32
      %add3A_2186 = arith.addi %mul3A_2, %mul3A_2185 : i32
      %add3A_2187 = arith.constant 12 : i32
      %add3A_2188 = arith.addi %add3A_2186, %add3A_2187 : i32
      %multiple_of3A_2189 = tpu.assume_multiple %add3A_2188, 2 : i32
      %dma_start3A_2190 = arith.constant 0 : i32
      %dma_start3A_2191 = arith.constant 0 : i32
      %dma_start3A_2192 = arith.constant 0 : i32
      %dma_start3A_2193 = arith.constant 0 : i32
      %dma_start3A_2194 = tpu.memref_slice %arg7[%dma_start3A_2190, %dma_start3A_2191, %dma_start3A_2192, %dma_start3A_2193] : memref<2x2x200x128xf32, #tpu.memory_space<vmem>> -> memref<1x2x200x128xf32, #tpu.memory_space<vmem>>
      %dma_start3A_2195 = tpu.memref_squeeze %dma_start3A_2194 : memref<1x2x200x128xf32, #tpu.memory_space<vmem>> -> memref<2x200x128xf32, #tpu.memory_space<vmem>>
      %dma_start3A_2196 = arith.constant 0 : i32
      %dma_start3A_2197 = arith.constant 0 : i32
      %dma_start3A_2198 = tpu.memref_slice %arg4[%multiple_of3A_2189, %dma_start3A_2196, %dma_start3A_2197] : memref<16384x200x128xf32, #tpu.memory_space<hbm>> -> memref<2x200x128xf32, #tpu.memory_space<hbm>>
      %dma_start3A_2199 = arith.constant 0 : i32
      %dma_start3A_2200 = arith.constant 0 : i32
      %dma_start3A_2201 = tpu.memref_slice %arg4[%multiple_of3A_2189, %dma_start3A_2199, %dma_start3A_2200] : memref<16384x200x128xf32, #tpu.memory_space<hbm>> -> memref<2x200x128xf32, #tpu.memory_space<hbm>>
      %dma_start3A_2202 = arith.constant 0 : i32
      %dma_start3A_2203 = arith.constant 0 : i32
      %dma_start3A_2204 = arith.constant 0 : i32
      %dma_start3A_2205 = tpu.memref_slice %arg7[%dma_start3A_2190, %dma_start3A_2202, %dma_start3A_2203, %dma_start3A_2204] : memref<2x2x200x128xf32, #tpu.memory_space<vmem>> -> memref<1x2x200x128xf32, #tpu.memory_space<vmem>>
      %dma_start3A_2206 = tpu.memref_squeeze %dma_start3A_2205 : memref<1x2x200x128xf32, #tpu.memory_space<vmem>> -> memref<2x200x128xf32, #tpu.memory_space<vmem>>
      tpu.enqueue_dma source(%dma_start3A_2206 : memref<2x200x128xf32, #tpu.memory_space<vmem>>) target(%dma_start3A_2201 : memref<2x200x128xf32, #tpu.memory_space<hbm>>) target_semaphore(%arg11 : memref<!tpu.dma_semaphore, #tpu.memory_space<semaphore_mem>>)
      %gt3A_2207 = arith.constant 0 : i32
      %gt3A_2208 = arith.cmpi sgt, %add3A_1205, %gt3A_2207 : i32
      %or3A_2209 = arith.constant true
      %or3A_2210 = arith.ori %gt3A_2208, %or3A_2209 : i1
      %convert_element_type3A_2211 = arith.extui %or3A_2210 : i1 to i32
      %cond3A_2212 = arith.constant 0 : i32
      %cond3A_2213 = arith.cmpi ne, %convert_element_type3A_2211, %cond3A_2212 : i32
      scf.if %cond3A_2213 {
        %mul3A_2356 = arith.constant 16 : i32
        %mul3A_2357 = arith.muli %add3A_1205, %mul3A_2356 : i32
        %add3A_2358 = arith.addi %mul3A_2, %mul3A_2357 : i32
        %add3A_2359 = arith.constant 10 : i32
        %add3A_2360 = arith.addi %add3A_2358, %add3A_2359 : i32
        %multiple_of3A_2361 = tpu.assume_multiple %add3A_2360, 2 : i32
        %dma_wait3A_2362 = arith.constant 1 : i32
        %dma_wait3A_2363 = arith.constant 0 : i32
        %dma_wait3A_2364 = arith.constant 0 : i32
        %dma_wait3A_2365 = arith.constant 0 : i32
        %dma_wait3A_2366 = tpu.memref_slice %arg7[%dma_wait3A_2362, %dma_wait3A_2363, %dma_wait3A_2364, %dma_wait3A_2365] : memref<2x2x200x128xf32, #tpu.memory_space<vmem>> -> memref<1x2x200x128xf32, #tpu.memory_space<vmem>>
        %dma_wait3A_2367 = tpu.memref_squeeze %dma_wait3A_2366 : memref<1x2x200x128xf32, #tpu.memory_space<vmem>> -> memref<2x200x128xf32, #tpu.memory_space<vmem>>
        %dma_wait3A_2368 = arith.constant 0 : i32
        %dma_wait3A_2369 = arith.constant 0 : i32
        %dma_wait3A_2370 = tpu.memref_slice %arg4[%multiple_of3A_2361, %dma_wait3A_2368, %dma_wait3A_2369] : memref<16384x200x128xf32, #tpu.memory_space<hbm>> -> memref<2x200x128xf32, #tpu.memory_space<hbm>>
        %dma_wait3A_2371 = arith.constant 0 : i32
        %dma_wait3A_2372 = arith.constant 0 : i32
        %dma_wait3A_2373 = tpu.memref_slice %arg4[%multiple_of3A_2361, %dma_wait3A_2371, %dma_wait3A_2372] : memref<16384x200x128xf32, #tpu.memory_space<hbm>> -> memref<2x200x128xf32, #tpu.memory_space<hbm>>
        %dma_wait3A_2374 = arith.constant 0 : i32
        %dma_wait3A_2375 = arith.constant 0 : i32
        %dma_wait3A_2376 = arith.constant 0 : i32
        %dma_wait3A_2377 = tpu.memref_slice %arg7[%dma_wait3A_2362, %dma_wait3A_2374, %dma_wait3A_2375, %dma_wait3A_2376] : memref<2x2x200x128xf32, #tpu.memory_space<vmem>> -> memref<1x2x200x128xf32, #tpu.memory_space<vmem>>
        %dma_wait3A_2378 = tpu.memref_squeeze %dma_wait3A_2377 : memref<1x2x200x128xf32, #tpu.memory_space<vmem>> -> memref<2x200x128xf32, #tpu.memory_space<vmem>>
        tpu.wait_dma2 semaphore(%arg12 : memref<!tpu.dma_semaphore, #tpu.memory_space<semaphore_mem>>) src(%dma_wait3A_2378 : memref<2x200x128xf32, #tpu.memory_space<vmem>>) dst(%dma_wait3A_2373 : memref<2x200x128xf32, #tpu.memory_space<hbm>>)
      } else {
      }
      %dma_start3A_2214 = arith.constant 1 : i32
      %dma_start3A_2215 = arith.constant 14 : i32
      %dma_start3A_2216 = arith.constant 1 : i32
      %dma_start3A_2217 = arith.constant 0 : i32
      %dma_start3A_2218 = arith.constant 0 : i32
      %dma_start3A_2219 = arith.constant 0 : i32
      %dma_start3A_2220 = tpu.memref_slice %arg7[%dma_start3A_2216, %dma_start3A_2217, %dma_start3A_2218, %dma_start3A_2219] : memref<2x2x200x128xf32, #tpu.memory_space<vmem>> -> memref<1x1x128x128xf32, #tpu.memory_space<vmem>>
      %dma_start3A_2221 = tpu.memref_squeeze %dma_start3A_2220 : memref<1x1x128x128xf32, #tpu.memory_space<vmem>> -> memref<128x128xf32, #tpu.memory_space<vmem>>
      %dma_start3A_2222 = arith.constant 0 : i32
      %dma_start3A_2223 = tpu.memref_slice %arg6[%dma_start3A_2214, %dma_start3A_2215, %dma_start3A_2222] : memref<2x16x200xi32, #tpu.memory_space<vmem>> -> memref<1x1x128xi32, #tpu.memory_space<vmem>>
      %dma_start3A_2224 = tpu.memref_squeeze %dma_start3A_2223 : memref<1x1x128xi32, #tpu.memory_space<vmem>> -> memref<128xi32, #tpu.memory_space<vmem>>
      %dma_start3A_2225 = arith.constant 0 : i32
      %dma_start3A_2226 = arith.constant 0 : i32
      %dma_start3A_2227 = tpu.memref_slice %arg5[%dma_start3A_2225, %dma_start3A_2226] : memref<1000x128xf32, #tpu.memory_space<vmem_shared>> -> memref<1000x128xf32, #tpu.memory_space<vmem_shared>>
      tpu.enqueue_indirect_dma source(%dma_start3A_2227 : memref<1000x128xf32, #tpu.memory_space<vmem_shared>>) target(%dma_start3A_2221 : memref<128x128xf32, #tpu.memory_space<vmem>>) offsets(%dma_start3A_2224 : memref<128xi32, #tpu.memory_space<vmem>>) semaphore(%arg10 : memref<!tpu.dma_semaphore, #tpu.memory_space<semaphore_mem>>)
      %dma_start3A_2228 = arith.constant 1 : i32
      %dma_start3A_2229 = arith.constant 14 : i32
      %dma_start3A_2230 = arith.constant 1 : i32
      %dma_start3A_2231 = arith.constant 0 : i32
      %dma_start3A_2232 = arith.constant 128 : i32
      %dma_start3A_2233 = arith.constant 0 : i32
      %dma_start3A_2234 = tpu.memref_slice %arg7[%dma_start3A_2230, %dma_start3A_2231, %dma_start3A_2232, %dma_start3A_2233] : memref<2x2x200x128xf32, #tpu.memory_space<vmem>> -> memref<1x1x72x128xf32, #tpu.memory_space<vmem>>
      %dma_start3A_2235 = tpu.memref_squeeze %dma_start3A_2234 : memref<1x1x72x128xf32, #tpu.memory_space<vmem>> -> memref<72x128xf32, #tpu.memory_space<vmem>>
      %dma_start3A_2236 = arith.constant 128 : i32
      %dma_start3A_2237 = tpu.memref_slice %arg6[%dma_start3A_2228, %dma_start3A_2229, %dma_start3A_2236] : memref<2x16x200xi32, #tpu.memory_space<vmem>> -> memref<1x1x72xi32, #tpu.memory_space<vmem>>
      %dma_start3A_2238 = tpu.memref_squeeze %dma_start3A_2237 : memref<1x1x72xi32, #tpu.memory_space<vmem>> -> memref<72xi32, #tpu.memory_space<vmem>>
      %dma_start3A_2239 = arith.constant 0 : i32
      %dma_start3A_2240 = arith.constant 0 : i32
      %dma_start3A_2241 = tpu.memref_slice %arg5[%dma_start3A_2239, %dma_start3A_2240] : memref<1000x128xf32, #tpu.memory_space<vmem_shared>> -> memref<1000x128xf32, #tpu.memory_space<vmem_shared>>
      tpu.enqueue_indirect_dma source(%dma_start3A_2241 : memref<1000x128xf32, #tpu.memory_space<vmem_shared>>) target(%dma_start3A_2235 : memref<72x128xf32, #tpu.memory_space<vmem>>) offsets(%dma_start3A_2238 : memref<72xi32, #tpu.memory_space<vmem>>) semaphore(%arg10 : memref<!tpu.dma_semaphore, #tpu.memory_space<semaphore_mem>>)
      %dma_start3A_2242 = arith.constant 1 : i32
      %dma_start3A_2243 = arith.constant 15 : i32
      %dma_start3A_2244 = arith.constant 1 : i32
      %dma_start3A_2245 = arith.constant 1 : i32
      %dma_start3A_2246 = arith.constant 0 : i32
      %dma_start3A_2247 = arith.constant 0 : i32
      %dma_start3A_2248 = tpu.memref_slice %arg7[%dma_start3A_2244, %dma_start3A_2245, %dma_start3A_2246, %dma_start3A_2247] : memref<2x2x200x128xf32, #tpu.memory_space<vmem>> -> memref<1x1x128x128xf32, #tpu.memory_space<vmem>>
      %dma_start3A_2249 = tpu.memref_squeeze %dma_start3A_2248 : memref<1x1x128x128xf32, #tpu.memory_space<vmem>> -> memref<128x128xf32, #tpu.memory_space<vmem>>
      %dma_start3A_2250 = arith.constant 0 : i32
      %dma_start3A_2251 = tpu.memref_slice %arg6[%dma_start3A_2242, %dma_start3A_2243, %dma_start3A_2250] : memref<2x16x200xi32, #tpu.memory_space<vmem>> -> memref<1x1x128xi32, #tpu.memory_space<vmem>>
      %dma_start3A_2252 = tpu.memref_squeeze %dma_start3A_2251 : memref<1x1x128xi32, #tpu.memory_space<vmem>> -> memref<128xi32, #tpu.memory_space<vmem>>
      %dma_start3A_2253 = arith.constant 0 : i32
      %dma_start3A_2254 = arith.constant 0 : i32
      %dma_start3A_2255 = tpu.memref_slice %arg5[%dma_start3A_2253, %dma_start3A_2254] : memref<1000x128xf32, #tpu.memory_space<vmem_shared>> -> memref<1000x128xf32, #tpu.memory_space<vmem_shared>>
      tpu.enqueue_indirect_dma source(%dma_start3A_2255 : memref<1000x128xf32, #tpu.memory_space<vmem_shared>>) target(%dma_start3A_2249 : memref<128x128xf32, #tpu.memory_space<vmem>>) offsets(%dma_start3A_2252 : memref<128xi32, #tpu.memory_space<vmem>>) semaphore(%arg10 : memref<!tpu.dma_semaphore, #tpu.memory_space<semaphore_mem>>)
      %dma_start3A_2256 = arith.constant 1 : i32
      %dma_start3A_2257 = arith.constant 15 : i32
      %dma_start3A_2258 = arith.constant 1 : i32
      %dma_start3A_2259 = arith.constant 1 : i32
      %dma_start3A_2260 = arith.constant 128 : i32
      %dma_start3A_2261 = arith.constant 0 : i32
      %dma_start3A_2262 = tpu.memref_slice %arg7[%dma_start3A_2258, %dma_start3A_2259, %dma_start3A_2260, %dma_start3A_2261] : memref<2x2x200x128xf32, #tpu.memory_space<vmem>> -> memref<1x1x72x128xf32, #tpu.memory_space<vmem>>
      %dma_start3A_2263 = tpu.memref_squeeze %dma_start3A_2262 : memref<1x1x72x128xf32, #tpu.memory_space<vmem>> -> memref<72x128xf32, #tpu.memory_space<vmem>>
      %dma_start3A_2264 = arith.constant 128 : i32
      %dma_start3A_2265 = tpu.memref_slice %arg6[%dma_start3A_2256, %dma_start3A_2257, %dma_start3A_2264] : memref<2x16x200xi32, #tpu.memory_space<vmem>> -> memref<1x1x72xi32, #tpu.memory_space<vmem>>
      %dma_start3A_2266 = tpu.memref_squeeze %dma_start3A_2265 : memref<1x1x72xi32, #tpu.memory_space<vmem>> -> memref<72xi32, #tpu.memory_space<vmem>>
      %dma_start3A_2267 = arith.constant 0 : i32
      %dma_start3A_2268 = arith.constant 0 : i32
      %dma_start3A_2269 = tpu.memref_slice %arg5[%dma_start3A_2267, %dma_start3A_2268] : memref<1000x128xf32, #tpu.memory_space<vmem_shared>> -> memref<1000x128xf32, #tpu.memory_space<vmem_shared>>
      tpu.enqueue_indirect_dma source(%dma_start3A_2269 : memref<1000x128xf32, #tpu.memory_space<vmem_shared>>) target(%dma_start3A_2263 : memref<72x128xf32, #tpu.memory_space<vmem>>) offsets(%dma_start3A_2266 : memref<72xi32, #tpu.memory_space<vmem>>) semaphore(%arg10 : memref<!tpu.dma_semaphore, #tpu.memory_space<semaphore_mem>>)
      %dma_wait3A_2270 = arith.constant 1 : i32
      %dma_wait3A_2271 = arith.constant 14 : i32
      %dma_wait3A_2272 = arith.constant 1 : i32
      %dma_wait3A_2273 = arith.constant 0 : i32
      %dma_wait3A_2274 = arith.constant 0 : i32
      %dma_wait3A_2275 = arith.constant 0 : i32
      %dma_wait3A_2276 = tpu.memref_slice %arg7[%dma_wait3A_2272, %dma_wait3A_2273, %dma_wait3A_2274, %dma_wait3A_2275] : memref<2x2x200x128xf32, #tpu.memory_space<vmem>> -> memref<1x1x128x128xf32, #tpu.memory_space<vmem>>
      %dma_wait3A_2277 = tpu.memref_squeeze %dma_wait3A_2276 : memref<1x1x128x128xf32, #tpu.memory_space<vmem>> -> memref<128x128xf32, #tpu.memory_space<vmem>>
      %dma_wait3A_2278 = arith.constant 0 : i32
      %dma_wait3A_2279 = tpu.memref_slice %arg6[%dma_wait3A_2270, %dma_wait3A_2271, %dma_wait3A_2278] : memref<2x16x200xi32, #tpu.memory_space<vmem>> -> memref<1x1x128xi32, #tpu.memory_space<vmem>>
      %dma_wait3A_2280 = tpu.memref_squeeze %dma_wait3A_2279 : memref<1x1x128xi32, #tpu.memory_space<vmem>> -> memref<128xi32, #tpu.memory_space<vmem>>
      %dma_wait3A_2281 = arith.constant 0 : i32
      %dma_wait3A_2282 = arith.constant 0 : i32
      %dma_wait3A_2283 = tpu.memref_slice %arg5[%dma_wait3A_2281, %dma_wait3A_2282] : memref<1000x128xf32, #tpu.memory_space<vmem_shared>> -> memref<1000x128xf32, #tpu.memory_space<vmem_shared>>
      tpu.wait_indirect_dma semaphore(%arg10 : memref<!tpu.dma_semaphore, #tpu.memory_space<semaphore_mem>>) src(%dma_wait3A_2283 : memref<1000x128xf32, #tpu.memory_space<vmem_shared>>) dst(%dma_wait3A_2277 : memref<128x128xf32, #tpu.memory_space<vmem>>)
      %dma_wait3A_2284 = arith.constant 1 : i32
      %dma_wait3A_2285 = arith.constant 14 : i32
      %dma_wait3A_2286 = arith.constant 1 : i32
      %dma_wait3A_2287 = arith.constant 0 : i32
      %dma_wait3A_2288 = arith.constant 128 : i32
      %dma_wait3A_2289 = arith.constant 0 : i32
      %dma_wait3A_2290 = tpu.memref_slice %arg7[%dma_wait3A_2286, %dma_wait3A_2287, %dma_wait3A_2288, %dma_wait3A_2289] : memref<2x2x200x128xf32, #tpu.memory_space<vmem>> -> memref<1x1x72x128xf32, #tpu.memory_space<vmem>>
      %dma_wait3A_2291 = tpu.memref_squeeze %dma_wait3A_2290 : memref<1x1x72x128xf32, #tpu.memory_space<vmem>> -> memref<72x128xf32, #tpu.memory_space<vmem>>
      %dma_wait3A_2292 = arith.constant 128 : i32
      %dma_wait3A_2293 = tpu.memref_slice %arg6[%dma_wait3A_2284, %dma_wait3A_2285, %dma_wait3A_2292] : memref<2x16x200xi32, #tpu.memory_space<vmem>> -> memref<1x1x72xi32, #tpu.memory_space<vmem>>
      %dma_wait3A_2294 = tpu.memref_squeeze %dma_wait3A_2293 : memref<1x1x72xi32, #tpu.memory_space<vmem>> -> memref<72xi32, #tpu.memory_space<vmem>>
      %dma_wait3A_2295 = arith.constant 0 : i32
      %dma_wait3A_2296 = arith.constant 0 : i32
      %dma_wait3A_2297 = tpu.memref_slice %arg5[%dma_wait3A_2295, %dma_wait3A_2296] : memref<1000x128xf32, #tpu.memory_space<vmem_shared>> -> memref<1000x128xf32, #tpu.memory_space<vmem_shared>>
      tpu.wait_indirect_dma semaphore(%arg10 : memref<!tpu.dma_semaphore, #tpu.memory_space<semaphore_mem>>) src(%dma_wait3A_2297 : memref<1000x128xf32, #tpu.memory_space<vmem_shared>>) dst(%dma_wait3A_2291 : memref<72x128xf32, #tpu.memory_space<vmem>>)
      %dma_wait3A_2298 = arith.constant 1 : i32
      %dma_wait3A_2299 = arith.constant 15 : i32
      %dma_wait3A_2300 = arith.constant 1 : i32
      %dma_wait3A_2301 = arith.constant 1 : i32
      %dma_wait3A_2302 = arith.constant 0 : i32
      %dma_wait3A_2303 = arith.constant 0 : i32
      %dma_wait3A_2304 = tpu.memref_slice %arg7[%dma_wait3A_2300, %dma_wait3A_2301, %dma_wait3A_2302, %dma_wait3A_2303] : memref<2x2x200x128xf32, #tpu.memory_space<vmem>> -> memref<1x1x128x128xf32, #tpu.memory_space<vmem>>
      %dma_wait3A_2305 = tpu.memref_squeeze %dma_wait3A_2304 : memref<1x1x128x128xf32, #tpu.memory_space<vmem>> -> memref<128x128xf32, #tpu.memory_space<vmem>>
      %dma_wait3A_2306 = arith.constant 0 : i32
      %dma_wait3A_2307 = tpu.memref_slice %arg6[%dma_wait3A_2298, %dma_wait3A_2299, %dma_wait3A_2306] : memref<2x16x200xi32, #tpu.memory_space<vmem>> -> memref<1x1x128xi32, #tpu.memory_space<vmem>>
      %dma_wait3A_2308 = tpu.memref_squeeze %dma_wait3A_2307 : memref<1x1x128xi32, #tpu.memory_space<vmem>> -> memref<128xi32, #tpu.memory_space<vmem>>
      %dma_wait3A_2309 = arith.constant 0 : i32
      %dma_wait3A_2310 = arith.constant 0 : i32
      %dma_wait3A_2311 = tpu.memref_slice %arg5[%dma_wait3A_2309, %dma_wait3A_2310] : memref<1000x128xf32, #tpu.memory_space<vmem_shared>> -> memref<1000x128xf32, #tpu.memory_space<vmem_shared>>
      tpu.wait_indirect_dma semaphore(%arg10 : memref<!tpu.dma_semaphore, #tpu.memory_space<semaphore_mem>>) src(%dma_wait3A_2311 : memref<1000x128xf32, #tpu.memory_space<vmem_shared>>) dst(%dma_wait3A_2305 : memref<128x128xf32, #tpu.memory_space<vmem>>)
      %dma_wait3A_2312 = arith.constant 1 : i32
      %dma_wait3A_2313 = arith.constant 15 : i32
      %dma_wait3A_2314 = arith.constant 1 : i32
      %dma_wait3A_2315 = arith.constant 1 : i32
      %dma_wait3A_2316 = arith.constant 128 : i32
      %dma_wait3A_2317 = arith.constant 0 : i32
      %dma_wait3A_2318 = tpu.memref_slice %arg7[%dma_wait3A_2314, %dma_wait3A_2315, %dma_wait3A_2316, %dma_wait3A_2317] : memref<2x2x200x128xf32, #tpu.memory_space<vmem>> -> memref<1x1x72x128xf32, #tpu.memory_space<vmem>>
      %dma_wait3A_2319 = tpu.memref_squeeze %dma_wait3A_2318 : memref<1x1x72x128xf32, #tpu.memory_space<vmem>> -> memref<72x128xf32, #tpu.memory_space<vmem>>
      %dma_wait3A_2320 = arith.constant 128 : i32
      %dma_wait3A_2321 = tpu.memref_slice %arg6[%dma_wait3A_2312, %dma_wait3A_2313, %dma_wait3A_2320] : memref<2x16x200xi32, #tpu.memory_space<vmem>> -> memref<1x1x72xi32, #tpu.memory_space<vmem>>
      %dma_wait3A_2322 = tpu.memref_squeeze %dma_wait3A_2321 : memref<1x1x72xi32, #tpu.memory_space<vmem>> -> memref<72xi32, #tpu.memory_space<vmem>>
      %dma_wait3A_2323 = arith.constant 0 : i32
      %dma_wait3A_2324 = arith.constant 0 : i32
      %dma_wait3A_2325 = tpu.memref_slice %arg5[%dma_wait3A_2323, %dma_wait3A_2324] : memref<1000x128xf32, #tpu.memory_space<vmem_shared>> -> memref<1000x128xf32, #tpu.memory_space<vmem_shared>>
      tpu.wait_indirect_dma semaphore(%arg10 : memref<!tpu.dma_semaphore, #tpu.memory_space<semaphore_mem>>) src(%dma_wait3A_2325 : memref<1000x128xf32, #tpu.memory_space<vmem_shared>>) dst(%dma_wait3A_2319 : memref<72x128xf32, #tpu.memory_space<vmem>>)
      %mul3A_2326 = arith.constant 16 : i32
      %mul3A_2327 = arith.muli %add3A_1205, %mul3A_2326 : i32
      %add3A_2328 = arith.addi %mul3A_2, %mul3A_2327 : i32
      %add3A_2329 = arith.constant 14 : i32
      %add3A_2330 = arith.addi %add3A_2328, %add3A_2329 : i32
      %multiple_of3A_2331 = tpu.assume_multiple %add3A_2330, 2 : i32
      %dma_start3A_2332 = arith.constant 1 : i32
      %dma_start3A_2333 = arith.constant 0 : i32
      %dma_start3A_2334 = arith.constant 0 : i32
      %dma_start3A_2335 = arith.constant 0 : i32
      %dma_start3A_2336 = tpu.memref_slice %arg7[%dma_start3A_2332, %dma_start3A_2333, %dma_start3A_2334, %dma_start3A_2335] : memref<2x2x200x128xf32, #tpu.memory_space<vmem>> -> memref<1x2x200x128xf32, #tpu.memory_space<vmem>>
      %dma_start3A_2337 = tpu.memref_squeeze %dma_start3A_2336 : memref<1x2x200x128xf32, #tpu.memory_space<vmem>> -> memref<2x200x128xf32, #tpu.memory_space<vmem>>
      %dma_start3A_2338 = arith.constant 0 : i32
      %dma_start3A_2339 = arith.constant 0 : i32
      %dma_start3A_2340 = tpu.memref_slice %arg4[%multiple_of3A_2331, %dma_start3A_2338, %dma_start3A_2339] : memref<16384x200x128xf32, #tpu.memory_space<hbm>> -> memref<2x200x128xf32, #tpu.memory_space<hbm>>
      %dma_start3A_2341 = arith.constant 0 : i32
      %dma_start3A_2342 = arith.constant 0 : i32
      %dma_start3A_2343 = tpu.memref_slice %arg4[%multiple_of3A_2331, %dma_start3A_2341, %dma_start3A_2342] : memref<16384x200x128xf32, #tpu.memory_space<hbm>> -> memref<2x200x128xf32, #tpu.memory_space<hbm>>
      %dma_start3A_2344 = arith.constant 0 : i32
      %dma_start3A_2345 = arith.constant 0 : i32
      %dma_start3A_2346 = arith.constant 0 : i32
      %dma_start3A_2347 = tpu.memref_slice %arg7[%dma_start3A_2332, %dma_start3A_2344, %dma_start3A_2345, %dma_start3A_2346] : memref<2x2x200x128xf32, #tpu.memory_space<vmem>> -> memref<1x2x200x128xf32, #tpu.memory_space<vmem>>
      %dma_start3A_2348 = tpu.memref_squeeze %dma_start3A_2347 : memref<1x2x200x128xf32, #tpu.memory_space<vmem>> -> memref<2x200x128xf32, #tpu.memory_space<vmem>>
      tpu.enqueue_dma source(%dma_start3A_2348 : memref<2x200x128xf32, #tpu.memory_space<vmem>>) target(%dma_start3A_2343 : memref<2x200x128xf32, #tpu.memory_space<hbm>>) target_semaphore(%arg12 : memref<!tpu.dma_semaphore, #tpu.memory_space<semaphore_mem>>)
      %add3A_2349 = arith.constant 1 : i32
      %add3A_2350 = arith.addi %add3A_1205, %add3A_2349 : i32
      %lt3A_2351 = arith.constant 32 : i32
      %lt3A_2352 = arith.cmpi slt, %add3A_2350, %lt3A_2351 : i32
      %convert_element_type3A_2353 = arith.extui %lt3A_2352 : i1 to i32
      %cond3A_2354 = arith.constant 0 : i32
      %cond3A_2355 = arith.cmpi ne, %convert_element_type3A_2353, %cond3A_2354 : i32
      scf.if %cond3A_2355 {
        %dma_wait3A_2356 = arith.constant 0 : i32
        %dma_wait3A_2357 = arith.constant 0 : i32
        %dma_wait3A_2358 = arith.constant 0 : i32
        %dma_wait3A_2359 = tpu.memref_slice %arg6[%dma_wait3A_2356, %dma_wait3A_2357, %dma_wait3A_2358] : memref<2x16x200xi32, #tpu.memory_space<vmem>> -> memref<1x16x200xi32, #tpu.memory_space<vmem>>
        %dma_wait3A_2360 = tpu.memref_squeeze %dma_wait3A_2359 : memref<1x16x200xi32, #tpu.memory_space<vmem>> -> memref<16x200xi32, #tpu.memory_space<vmem>>
        %dma_wait3A_2361 = arith.constant 0 : i32
        %dma_wait3A_2362 = arith.constant 0 : i32
        %dma_wait3A_2363 = tpu.memref_slice %arg2[%dma_wait3A_2361, %dma_wait3A_2362] : memref<16384x200xi32, #tpu.memory_space<hbm>> -> memref<16x200xi32, #tpu.memory_space<hbm>>
        %dma_wait3A_2364 = arith.constant 0 : i32
        %dma_wait3A_2365 = arith.constant 0 : i32
        %dma_wait3A_2366 = tpu.memref_slice %arg6[%dma_wait3A_2356, %dma_wait3A_2364, %dma_wait3A_2365] : memref<2x16x200xi32, #tpu.memory_space<vmem>> -> memref<1x16x200xi32, #tpu.memory_space<vmem>>
        %dma_wait3A_2367 = tpu.memref_squeeze %dma_wait3A_2366 : memref<1x16x200xi32, #tpu.memory_space<vmem>> -> memref<16x200xi32, #tpu.memory_space<vmem>>
        %dma_wait3A_2368 = arith.constant 0 : i32
        %dma_wait3A_2369 = arith.constant 0 : i32
        %dma_wait3A_2370 = tpu.memref_slice %arg2[%dma_wait3A_2368, %dma_wait3A_2369] : memref<16384x200xi32, #tpu.memory_space<hbm>> -> memref<16x200xi32, #tpu.memory_space<hbm>>
        tpu.wait_dma2 semaphore(%arg8 : memref<!tpu.dma_semaphore, #tpu.memory_space<semaphore_mem>>) src(%dma_wait3A_2370 : memref<16x200xi32, #tpu.memory_space<hbm>>) dst(%dma_wait3A_2367 : memref<16x200xi32, #tpu.memory_space<vmem>>)
      } else {
      }
    }
    %scan3A_9 = arith.constant 16 : i32
    %add3A_10 = arith.constant 496 : i32
    %add3A_11 = arith.addi %mul3A_2, %add3A_10 : i32
    %add3A_12 = arith.constant 12 : i32
    %add3A_13 = arith.addi %add3A_11, %add3A_12 : i32
    %multiple_of3A_14 = tpu.assume_multiple %add3A_13, 2 : i32
    %dma_wait3A = arith.constant 0 : i32
    %dma_wait3A_15 = arith.constant 0 : i32
    %dma_wait3A_16 = arith.constant 0 : i32
    %dma_wait3A_17 = arith.constant 0 : i32
    %dma_wait3A_18 = tpu.memref_slice %arg7[%dma_wait3A, %dma_wait3A_15, %dma_wait3A_16, %dma_wait3A_17] : memref<2x2x200x128xf32, #tpu.memory_space<vmem>> -> memref<1x2x200x128xf32, #tpu.memory_space<vmem>>
    %dma_wait3A_19 = tpu.memref_squeeze %dma_wait3A_18 : memref<1x2x200x128xf32, #tpu.memory_space<vmem>> -> memref<2x200x128xf32, #tpu.memory_space<vmem>>
    %dma_wait3A_20 = arith.constant 0 : i32
    %dma_wait3A_21 = arith.constant 0 : i32
    %dma_wait3A_22 = tpu.memref_slice %arg4[%multiple_of3A_14, %dma_wait3A_20, %dma_wait3A_21] : memref<16384x200x128xf32, #tpu.memory_space<hbm>> -> memref<2x200x128xf32, #tpu.memory_space<hbm>>
    %dma_wait3A_23 = arith.constant 0 : i32
    %dma_wait3A_24 = arith.constant 0 : i32
    %dma_wait3A_25 = tpu.memref_slice %arg4[%multiple_of3A_14, %dma_wait3A_23, %dma_wait3A_24] : memref<16384x200x128xf32, #tpu.memory_space<hbm>> -> memref<2x200x128xf32, #tpu.memory_space<hbm>>
    %dma_wait3A_26 = arith.constant 0 : i32
    %dma_wait3A_27 = arith.constant 0 : i32
    %dma_wait3A_28 = arith.constant 0 : i32
    %dma_wait3A_29 = tpu.memref_slice %arg7[%dma_wait3A, %dma_wait3A_26, %dma_wait3A_27, %dma_wait3A_28] : memref<2x2x200x128xf32, #tpu.memory_space<vmem>> -> memref<1x2x200x128xf32, #tpu.memory_space<vmem>>
    %dma_wait3A_30 = tpu.memref_squeeze %dma_wait3A_29 : memref<1x2x200x128xf32, #tpu.memory_space<vmem>> -> memref<2x200x128xf32, #tpu.memory_space<vmem>>
    tpu.wait_dma2 semaphore(%arg11 : memref<!tpu.dma_semaphore, #tpu.memory_space<semaphore_mem>>) src(%dma_wait3A_30 : memref<2x200x128xf32, #tpu.memory_space<vmem>>) dst(%dma_wait3A_25 : memref<2x200x128xf32, #tpu.memory_space<hbm>>)
    %add3A_31 = arith.constant 496 : i32
    %add3A_32 = arith.addi %mul3A_2, %add3A_31 : i32
    %add3A_33 = arith.constant 14 : i32
    %add3A_34 = arith.addi %add3A_32, %add3A_33 : i32
    %multiple_of3A_35 = tpu.assume_multiple %add3A_34, 2 : i32
    %dma_wait3A_36 = arith.constant 1 : i32
    %dma_wait3A_37 = arith.constant 0 : i32
    %dma_wait3A_38 = arith.constant 0 : i32
    %dma_wait3A_39 = arith.constant 0 : i32
    %dma_wait3A_40 = tpu.memref_slice %arg7[%dma_wait3A_36, %dma_wait3A_37, %dma_wait3A_38, %dma_wait3A_39] : memref<2x2x200x128xf32, #tpu.memory_space<vmem>> -> memref<1x2x200x128xf32, #tpu.memory_space<vmem>>
    %dma_wait3A_41 = tpu.memref_squeeze %dma_wait3A_40 : memref<1x2x200x128xf32, #tpu.memory_space<vmem>> -> memref<2x200x128xf32, #tpu.memory_space<vmem>>
    %dma_wait3A_42 = arith.constant 0 : i32
    %dma_wait3A_43 = arith.constant 0 : i32
    %dma_wait3A_44 = tpu.memref_slice %arg4[%multiple_of3A_35, %dma_wait3A_42, %dma_wait3A_43] : memref<16384x200x128xf32, #tpu.memory_space<hbm>> -> memref<2x200x128xf32, #tpu.memory_space<hbm>>
    %dma_wait3A_45 = arith.constant 0 : i32
    %dma_wait3A_46 = arith.constant 0 : i32
    %dma_wait3A_47 = tpu.memref_slice %arg4[%multiple_of3A_35, %dma_wait3A_45, %dma_wait3A_46] : memref<16384x200x128xf32, #tpu.memory_space<hbm>> -> memref<2x200x128xf32, #tpu.memory_space<hbm>>
    %dma_wait3A_48 = arith.constant 0 : i32
    %dma_wait3A_49 = arith.constant 0 : i32
    %dma_wait3A_50 = arith.constant 0 : i32
    %dma_wait3A_51 = tpu.memref_slice %arg7[%dma_wait3A_36, %dma_wait3A_48, %dma_wait3A_49, %dma_wait3A_50] : memref<2x2x200x128xf32, #tpu.memory_space<vmem>> -> memref<1x2x200x128xf32, #tpu.memory_space<vmem>>
    %dma_wait3A_52 = tpu.memref_squeeze %dma_wait3A_51 : memref<1x2x200x128xf32, #tpu.memory_space<vmem>> -> memref<2x200x128xf32, #tpu.memory_space<vmem>>
    tpu.wait_dma2 semaphore(%arg12 : memref<!tpu.dma_semaphore, #tpu.memory_space<semaphore_mem>>) src(%dma_wait3A_52 : memref<2x200x128xf32, #tpu.memory_space<vmem>>) dst(%dma_wait3A_47 : memref<2x200x128xf32, #tpu.memory_space<hbm>>)
    return
  }
}

</mosaic_0001>

<sc_bundles>
// kernel: kernel.3.cloned.1.call-start
scs
__scs_entry_jumppad:
0x0: {  	(pc) =	sbr.rel $0x88, $3  }
0x1: {  	(tag) =	ssettag $0x0;
	lr =	simm.s32 $0x1  }
0x2: {  	[smem:$0x3F9F] =	sst lr;
	_ =	strace $0xD0000000  }
0x3: {  	_ = 	snop  }
0x4: {  	_ = 	snop  }
0x5: {  	_ = 	snop  }
0x6: {  	_ = 	snop  }
0x7: {  	_ = 	snop  }
__scs_overlays_trampoline_lowered:
0x8: {  	[smem:$0x3FAE] =	sst s0  }
0x9: {  	[smem:$0x3FAF] =	sst s1  }
0xa: {  	[smem:$0x3FB0] =	sst s2  }
0xb: {  	[smem:$0x3FB1] =	sst s3  }
0xc: {  	[smem:$0x3FB2] =	sst s4  }
0xd: {  	[smem:$0x3FB3] =	sst s5  }
0xe: {  	[smem:$0x3FB4] =	sst s6  }
0xf: {  	[smem:$0x3FB5] =	sst s7  }
0x10: {  	[smem:$0x3FB6] =	sst s8  }
0x11: {  	[smem:$0x3FB7] =	sst s9;
	s0 =	simm.s32 @!p0 $0x0  }
0x12: {  	s1 =	sld [smem:$0x3F9D];
	s0 =	simm.s32 @p0 $0x1  }
0x13: {  	[smem:$0x3FB8] =	sst s0;
	s0 =	simm.s32 @!p1 $0x0  }
0x14: {  	s2 =	sld [smem:$0x3F9C];
	s0 =	simm.s32 @p1 $0x1  }
0x15: {  	[smem:$0x3FB9] =	sst s0;
	s0 =	simm.s32 @!p2 $0x0  }
0x16: {  	s3 =	sld [smem:$0x3FDB];
	s0 =	simm.s32 @p2 $0x1  }
0x17: {  	s4 =	simm.s32 $0x1BF5;
	[smem:$0x3FBB] =	sst s0  }
0x18: {  	s0 =	sld [smem:$0x3F9E];
	_ =	swait.ge [sflag:s4], $0x0  }
0x19: {  	s7 =	sld [smem:$0x3F9F]  }
0x1a: {  	s8 =	sadd.s32 $0xFFFFE003, lr  }
0x1b: {  	s9 =	sadd.s32 $0xFFFFFEF7, lr;
	s5 =	simm.s32 $0xFFFFFFFF;
	p2 =	slt.u32 s8, $0xFFFFF086  }
0x1c: {  	p1 =	slt.u32 s9, $0xF7A;
	s5 =	simm.s32 @!p2 $0x0  }
0x1d: {  	s5 =	simm.s32 @p1 $0x1;
	p0 =	seq.s32 s7, s2  }
0x1e: {  	s7 =	smul.u32 @!p0 $0xF7A, s2;
	p2 =	seq.s32 @!p0 s5, $0x0  }
0x1f: {  	s9 =	smul.u32 $0xF7A, s1;
	s8 =	simm.s32 @!p0 $0x1BF5;
	p2 =	por !p2, p0  }
0x20: {  	[sflag:s8] =	ssyncset.s32 @!p0 $0xFFFFF086;
	s6 =	sadd.s32 @!p0 s3, s7;
	s7 =	simm.s32 @!p0 $0x108  }
0x21: {  	s3 =	sadd.s32 s3, s9;
	s6 =	sadd.s32 @!p0 $0x88, s6;
	s7 =	simm.s32 @p2 $0x1082  }
0x22: {  	[simem:s7], [sflag:s8] =	dma.local @!p0 [hbm:s6], $0xF7A  }
0x23: {  	s9 =	sor.u32 $0xD0000000, s2;
	s6 =	simm.s32 $0x108;
	_ =	swait.ge @!p0 [sflag:s8], $0x0  }
0x24: {  	s3 =	sadd.s32 $0x88, s3;
	s6 =	simm.s32 @!p1 $0x1082;
	[sflag:s4] =	ssyncset.s32 $0xFFFFF086  }
0x25: {  	[simem:s6], [sflag:s4] =	dma.local [hbm:s3], $0xF7A  }
0x26: {  	[smem:$0x3F9F] =	sst s1;
	(tag) =	ssettag s2;
	_ =	strace s9  }
0x27: {  	s1 =	sld [smem:$0x3FAF]  }
0x28: {  	s2 =	sld [smem:$0x3FB0]  }
0x29: {  	s4 =	sld [smem:$0x3FB2]  }
0x2a: {  	p0 =	seq.s32 s5, $0x0;
	s5 =	sld [smem:$0x3FB3]  }
0x2b: {  	s6 =	sld [smem:$0x3FB4]  }
0x2c: {  	s7 =	sld [smem:$0x3FB5]  }
0x2d: {  	s3 =	simm.s32 $0x108;
	s8 =	sld [smem:$0x3FB6]  }
0x2e: {  	s3 =	simm.s32 @!p0 $0x1082;
	s9 =	sld [smem:$0x3FB7]  }
0x2f: {  	lr =	sadd.s32 s0, s3;
	s0 =	sld [smem:$0x3FAE]  }
0x30: {  	s3 =	sld [smem:$0x3FB1]  }
0x31: {  	[smem:$0x3FBA] =	sst s10  }
0x32: {  	s10 =	sld [smem:$0x3FB8];
	_ =	sdelay $0x3  }
0x33: {  	p0 =	seq.s32 s10, $0x1;
	s10 =	sld [smem:$0x3FBA];
	_ =	sdelay $0x3  }
0x34: {  	[smem:$0x3FBA] =	sst s10  }
0x35: {  	s10 =	sld [smem:$0x3FB9];
	_ =	sdelay $0x3  }
0x36: {  	p1 =	seq.s32 s10, $0x1;
	s10 =	sld [smem:$0x3FBA];
	_ =	sdelay $0x3  }
0x37: {  	[smem:$0x3FBA] =	sst s10  }
0x38: {  	s10 =	sld [smem:$0x3FBB]  }
0x39: {  	_ = 	snop;
	(pc) =	sbr.ind lr, $3  }
0x3a: {  	_ = 	snop  }
0x3b: {  	_ = 	snop  }
0x3c: {  	p2 =	seq.s32 s10, $0x1;
	s10 =	sld [smem:$0x3FBA]  }
0x3d: {  	_ =	shalt  }
0x3e: {  	_ =	shalt  }
0x3f: {  	_ =	shalt  }
0x40: {  	_ =	shalt  }
0x41: {  	_ =	shalt  }
0x42: {  	_ =	shalt  }
0x43: {  	_ =	shalt  }
0x44: {  	_ =	shalt  }
0x45: {  	_ =	shalt  }
0x46: {  	_ =	shalt  }
0x47: {  	_ =	shalt  }
0x48: {  	_ =	shalt  }
0x49: {  	_ =	shalt  }
0x4a: {  	_ =	shalt  }
0x4b: {  	_ =	shalt  }
0x4c: {  	_ =	shalt  }
0x4d: {  	_ =	shalt  }
0x4e: {  	_ =	shalt  }
0x4f: {  	_ =	shalt  }
0x50: {  	_ =	shalt  }
0x51: {  	_ =	shalt  }
0x52: {  	_ =	shalt  }
0x53: {  	_ =	shalt  }
0x54: {  	_ =	shalt  }
0x55: {  	_ =	shalt  }
0x56: {  	_ =	shalt  }
0x57: {  	_ =	shalt  }
0x58: {  	_ =	shalt  }
0x59: {  	_ =	shalt  }
0x5a: {  	_ =	shalt  }
0x5b: {  	_ =	shalt  }
0x5c: {  	_ =	shalt  }
0x5d: {  	_ =	shalt  }
0x5e: {  	_ =	shalt  }
0x5f: {  	_ =	shalt  }
0x60: {  	_ =	shalt  }
0x61: {  	_ =	shalt  }
0x62: {  	_ =	shalt  }
0x63: {  	_ =	shalt  }
0x64: {  	_ =	shalt  }
0x65: {  	_ =	shalt  }
0x66: {  	_ =	shalt  }
0x67: {  	_ =	shalt  }
0x68: {  	_ =	shalt  }
0x69: {  	_ =	shalt  }
0x6a: {  	_ =	shalt  }
0x6b: {  	_ =	shalt  }
0x6c: {  	_ =	shalt  }
0x6d: {  	_ =	shalt  }
0x6e: {  	_ =	shalt  }
0x6f: {  	_ =	shalt  }
0x70: {  	_ =	shalt  }
0x71: {  	_ =	shalt  }
0x72: {  	_ =	shalt  }
0x73: {  	_ =	shalt  }
0x74: {  	_ =	shalt  }
0x75: {  	_ =	shalt  }
0x76: {  	_ =	shalt  }
0x77: {  	_ =	shalt  }
0x78: {  	_ =	shalt  }
0x79: {  	_ =	shalt  }
0x7a: {  	_ =	shalt  }
0x7b: {  	_ =	shalt  }
0x7c: {  	_ =	shalt  }
0x7d: {  	_ =	shalt  }
0x7e: {  	_ =	shalt  }
0x7f: {  	_ =	shalt  }
0x80: {  	_ =	shalt  }
0x81: {  	_ =	shalt  }
0x82: {  	_ =	shalt  }
0x83: {  	_ =	shalt  }
0x84: {  	_ =	shalt  }
0x85: {  	_ =	shalt  }
0x86: {  	_ =	shalt  }
0x87: {  	_ =	shalt  }
.Lfunc_end0:
.L_simem_size_0:
called_computation.1_lowered:
.L_overlay_start_0:
0x88: {  	s2 =	sld [smem:$0x3FD9]  }
0x89: {  	s3 =	sld [smem:$0x3FFE];
	_ =	sdelay $0x1  }
0x8a: {  	s1 =	srdreg.scid  }
0x8b: {  	s0 =	sand.u32 $0x1, s1  }
0x8c: {  	s17 =	sshll.u32 s0, $0xA;
	s2 =	sadd.s32 s3, s2  }
0x8d: {  	s2 =	sadd.s32 s2, s17  }
0x8e: {  	[smem:$0x3FC6] =	sst s2  }
0x8f: {  	_ = 	snop  }
0x90: {  	s2 =	sld [smem:$0x3FD0];
	(tm) =	ssettm $0x1  }
0x91: {  	s18 =	sld [smem:$0x3FFB];
	_ =	sdelay $0x3  }
0x92: {  	_ =	strace s18  }
0x93: {  	s3 =	sld [smem:$0x3FFC];
	_ =	sdelay $0x3  }
0x94: {  	_ =	strace s3  }
0x95: {  	s3 =	sld [smem:$0x3FFD];
	_ =	sdelay $0x3  }
0x96: {  	_ =	strace s3  }
0x97: {  	_ =	strace $0x8FFFFFFF  }
0x98: {  	s19 =	sld [smem:$0x3FDB];
	_ =	sdelay $0x1  }
0x99: {  	s4 =	simm.s32 $_scs_section_size  }
0x9a: {  	s5 =	simm.s32 $_size__tile_overlayer_lowered;
	s6 =	simm.s32 $_tile_overlayer_lowered  }
0x9b: {  	s22 =	simm.s32 $0x1BFF;
	s21 =	sshll.u32 s6, $0x1;
	s3 =	sadd.s32 s4, s19  }
0x9c: {  	s7 =	simm.s32 $0x0;
	s20 =	sshll.u32 s5, $0x1;
	s5 =	sadd.s32 s21, s3  }
0x9d: {  	[timem:s7], [sflag:s22] =	dma.local [hbm:s5], s20  }
0x9e: {  	_ =	swait.ge [sflag:s22], s20  }
0x9f: {  	s4 =	ssub.s32 $0x0, s20;
	[sflag:s22] =	ssyncset.done $0x0  }
0xa0: {  	[sflag:s22] =	ssyncadd.s32 s4;
	_ =	sdelay $0x1  }
0xa1: {  	s23 =	simm.s32 $0x1B8B  }
0xa2: {  	_ =	swait.ge [sflag:s23], $0x1  }
0xa3: {  	[sflag:s23] =	ssyncset.done $0x0  }
0xa4: {  	s25 =	simm.s32 $0x1B8E;
	s24 =	sld [smem:$0x3FFE];
	[sflag:s23] =	ssyncadd.s32 $0xFFFFFFFF  }
0xa5: {  	s26 =	simm.s32 $execute0_lowered;
	[smem:$0x3FD2] =	sst s25  }
0xa6: {  	s5 =	sshll.u32 s26, $0x1;
	_ =	strace $0x80000046;
	[dreg:$0x1] =	wrdreg $0xFFFFFFFF  }
0xa7: {  	s28 =	simm.s32 $_size_execute0_lowered;
	s3 =	sadd.s32 s3, s5;
	[dreg:$0x0] =	wrdreg $0x0  }
0xa8: {  	s5 =	sshll.u32 s28, $0x1;
	[dreg:$0x2] =	wrdreg s3  }
0xa9: {  	[dreg:$0x3] =	wrdreg s5  }
0xaa: {  	[dreg:$0x4] =	wrdreg $0xC0  }
0xab: {  	_ =	task [dreg:s7], $0x5FFFF  }
0xac: {  	[dreg:$0x1] =	wrdreg $0xFFFFFFFF  }
0xad: {  	[dreg:$0x0] =	wrdreg $0x60  }
0xae: {  	[dreg:$0x2] =	wrdreg s2  }
0xaf: {  	[dreg:$0x3] =	wrdreg s24  }
0xb0: {  	[dreg:$0x4] =	wrdreg $0x0  }
0xb1: {  	[dreg:$0x5] =	wrdreg $0x9  }
0xb2: {  	_ =	task.clear_ibuf [dreg:s7], $0x6FFFF;
	_ =	strace $0x90000046  }
0xb3: {  	s29 =	simm.s32 $0x9;
	_ =	strace $0x80000048  }
0xb4: {  	_ =	swait.ge [sflag:s29], $0x1  }
0xb5: {  	[sflag:s29] =	ssyncadd.s32 $0xFFFFFFFF  }
0xb6: {  	_ =	strace $0x90000048  }
0xb7: {  	_ =	sfence  }
0xb8: {  	s30 =	sld [smem:$0x0];
	_ =	sdelay $0x2  }
0xb9: {  	s31 =	sshll.u32 s1, $0xD;
	s1 =	sshrl.u32 s1, $0x2  }
0xba: {  	s3 =	sand.u32 $0x4000, s31;
	s1 =	sadd.s32 s1, s30  }
0xbb: {  	s0 =	sor.u32 s3, s0;
	s1 =	sshll.u32 s1, $0x11  }
0xbc: {  	s0 =	sor.u32 s1, s0  }
0xbd: {  	s0 =	sadd.s32 $0x8F2B, s0  }
0xbe: {  	[sflag:s0] =	ssyncadd.remote.s32 $0x1  }
0xbf: {  	_ =	sfence.sel $0xFFFF  }
0xc0: {  	[dreg:$0x0] =	wrdreg $0xFFFFFFFF;
	(pc) =	sbr.abs _section_cstart, $3  }
0xc1: {  	[dreg:$0x1] =	wrdreg $0xFFFFFFFF  }
0xc2: {  	_ =	task.clear_ibuf [dreg:s7], $0x2FFFF;
	_ =	strace $0x9FFFFFFF  }
0xc3: {  	(tm) =	ssettm $0x7FFFFFFF  }
tec
execute0_lowered:
.L_overlay_start_1:
0x0: {  	(tag) =	ssettag $0x1  }
0x1: {  	s0 =	rddreg [dreg:$0x0]  }
0x2: {  	s3 =	rddreg [dreg:$0x1]  }
0x3: {  	s1 =	rddreg [dreg:$0x2];
	s2 =	simm.s32 $0x0;
	s4 =	srdreg.scid  }
0x4: {  	s28 =	simm.s32 $0x48;
	s30 =	simm.s32 $0x7F40;
	s31 =	simm.s32 $0x14740  }
0x5: {  	s29 =	simm.s32 $0x1AB40;
	[smem:$0x7FF] =	sst s2;
	s5 =	sadd.s32 $0x800, s3  }
0x6: {  	s4 =	sand.u32 $0x1, s4;
	_ =	strace $0x80000047;
	[dreg:$0x4] =	wrdreg s5  }
0x7: {  	s3 =	sadd.s32 $0x4800, s3;
	s5 =	stileid.u32;
	s12 =	smul.u32 $0xC80000, s4  }
0x8: {  	s6 =	ssub.s32 $0x2, s4;
	s8 =	sshll.u32 s4, $0xE;
	s4 =	smul.u32 $0x190000, s4  }
0x9: {  	s7 =	sshll.u32 s5, $0xF;
	s9 =	smul.u32 $0x1900000, s5;
	s10 =	sshrl.u32 s6, $0x1  }
0xa: {  	s14 =	smul.u32 $0x320000, s5;
	p0 =	sne.s32 s5, $0x0;
	s11 =	sor.u32 s8, s7  }
0xb: {  	s5 =	simm.s32 $0x2;
	s6 =	ssub.s32 s6, s10;
	s22 =	sadd.s32 s0, s11  }
0xc: {  	s0 =	sadd.s32 s7, s0;
	s6 =	smax.u32 s6, $0x1;
	[dreg:$0x5] =	wrdreg s22  }
0xd: {  	s16 =	sadd.s32 s14, s3;
	[dreg:$0x6] =	wrdreg s6;
	s0 =	sadd.s32 s8, s0  }
0xe: {  	s6 =	sadd.s32 s12, s9;
	s14 =	sadd.s32 s4, s16;
	s4 =	simm.s32 $0xE340  }
0xf: {  	s0 =	sadd.s32 $0x400, s0;
	s23 =	sor.u32 $0x57800, s6;
	s24 =	sor.u32 $0x4B000, s6  }
0x10: {  	s25 =	sor.u32 $0x3E800, s6;
	s8 =	sor.u32 $0x32000, s6;
	s9 =	sor.u32 $0x25800, s6  }
0x11: {  	s10 =	sor.u32 $0x19000, s6;
	s13 =	sor.u32 $0xC800, s6;
	s15 =	sadd.s32 $0xBB800, s6  }
0x12: {  	s18 =	sadd.s32 $0xAF000, s6;
	s19 =	sadd.s32 $0xA2800, s6;
	s20 =	sadd.s32 $0x96000, s6  }
0x13: {  	[dreg:$0x7] =	wrdreg s0;
	s0 =	sshrl.u32 s23, $0x3;
	s7 =	sshrl.u32 s24, $0x3  }
0x14: {  	s12 =	sshrl.u32 s10, $0x3;
	s17 =	sshrl.u32 s15, $0x3;
	s21 =	sshrl.u32 s19, $0x3  }
0x15: {  	s22 =	sshrl.u32 s20, $0x3;
	s23 =	sadd.s32 $0x89800, s6;
	s24 =	sor.u32 $0x7D000, s6  }
0x16: {  	s6 =	sor.u32 $0x70800, s6;
	s10 =	simm.s32 $0x0;
	s0 =	sadd.s32 s0, s3  }
0x17: {  	s26 =	sadd.s32 s7, s3;
	s7 =	sshrl.u32 s25, $0x3;
	s15 =	sadd.s32 s17, s3  }
0x18: {  	s17 =	sadd.s32 s21, s3;
	s25 =	sshrl.u32 s24, $0x3;
	[dreg:$0x8] =	wrdreg s0  }
0x19: {  	s24 =	simm.s32 $0x2F40;
	[dreg:$0x9] =	wrdreg s26;
	s0 =	sadd.s32 s7, s3  }
0x1a: {  	s7 =	sshrl.u32 s9, $0x3;
	s26 =	sshrl.u32 s6, $0x3;
	s20 =	sadd.s32 s25, s3  }
0x1b: {  	s25 =	simm.s32 $0x80;
	[dreg:$0xa] =	wrdreg s0;
	s0 =	sshrl.u32 s8, $0x3  }
0x1c: {  	s6 =	simm.s32 $0x16B40;
	s11 =	sadd.s32 s7, s3;
	s0 =	sadd.s32 s0, s3  }
0x1d: {  	s21 =	sadd.s32 s26, s3;
	[dreg:$0xb] =	wrdreg s0;
	s0 =	sadd.s32 s12, s3  }
0x1e: {  	s26 =	simm.s32 $0x3F40;
	[dreg:$0xd] =	wrdreg s0;
	s0 =	sshrl.u32 s13, $0x3  }
.Ltmp0:
0x1f: {  	[dreg:$0xc] =	wrdreg s11;
	s0 =	sadd.s32 s0, s3;
	(pc) =	sbr.rel .LBB2_1-.Ltmp0, $4  }
0x20: {  	s7 =	simm.s32 $0x5;
	s8 =	simm.s32 $0x1;
	[dreg:$0xe] =	wrdreg s0  }
0x21: {  	s0 =	sshrl.u32 s18, $0x3;
	s18 =	sadd.s32 s22, s3;
	s22 =	simm.s32 $0x4  }
0x22: {  	s16 =	sadd.s32 s0, s3;
	s0 =	sshrl.u32 s23, $0x3;
	s23 =	simm.s32 $0x10740  }
0x23: {  	s19 =	sadd.s32 s0, s3;
	s0 =	simm.s32 $0xA340;
	s3 =	simm.s32 $0x3  }
.LBB2_4:
0x24: {  	_ =	swait.ge [sflag:s22], $0xC800  }
0x25: {  	[sflag:s22] =	ssyncset.done $0x0  }
0x26: {  	[sflag:s22] =	ssyncadd.s32 $0xFFFF3800  }
0x27: {  	_ =	swait.ge [sflag:s7], $0xC800  }
0x28: {  	s10 =	rddreg [dreg:$0xf]  }
0x29: {  	s9 =	rddreg [dreg:$0x6];
	s10 =	sadd.s32 $0x1, s10  }
0x2a: {  	p1 =	sne.s32 s10, s9  }
.Ltmp1:
0x2b: {  	_ = 	snop;
	(pc) =	sbr.rel @!p1 .LBB2_5-.Ltmp1, $3  }
0x2c: {  	_ =	sdelay $0x1  }
0x2d: {  	[sflag:s7] =	ssyncset.done $0x0  }
0x2e: {  	[sflag:s7] =	ssyncadd.s32 $0xFFFF3800  }
.LBB2_1:
0x2f: {  	[dreg:$0xf] =	wrdreg s10  }
0x30: {  	s9 =	sshrl.u32 @!p0 s1, $0x3;
	s10 =	simm.s32 @!p0 $0x1C06;
	s11 =	rddreg [dreg:$0x4]  }
0x31: {  	[spmem:s9], [sflag:s10] =	dma.local @!p0 [hbm:s11], $0x3E80  }
0x32: {  	s9 =	simm.s32 @!p0 $0x6  }
0x33: {  	_ =	swait.ge @!p0 [sflag:s9], $0x3E80  }
0x34: {  	[sflag:s9] =	ssyncset.done @!p0 $0x0  }
0x35: {  	[sflag:s9] =	ssyncadd.s32 @!p0 $0xFFFFC180  }
0x36: {  	[bflag:$0x0] =	sbarrier.arrive $0xFFFF  }
0x37: {  	s12 =	simm.s32 $0x1F40;
	s13 =	simm.s32 $0x6;
	s11 =	rddreg [dreg:$0x5]  }
0x38: {  	[tilespmem:s12], [sflag:$0x6] =	stream.linear.gather [hbm4b:s11+s2], $0x1000, $0x38;
	[tilespmem:$0x1CF40] =	vst v63  }
0x39: {  	_ =	swait.ge [sflag:s13], $0x1000  }
0x3a: {  	[sflag:s13] =	ssyncset.done $0x0  }
0x3b: {  	s9 =	simm.s32 $0x0;
	s10 =	rddreg [dreg:$0x7];
	[sflag:s13] =	ssyncadd.s32 $0xFFFFF000  }
.LBB2_2:
0x3c: {  	s11 =	sadd.s32 $0xFFFFFE00, s10;
	p1 =	seq.s32 s9, $0x0  }
0x3d: {  	[tilespmem:s24], [sflag:$0x1] =	stream.linear.gather [hbm4b:s11+s2], $0x1000, $0x38;
	[tilespmem:$0x1CF40] =	vst v63  }
0x3e: {  	s11 =	simm.s32 @!p1 $0x4  }
0x3f: {  	_ =	swait.ge @!p1 [sflag:s11], $0xC800  }
0x40: {  	[sflag:s11] =	ssyncset.done @!p1 $0x0  }
0x41: {  	s13 =	simm.s32 $0x1F40;
	[sflag:s11] =	ssyncadd.s32 @!p1 $0xFFFF3800  }
0x42: {  	[tilespmem:s26], [sflag:$0x2] =	stream.indirect.gather [spmem:s1], $0x80, s13, s25, $0xb8;
	[tilespmem:$0x1CF40] =	vst v63  }
0x43: {  	s12 =	simm.s32 $0x2340  }
0x44: {  	[tilespmem:s30], [sflag:$0x2] =	stream.indirect.gather [spmem:s1], $0x80, s12, s28, $0xb8;
	[tilespmem:$0x1CF40] =	vst v63  }
0x45: {  	s13 =	simm.s32 $0x1FC0  }
0x46: {  	[tilespmem:s0], [sflag:$0x2] =	stream.indirect.gather [spmem:s1], $0x80, s13, s25, $0xb8;
	[tilespmem:$0x1CF40] =	vst v63  }
0x47: {  	s12 =	simm.s32 $0x23C0  }
0x48: {  	[tilespmem:s4], [sflag:$0x2] =	stream.indirect.gather [spmem:s1], $0x80, s12, s28, $0xb8;
	[tilespmem:$0x1CF40] =	vst v63  }
0x49: {  	_ =	swait.ge [sflag:s5], $0x4000  }
0x4a: {  	[sflag:s5] =	ssyncset.done $0x0  }
0x4b: {  	[sflag:s5] =	ssyncadd.s32 $0xFFFFC000  }
0x4c: {  	_ =	swait.ge [sflag:s5], $0x2400  }
0x4d: {  	[sflag:s5] =	ssyncset.done $0x0  }
0x4e: {  	[sflag:s5] =	ssyncadd.s32 $0xFFFFDC00  }
0x4f: {  	_ =	swait.ge [sflag:s5], $0x4000  }
0x50: {  	[sflag:s5] =	ssyncset.done $0x0  }
0x51: {  	[sflag:s5] =	ssyncadd.s32 $0xFFFFC000  }
0x52: {  	_ =	swait.ge [sflag:s5], $0x2400  }
0x53: {  	[sflag:s5] =	ssyncset.done $0x0  }
0x54: {  	s11 =	sadd.s32 s9, s14;
	s12 =	simm.s32 @!p1 $0x5;
	[sflag:s5] =	ssyncadd.s32 $0xFFFFDC00  }
0x55: {  	[hbm4b:s11+s2] =	stream.linear.scatter [tilespmem:s26], [sflag:$0x4], $0xC800, $0x38;
	[tilespmem:$0x1CF40] =	vst v63  }
0x56: {  	_ =	swait.ge @!p1 [sflag:s12], $0xC800  }
0x57: {  	[sflag:s12] =	ssyncset.done @!p1 $0x0  }
0x58: {  	s13 =	simm.s32 $0x2040;
	[sflag:s12] =	ssyncadd.s32 @!p1 $0xFFFF3800  }
0x59: {  	[tilespmem:s23], [sflag:$0x3] =	stream.indirect.gather [spmem:s1], $0x80, s13, s25, $0xb8;
	[tilespmem:$0x1CF40] =	vst v63  }
0x5a: {  	s13 =	simm.s32 $0x2440  }
0x5b: {  	[tilespmem:s31], [sflag:$0x3] =	stream.indirect.gather [spmem:s1], $0x80, s13, s28, $0xb8;
	[tilespmem:$0x1CF40] =	vst v63  }
0x5c: {  	s13 =	simm.s32 $0x20C0  }
0x5d: {  	[tilespmem:s6], [sflag:$0x3] =	stream.indirect.gather [spmem:s1], $0x80, s13, s25, $0xb8;
	[tilespmem:$0x1CF40] =	vst v63  }
0x5e: {  	s13 =	simm.s32 $0x24C0  }
0x5f: {  	[tilespmem:s29], [sflag:$0x3] =	stream.indirect.gather [spmem:s1], $0x80, s13, s28, $0xb8;
	[tilespmem:$0x1CF40] =	vst v63  }
0x60: {  	_ =	swait.ge [sflag:s3], $0x4000  }
0x61: {  	[sflag:s3] =	ssyncset.done $0x0  }
0x62: {  	[sflag:s3] =	ssyncadd.s32 $0xFFFFC000  }
0x63: {  	_ =	swait.ge [sflag:s3], $0x2400  }
0x64: {  	[sflag:s3] =	ssyncset.done $0x0  }
0x65: {  	[sflag:s3] =	ssyncadd.s32 $0xFFFFDC00  }
0x66: {  	_ =	swait.ge [sflag:s3], $0x4000  }
0x67: {  	[sflag:s3] =	ssyncset.done $0x0  }
0x68: {  	[sflag:s3] =	ssyncadd.s32 $0xFFFFC000  }
0x69: {  	_ =	swait.ge [sflag:s3], $0x2400  }
0x6a: {  	[sflag:s3] =	ssyncset.done $0x0;
	s13 =	rddreg [dreg:$0xe]  }
0x6b: {  	[sflag:s3] =	ssyncadd.s32 $0xFFFFDC00;
	s12 =	sadd.s32 s9, s13  }
0x6c: {  	[hbm4b:s12+s2] =	stream.linear.scatter [tilespmem:s23], [sflag:$0x5], $0xC800, $0x38;
	[tilespmem:$0x1CF40] =	vst v63  }
0x6d: {  	_ =	swait.ge [sflag:s22], $0xC800  }
0x6e: {  	[sflag:s22] =	ssyncset.done $0x0  }
0x6f: {  	s13 =	simm.s32 $0x2140;
	[sflag:s22] =	ssyncadd.s32 $0xFFFF3800  }
0x70: {  	[tilespmem:s26], [sflag:$0x2] =	stream.indirect.gather [spmem:s1], $0x80, s13, s25, $0xb8;
	[tilespmem:$0x1CF40] =	vst v63  }
0x71: {  	s13 =	simm.s32 $0x2540  }
0x72: {  	[tilespmem:s30], [sflag:$0x2] =	stream.indirect.gather [spmem:s1], $0x80, s13, s28, $0xb8;
	[tilespmem:$0x1CF40] =	vst v63  }
0x73: {  	s13 =	simm.s32 $0x21C0  }
0x74: {  	[tilespmem:s0], [sflag:$0x2] =	stream.indirect.gather [spmem:s1], $0x80, s13, s25, $0xb8;
	[tilespmem:$0x1CF40] =	vst v63  }
0x75: {  	s13 =	simm.s32 $0x25C0  }
0x76: {  	[tilespmem:s4], [sflag:$0x2] =	stream.indirect.gather [spmem:s1], $0x80, s13, s28, $0xb8;
	[tilespmem:$0x1CF40] =	vst v63  }
0x77: {  	_ =	swait.ge [sflag:s5], $0x4000  }
0x78: {  	[sflag:s5] =	ssyncset.done $0x0  }
0x79: {  	[sflag:s5] =	ssyncadd.s32 $0xFFFFC000  }
0x7a: {  	_ =	swait.ge [sflag:s5], $0x2400  }
0x7b: {  	[sflag:s5] =	ssyncset.done $0x0  }
0x7c: {  	[sflag:s5] =	ssyncadd.s32 $0xFFFFDC00  }
0x7d: {  	_ =	swait.ge [sflag:s5], $0x4000  }
0x7e: {  	[sflag:s5] =	ssyncset.done $0x0  }
0x7f: {  	[sflag:s5] =	ssyncadd.s32 $0xFFFFC000  }
0x80: {  	_ =	swait.ge [sflag:s5], $0x2400  }
0x81: {  	[sflag:s5] =	ssyncset.done $0x0;
	s13 =	rddreg [dreg:$0xd]  }
0x82: {  	[sflag:s5] =	ssyncadd.s32 $0xFFFFDC00;
	s12 =	sadd.s32 s9, s13  }
0x83: {  	[hbm4b:s12+s2] =	stream.linear.scatter [tilespmem:s26], [sflag:$0x4], $0xC800, $0x38;
	[tilespmem:$0x1CF40] =	vst v63  }
0x84: {  	_ =	swait.ge [sflag:s7], $0xC800  }
0x85: {  	[sflag:s7] =	ssyncset.done $0x0  }
0x86: {  	s13 =	simm.s32 $0x2240;
	[sflag:s7] =	ssyncadd.s32 $0xFFFF3800  }
0x87: {  	[tilespmem:s23], [sflag:$0x3] =	stream.indirect.gather [spmem:s1], $0x80, s13, s25, $0xb8;
	[tilespmem:$0x1CF40] =	vst v63  }
0x88: {  	s13 =	simm.s32 $0x2640  }
0x89: {  	[tilespmem:s31], [sflag:$0x3] =	stream.indirect.gather [spmem:s1], $0x80, s13, s28, $0xb8;
	[tilespmem:$0x1CF40] =	vst v63  }
0x8a: {  	s13 =	simm.s32 $0x22C0  }
0x8b: {  	[tilespmem:s6], [sflag:$0x3] =	stream.indirect.gather [spmem:s1], $0x80, s13, s25, $0xb8;
	[tilespmem:$0x1CF40] =	vst v63  }
0x8c: {  	s13 =	simm.s32 $0x26C0  }
0x8d: {  	[tilespmem:s29], [sflag:$0x3] =	stream.indirect.gather [spmem:s1], $0x80, s13, s28, $0xb8;
	[tilespmem:$0x1CF40] =	vst v63  }
0x8e: {  	_ =	swait.ge [sflag:s3], $0x4000  }
0x8f: {  	[sflag:s3] =	ssyncset.done $0x0  }
0x90: {  	[sflag:s3] =	ssyncadd.s32 $0xFFFFC000  }
0x91: {  	_ =	swait.ge [sflag:s3], $0x2400  }
0x92: {  	[sflag:s3] =	ssyncset.done $0x0  }
0x93: {  	[sflag:s3] =	ssyncadd.s32 $0xFFFFDC00  }
0x94: {  	_ =	swait.ge [sflag:s3], $0x4000  }
0x95: {  	[sflag:s3] =	ssyncset.done $0x0  }
0x96: {  	[sflag:s3] =	ssyncadd.s32 $0xFFFFC000  }
0x97: {  	_ =	swait.ge [sflag:s3], $0x2400  }
0x98: {  	[sflag:s3] =	ssyncset.done $0x0;
	s13 =	rddreg [dreg:$0xc]  }
0x99: {  	[sflag:s3] =	ssyncadd.s32 $0xFFFFDC00;
	s12 =	sadd.s32 s9, s13  }
0x9a: {  	[hbm4b:s12+s2] =	stream.linear.scatter [tilespmem:s23], [sflag:$0x5], $0xC800, $0x38;
	[tilespmem:$0x1CF40] =	vst v63  }
0x9b: {  	_ =	swait.ge [sflag:s22], $0xC800  }
0x9c: {  	[sflag:s22] =	ssyncset.done $0x0  }
0x9d: {  	s13 =	simm.s32 $0x2740;
	[sflag:s22] =	ssyncadd.s32 $0xFFFF3800  }
0x9e: {  	[tilespmem:s26], [sflag:$0x2] =	stream.indirect.gather [spmem:s1], $0x80, s13, s25, $0xb8;
	[tilespmem:$0x1CF40] =	vst v63  }
0x9f: {  	s13 =	simm.s32 $0x2B40  }
0xa0: {  	[tilespmem:s30], [sflag:$0x2] =	stream.indirect.gather [spmem:s1], $0x80, s13, s28, $0xb8;
	[tilespmem:$0x1CF40] =	vst v63  }
0xa1: {  	s13 =	simm.s32 $0x27C0  }
0xa2: {  	[tilespmem:s0], [sflag:$0x2] =	stream.indirect.gather [spmem:s1], $0x80, s13, s25, $0xb8;
	[tilespmem:$0x1CF40] =	vst v63  }
0xa3: {  	s13 =	simm.s32 $0x2BC0  }
0xa4: {  	[tilespmem:s4], [sflag:$0x2] =	stream.indirect.gather [spmem:s1], $0x80, s13, s28, $0xb8;
	[tilespmem:$0x1CF40] =	vst v63  }
0xa5: {  	_ =	swait.ge [sflag:s5], $0x4000  }
0xa6: {  	[sflag:s5] =	ssyncset.done $0x0  }
0xa7: {  	[sflag:s5] =	ssyncadd.s32 $0xFFFFC000  }
0xa8: {  	_ =	swait.ge [sflag:s5], $0x2400  }
0xa9: {  	[sflag:s5] =	ssyncset.done $0x0  }
0xaa: {  	[sflag:s5] =	ssyncadd.s32 $0xFFFFDC00  }
0xab: {  	_ =	swait.ge [sflag:s5], $0x4000  }
0xac: {  	[sflag:s5] =	ssyncset.done $0x0  }
0xad: {  	[sflag:s5] =	ssyncadd.s32 $0xFFFFC000  }
0xae: {  	_ =	swait.ge [sflag:s5], $0x2400  }
0xaf: {  	[sflag:s5] =	ssyncset.done $0x0;
	s13 =	rddreg [dreg:$0xb]  }
0xb0: {  	[sflag:s5] =	ssyncadd.s32 $0xFFFFDC00;
	s12 =	sadd.s32 s9, s13  }
0xb1: {  	[hbm4b:s12+s2] =	stream.linear.scatter [tilespmem:s26], [sflag:$0x4], $0xC800, $0x38;
	[tilespmem:$0x1CF40] =	vst v63  }
0xb2: {  	_ =	swait.ge [sflag:s7], $0xC800  }
0xb3: {  	[sflag:s7] =	ssyncset.done $0x0  }
0xb4: {  	s13 =	simm.s32 $0x2840;
	[sflag:s7] =	ssyncadd.s32 $0xFFFF3800  }
0xb5: {  	[tilespmem:s23], [sflag:$0x3] =	stream.indirect.gather [spmem:s1], $0x80, s13, s25, $0xb8;
	[tilespmem:$0x1CF40] =	vst v63  }
0xb6: {  	s13 =	simm.s32 $0x2C40  }
0xb7: {  	[tilespmem:s31], [sflag:$0x3] =	stream.indirect.gather [spmem:s1], $0x80, s13, s28, $0xb8;
	[tilespmem:$0x1CF40] =	vst v63  }
0xb8: {  	s13 =	simm.s32 $0x28C0  }
0xb9: {  	[tilespmem:s6], [sflag:$0x3] =	stream.indirect.gather [spmem:s1], $0x80, s13, s25, $0xb8;
	[tilespmem:$0x1CF40] =	vst v63  }
0xba: {  	s13 =	simm.s32 $0x2CC0  }
0xbb: {  	[tilespmem:s29], [sflag:$0x3] =	stream.indirect.gather [spmem:s1], $0x80, s13, s28, $0xb8;
	[tilespmem:$0x1CF40] =	vst v63  }
0xbc: {  	_ =	swait.ge [sflag:s3], $0x4000  }
0xbd: {  	[sflag:s3] =	ssyncset.done $0x0  }
0xbe: {  	[sflag:s3] =	ssyncadd.s32 $0xFFFFC000  }
0xbf: {  	_ =	swait.ge [sflag:s3], $0x2400  }
0xc0: {  	[sflag:s3] =	ssyncset.done $0x0  }
0xc1: {  	[sflag:s3] =	ssyncadd.s32 $0xFFFFDC00  }
0xc2: {  	_ =	swait.ge [sflag:s3], $0x4000  }
0xc3: {  	[sflag:s3] =	ssyncset.done $0x0  }
0xc4: {  	[sflag:s3] =	ssyncadd.s32 $0xFFFFC000  }
0xc5: {  	_ =	swait.ge [sflag:s3], $0x2400  }
0xc6: {  	[sflag:s3] =	ssyncset.done $0x0;
	s13 =	rddreg [dreg:$0xa]  }
0xc7: {  	[sflag:s3] =	ssyncadd.s32 $0xFFFFDC00;
	s12 =	sadd.s32 s9, s13  }
0xc8: {  	[hbm4b:s12+s2] =	stream.linear.scatter [tilespmem:s23], [sflag:$0x5], $0xC800, $0x38;
	[tilespmem:$0x1CF40] =	vst v63  }
0xc9: {  	_ =	swait.ge [sflag:s22], $0xC800  }
0xca: {  	[sflag:s22] =	ssyncset.done $0x0  }
0xcb: {  	s13 =	simm.s32 $0x2940;
	[sflag:s22] =	ssyncadd.s32 $0xFFFF3800  }
0xcc: {  	[tilespmem:s26], [sflag:$0x2] =	stream.indirect.gather [spmem:s1], $0x80, s13, s25, $0xb8;
	[tilespmem:$0x1CF40] =	vst v63  }
0xcd: {  	s13 =	simm.s32 $0x2D40  }
0xce: {  	[tilespmem:s30], [sflag:$0x2] =	stream.indirect.gather [spmem:s1], $0x80, s13, s28, $0xb8;
	[tilespmem:$0x1CF40] =	vst v63  }
0xcf: {  	s13 =	simm.s32 $0x29C0  }
0xd0: {  	[tilespmem:s0], [sflag:$0x2] =	stream.indirect.gather [spmem:s1], $0x80, s13, s25, $0xb8;
	[tilespmem:$0x1CF40] =	vst v63  }
0xd1: {  	s13 =	simm.s32 $0x2DC0  }
0xd2: {  	[tilespmem:s4], [sflag:$0x2] =	stream.indirect.gather [spmem:s1], $0x80, s13, s28, $0xb8;
	[tilespmem:$0x1CF40] =	vst v63  }
0xd3: {  	_ =	swait.ge [sflag:s5], $0x4000  }
0xd4: {  	[sflag:s5] =	ssyncset.done $0x0  }
0xd5: {  	[sflag:s5] =	ssyncadd.s32 $0xFFFFC000  }
0xd6: {  	_ =	swait.ge [sflag:s5], $0x2400  }
0xd7: {  	[sflag:s5] =	ssyncset.done $0x0  }
0xd8: {  	[sflag:s5] =	ssyncadd.s32 $0xFFFFDC00  }
0xd9: {  	_ =	swait.ge [sflag:s5], $0x4000  }
0xda: {  	[sflag:s5] =	ssyncset.done $0x0  }
0xdb: {  	[sflag:s5] =	ssyncadd.s32 $0xFFFFC000  }
0xdc: {  	_ =	swait.ge [sflag:s5], $0x2400  }
0xdd: {  	[sflag:s5] =	ssyncset.done $0x0;
	s13 =	rddreg [dreg:$0x9]  }
0xde: {  	[sflag:s5] =	ssyncadd.s32 $0xFFFFDC00;
	s12 =	sadd.s32 s9, s13  }
0xdf: {  	[hbm4b:s12+s2] =	stream.linear.scatter [tilespmem:s26], [sflag:$0x4], $0xC800, $0x38;
	[tilespmem:$0x1CF40] =	vst v63  }
0xe0: {  	_ =	swait.ge [sflag:s7], $0xC800  }
0xe1: {  	[sflag:s7] =	ssyncset.done $0x0  }
0xe2: {  	s13 =	simm.s32 $0x2A40;
	[sflag:s7] =	ssyncadd.s32 $0xFFFF3800  }
0xe3: {  	[tilespmem:s23], [sflag:$0x3] =	stream.indirect.gather [spmem:s1], $0x80, s13, s25, $0xb8;
	[tilespmem:$0x1CF40] =	vst v63  }
0xe4: {  	s13 =	simm.s32 $0x2E40  }
0xe5: {  	[tilespmem:s31], [sflag:$0x3] =	stream.indirect.gather [spmem:s1], $0x80, s13, s28, $0xb8;
	[tilespmem:$0x1CF40] =	vst v63  }
0xe6: {  	s13 =	simm.s32 $0x2AC0  }
0xe7: {  	[tilespmem:s6], [sflag:$0x3] =	stream.indirect.gather [spmem:s1], $0x80, s13, s25, $0xb8;
	[tilespmem:$0x1CF40] =	vst v63  }
0xe8: {  	s13 =	simm.s32 $0x2EC0  }
0xe9: {  	[tilespmem:s29], [sflag:$0x3] =	stream.indirect.gather [spmem:s1], $0x80, s13, s28, $0xb8;
	[tilespmem:$0x1CF40] =	vst v63  }
0xea: {  	_ =	swait.ge [sflag:s3], $0x4000  }
0xeb: {  	[sflag:s3] =	ssyncset.done $0x0  }
0xec: {  	[sflag:s3] =	ssyncadd.s32 $0xFFFFC000  }
0xed: {  	_ =	swait.ge [sflag:s3], $0x2400  }
0xee: {  	[sflag:s3] =	ssyncset.done $0x0  }
0xef: {  	[sflag:s3] =	ssyncadd.s32 $0xFFFFDC00  }
0xf0: {  	_ =	swait.ge [sflag:s3], $0x4000  }
0xf1: {  	[sflag:s3] =	ssyncset.done $0x0  }
0xf2: {  	[sflag:s3] =	ssyncadd.s32 $0xFFFFC000  }
0xf3: {  	_ =	swait.ge [sflag:s3], $0x2400  }
0xf4: {  	[sflag:s3] =	ssyncset.done $0x0;
	s13 =	rddreg [dreg:$0x8]  }
0xf5: {  	[sflag:s3] =	ssyncadd.s32 $0xFFFFDC00;
	s12 =	sadd.s32 s9, s13  }
0xf6: {  	[hbm4b:s12+s2] =	stream.linear.scatter [tilespmem:s23], [sflag:$0x5], $0xC800, $0x38;
	[tilespmem:$0x1CF40] =	vst v63  }
0xf7: {  	_ =	swait.ge [sflag:s8], $0x1000  }
0xf8: {  	p1 =	seq.s32 s9, $0x177000;
	[sflag:s8] =	ssyncset.done $0x0  }
0xf9: {  	s13 =	simm.s32 @!p1 $0x1F40;
	s12 =	simm.s32 @!p1 $0x0;
	[sflag:s8] =	ssyncadd.s32 $0xFFFFF000  }
0xfa: {  	[tilespmem:s13], [sflag:$0x1] =	stream.linear.gather @!p1 [hbm4b:s10+s12], $0x1000, $0x38;
	[tilespmem:$0x1CF40] =	vst v63  }
0xfb: {  	_ =	swait.ge [sflag:s22], $0xC800  }
0xfc: {  	[sflag:s22] =	ssyncset.done $0x0  }
0xfd: {  	[sflag:s22] =	ssyncadd.s32 $0xFFFF3800  }
0xfe: {  	[tilespmem:s26], [sflag:$0x2] =	stream.indirect.gather [spmem:s1], $0x80, s24, s25, $0xb8;
	[tilespmem:$0x1CF40] =	vst v63  }
0xff: {  	s13 =	simm.s32 $0x3340  }
0x100: {  	[tilespmem:s30], [sflag:$0x2] =	stream.indirect.gather [spmem:s1], $0x80, s13, s28, $0xb8;
	[tilespmem:$0x1CF40] =	vst v63  }
0x101: {  	s13 =	simm.s32 $0x2FC0  }
0x102: {  	[tilespmem:s0], [sflag:$0x2] =	stream.indirect.gather [spmem:s1], $0x80, s13, s25, $0xb8;
	[tilespmem:$0x1CF40] =	vst v63  }
0x103: {  	s13 =	simm.s32 $0x33C0  }
0x104: {  	[tilespmem:s4], [sflag:$0x2] =	stream.indirect.gather [spmem:s1], $0x80, s13, s28, $0xb8;
	[tilespmem:$0x1CF40] =	vst v63  }
0x105: {  	_ =	swait.ge [sflag:s5], $0x4000  }
0x106: {  	[sflag:s5] =	ssyncset.done $0x0  }
0x107: {  	[sflag:s5] =	ssyncadd.s32 $0xFFFFC000  }
0x108: {  	_ =	swait.ge [sflag:s5], $0x2400  }
0x109: {  	[sflag:s5] =	ssyncset.done $0x0  }
0x10a: {  	[sflag:s5] =	ssyncadd.s32 $0xFFFFDC00  }
0x10b: {  	_ =	swait.ge [sflag:s5], $0x4000  }
0x10c: {  	[sflag:s5] =	ssyncset.done $0x0  }
0x10d: {  	[sflag:s5] =	ssyncadd.s32 $0xFFFFC000  }
0x10e: {  	_ =	swait.ge [sflag:s5], $0x2400  }
0x10f: {  	[sflag:s5] =	ssyncset.done $0x0  }
0x110: {  	s11 =	sadd.s32 $0xC800, s11;
	[sflag:s5] =	ssyncadd.s32 $0xFFFFDC00  }
0x111: {  	[hbm4b:s11+s2] =	stream.linear.scatter [tilespmem:s26], [sflag:$0x4], $0xC800, $0x38;
	[tilespmem:$0x1CF40] =	vst v63  }
0x112: {  	_ =	swait.ge [sflag:s7], $0xC800  }
0x113: {  	[sflag:s7] =	ssyncset.done $0x0  }
0x114: {  	s13 =	simm.s32 $0x3040;
	[sflag:s7] =	ssyncadd.s32 $0xFFFF3800  }
0x115: {  	[tilespmem:s23], [sflag:$0x3] =	stream.indirect.gather [spmem:s1], $0x80, s13, s25, $0xb8;
	[tilespmem:$0x1CF40] =	vst v63  }
0x116: {  	s12 =	simm.s32 $0x3440  }
0x117: {  	[tilespmem:s31], [sflag:$0x3] =	stream.indirect.gather [spmem:s1], $0x80, s12, s28, $0xb8;
	[tilespmem:$0x1CF40] =	vst v63  }
0x118: {  	s13 =	simm.s32 $0x30C0  }
0x119: {  	[tilespmem:s6], [sflag:$0x3] =	stream.indirect.gather [spmem:s1], $0x80, s13, s25, $0xb8;
	[tilespmem:$0x1CF40] =	vst v63  }
0x11a: {  	s12 =	simm.s32 $0x34C0  }
0x11b: {  	[tilespmem:s29], [sflag:$0x3] =	stream.indirect.gather [spmem:s1], $0x80, s12, s28, $0xb8;
	[tilespmem:$0x1CF40] =	vst v63  }
0x11c: {  	_ =	swait.ge [sflag:s3], $0x4000  }
0x11d: {  	[sflag:s3] =	ssyncset.done $0x0  }
0x11e: {  	[sflag:s3] =	ssyncadd.s32 $0xFFFFC000  }
0x11f: {  	_ =	swait.ge [sflag:s3], $0x2400  }
0x120: {  	[sflag:s3] =	ssyncset.done $0x0  }
0x121: {  	[sflag:s3] =	ssyncadd.s32 $0xFFFFDC00  }
0x122: {  	_ =	swait.ge [sflag:s3], $0x4000  }
0x123: {  	[sflag:s3] =	ssyncset.done $0x0  }
0x124: {  	[sflag:s3] =	ssyncadd.s32 $0xFFFFC000  }
0x125: {  	_ =	swait.ge [sflag:s3], $0x2400  }
0x126: {  	[sflag:s3] =	ssyncset.done $0x0  }
0x127: {  	s13 =	sadd.s32 s9, s21;
	[sflag:s3] =	ssyncadd.s32 $0xFFFFDC00  }
0x128: {  	[hbm4b:s13+s2] =	stream.linear.scatter [tilespmem:s23], [sflag:$0x5], $0xC800, $0x38;
	[tilespmem:$0x1CF40] =	vst v63  }
0x129: {  	_ =	swait.ge [sflag:s22], $0xC800  }
0x12a: {  	[sflag:s22] =	ssyncset.done $0x0  }
0x12b: {  	s12 =	simm.s32 $0x3140;
	[sflag:s22] =	ssyncadd.s32 $0xFFFF3800  }
0x12c: {  	[tilespmem:s26], [sflag:$0x2] =	stream.indirect.gather [spmem:s1], $0x80, s12, s25, $0xb8;
	[tilespmem:$0x1CF40] =	vst v63  }
0x12d: {  	s13 =	simm.s32 $0x3540  }
0x12e: {  	[tilespmem:s30], [sflag:$0x2] =	stream.indirect.gather [spmem:s1], $0x80, s13, s28, $0xb8;
	[tilespmem:$0x1CF40] =	vst v63  }
0x12f: {  	s12 =	simm.s32 $0x31C0  }
0x130: {  	[tilespmem:s0], [sflag:$0x2] =	stream.indirect.gather [spmem:s1], $0x80, s12, s25, $0xb8;
	[tilespmem:$0x1CF40] =	vst v63  }
0x131: {  	s13 =	simm.s32 $0x35C0  }
0x132: {  	[tilespmem:s4], [sflag:$0x2] =	stream.indirect.gather [spmem:s1], $0x80, s13, s28, $0xb8;
	[tilespmem:$0x1CF40] =	vst v63  }
0x133: {  	_ =	swait.ge [sflag:s5], $0x4000  }
0x134: {  	[sflag:s5] =	ssyncset.done $0x0  }
0x135: {  	[sflag:s5] =	ssyncadd.s32 $0xFFFFC000  }
0x136: {  	_ =	swait.ge [sflag:s5], $0x2400  }
0x137: {  	[sflag:s5] =	ssyncset.done $0x0  }
0x138: {  	[sflag:s5] =	ssyncadd.s32 $0xFFFFDC00  }
0x139: {  	_ =	swait.ge [sflag:s5], $0x4000  }
0x13a: {  	[sflag:s5] =	ssyncset.done $0x0  }
0x13b: {  	[sflag:s5] =	ssyncadd.s32 $0xFFFFC000  }
0x13c: {  	_ =	swait.ge [sflag:s5], $0x2400  }
0x13d: {  	[sflag:s5] =	ssyncset.done $0x0  }
0x13e: {  	s12 =	sadd.s32 s9, s20;
	[sflag:s5] =	ssyncadd.s32 $0xFFFFDC00  }
0x13f: {  	[hbm4b:s12+s2] =	stream.linear.scatter [tilespmem:s26], [sflag:$0x4], $0xC800, $0x38;
	[tilespmem:$0x1CF40] =	vst v63  }
0x140: {  	_ =	swait.ge [sflag:s7], $0xC800  }
0x141: {  	[sflag:s7] =	ssyncset.done $0x0  }
0x142: {  	s13 =	simm.s32 $0x3240;
	[sflag:s7] =	ssyncadd.s32 $0xFFFF3800  }
0x143: {  	[tilespmem:s23], [sflag:$0x3] =	stream.indirect.gather [spmem:s1], $0x80, s13, s25, $0xb8;
	[tilespmem:$0x1CF40] =	vst v63  }
0x144: {  	s12 =	simm.s32 $0x3640  }
0x145: {  	[tilespmem:s31], [sflag:$0x3] =	stream.indirect.gather [spmem:s1], $0x80, s12, s28, $0xb8;
	[tilespmem:$0x1CF40] =	vst v63  }
0x146: {  	s13 =	simm.s32 $0x32C0  }
0x147: {  	[tilespmem:s6], [sflag:$0x3] =	stream.indirect.gather [spmem:s1], $0x80, s13, s25, $0xb8;
	[tilespmem:$0x1CF40] =	vst v63  }
0x148: {  	s12 =	simm.s32 $0x36C0  }
0x149: {  	[tilespmem:s29], [sflag:$0x3] =	stream.indirect.gather [spmem:s1], $0x80, s12, s28, $0xb8;
	[tilespmem:$0x1CF40] =	vst v63  }
0x14a: {  	_ =	swait.ge [sflag:s3], $0x4000  }
0x14b: {  	[sflag:s3] =	ssyncset.done $0x0  }
0x14c: {  	[sflag:s3] =	ssyncadd.s32 $0xFFFFC000  }
0x14d: {  	_ =	swait.ge [sflag:s3], $0x2400  }
0x14e: {  	[sflag:s3] =	ssyncset.done $0x0  }
0x14f: {  	[sflag:s3] =	ssyncadd.s32 $0xFFFFDC00  }
0x150: {  	_ =	swait.ge [sflag:s3], $0x4000  }
0x151: {  	[sflag:s3] =	ssyncset.done $0x0  }
0x152: {  	[sflag:s3] =	ssyncadd.s32 $0xFFFFC000  }
0x153: {  	_ =	swait.ge [sflag:s3], $0x2400  }
0x154: {  	[sflag:s3] =	ssyncset.done $0x0  }
0x155: {  	s13 =	sadd.s32 s9, s19;
	[sflag:s3] =	ssyncadd.s32 $0xFFFFDC00  }
0x156: {  	[hbm4b:s13+s2] =	stream.linear.scatter [tilespmem:s23], [sflag:$0x5], $0xC800, $0x38;
	[tilespmem:$0x1CF40] =	vst v63  }
0x157: {  	_ =	swait.ge [sflag:s22], $0xC800  }
0x158: {  	[sflag:s22] =	ssyncset.done $0x0  }
0x159: {  	s12 =	simm.s32 $0x3740;
	[sflag:s22] =	ssyncadd.s32 $0xFFFF3800  }
0x15a: {  	[tilespmem:s26], [sflag:$0x2] =	stream.indirect.gather [spmem:s1], $0x80, s12, s25, $0xb8;
	[tilespmem:$0x1CF40] =	vst v63  }
0x15b: {  	s13 =	simm.s32 $0x3B40  }
0x15c: {  	[tilespmem:s30], [sflag:$0x2] =	stream.indirect.gather [spmem:s1], $0x80, s13, s28, $0xb8;
	[tilespmem:$0x1CF40] =	vst v63  }
0x15d: {  	s12 =	simm.s32 $0x37C0  }
0x15e: {  	[tilespmem:s0], [sflag:$0x2] =	stream.indirect.gather [spmem:s1], $0x80, s12, s25, $0xb8;
	[tilespmem:$0x1CF40] =	vst v63  }
0x15f: {  	s13 =	simm.s32 $0x3BC0  }
0x160: {  	[tilespmem:s4], [sflag:$0x2] =	stream.indirect.gather [spmem:s1], $0x80, s13, s28, $0xb8;
	[tilespmem:$0x1CF40] =	vst v63  }
0x161: {  	_ =	swait.ge [sflag:s5], $0x4000  }
0x162: {  	[sflag:s5] =	ssyncset.done $0x0  }
0x163: {  	[sflag:s5] =	ssyncadd.s32 $0xFFFFC000  }
0x164: {  	_ =	swait.ge [sflag:s5], $0x2400  }
0x165: {  	[sflag:s5] =	ssyncset.done $0x0  }
0x166: {  	[sflag:s5] =	ssyncadd.s32 $0xFFFFDC00  }
0x167: {  	_ =	swait.ge [sflag:s5], $0x4000  }
0x168: {  	[sflag:s5] =	ssyncset.done $0x0  }
0x169: {  	[sflag:s5] =	ssyncadd.s32 $0xFFFFC000  }
0x16a: {  	_ =	swait.ge [sflag:s5], $0x2400  }
0x16b: {  	[sflag:s5] =	ssyncset.done $0x0  }
0x16c: {  	s12 =	sadd.s32 s9, s18;
	[sflag:s5] =	ssyncadd.s32 $0xFFFFDC00  }
0x16d: {  	[hbm4b:s12+s2] =	stream.linear.scatter [tilespmem:s26], [sflag:$0x4], $0xC800, $0x38;
	[tilespmem:$0x1CF40] =	vst v63  }
0x16e: {  	_ =	swait.ge [sflag:s7], $0xC800  }
0x16f: {  	[sflag:s7] =	ssyncset.done $0x0  }
0x170: {  	s13 =	simm.s32 $0x3840;
	[sflag:s7] =	ssyncadd.s32 $0xFFFF3800  }
0x171: {  	[tilespmem:s23], [sflag:$0x3] =	stream.indirect.gather [spmem:s1], $0x80, s13, s25, $0xb8;
	[tilespmem:$0x1CF40] =	vst v63  }
0x172: {  	s12 =	simm.s32 $0x3C40  }
0x173: {  	[tilespmem:s31], [sflag:$0x3] =	stream.indirect.gather [spmem:s1], $0x80, s12, s28, $0xb8;
	[tilespmem:$0x1CF40] =	vst v63  }
0x174: {  	s13 =	simm.s32 $0x38C0  }
0x175: {  	[tilespmem:s6], [sflag:$0x3] =	stream.indirect.gather [spmem:s1], $0x80, s13, s25, $0xb8;
	[tilespmem:$0x1CF40] =	vst v63  }
0x176: {  	s12 =	simm.s32 $0x3CC0  }
0x177: {  	[tilespmem:s29], [sflag:$0x3] =	stream.indirect.gather [spmem:s1], $0x80, s12, s28, $0xb8;
	[tilespmem:$0x1CF40] =	vst v63  }
0x178: {  	_ =	swait.ge [sflag:s3], $0x4000  }
0x179: {  	[sflag:s3] =	ssyncset.done $0x0  }
0x17a: {  	[sflag:s3] =	ssyncadd.s32 $0xFFFFC000  }
0x17b: {  	_ =	swait.ge [sflag:s3], $0x2400  }
0x17c: {  	[sflag:s3] =	ssyncset.done $0x0  }
0x17d: {  	[sflag:s3] =	ssyncadd.s32 $0xFFFFDC00  }
0x17e: {  	_ =	swait.ge [sflag:s3], $0x4000  }
0x17f: {  	[sflag:s3] =	ssyncset.done $0x0  }
0x180: {  	[sflag:s3] =	ssyncadd.s32 $0xFFFFC000  }
0x181: {  	_ =	swait.ge [sflag:s3], $0x2400  }
0x182: {  	[sflag:s3] =	ssyncset.done $0x0  }
0x183: {  	s13 =	sadd.s32 s9, s17;
	[sflag:s3] =	ssyncadd.s32 $0xFFFFDC00  }
0x184: {  	[hbm4b:s13+s2] =	stream.linear.scatter [tilespmem:s23], [sflag:$0x5], $0xC800, $0x38;
	[tilespmem:$0x1CF40] =	vst v63  }
0x185: {  	_ =	swait.ge [sflag:s22], $0xC800  }
0x186: {  	[sflag:s22] =	ssyncset.done $0x0  }
0x187: {  	s12 =	simm.s32 $0x3940;
	[sflag:s22] =	ssyncadd.s32 $0xFFFF3800  }
0x188: {  	[tilespmem:s26], [sflag:$0x2] =	stream.indirect.gather [spmem:s1], $0x80, s12, s25, $0xb8;
	[tilespmem:$0x1CF40] =	vst v63  }
0x189: {  	s13 =	simm.s32 $0x3D40  }
0x18a: {  	[tilespmem:s30], [sflag:$0x2] =	stream.indirect.gather [spmem:s1], $0x80, s13, s28, $0xb8;
	[tilespmem:$0x1CF40] =	vst v63  }
0x18b: {  	s12 =	simm.s32 $0x39C0  }
0x18c: {  	[tilespmem:s0], [sflag:$0x2] =	stream.indirect.gather [spmem:s1], $0x80, s12, s25, $0xb8;
	[tilespmem:$0x1CF40] =	vst v63  }
0x18d: {  	s13 =	simm.s32 $0x3DC0  }
0x18e: {  	[tilespmem:s4], [sflag:$0x2] =	stream.indirect.gather [spmem:s1], $0x80, s13, s28, $0xb8;
	[tilespmem:$0x1CF40] =	vst v63  }
0x18f: {  	_ =	swait.ge [sflag:s5], $0x4000  }
0x190: {  	[sflag:s5] =	ssyncset.done $0x0  }
0x191: {  	[sflag:s5] =	ssyncadd.s32 $0xFFFFC000  }
0x192: {  	_ =	swait.ge [sflag:s5], $0x2400  }
0x193: {  	[sflag:s5] =	ssyncset.done $0x0  }
0x194: {  	[sflag:s5] =	ssyncadd.s32 $0xFFFFDC00  }
0x195: {  	_ =	swait.ge [sflag:s5], $0x4000  }
0x196: {  	[sflag:s5] =	ssyncset.done $0x0  }
0x197: {  	[sflag:s5] =	ssyncadd.s32 $0xFFFFC000  }
0x198: {  	_ =	swait.ge [sflag:s5], $0x2400  }
0x199: {  	[sflag:s5] =	ssyncset.done $0x0  }
0x19a: {  	s12 =	sadd.s32 s9, s16;
	[sflag:s5] =	ssyncadd.s32 $0xFFFFDC00  }
0x19b: {  	[hbm4b:s12+s2] =	stream.linear.scatter [tilespmem:s26], [sflag:$0x4], $0xC800, $0x38;
	[tilespmem:$0x1CF40] =	vst v63  }
0x19c: {  	_ =	swait.ge [sflag:s7], $0xC800  }
0x19d: {  	[sflag:s7] =	ssyncset.done $0x0  }
0x19e: {  	s13 =	simm.s32 $0x3A40;
	[sflag:s7] =	ssyncadd.s32 $0xFFFF3800  }
0x19f: {  	[tilespmem:s23], [sflag:$0x3] =	stream.indirect.gather [spmem:s1], $0x80, s13, s25, $0xb8;
	[tilespmem:$0x1CF40] =	vst v63  }
0x1a0: {  	s12 =	simm.s32 $0x3E40  }
0x1a1: {  	[tilespmem:s31], [sflag:$0x3] =	stream.indirect.gather [spmem:s1], $0x80, s12, s28, $0xb8;
	[tilespmem:$0x1CF40] =	vst v63  }
0x1a2: {  	s13 =	simm.s32 $0x3AC0  }
0x1a3: {  	[tilespmem:s6], [sflag:$0x3] =	stream.indirect.gather [spmem:s1], $0x80, s13, s25, $0xb8;
	[tilespmem:$0x1CF40] =	vst v63  }
0x1a4: {  	s12 =	simm.s32 $0x3EC0  }
0x1a5: {  	[tilespmem:s29], [sflag:$0x3] =	stream.indirect.gather [spmem:s1], $0x80, s12, s28, $0xb8;
	[tilespmem:$0x1CF40] =	vst v63  }
0x1a6: {  	_ =	swait.ge [sflag:s3], $0x4000  }
0x1a7: {  	[sflag:s3] =	ssyncset.done $0x0  }
0x1a8: {  	[sflag:s3] =	ssyncadd.s32 $0xFFFFC000  }
0x1a9: {  	_ =	swait.ge [sflag:s3], $0x2400  }
0x1aa: {  	[sflag:s3] =	ssyncset.done $0x0  }
0x1ab: {  	[sflag:s3] =	ssyncadd.s32 $0xFFFFDC00  }
0x1ac: {  	_ =	swait.ge [sflag:s3], $0x4000  }
0x1ad: {  	[sflag:s3] =	ssyncset.done $0x0  }
.Ltmp2:
0x1ae: {  	[sflag:s3] =	ssyncadd.s32 $0xFFFFC000;
	(pc) =	sbr.rel @p1 .LBB2_4-.Ltmp2, $4  }
0x1af: {  	_ =	swait.ge [sflag:s3], $0x2400  }
0x1b0: {  	[sflag:s3] =	ssyncset.done $0x0  }
0x1b1: {  	s13 =	sadd.s32 s9, s15;
	[sflag:s3] =	ssyncadd.s32 $0xFFFFDC00  }
0x1b2: {  	[hbm4b:s13+s2] =	stream.linear.scatter [tilespmem:s23], [sflag:$0x5], $0xC800, $0x38;
	[tilespmem:$0x1CF40] =	vst v63  }
.Ltmp3:
0x1b3: {  	(pc) =	sbr.rel .LBB2_2-.Ltmp3, $4  }
0x1b4: {  	_ = 	snop  }
0x1b5: {  	_ =	swait.ge [sflag:s8], $0x1000  }
0x1b6: {  	[sflag:s8] =	ssyncset.done $0x0  }
0x1b7: {  	s10 =	sadd.s32 $0x400, s10;
	s9 =	sadd.s32 $0x19000, s9;
	[sflag:s8] =	ssyncadd.s32 $0xFFFFF000  }
.LBB2_5:
0x1b8: {  	_ =	sfence.sel $0x180000  }
0x1b9: {  	[bflag:$0x0] =	sbarrier.arrive $0xFFFF  }
0x1ba: {  	_ =	strace $0x90000047  }
0x1bb: {  	[bflag:$0x2] =	sbarrier.arrive $0xFFFF  }
0x1bc: {  	s0 =	rddreg [dreg:$0x3]  }
0x1bd: {  	s0 =	sadd.s32 @!p0 $0x100000, s0  }
0x1be: {  	[sflag:s0] =	ssyncadd.tile.s32 @!p0 $0x1;
	_ =	shalt  }
.Lfunc_end2:
_tile_overlayer_lowered:
.L_overlay_start_2:
0x1bf: {  	(tag) =	ssettag $0x2  }
0x1c0: {  	s0 =	rddreg [dreg:$0x0];
	s2 =	stileid.u32  }
0x1c1: {  	s1 =	rddreg [dreg:$0x1];
	p0 =	sne.s32 s2, $0x0  }
0x1c2: {  	s3 =	rddreg [dreg:$0x2];
	[bflag:$0x3] =	sbarrier.arrive $0xFFFF;
	s2 =	simm.s32 @!p0 $0x1C06  }
0x1c3: {  	[timem:s3], [sflag:s2] =	dma.local @!p0 [hbm:s0], s1  }
0x1c4: {  	s0 =	simm.s32 @!p0 $0x6  }
0x1c5: {  	_ =	swait.ge @!p0 [sflag:s0], s1  }
0x1c6: {  	s1 =	ssub.s32 @!p0 $0x0, s1;
	[sflag:s0] =	ssyncset.done @!p0 $0x0  }
0x1c7: {  	[sflag:s0] =	ssyncadd.s32 @!p0 s1  }
0x1c8: {  	[bflag:$0x3] =	sbarrier.arrive $0xFFFF  }
0x1c9: {  	_ =	shalt  }

// kernel: sparse-core-data-format-call.cloned.1.call-start
scs
called_computation_lowered:
.L_overlay_start_0:
0x0: {  	s2 =	sld [smem:$0x3FD9]  }
0x1: {  	s3 =	sld [smem:$0x3FFE];
	_ =	sdelay $0x1  }
0x2: {  	s1 =	srdreg.scid  }
0x3: {  	s0 =	sand.u32 $0x1, s1  }
0x4: {  	s18 =	sshll.u32 s0, $0xA;
	s2 =	sadd.s32 s3, s2  }
0x5: {  	s2 =	sadd.s32 s2, s18  }
0x6: {  	[smem:$0x3FC6] =	sst s2  }
0x7: {  	_ = 	snop  }
0x8: {  	s2 =	sld [smem:$0x3FD0];
	(tm) =	ssettm $0x1  }
0x9: {  	s19 =	sld [smem:$0x3FFB];
	_ =	sdelay $0x3  }
0xa: {  	_ =	strace s19  }
0xb: {  	s3 =	sld [smem:$0x3FFC];
	_ =	sdelay $0x3  }
0xc: {  	_ =	strace s3  }
0xd: {  	s3 =	sld [smem:$0x3FFD];
	_ =	sdelay $0x3  }
0xe: {  	_ =	strace s3  }
0xf: {  	_ =	strace $0x8FFFFFFF  }
0x10: {  	s20 =	sld [smem:$0x3FDB];
	_ =	sdelay $0x1  }
0x11: {  	s4 =	simm.s32 $_scs_section_size  }
0x12: {  	s5 =	simm.s32 $_size__tile_overlayer_lowered;
	s6 =	simm.s32 $_tile_overlayer_lowered  }
0x13: {  	s23 =	simm.s32 $0x1BFF;
	s22 =	sshll.u32 s6, $0x1;
	s3 =	sadd.s32 s4, s20  }
0x14: {  	s7 =	simm.s32 $0x0;
	s21 =	sshll.u32 s5, $0x1;
	s5 =	sadd.s32 s22, s3  }
0x15: {  	[timem:s7], [sflag:s23] =	dma.local [hbm:s5], s21  }
0x16: {  	_ =	swait.ge [sflag:s23], s21  }
0x17: {  	s4 =	ssub.s32 $0x0, s21;
	[sflag:s23] =	ssyncset.done $0x0  }
0x18: {  	[sflag:s23] =	ssyncadd.s32 s4;
	_ =	sdelay $0x1  }
0x19: {  	s24 =	simm.s32 $0x1B8B  }
0x1a: {  	_ =	swait.ge [sflag:s24], $0x1  }
0x1b: {  	[sflag:s24] =	ssyncset.done $0x0  }
0x1c: {  	s26 =	simm.s32 $0x1B8E;
	s25 =	sld [smem:$0x3FFE];
	[sflag:s24] =	ssyncadd.s32 $0xFFFFFFFF  }
0x1d: {  	s27 =	simm.s32 $execute0_lowered;
	[smem:$0x3FD2] =	sst s26  }
0x1e: {  	s5 =	sshll.u32 s27, $0x1;
	_ =	strace $0x80000049;
	[dreg:$0x1] =	wrdreg $0xFFFFFFFF  }
0x1f: {  	s28 =	simm.s32 $_size_execute0_lowered;
	s3 =	sadd.s32 s3, s5;
	[dreg:$0x0] =	wrdreg $0x0  }
0x20: {  	s5 =	sshll.u32 s28, $0x1;
	[dreg:$0x2] =	wrdreg s3  }
0x21: {  	[dreg:$0x3] =	wrdreg s5  }
0x22: {  	[dreg:$0x4] =	wrdreg $0xC0  }
0x23: {  	_ =	task [dreg:s7], $0x5FFFF  }
0x24: {  	[dreg:$0x1] =	wrdreg $0xFFFFFFFF  }
0x25: {  	[dreg:$0x0] =	wrdreg $0x60  }
0x26: {  	[dreg:$0x2] =	wrdreg s25  }
0x27: {  	[dreg:$0x3] =	wrdreg s2  }
0x28: {  	[dreg:$0x4] =	wrdreg $0x9  }
0x29: {  	_ =	task.clear_ibuf [dreg:s7], $0x5FFFF;
	_ =	strace $0x90000049  }
0x2a: {  	s29 =	simm.s32 $0x9;
	_ =	strace $0x8000004B  }
0x2b: {  	_ =	swait.ge [sflag:s29], $0x1  }
0x2c: {  	[sflag:s29] =	ssyncadd.s32 $0xFFFFFFFF  }
0x2d: {  	_ =	strace $0x9000004B  }
0x2e: {  	_ =	sfence  }
0x2f: {  	s30 =	sld [smem:$0x0];
	_ =	sdelay $0x2  }
0x30: {  	s31 =	sshll.u32 s1, $0xD;
	s1 =	sshrl.u32 s1, $0x2  }
0x31: {  	s3 =	sand.u32 $0x4000, s31;
	s1 =	sadd.s32 s1, s30  }
0x32: {  	s0 =	sor.u32 s3, s0;
	s1 =	sshll.u32 s1, $0x11  }
0x33: {  	s0 =	sor.u32 s1, s0  }
0x34: {  	s0 =	sadd.s32 $0x8F2B, s0  }
0x35: {  	[sflag:s0] =	ssyncadd.remote.s32 $0x1  }
0x36: {  	_ =	sfence.sel $0xFFFF  }
0x37: {  	[dreg:$0x0] =	wrdreg $0xFFFFFFFF;
	(pc) =	sbr.abs _section_cstart, $3  }
0x38: {  	[dreg:$0x1] =	wrdreg $0xFFFFFFFF  }
0x39: {  	_ =	task.clear_ibuf [dreg:s7], $0x2FFFF;
	_ =	strace $0x9FFFFFFF  }
0x3a: {  	(tm) =	ssettm $0x7FFFFFFF  }
0x3b: {  	_ =	shalt  }
tec
execute0_lowered:
.L_overlay_start_1:
0x0: {  	(tag) =	ssettag $0x1  }
0x1: {  	s0 =	srdreg.scid  }
0x2: {  	s1 =	sshll.u32 s0, $0x4  }
0x3: {  	s0 =	stileid.u32;
	s1 =	sand.u32 $0x10, s1  }
0x4: {  	s1 =	sor.u32 s0, s1  }
0x5: {  	s6 =	rddreg [dreg:$0x0];
	s4 =	simm.s32 $0x1;
	s2 =	sshll.u32 s1, $0x7  }
0x6: {  	s7 =	simm.s32 $0x2;
	s12 =	simm.s32 $0x0;
	s1 =	ssub.s32 $0x4000, s2  }
0x7: {  	s8 =	simm.s32 $0x20000;
	s13 =	simm.s32 $0x0;
	s3 =	sand.u32 $0xF80, s1  }
0x8: {  	s9 =	simm.s32 $0x0;
	s5 =	sshrl.u32 s1, $0xC;
	p0 =	sne.s32 s3, $0x0  }
.Ltmp0:
0x9: {  	s1 =	rddreg [dreg:$0x2];
	s4 =	simm.s32 @!p0 $0x0;
	(pc) =	sbr.rel .LBB1_1-.Ltmp0, $4  }
0xa: {  	s11 =	simm.s32 $0x0;
	s3 =	rddreg [dreg:$0x1];
	s5 =	sadd.s32 s4, s5  }
0xb: {  	_ =	strace $0x8000004A;
	s4 =	simm.s32 $0x1;
	s5 =	smul.u32 $0xC8, s5  }
0xc: {  	s6 =	sadd.s32 $0x4800, s6;
	s10 =	smov.u32 s2;
	[sflag:s4] =	ssyncpa.u1 $0x0  }
0xd: {  	p0 =	por $0x0, $0x0;
	[sflag:s7] =	ssyncpa.u1 $0x0;
	s7 =	sor.u32 $0x1, s5  }
.LBB1_4:
0xe: {  	s16 =	sshll.u32 s13, $0x3;
	s17 =	sand.u32 $0x78, s13  }
0xf: {  	s30 =	sand.u32 $0x1F800, s13;
	s12 =	sshll.u32 s12, $0x11;
	s16 =	sand.u32 $0x3C00, s16  }
0x10: {  	[tilespmem:s15+$0x810 ss:$0x81] =	vst.msk $0xffff, v2;
	s31 =	sand.u32 $0x7, s13;
	s16 =	sor.u32 s17, s16;
	s17 =	sadd.s32 s3, s30  }
0x11: {  	[tilespmem:s15+$0x1020 ss:$0x81] =	vst.msk $0xffff, v0;
	s13 =	sshll.u32 s31, $0x12;
	s12 =	sadd.s32 s12, s17;
	s16 =	sshrl.u32 s16, $0x3  }
0x12: {  	[tilespmem:s15+$0x0 ss:$0x81] =	vst.msk $0xffff, v1;
	s13 =	sor.u32 $0x400, s13;
	s12 =	sadd.s32 s16, s12  }
0x13: {  	[hbm4b:s12+s13] =	stream.strided.scatter [tilespmem:s14], [sflag:$0x2], $0x2000, s8, s13, $0x20;
	[tilespmem:$0x8080] =	vst v63  }
.LBB1_5:
0x14: {  	s14 =	sadd.s32 $0x1, s9  }
0x15: {  	s12 =	sadd.s32 $0x1000, s10;
	s16 =	smov.u32 s10;
	p2 =	sgt.s32 s14, $0xC7  }
0x16: {  	s16 =	smov.u32 @p2 s12  }
0x17: {  	s14 =	simm.s32 @p2 $0x0;
	p2 =	sgt.s32 s16, $0x3FFF  }
0x18: {  	s16 =	smov.u32 @p2 s2;
	p2 =	sne.s32 s11, s7  }
.Ltmp1:
0x19: {  	p1 =	slt.u32 s11, $0x2;
	(pc) =	sbr.rel @!p2 .LBB1_6-.Ltmp1, $4  }
0x1a: {  	s15 =	simm.s32 @!p1 $0x2  }
0x1b: {  	s13 =	smov.u32 s10;
	p0 =	por !p0, !p0;
	_ =	swait.ge @!p1 [sflag:s15], $0x2000  }
0x1c: {  	s12 =	smov.u32 s9;
	[sflag:s15] =	ssyncset.done @!p1 $0x0;
	s9 =	smov.u32 s14  }
0x1d: {  	s11 =	sadd.s32 $0x1, s11;
	[sflag:s15] =	ssyncadd.s32 @!p1 $0xFFFFE000;
	s10 =	smov.u32 s16  }
.LBB1_1:
0x1e: {  	p1 =	sge.u32 s11, s5  }
0x1f: {  	s14 =	sand.u32 @!p1 $0x1FFFFFF, s9  }
0x20: {  	s15 =	smulhi.u32 @!p1 $0x147AE15, s14;
	_ =	sdelay $0x1  }
0x21: {  	s15 =	smul.u32 @!p1 $0xC8, s15  }
0x22: {  	s16 =	sxor.u32 @!p1 $0xFFFFFFFF, s11;
	s17 =	smul.u32 @!p1 $0xC80, s10  }
0x23: {  	s31 =	sadd.s32 $0xFFFFFFFF, s11;
	s16 =	sshll.u32 @!p1 s16, $0xD;
	s14 =	ssub.s32 @!p1 s14, s15  }
0x24: {  	s15 =	sand.u32 @!p1 $0x2000, s16;
	s16 =	sadd.s32 @!p1 s6, s17;
	s14 =	sshll.u32 @!p1 s14, $0x4  }
0x25: {  	s17 =	simm.s32 @!p1 $0x6400;
	s14 =	sadd.s32 @!p1 s14, s16;
	s16 =	simm.s32 @!p1 $0x40  }
0x26: {  	[tilespmem:s15], [sflag:$0x1] =	stream.strided.gather @!p1 [hbm4b:s14+s16], $0x2000, s17, s16, $0x38;
	[tilespmem:$0x8080] =	vst v63  }
0x27: {  	p1 =	sge.u32 s31, s5  }
.Ltmp2:
0x28: {  	_ = 	snop;
	(pc) =	sbr.rel @p1 .LBB1_5-.Ltmp2, $1  }
0x29: {  	_ =	sdelay $0x3  }
0x2a: {  	s14 =	simm.s32 $0x1  }
0x2b: {  	_ =	swait.ge [sflag:s4], $0x2000;
	s14 =	simm.s32 @!p0 $0x0  }
0x2c: {  	[sflag:s4] =	ssyncset.done $0x0;
	s15 =	sshll.u32 s14, $0xD  }
0x2d: {  	[sflag:s4] =	ssyncadd.s32 $0xFFFFE000;
	s18 =	sor.u32 $0x20, s15  }
0x2e: {  	s14 =	smul.u32 $0x8100, s14;
	v3 =	vld [tilespmem:s18+$0x10]  }
0x2f: {  	s30 =	sand.u32 $0x1, s11;
	v2 =	vld [tilespmem:s18+$0xFFFFFFF0]  }
0x30: {  	s15 =	smul.u32 $0x8100, s30;
	s14 =	sshrl.u32 s14, $0x2;
	v0 =	vld [tilespmem:s18+$0x0]  }
0x31: {  	v1 =	vld [tilespmem:s18+$0xFFFFFFE0];
	s16 =	sor.u32 $0x4000, s14  }
0x32: {  	s31 =	sshrl.u32 s15, $0x2;
	s15 =	sadd.s32 $0x0, s16  }
0x33: {  	s17 =	simm.s32 $0x4;
	s18 =	sadd.s32 $0x40, s18;
	s14 =	sor.u32 $0x4000, s31;
	[tilespmem:s15+$0x1830 ss:$0x81] =	vst.msk $0xffff, v3  }
.LBB1_3:
0x34: {  	v3 =	vld [tilespmem:s18+$0x10];
	p1 =	sne.s32 s17, $0x1FC;
	[tilespmem:s15+$0x810 ss:$0x81] =	vst.msk $0xffff, v2;
	s19 =	smov.u32 s17;
	s17 =	sadd.s32 $0x4, s17  }
.Ltmp3:
0x35: {  	v2 =	vld [tilespmem:s18+$0xFFFFFFF0];
	[tilespmem:s15+$0x1020 ss:$0x81] =	vst.msk $0xffff, v0;
	(pc) =	sbr.rel @p1 .LBB1_3-.Ltmp3, $4  }
0x36: {  	v0 =	vld [tilespmem:s18+$0x0];
	[tilespmem:s15+$0x0 ss:$0x81] =	vst.msk $0xffff, v1  }
0x37: {  	s15 =	sshra.s32 s19, $0x2;
	v1 =	vld [tilespmem:s18+$0xFFFFFFE0]  }
0x38: {  	s15 =	sadd.s32 s15, s16  }
0x39: {  	s18 =	sadd.s32 $0x40, s18;
	[tilespmem:s15+$0x1830 ss:$0x81] =	vst.msk $0xffff, v3  }
.Ltmp4:
0x3a: {  	_ = 	snop;
	(pc) =	sbr.rel .LBB1_4-.Ltmp4, $1  }
0x3b: {  	_ =	sdelay $0x3  }
.LBB1_6:
0x3c: {  	_ =	sfence.sel $0x180000  }
0x3d: {  	s2 =	simm.s32 $0x1;
	[bflag:$0x0] =	sbarrier.arrive $0xFFFF  }
0x3e: {  	s31 =	simm.s32 $0x2;
	[sflag:s2] =	ssyncpa.u1 $0x1  }
0x3f: {  	[sflag:s31] =	ssyncpa.u1 $0x1  }
0x40: {  	p0 =	sne.s32 s0, $0x0;
	_ =	strace $0x9000004A  }
0x41: {  	s0 =	sadd.s32 @!p0 $0x100000, s1;
	[bflag:$0x2] =	sbarrier.arrive $0xFFFF  }
0x42: {  	[sflag:s0] =	ssyncadd.tile.s32 @!p0 $0x1;
	_ =	shalt  }
.Lfunc_end1:
_tile_overlayer_lowered:
.L_overlay_start_2:
0x43: {  	(tag) =	ssettag $0x2  }
0x44: {  	s0 =	rddreg [dreg:$0x0];
	s2 =	stileid.u32  }
0x45: {  	s1 =	rddreg [dreg:$0x1];
	p0 =	sne.s32 s2, $0x0  }
0x46: {  	s3 =	rddreg [dreg:$0x2];
	[bflag:$0x3] =	sbarrier.arrive $0xFFFF;
	s2 =	simm.s32 @!p0 $0x1C01  }
0x47: {  	[timem:s3], [sflag:s2] =	dma.local @!p0 [hbm:s0], s1  }
0x48: {  	s0 =	simm.s32 @!p0 $0x1  }
0x49: {  	_ =	swait.ge @!p0 [sflag:s0], s1  }
0x4a: {  	s1 =	ssub.s32 @!p0 $0x0, s1;
	[sflag:s0] =	ssyncset.done @!p0 $0x0  }
0x4b: {  	[sflag:s0] =	ssyncadd.s32 @!p0 s1  }
0x4c: {  	[bflag:$0x3] =	sbarrier.arrive $0xFFFF  }
0x4d: {  	_ =	shalt  }

</sc_bundles>
